<compile_context>
chip_gen: v7x
topology: tpu7x:2x2x1
jax: 0.10.2.dev20260603
libtpu: 0.0.44.dev20260713+nightly
codegen_flags: <defaults>
</compile_context>

<pallas_src>
import functools

import jax
import jax.numpy as jnp
from jax import lax
from jax.experimental import pallas as pl
from jax.experimental.pallas import tpu as pltpu
from jax.experimental.pallas import tpu_sc as plsc

LOG_EPS_ = 1e-05
NC = 2
NS = 16
NW = NC * NS
LANES = 16
CHUNK = 64
SUP = 16
D = 128


def _sc_sumsq(x, src, dst):
    e_pad = src.shape[0]
    n_nodes = x.shape[0]
    epw = e_pad // NW
    nchunks = epw // CHUNK
    nsup = nchunks // SUP
    sup_edges = SUP * CHUNK

    mesh = plsc.VectorSubcoreMesh(core_axis_name="c", subcore_axis_name="s")

    @functools.partial(
        pl.kernel,
        out_type=jax.ShapeDtypeStruct((e_pad,), jnp.float32),
        mesh=mesh,
        scratch_types=[
            pltpu.VMEM((sup_edges,), jnp.int32),
            pltpu.VMEM((sup_edges,), jnp.int32),
            pltpu.VMEM((sup_edges,), jnp.int32),
            pltpu.VMEM((sup_edges,), jnp.int32),
            pltpu.VMEM((2 * CHUNK, D), jnp.float32),
            pltpu.VMEM((2 * CHUNK, D), jnp.float32),
            pltpu.VMEM((epw,), jnp.float32),
            pltpu.VMEM((LANES, LANES + 1), jnp.float32),
            pltpu.VMEM_SHARED((n_nodes, D), jnp.float32),
            pltpu.SemaphoreType.DMA,
            pltpu.SemaphoreType.DMA,
            pltpu.SemaphoreType.DMA,
            pltpu.SemaphoreType.DMA,
        ],
        compiler_params=pltpu.CompilerParams(needs_layout_passes=False),
    )
    def k(x_hbm, s_hbm, d_hbm, out_hbm,
          sidx0, sidx1, didx0, didx1, rows0, rows1,
          osum, tsc, x_sp, semi0, semi1, semg0, semg1):
        sidx = (sidx0, sidx1)
        didx = (didx0, didx1)
        rows = (rows0, rows1)
        semi = (semi0, semi1)
        semg = (semg0, semg1)
        sid = lax.axis_index("s")
        cid = lax.axis_index("c")
        wbase = (sid * NC + cid) * epw

        def idx_start(si, sb):
            off = wbase + si * sup_edges
            pltpu.async_copy(
                s_hbm.at[pl.ds(off, sup_edges)], sidx[sb], semi[sb])
            pltpu.async_copy(
                d_hbm.at[pl.ds(off, sup_edges)], didx[sb], semi[sb])

        def idx_wait(si, sb):
            off = wbase + si * sup_edges
            pltpu.make_async_copy(
                s_hbm.at[pl.ds(off, sup_edges)], sidx[sb], semi[sb]).wait()
            pltpu.make_async_copy(
                d_hbm.at[pl.ds(off, sup_edges)], didx[sb], semi[sb]).wait()

        def g_start(b, sb, sl):
            soff = sl * CHUNK
            pltpu.async_copy(
                x_sp.at[sidx[sb].at[pl.ds(soff, CHUNK)]],
                rows[b].at[pl.ds(0, CHUNK)], semg[b])
            pltpu.async_copy(
                x_sp.at[didx[sb].at[pl.ds(soff, CHUNK)]],
                rows[b].at[pl.ds(CHUNK, CHUNK)], semg[b])

        def g_wait(b):
            pltpu.make_async_copy(
                x_sp.at[sidx[0].at[pl.ds(0, 2 * CHUNK)]], rows[b],
                semg[b]).wait()

        def compute(ci, b):
            lane_ids = lax.iota(jnp.int32, 16)
            sr = rows[b]
            dr = rows[b]

            def grp_body(g, _):
                for t in range(0, LANES, 8):
                    es = [g * LANES + t + q for q in range(8)]
                    accs = [jnp.zeros((LANES,), jnp.float32)
                            for _ in range(8)]
                    for j in range(D // LANES):
                        for q in range(8):
                            sv = sr[es[q], pl.ds(j * LANES, LANES)]
                            dv = dr[es[q] + CHUNK, pl.ds(j * LANES, LANES)]
                            df = sv - dv
                            accs[q] = accs[q] + df * df
                    for q in range(8):
                        tsc[t + q, pl.ds(0, LANES)] = accs[q]
                vals = jnp.zeros((LANES,), jnp.float32)
                for c in range(LANES):
                    col = jnp.full((LANES,), c, jnp.int32)
                    vals = vals + plsc.load_gather(tsc, [lane_ids, col])
                osum[pl.ds(ci * CHUNK + g * LANES, LANES)] = vals
                return 0

            lax.fori_loop(0, CHUNK // LANES, grp_body, 0)

        idx_start(0, 0)
        idx_start(1, 1)

        rows_per_tile = (n_nodes // NS) // 8 * 8
        pltpu.sync_copy(
            x_hbm.at[pl.ds(sid * rows_per_tile, rows_per_tile)],
            x_sp.at[pl.ds(sid * rows_per_tile, rows_per_tile)])
        tail = n_nodes - NS * rows_per_tile
        if tail:
            @pl.when(sid == 0)
            def _():
                pltpu.sync_copy(
                    x_hbm.at[pl.ds(NS * rows_per_tile, tail)],
                    x_sp.at[pl.ds(NS * rows_per_tile, tail)])

        plsc.subcore_barrier()

        idx_wait(0, 0)
        g_start(0, 0, 0)

        def body2(ci2, _):
            for b in (0, 1):
                ci = ci2 * 2 + b
                si = ci // SUP
                sb = lax.rem(si, 2)
                nb = 1 - b
                nxt = ci + 1
                nsl = lax.rem(nxt, SUP)

                @pl.when(jnp.logical_and(nxt < nchunks, nsl != 0))
                def _():
                    @pl.when(sb == 0)
                    def _():
                        g_start(nb, 0, nsl)

                    @pl.when(sb == 1)
                    def _():
                        g_start(nb, 1, nsl)

                @pl.when(jnp.logical_and(nxt < nchunks, nsl == 0))
                def _():
                    @pl.when(sb == 0)
                    def _():
                        idx_wait(si + 1, 1)
                        g_start(nb, 1, 0)

                    @pl.when(sb == 1)
                    def _():
                        idx_wait(si + 1, 0)
                        g_start(nb, 0, 0)

                g_wait(b)

                @pl.when(jnp.logical_and(
                    lax.rem(ci, SUP) == SUP - 1, si + 2 < nsup))
                def _():
                    @pl.when(sb == 0)
                    def _():
                        idx_start(si + 2, 0)

                    @pl.when(sb == 1)
                    def _():
                        idx_start(si + 2, 1)

                compute(ci, b)
            return 0

        lax.fori_loop(0, nchunks // 2, body2, 0)
        pltpu.sync_copy(osum, out_hbm.at[pl.ds(wbase, epw)])

    return k(x, src, dst)


def _tc_log(sums):
    e_pad = sums.shape[0]
    s2 = sums.reshape(e_pad // 512, 512)

    def body(s_ref, o_ref):
        o_ref[...] = jnp.log(LOG_EPS_ + jnp.sqrt(s_ref[...]))

    out = pl.pallas_call(
        body,
        out_shape=jax.ShapeDtypeStruct(s2.shape, jnp.float32),
    )(s2)
    return out.reshape(e_pad)


def kernel(x, edge):
    e = edge.shape[1]
    grain = 2 * NW * CHUNK * SUP
    e_pad = ((e + grain - 1) // grain) * grain
    src = jnp.pad(edge[0].astype(jnp.int32), (0, e_pad - e))
    dst = jnp.pad(edge[1].astype(jnp.int32), (0, e_pad - e))
    sums = _sc_sumsq(x, src, dst)
    return _tc_log(sums)[:e]

# --- scband reference (transcript-rebuilt; emitter-appended) ---
"""Pipeline reference for scband-sp-graphlog-kernel-layer-11330123727205 (READ-ONLY COPY).

The authoritative reference and input builder live on the scoring server;
editing this copy changes nothing except your own understanding.
"""

import jax, jax.numpy as jnp
import numpy as np

LOG_EPS = 1e-05


def setup_inputs(seed: int = 0) -> dict:
    key = jax.random.key(seed)
    k1, k2 = jax.random.split(key)
    x = jax.random.normal(k1, (10000, 128), dtype=jnp.float32)
    edge = jax.random.randint(k2, (2, 320000), 0, 10000, dtype=jnp.int64)
    return {"x": x, "edge": edge}


def reference(x, edge):
    # k = log(eps + ||x[src] - x[dst]||_2) per edge
    src = jnp.take(x, edge[0, :], axis=0)
    dst = jnp.take(x, edge[1, :], axis=0)
    diff = src - dst
    norm = jnp.sqrt(jnp.sum(diff * diff, axis=1))
    k = jnp.log(LOG_EPS + norm)
    return k

if __name__ == "__main__":
    import jax
    _d = setup_inputs()
    print(jax.jit(kernel)(*tuple(_d.values())))

</pallas_src>

<mosaic_0001>
#map = affine_map<(d0, d1) -> (0, 0)>
#map1 = affine_map<(d0, d1) -> (0)>
module attributes {stable_mosaic.version = 14 : i64} {
  func.func @k(%arg0: i32, %arg1: i32, %arg2: memref<10000x128xf32, #tpu.memory_space<hbm>>, %arg3: memref<327680xi32, #tpu.memory_space<hbm>>, %arg4: memref<327680xi32, #tpu.memory_space<hbm>>, %arg5: memref<327680xf32, #tpu.memory_space<hbm>>, %arg6: memref<1024xi32, #tpu.memory_space<vmem>>, %arg7: memref<1024xi32, #tpu.memory_space<vmem>>, %arg8: memref<1024xi32, #tpu.memory_space<vmem>>, %arg9: memref<1024xi32, #tpu.memory_space<vmem>>, %arg10: memref<128x128xf32, #tpu.memory_space<vmem>>, %arg11: memref<128x128xf32, #tpu.memory_space<vmem>>, %arg12: memref<10240xf32, #tpu.memory_space<vmem>>, %arg13: memref<16x17xf32, #tpu.memory_space<vmem>>, %arg14: memref<10000x128xf32, #tpu.memory_space<vmem_shared>>, %arg15: memref<!tpu.dma_semaphore, #tpu.memory_space<semaphore_mem>>, %arg16: memref<!tpu.dma_semaphore, #tpu.memory_space<semaphore_mem>>, %arg17: memref<!tpu.dma_semaphore, #tpu.memory_space<semaphore_mem>>, %arg18: memref<!tpu.dma_semaphore, #tpu.memory_space<semaphore_mem>>) attributes {dimension_semantics = [#tpu.dimension_semantics<core_parallel>, #tpu.dimension_semantics<subcore_parallel>], iteration_bounds = array<i64: 2, 16>, scalar_prefetch = 0 : i64, scratch_operands = 13 : i64, tpu.core_type = #tpu.core_type<sc_vector_subcore>, window_params = [{transform_indices = #map}, {transform_indices = #map1}, {transform_indices = #map1}, {transform_indices = #map1}]} {
    %mul3A = arith.constant 2 : i32
    %mul3A_0 = arith.muli %arg1, %mul3A : i32
    %add3A = arith.addi %mul3A_0, %arg0 : i32
    %mul3A_1 = arith.constant 10240 : i32
    %mul3A_2 = arith.muli %add3A, %mul3A_1 : i32
    %add3A_3 = arith.constant 0 : i32
    %add3A_4 = arith.addi %mul3A_2, %add3A_3 : i32
    %dma_start3A = tpu.memref_slice %arg3[%add3A_4] : memref<327680xi32, #tpu.memory_space<hbm>> -> memref<1024xi32, #tpu.memory_space<hbm>>
    %dma_start3A_5 = tpu.memref_slice %arg3[%add3A_4] : memref<327680xi32, #tpu.memory_space<hbm>> -> memref<1024xi32, #tpu.memory_space<hbm>>
    tpu.enqueue_dma source(%dma_start3A_5 : memref<1024xi32, #tpu.memory_space<hbm>>) target(%arg6 : memref<1024xi32, #tpu.memory_space<vmem>>) target_semaphore(%arg15 : memref<!tpu.dma_semaphore, #tpu.memory_space<semaphore_mem>>)
    %dma_start3A_6 = tpu.memref_slice %arg4[%add3A_4] : memref<327680xi32, #tpu.memory_space<hbm>> -> memref<1024xi32, #tpu.memory_space<hbm>>
    %dma_start3A_7 = tpu.memref_slice %arg4[%add3A_4] : memref<327680xi32, #tpu.memory_space<hbm>> -> memref<1024xi32, #tpu.memory_space<hbm>>
    tpu.enqueue_dma source(%dma_start3A_7 : memref<1024xi32, #tpu.memory_space<hbm>>) target(%arg8 : memref<1024xi32, #tpu.memory_space<vmem>>) target_semaphore(%arg15 : memref<!tpu.dma_semaphore, #tpu.memory_space<semaphore_mem>>)
    %add3A_8 = arith.constant 1024 : i32
    %add3A_9 = arith.addi %mul3A_2, %add3A_8 : i32
    %dma_start3A_10 = tpu.memref_slice %arg3[%add3A_9] : memref<327680xi32, #tpu.memory_space<hbm>> -> memref<1024xi32, #tpu.memory_space<hbm>>
    %dma_start3A_11 = tpu.memref_slice %arg3[%add3A_9] : memref<327680xi32, #tpu.memory_space<hbm>> -> memref<1024xi32, #tpu.memory_space<hbm>>
    tpu.enqueue_dma source(%dma_start3A_11 : memref<1024xi32, #tpu.memory_space<hbm>>) target(%arg7 : memref<1024xi32, #tpu.memory_space<vmem>>) target_semaphore(%arg16 : memref<!tpu.dma_semaphore, #tpu.memory_space<semaphore_mem>>)
    %dma_start3A_12 = tpu.memref_slice %arg4[%add3A_9] : memref<327680xi32, #tpu.memory_space<hbm>> -> memref<1024xi32, #tpu.memory_space<hbm>>
    %dma_start3A_13 = tpu.memref_slice %arg4[%add3A_9] : memref<327680xi32, #tpu.memory_space<hbm>> -> memref<1024xi32, #tpu.memory_space<hbm>>
    tpu.enqueue_dma source(%dma_start3A_13 : memref<1024xi32, #tpu.memory_space<hbm>>) target(%arg9 : memref<1024xi32, #tpu.memory_space<vmem>>) target_semaphore(%arg16 : memref<!tpu.dma_semaphore, #tpu.memory_space<semaphore_mem>>)
    %mul3A_14 = arith.constant 624 : i32
    %mul3A_15 = arith.muli %arg1, %mul3A_14 : i32
    %mul3A_16 = arith.constant 624 : i32
    %mul3A_17 = arith.muli %arg1, %mul3A_16 : i32
    "tpu.region"() ({
      %run_scoped3A = tpu.sem_alloc : memref<!tpu.dma_semaphore, #tpu.memory_space<semaphore_mem>>
      %dma_start3A_47 = arith.constant 0 : i32
      %dma_start3A_48 = tpu.memref_slice %arg14[%mul3A_17, %dma_start3A_47] : memref<10000x128xf32, #tpu.memory_space<vmem_shared>> -> memref<624x128xf32, #tpu.memory_space<vmem_shared>>
      %dma_start3A_49 = arith.constant 0 : i32
      %dma_start3A_50 = tpu.memref_slice %arg2[%mul3A_15, %dma_start3A_49] : memref<10000x128xf32, #tpu.memory_space<hbm>> -> memref<624x128xf32, #tpu.memory_space<hbm>>
      tpu.enqueue_dma source(%dma_start3A_50 : memref<624x128xf32, #tpu.memory_space<hbm>>) target(%dma_start3A_48 : memref<624x128xf32, #tpu.memory_space<vmem_shared>>) target_semaphore(%run_scoped3A : memref<!tpu.dma_semaphore, #tpu.memory_space<semaphore_mem>>)
      %dma_wait3A_51 = arith.constant 0 : i32
      %dma_wait3A_52 = tpu.memref_slice %arg14[%mul3A_17, %dma_wait3A_51] : memref<10000x128xf32, #tpu.memory_space<vmem_shared>> -> memref<624x128xf32, #tpu.memory_space<vmem_shared>>
      %dma_wait3A_53 = arith.constant 0 : i32
      %dma_wait3A_54 = tpu.memref_slice %arg2[%mul3A_15, %dma_wait3A_53] : memref<10000x128xf32, #tpu.memory_space<hbm>> -> memref<624x128xf32, #tpu.memory_space<hbm>>
      tpu.wait_dma2 semaphore(%run_scoped3A : memref<!tpu.dma_semaphore, #tpu.memory_space<semaphore_mem>>) src(%dma_wait3A_54 : memref<624x128xf32, #tpu.memory_space<hbm>>) dst(%dma_wait3A_52 : memref<624x128xf32, #tpu.memory_space<vmem_shared>>)
      tpu.yield
    }) : () -> ()
    %eq3A = arith.constant 0 : i32
    %eq3A_18 = arith.cmpi eq, %arg1, %eq3A : i32
    %convert_element_type3A = arith.extui %eq3A_18 : i1 to i32
    %cond3A = arith.constant 0 : i32
    %cond3A_19 = arith.cmpi ne, %convert_element_type3A, %cond3A : i32
    scf.if %cond3A_19 {
      "tpu.region"() ({
        %run_scoped3A = tpu.sem_alloc : memref<!tpu.dma_semaphore, #tpu.memory_space<semaphore_mem>>
        %dma_start3A_47 = arith.constant 9984 : i32
        %dma_start3A_48 = arith.constant 0 : i32
        %dma_start3A_49 = tpu.memref_slice %arg14[%dma_start3A_47, %dma_start3A_48] : memref<10000x128xf32, #tpu.memory_space<vmem_shared>> -> memref<16x128xf32, #tpu.memory_space<vmem_shared>>
        %dma_start3A_50 = arith.constant 9984 : i32
        %dma_start3A_51 = arith.constant 0 : i32
        %dma_start3A_52 = tpu.memref_slice %arg2[%dma_start3A_50, %dma_start3A_51] : memref<10000x128xf32, #tpu.memory_space<hbm>> -> memref<16x128xf32, #tpu.memory_space<hbm>>
        tpu.enqueue_dma source(%dma_start3A_52 : memref<16x128xf32, #tpu.memory_space<hbm>>) target(%dma_start3A_49 : memref<16x128xf32, #tpu.memory_space<vmem_shared>>) target_semaphore(%run_scoped3A : memref<!tpu.dma_semaphore, #tpu.memory_space<semaphore_mem>>)
        %dma_wait3A_53 = arith.constant 9984 : i32
        %dma_wait3A_54 = arith.constant 0 : i32
        %dma_wait3A_55 = tpu.memref_slice %arg14[%dma_wait3A_53, %dma_wait3A_54] : memref<10000x128xf32, #tpu.memory_space<vmem_shared>> -> memref<16x128xf32, #tpu.memory_space<vmem_shared>>
        %dma_wait3A_56 = arith.constant 9984 : i32
        %dma_wait3A_57 = arith.constant 0 : i32
        %dma_wait3A_58 = tpu.memref_slice %arg2[%dma_wait3A_56, %dma_wait3A_57] : memref<10000x128xf32, #tpu.memory_space<hbm>> -> memref<16x128xf32, #tpu.memory_space<hbm>>
        tpu.wait_dma2 semaphore(%run_scoped3A : memref<!tpu.dma_semaphore, #tpu.memory_space<semaphore_mem>>) src(%dma_wait3A_58 : memref<16x128xf32, #tpu.memory_space<hbm>>) dst(%dma_wait3A_55 : memref<16x128xf32, #tpu.memory_space<vmem_shared>>)
        tpu.yield
      }) : () -> ()
    } else {
    }
    %barrier3A = arith.constant 0 : index
    tpu.barrier barrier_id(%barrier3A)
    %add3A_20 = arith.constant 0 : i32
    %add3A_21 = arith.addi %mul3A_2, %add3A_20 : i32
    %dma_wait3A = tpu.memref_slice %arg3[%add3A_21] : memref<327680xi32, #tpu.memory_space<hbm>> -> memref<1024xi32, #tpu.memory_space<hbm>>
    %dma_wait3A_22 = tpu.memref_slice %arg3[%add3A_21] : memref<327680xi32, #tpu.memory_space<hbm>> -> memref<1024xi32, #tpu.memory_space<hbm>>
    tpu.wait_dma2 semaphore(%arg15 : memref<!tpu.dma_semaphore, #tpu.memory_space<semaphore_mem>>) src(%dma_wait3A_22 : memref<1024xi32, #tpu.memory_space<hbm>>) dst(%arg6 : memref<1024xi32, #tpu.memory_space<vmem>>)
    %dma_wait3A_23 = tpu.memref_slice %arg4[%add3A_21] : memref<327680xi32, #tpu.memory_space<hbm>> -> memref<1024xi32, #tpu.memory_space<hbm>>
    %dma_wait3A_24 = tpu.memref_slice %arg4[%add3A_21] : memref<327680xi32, #tpu.memory_space<hbm>> -> memref<1024xi32, #tpu.memory_space<hbm>>
    tpu.wait_dma2 semaphore(%arg15 : memref<!tpu.dma_semaphore, #tpu.memory_space<semaphore_mem>>) src(%dma_wait3A_24 : memref<1024xi32, #tpu.memory_space<hbm>>) dst(%arg8 : memref<1024xi32, #tpu.memory_space<vmem>>)
    %dma_start3A_25 = arith.constant 0 : i32
    %dma_start3A_26 = arith.constant 0 : i32
    %dma_start3A_27 = tpu.memref_slice %arg10[%dma_start3A_25, %dma_start3A_26] : memref<128x128xf32, #tpu.memory_space<vmem>> -> memref<64x128xf32, #tpu.memory_space<vmem>>
    %dma_start3A_28 = arith.constant 0 : i32
    %dma_start3A_29 = tpu.memref_slice %arg6[%dma_start3A_28] : memref<1024xi32, #tpu.memory_space<vmem>> -> memref<64xi32, #tpu.memory_space<vmem>>
    %dma_start3A_30 = arith.constant 0 : i32
    %dma_start3A_31 = arith.constant 0 : i32
    %dma_start3A_32 = tpu.memref_slice %arg14[%dma_start3A_30, %dma_start3A_31] : memref<10000x128xf32, #tpu.memory_space<vmem_shared>> -> memref<10000x128xf32, #tpu.memory_space<vmem_shared>>
    tpu.enqueue_indirect_dma source(%dma_start3A_32 : memref<10000x128xf32, #tpu.memory_space<vmem_shared>>) target(%dma_start3A_27 : memref<64x128xf32, #tpu.memory_space<vmem>>) offsets(%dma_start3A_29 : memref<64xi32, #tpu.memory_space<vmem>>) semaphore(%arg17 : memref<!tpu.dma_semaphore, #tpu.memory_space<semaphore_mem>>)
    %dma_start3A_33 = arith.constant 64 : i32
    %dma_start3A_34 = arith.constant 0 : i32
    %dma_start3A_35 = tpu.memref_slice %arg10[%dma_start3A_33, %dma_start3A_34] : memref<128x128xf32, #tpu.memory_space<vmem>> -> memref<64x128xf32, #tpu.memory_space<vmem>>
    %dma_start3A_36 = arith.constant 0 : i32
    %dma_start3A_37 = tpu.memref_slice %arg8[%dma_start3A_36] : memref<1024xi32, #tpu.memory_space<vmem>> -> memref<64xi32, #tpu.memory_space<vmem>>
    %dma_start3A_38 = arith.constant 0 : i32
    %dma_start3A_39 = arith.constant 0 : i32
    %dma_start3A_40 = tpu.memref_slice %arg14[%dma_start3A_38, %dma_start3A_39] : memref<10000x128xf32, #tpu.memory_space<vmem_shared>> -> memref<10000x128xf32, #tpu.memory_space<vmem_shared>>
    tpu.enqueue_indirect_dma source(%dma_start3A_40 : memref<10000x128xf32, #tpu.memory_space<vmem_shared>>) target(%dma_start3A_35 : memref<64x128xf32, #tpu.memory_space<vmem>>) offsets(%dma_start3A_37 : memref<64xi32, #tpu.memory_space<vmem>>) semaphore(%arg17 : memref<!tpu.dma_semaphore, #tpu.memory_space<semaphore_mem>>)
    %scan3A = arith.constant 0 : i32
    %scan3A_41 = arith.constant 0 : i32
    %scan3A_42 = arith.constant 80 : i32
    %scan3A_43 = arith.addi %scan3A_41, %scan3A_42 : i32
    %scan3A_44 = arith.constant 1 : i32
    %scan3A_45 = scf.for %scan3A_47 = %scan3A_41 to %scan3A_43 step %scan3A_44 iter_args(%scan3A_48 = %scan3A) -> (i32)  : i32 {
      %mul3A_49 = arith.constant 2 : i32
      %mul3A_50 = arith.muli %scan3A_47, %mul3A_49 : i32
      %add3A_51 = arith.constant 0 : i32
      %add3A_52 = arith.addi %mul3A_50, %add3A_51 : i32
      %jit3A = arith.constant 16 : i32
      %div3A = arith.divsi %add3A_52, %jit3A : i32
      %sign3A = arith.constant 0 : i32
      %sign3A_53 = arith.cmpi sgt, %add3A_52, %sign3A : i32
      %sign3A_54 = arith.extui %sign3A_53 : i1 to i32
      %sign3A_55 = arith.constant 0 : i32
      %sign3A_56 = arith.cmpi slt, %add3A_52, %sign3A_55 : i32
      %sign3A_57 = arith.extui %sign3A_56 : i1 to i32
      %sign3A_58 = arith.subi %sign3A_54, %sign3A_57 : i32
      %sign3A_59 = arith.constant 0 : i32
      %sign3A_60 = arith.cmpi sgt, %jit3A, %sign3A_59 : i32
      %sign3A_61 = arith.extui %sign3A_60 : i1 to i32
      %sign3A_62 = arith.constant 0 : i32
      %sign3A_63 = arith.cmpi slt, %jit3A, %sign3A_62 : i32
      %sign3A_64 = arith.extui %sign3A_63 : i1 to i32
      %sign3A_65 = arith.subi %sign3A_61, %sign3A_64 : i32
      %ne3A = arith.cmpi ne, %sign3A_58, %sign3A_65 : i32
      %rem3A = arith.remsi %add3A_52, %jit3A : i32
      %ne3A_66 = arith.constant 0 : i32
      %ne3A_67 = arith.cmpi ne, %rem3A, %ne3A_66 : i32
      %and3A = arith.andi %ne3A, %ne3A_67 : i1
      %sub3A = arith.constant 1 : i32
      %sub3A_68 = arith.subi %div3A, %sub3A : i32
      %select_n3A = arith.select %and3A, %sub3A_68, %div3A : i32
      %rem3A_69 = arith.constant 2 : i32
      %rem3A_70 = arith.remsi %select_n3A, %rem3A_69 : i32
      %add3A_71 = arith.constant 1 : i32
      %add3A_72 = arith.addi %add3A_52, %add3A_71 : i32
      %rem3A_73 = arith.constant 16 : i32
      %rem3A_74 = arith.remsi %add3A_72, %rem3A_73 : i32
      %lt3A = arith.constant 160 : i32
      %lt3A_75 = arith.cmpi slt, %add3A_72, %lt3A : i32
      %ne3A_76 = arith.constant 0 : i32
      %ne3A_77 = arith.cmpi ne, %rem3A_74, %ne3A_76 : i32
      %and3A_78 = arith.andi %lt3A_75, %ne3A_77 : i1
      %convert_element_type3A_79 = arith.extui %and3A_78 : i1 to i32
      %cond3A_80 = arith.constant 0 : i32
      %cond3A_81 = arith.cmpi ne, %convert_element_type3A_79, %cond3A_80 : i32
      scf.if %cond3A_81 {
        %eq3A_190 = arith.constant 0 : i32
        %eq3A_191 = arith.cmpi eq, %rem3A_70, %eq3A_190 : i32
        %convert_element_type3A_192 = arith.extui %eq3A_191 : i1 to i32
        %cond3A_193 = arith.constant 0 : i32
        %cond3A_194 = arith.cmpi ne, %convert_element_type3A_192, %cond3A_193 : i32
        scf.if %cond3A_194 {
          %mul3A_200 = arith.constant 64 : i32
          %mul3A_201 = arith.muli %rem3A_74, %mul3A_200 : i32
          %dma_start3A_202 = arith.constant 0 : i32
          %dma_start3A_203 = arith.constant 0 : i32
          %dma_start3A_204 = tpu.memref_slice %arg11[%dma_start3A_202, %dma_start3A_203] : memref<128x128xf32, #tpu.memory_space<vmem>> -> memref<64x128xf32, #tpu.memory_space<vmem>>
          %dma_start3A_205 = tpu.memref_slice %arg6[%mul3A_201] : memref<1024xi32, #tpu.memory_space<vmem>> -> memref<64xi32, #tpu.memory_space<vmem>>
          %dma_start3A_206 = arith.constant 0 : i32
          %dma_start3A_207 = arith.constant 0 : i32
          %dma_start3A_208 = tpu.memref_slice %arg14[%dma_start3A_206, %dma_start3A_207] : memref<10000x128xf32, #tpu.memory_space<vmem_shared>> -> memref<10000x128xf32, #tpu.memory_space<vmem_shared>>
          tpu.enqueue_indirect_dma source(%dma_start3A_208 : memref<10000x128xf32, #tpu.memory_space<vmem_shared>>) target(%dma_start3A_204 : memref<64x128xf32, #tpu.memory_space<vmem>>) offsets(%dma_start3A_205 : memref<64xi32, #tpu.memory_space<vmem>>) semaphore(%arg18 : memref<!tpu.dma_semaphore, #tpu.memory_space<semaphore_mem>>)
          %dma_start3A_209 = arith.constant 64 : i32
          %dma_start3A_210 = arith.constant 0 : i32
          %dma_start3A_211 = tpu.memref_slice %arg11[%dma_start3A_209, %dma_start3A_210] : memref<128x128xf32, #tpu.memory_space<vmem>> -> memref<64x128xf32, #tpu.memory_space<vmem>>
          %dma_start3A_212 = tpu.memref_slice %arg8[%mul3A_201] : memref<1024xi32, #tpu.memory_space<vmem>> -> memref<64xi32, #tpu.memory_space<vmem>>
          %dma_start3A_213 = arith.constant 0 : i32
          %dma_start3A_214 = arith.constant 0 : i32
          %dma_start3A_215 = tpu.memref_slice %arg14[%dma_start3A_213, %dma_start3A_214] : memref<10000x128xf32, #tpu.memory_space<vmem_shared>> -> memref<10000x128xf32, #tpu.memory_space<vmem_shared>>
          tpu.enqueue_indirect_dma source(%dma_start3A_215 : memref<10000x128xf32, #tpu.memory_space<vmem_shared>>) target(%dma_start3A_211 : memref<64x128xf32, #tpu.memory_space<vmem>>) offsets(%dma_start3A_212 : memref<64xi32, #tpu.memory_space<vmem>>) semaphore(%arg18 : memref<!tpu.dma_semaphore, #tpu.memory_space<semaphore_mem>>)
        } else {
        }
        %eq3A_195 = arith.constant 1 : i32
        %eq3A_196 = arith.cmpi eq, %rem3A_70, %eq3A_195 : i32
        %convert_element_type3A_197 = arith.extui %eq3A_196 : i1 to i32
        %cond3A_198 = arith.constant 0 : i32
        %cond3A_199 = arith.cmpi ne, %convert_element_type3A_197, %cond3A_198 : i32
        scf.if %cond3A_199 {
          %mul3A_200 = arith.constant 64 : i32
          %mul3A_201 = arith.muli %rem3A_74, %mul3A_200 : i32
          %dma_start3A_202 = arith.constant 0 : i32
          %dma_start3A_203 = arith.constant 0 : i32
          %dma_start3A_204 = tpu.memref_slice %arg11[%dma_start3A_202, %dma_start3A_203] : memref<128x128xf32, #tpu.memory_space<vmem>> -> memref<64x128xf32, #tpu.memory_space<vmem>>
          %dma_start3A_205 = tpu.memref_slice %arg7[%mul3A_201] : memref<1024xi32, #tpu.memory_space<vmem>> -> memref<64xi32, #tpu.memory_space<vmem>>
          %dma_start3A_206 = arith.constant 0 : i32
          %dma_start3A_207 = arith.constant 0 : i32
          %dma_start3A_208 = tpu.memref_slice %arg14[%dma_start3A_206, %dma_start3A_207] : memref<10000x128xf32, #tpu.memory_space<vmem_shared>> -> memref<10000x128xf32, #tpu.memory_space<vmem_shared>>
          tpu.enqueue_indirect_dma source(%dma_start3A_208 : memref<10000x128xf32, #tpu.memory_space<vmem_shared>>) target(%dma_start3A_204 : memref<64x128xf32, #tpu.memory_space<vmem>>) offsets(%dma_start3A_205 : memref<64xi32, #tpu.memory_space<vmem>>) semaphore(%arg18 : memref<!tpu.dma_semaphore, #tpu.memory_space<semaphore_mem>>)
          %dma_start3A_209 = arith.constant 64 : i32
          %dma_start3A_210 = arith.constant 0 : i32
          %dma_start3A_211 = tpu.memref_slice %arg11[%dma_start3A_209, %dma_start3A_210] : memref<128x128xf32, #tpu.memory_space<vmem>> -> memref<64x128xf32, #tpu.memory_space<vmem>>
          %dma_start3A_212 = tpu.memref_slice %arg9[%mul3A_201] : memref<1024xi32, #tpu.memory_space<vmem>> -> memref<64xi32, #tpu.memory_space<vmem>>
          %dma_start3A_213 = arith.constant 0 : i32
          %dma_start3A_214 = arith.constant 0 : i32
          %dma_start3A_215 = tpu.memref_slice %arg14[%dma_start3A_213, %dma_start3A_214] : memref<10000x128xf32, #tpu.memory_space<vmem_shared>> -> memref<10000x128xf32, #tpu.memory_space<vmem_shared>>
          tpu.enqueue_indirect_dma source(%dma_start3A_215 : memref<10000x128xf32, #tpu.memory_space<vmem_shared>>) target(%dma_start3A_211 : memref<64x128xf32, #tpu.memory_space<vmem>>) offsets(%dma_start3A_212 : memref<64xi32, #tpu.memory_space<vmem>>) semaphore(%arg18 : memref<!tpu.dma_semaphore, #tpu.memory_space<semaphore_mem>>)
        } else {
        }
      } else {
      }
      %lt3A_82 = arith.constant 160 : i32
      %lt3A_83 = arith.cmpi slt, %add3A_72, %lt3A_82 : i32
      %eq3A_84 = arith.constant 0 : i32
      %eq3A_85 = arith.cmpi eq, %rem3A_74, %eq3A_84 : i32
      %and3A_86 = arith.andi %lt3A_83, %eq3A_85 : i1
      %convert_element_type3A_87 = arith.extui %and3A_86 : i1 to i32
      %cond3A_88 = arith.constant 0 : i32
      %cond3A_89 = arith.cmpi ne, %convert_element_type3A_87, %cond3A_88 : i32
      scf.if %cond3A_89 {
        %eq3A_190 = arith.constant 0 : i32
        %eq3A_191 = arith.cmpi eq, %rem3A_70, %eq3A_190 : i32
        %convert_element_type3A_192 = arith.extui %eq3A_191 : i1 to i32
        %cond3A_193 = arith.constant 0 : i32
        %cond3A_194 = arith.cmpi ne, %convert_element_type3A_192, %cond3A_193 : i32
        scf.if %cond3A_194 {
          %add3A_200 = arith.constant 1 : i32
          %add3A_201 = arith.addi %select_n3A, %add3A_200 : i32
          %mul3A_202 = arith.constant 1024 : i32
          %mul3A_203 = arith.muli %add3A_201, %mul3A_202 : i32
          %add3A_204 = arith.addi %mul3A_2, %mul3A_203 : i32
          %dma_wait3A_205 = tpu.memref_slice %arg3[%add3A_204] : memref<327680xi32, #tpu.memory_space<hbm>> -> memref<1024xi32, #tpu.memory_space<hbm>>
          %dma_wait3A_206 = tpu.memref_slice %arg3[%add3A_204] : memref<327680xi32, #tpu.memory_space<hbm>> -> memref<1024xi32, #tpu.memory_space<hbm>>
          tpu.wait_dma2 semaphore(%arg16 : memref<!tpu.dma_semaphore, #tpu.memory_space<semaphore_mem>>) src(%dma_wait3A_206 : memref<1024xi32, #tpu.memory_space<hbm>>) dst(%arg7 : memref<1024xi32, #tpu.memory_space<vmem>>)
          %dma_wait3A_207 = tpu.memref_slice %arg4[%add3A_204] : memref<327680xi32, #tpu.memory_space<hbm>> -> memref<1024xi32, #tpu.memory_space<hbm>>
          %dma_wait3A_208 = tpu.memref_slice %arg4[%add3A_204] : memref<327680xi32, #tpu.memory_space<hbm>> -> memref<1024xi32, #tpu.memory_space<hbm>>
          tpu.wait_dma2 semaphore(%arg16 : memref<!tpu.dma_semaphore, #tpu.memory_space<semaphore_mem>>) src(%dma_wait3A_208 : memref<1024xi32, #tpu.memory_space<hbm>>) dst(%arg9 : memref<1024xi32, #tpu.memory_space<vmem>>)
          %dma_start3A_209 = arith.constant 0 : i32
          %dma_start3A_210 = arith.constant 0 : i32
          %dma_start3A_211 = tpu.memref_slice %arg11[%dma_start3A_209, %dma_start3A_210] : memref<128x128xf32, #tpu.memory_space<vmem>> -> memref<64x128xf32, #tpu.memory_space<vmem>>
          %dma_start3A_212 = arith.constant 0 : i32
          %dma_start3A_213 = tpu.memref_slice %arg7[%dma_start3A_212] : memref<1024xi32, #tpu.memory_space<vmem>> -> memref<64xi32, #tpu.memory_space<vmem>>
          %dma_start3A_214 = arith.constant 0 : i32
          %dma_start3A_215 = arith.constant 0 : i32
          %dma_start3A_216 = tpu.memref_slice %arg14[%dma_start3A_214, %dma_start3A_215] : memref<10000x128xf32, #tpu.memory_space<vmem_shared>> -> memref<10000x128xf32, #tpu.memory_space<vmem_shared>>
          tpu.enqueue_indirect_dma source(%dma_start3A_216 : memref<10000x128xf32, #tpu.memory_space<vmem_shared>>) target(%dma_start3A_211 : memref<64x128xf32, #tpu.memory_space<vmem>>) offsets(%dma_start3A_213 : memref<64xi32, #tpu.memory_space<vmem>>) semaphore(%arg18 : memref<!tpu.dma_semaphore, #tpu.memory_space<semaphore_mem>>)
          %dma_start3A_217 = arith.constant 64 : i32
          %dma_start3A_218 = arith.constant 0 : i32
          %dma_start3A_219 = tpu.memref_slice %arg11[%dma_start3A_217, %dma_start3A_218] : memref<128x128xf32, #tpu.memory_space<vmem>> -> memref<64x128xf32, #tpu.memory_space<vmem>>
          %dma_start3A_220 = arith.constant 0 : i32
          %dma_start3A_221 = tpu.memref_slice %arg9[%dma_start3A_220] : memref<1024xi32, #tpu.memory_space<vmem>> -> memref<64xi32, #tpu.memory_space<vmem>>
          %dma_start3A_222 = arith.constant 0 : i32
          %dma_start3A_223 = arith.constant 0 : i32
          %dma_start3A_224 = tpu.memref_slice %arg14[%dma_start3A_222, %dma_start3A_223] : memref<10000x128xf32, #tpu.memory_space<vmem_shared>> -> memref<10000x128xf32, #tpu.memory_space<vmem_shared>>
          tpu.enqueue_indirect_dma source(%dma_start3A_224 : memref<10000x128xf32, #tpu.memory_space<vmem_shared>>) target(%dma_start3A_219 : memref<64x128xf32, #tpu.memory_space<vmem>>) offsets(%dma_start3A_221 : memref<64xi32, #tpu.memory_space<vmem>>) semaphore(%arg18 : memref<!tpu.dma_semaphore, #tpu.memory_space<semaphore_mem>>)
        } else {
        }
        %eq3A_195 = arith.constant 1 : i32
        %eq3A_196 = arith.cmpi eq, %rem3A_70, %eq3A_195 : i32
        %convert_element_type3A_197 = arith.extui %eq3A_196 : i1 to i32
        %cond3A_198 = arith.constant 0 : i32
        %cond3A_199 = arith.cmpi ne, %convert_element_type3A_197, %cond3A_198 : i32
        scf.if %cond3A_199 {
          %add3A_200 = arith.constant 1 : i32
          %add3A_201 = arith.addi %select_n3A, %add3A_200 : i32
          %mul3A_202 = arith.constant 1024 : i32
          %mul3A_203 = arith.muli %add3A_201, %mul3A_202 : i32
          %add3A_204 = arith.addi %mul3A_2, %mul3A_203 : i32
          %dma_wait3A_205 = tpu.memref_slice %arg3[%add3A_204] : memref<327680xi32, #tpu.memory_space<hbm>> -> memref<1024xi32, #tpu.memory_space<hbm>>
          %dma_wait3A_206 = tpu.memref_slice %arg3[%add3A_204] : memref<327680xi32, #tpu.memory_space<hbm>> -> memref<1024xi32, #tpu.memory_space<hbm>>
          tpu.wait_dma2 semaphore(%arg15 : memref<!tpu.dma_semaphore, #tpu.memory_space<semaphore_mem>>) src(%dma_wait3A_206 : memref<1024xi32, #tpu.memory_space<hbm>>) dst(%arg6 : memref<1024xi32, #tpu.memory_space<vmem>>)
          %dma_wait3A_207 = tpu.memref_slice %arg4[%add3A_204] : memref<327680xi32, #tpu.memory_space<hbm>> -> memref<1024xi32, #tpu.memory_space<hbm>>
          %dma_wait3A_208 = tpu.memref_slice %arg4[%add3A_204] : memref<327680xi32, #tpu.memory_space<hbm>> -> memref<1024xi32, #tpu.memory_space<hbm>>
          tpu.wait_dma2 semaphore(%arg15 : memref<!tpu.dma_semaphore, #tpu.memory_space<semaphore_mem>>) src(%dma_wait3A_208 : memref<1024xi32, #tpu.memory_space<hbm>>) dst(%arg8 : memref<1024xi32, #tpu.memory_space<vmem>>)
          %dma_start3A_209 = arith.constant 0 : i32
          %dma_start3A_210 = arith.constant 0 : i32
          %dma_start3A_211 = tpu.memref_slice %arg11[%dma_start3A_209, %dma_start3A_210] : memref<128x128xf32, #tpu.memory_space<vmem>> -> memref<64x128xf32, #tpu.memory_space<vmem>>
          %dma_start3A_212 = arith.constant 0 : i32
          %dma_start3A_213 = tpu.memref_slice %arg6[%dma_start3A_212] : memref<1024xi32, #tpu.memory_space<vmem>> -> memref<64xi32, #tpu.memory_space<vmem>>
          %dma_start3A_214 = arith.constant 0 : i32
          %dma_start3A_215 = arith.constant 0 : i32
          %dma_start3A_216 = tpu.memref_slice %arg14[%dma_start3A_214, %dma_start3A_215] : memref<10000x128xf32, #tpu.memory_space<vmem_shared>> -> memref<10000x128xf32, #tpu.memory_space<vmem_shared>>
          tpu.enqueue_indirect_dma source(%dma_start3A_216 : memref<10000x128xf32, #tpu.memory_space<vmem_shared>>) target(%dma_start3A_211 : memref<64x128xf32, #tpu.memory_space<vmem>>) offsets(%dma_start3A_213 : memref<64xi32, #tpu.memory_space<vmem>>) semaphore(%arg18 : memref<!tpu.dma_semaphore, #tpu.memory_space<semaphore_mem>>)
          %dma_start3A_217 = arith.constant 64 : i32
          %dma_start3A_218 = arith.constant 0 : i32
          %dma_start3A_219 = tpu.memref_slice %arg11[%dma_start3A_217, %dma_start3A_218] : memref<128x128xf32, #tpu.memory_space<vmem>> -> memref<64x128xf32, #tpu.memory_space<vmem>>
          %dma_start3A_220 = arith.constant 0 : i32
          %dma_start3A_221 = tpu.memref_slice %arg8[%dma_start3A_220] : memref<1024xi32, #tpu.memory_space<vmem>> -> memref<64xi32, #tpu.memory_space<vmem>>
          %dma_start3A_222 = arith.constant 0 : i32
          %dma_start3A_223 = arith.constant 0 : i32
          %dma_start3A_224 = tpu.memref_slice %arg14[%dma_start3A_222, %dma_start3A_223] : memref<10000x128xf32, #tpu.memory_space<vmem_shared>> -> memref<10000x128xf32, #tpu.memory_space<vmem_shared>>
          tpu.enqueue_indirect_dma source(%dma_start3A_224 : memref<10000x128xf32, #tpu.memory_space<vmem_shared>>) target(%dma_start3A_219 : memref<64x128xf32, #tpu.memory_space<vmem>>) offsets(%dma_start3A_221 : memref<64xi32, #tpu.memory_space<vmem>>) semaphore(%arg18 : memref<!tpu.dma_semaphore, #tpu.memory_space<semaphore_mem>>)
        } else {
        }
      } else {
      }
      %dma_wait3A_90 = arith.constant 0 : i32
      %dma_wait3A_91 = tpu.memref_slice %arg6[%dma_wait3A_90] : memref<1024xi32, #tpu.memory_space<vmem>> -> memref<128xi32, #tpu.memory_space<vmem>>
      %dma_wait3A_92 = arith.constant 0 : i32
      %dma_wait3A_93 = arith.constant 0 : i32
      %dma_wait3A_94 = tpu.memref_slice %arg14[%dma_wait3A_92, %dma_wait3A_93] : memref<10000x128xf32, #tpu.memory_space<vmem_shared>> -> memref<10000x128xf32, #tpu.memory_space<vmem_shared>>
      tpu.wait_indirect_dma semaphore(%arg17 : memref<!tpu.dma_semaphore, #tpu.memory_space<semaphore_mem>>) src(%dma_wait3A_94 : memref<10000x128xf32, #tpu.memory_space<vmem_shared>>) dst(%arg10 : memref<128x128xf32, #tpu.memory_space<vmem>>)
      %rem3A_95 = arith.constant 16 : i32
      %rem3A_96 = arith.remsi %add3A_52, %rem3A_95 : i32
      %eq3A_97 = arith.constant 15 : i32
      %eq3A_98 = arith.cmpi eq, %rem3A_96, %eq3A_97 : i32
      %add3A_99 = arith.constant 2 : i32
      %add3A_100 = arith.addi %select_n3A, %add3A_99 : i32
      %lt3A_101 = arith.constant 10 : i32
      %lt3A_102 = arith.cmpi slt, %add3A_100, %lt3A_101 : i32
      %and3A_103 = arith.andi %eq3A_98, %lt3A_102 : i1
      %convert_element_type3A_104 = arith.extui %and3A_103 : i1 to i32
      %cond3A_105 = arith.constant 0 : i32
      %cond3A_106 = arith.cmpi ne, %convert_element_type3A_104, %cond3A_105 : i32
      scf.if %cond3A_106 {
        %eq3A_190 = arith.constant 0 : i32
        %eq3A_191 = arith.cmpi eq, %rem3A_70, %eq3A_190 : i32
        %convert_element_type3A_192 = arith.extui %eq3A_191 : i1 to i32
        %cond3A_193 = arith.constant 0 : i32
        %cond3A_194 = arith.cmpi ne, %convert_element_type3A_192, %cond3A_193 : i32
        scf.if %cond3A_194 {
          %add3A_200 = arith.constant 2 : i32
          %add3A_201 = arith.addi %select_n3A, %add3A_200 : i32
          %mul3A_202 = arith.constant 1024 : i32
          %mul3A_203 = arith.muli %add3A_201, %mul3A_202 : i32
          %add3A_204 = arith.addi %mul3A_2, %mul3A_203 : i32
          %dma_start3A_205 = tpu.memref_slice %arg3[%add3A_204] : memref<327680xi32, #tpu.memory_space<hbm>> -> memref<1024xi32, #tpu.memory_space<hbm>>
          %dma_start3A_206 = tpu.memref_slice %arg3[%add3A_204] : memref<327680xi32, #tpu.memory_space<hbm>> -> memref<1024xi32, #tpu.memory_space<hbm>>
          tpu.enqueue_dma source(%dma_start3A_206 : memref<1024xi32, #tpu.memory_space<hbm>>) target(%arg6 : memref<1024xi32, #tpu.memory_space<vmem>>) target_semaphore(%arg15 : memref<!tpu.dma_semaphore, #tpu.memory_space<semaphore_mem>>)
          %dma_start3A_207 = tpu.memref_slice %arg4[%add3A_204] : memref<327680xi32, #tpu.memory_space<hbm>> -> memref<1024xi32, #tpu.memory_space<hbm>>
          %dma_start3A_208 = tpu.memref_slice %arg4[%add3A_204] : memref<327680xi32, #tpu.memory_space<hbm>> -> memref<1024xi32, #tpu.memory_space<hbm>>
          tpu.enqueue_dma source(%dma_start3A_208 : memref<1024xi32, #tpu.memory_space<hbm>>) target(%arg8 : memref<1024xi32, #tpu.memory_space<vmem>>) target_semaphore(%arg15 : memref<!tpu.dma_semaphore, #tpu.memory_space<semaphore_mem>>)
        } else {
        }
        %eq3A_195 = arith.constant 1 : i32
        %eq3A_196 = arith.cmpi eq, %rem3A_70, %eq3A_195 : i32
        %convert_element_type3A_197 = arith.extui %eq3A_196 : i1 to i32
        %cond3A_198 = arith.constant 0 : i32
        %cond3A_199 = arith.cmpi ne, %convert_element_type3A_197, %cond3A_198 : i32
        scf.if %cond3A_199 {
          %add3A_200 = arith.constant 2 : i32
          %add3A_201 = arith.addi %select_n3A, %add3A_200 : i32
          %mul3A_202 = arith.constant 1024 : i32
          %mul3A_203 = arith.muli %add3A_201, %mul3A_202 : i32
          %add3A_204 = arith.addi %mul3A_2, %mul3A_203 : i32
          %dma_start3A_205 = tpu.memref_slice %arg3[%add3A_204] : memref<327680xi32, #tpu.memory_space<hbm>> -> memref<1024xi32, #tpu.memory_space<hbm>>
          %dma_start3A_206 = tpu.memref_slice %arg3[%add3A_204] : memref<327680xi32, #tpu.memory_space<hbm>> -> memref<1024xi32, #tpu.memory_space<hbm>>
          tpu.enqueue_dma source(%dma_start3A_206 : memref<1024xi32, #tpu.memory_space<hbm>>) target(%arg7 : memref<1024xi32, #tpu.memory_space<vmem>>) target_semaphore(%arg16 : memref<!tpu.dma_semaphore, #tpu.memory_space<semaphore_mem>>)
          %dma_start3A_207 = tpu.memref_slice %arg4[%add3A_204] : memref<327680xi32, #tpu.memory_space<hbm>> -> memref<1024xi32, #tpu.memory_space<hbm>>
          %dma_start3A_208 = tpu.memref_slice %arg4[%add3A_204] : memref<327680xi32, #tpu.memory_space<hbm>> -> memref<1024xi32, #tpu.memory_space<hbm>>
          tpu.enqueue_dma source(%dma_start3A_208 : memref<1024xi32, #tpu.memory_space<hbm>>) target(%arg9 : memref<1024xi32, #tpu.memory_space<vmem>>) target_semaphore(%arg16 : memref<!tpu.dma_semaphore, #tpu.memory_space<semaphore_mem>>)
        } else {
        }
      } else {
      }
      %iota3A = tpu.iota {dimensions = array<i32: 0>} : vector<16xi32>
      %scan3A_107 = arith.constant 0 : i32
      %scan3A_108 = arith.constant 0 : i32
      %scan3A_109 = arith.constant 4 : i32
      %scan3A_110 = arith.addi %scan3A_108, %scan3A_109 : i32
      %scan3A_111 = arith.constant 1 : i32
      %scan3A_112 = scf.for %scan3A_190 = %scan3A_108 to %scan3A_110 step %scan3A_111 iter_args(%scan3A_191 = %scan3A_107) -> (i32)  : i32 {
        %mul3A_192 = arith.constant 16 : i32
        %mul3A_193 = arith.muli %scan3A_190, %mul3A_192 : i32
        %add3A_194 = arith.constant 0 : i32
        %add3A_195 = arith.addi %mul3A_193, %add3A_194 : i32
        %add3A_196 = arith.constant 0 : i32
        %add3A_197 = arith.addi %add3A_195, %add3A_196 : i32
        %mul3A_198 = arith.constant 16 : i32
        %mul3A_199 = arith.muli %scan3A_190, %mul3A_198 : i32
        %add3A_200 = arith.constant 0 : i32
        %add3A_201 = arith.addi %mul3A_199, %add3A_200 : i32
        %add3A_202 = arith.constant 1 : i32
        %add3A_203 = arith.addi %add3A_201, %add3A_202 : i32
        %mul3A_204 = arith.constant 16 : i32
        %mul3A_205 = arith.muli %scan3A_190, %mul3A_204 : i32
        %add3A_206 = arith.constant 0 : i32
        %add3A_207 = arith.addi %mul3A_205, %add3A_206 : i32
        %add3A_208 = arith.constant 2 : i32
        %add3A_209 = arith.addi %add3A_207, %add3A_208 : i32
        %mul3A_210 = arith.constant 16 : i32
        %mul3A_211 = arith.muli %scan3A_190, %mul3A_210 : i32
        %add3A_212 = arith.constant 0 : i32
        %add3A_213 = arith.addi %mul3A_211, %add3A_212 : i32
        %add3A_214 = arith.constant 3 : i32
        %add3A_215 = arith.addi %add3A_213, %add3A_214 : i32
        %mul3A_216 = arith.constant 16 : i32
        %mul3A_217 = arith.muli %scan3A_190, %mul3A_216 : i32
        %add3A_218 = arith.constant 0 : i32
        %add3A_219 = arith.addi %mul3A_217, %add3A_218 : i32
        %add3A_220 = arith.constant 4 : i32
        %add3A_221 = arith.addi %add3A_219, %add3A_220 : i32
        %mul3A_222 = arith.constant 16 : i32
        %mul3A_223 = arith.muli %scan3A_190, %mul3A_222 : i32
        %add3A_224 = arith.constant 0 : i32
        %add3A_225 = arith.addi %mul3A_223, %add3A_224 : i32
        %add3A_226 = arith.constant 5 : i32
        %add3A_227 = arith.addi %add3A_225, %add3A_226 : i32
        %mul3A_228 = arith.constant 16 : i32
        %mul3A_229 = arith.muli %scan3A_190, %mul3A_228 : i32
        %add3A_230 = arith.constant 0 : i32
        %add3A_231 = arith.addi %mul3A_229, %add3A_230 : i32
        %add3A_232 = arith.constant 6 : i32
        %add3A_233 = arith.addi %add3A_231, %add3A_232 : i32
        %mul3A_234 = arith.constant 16 : i32
        %mul3A_235 = arith.muli %scan3A_190, %mul3A_234 : i32
        %add3A_236 = arith.constant 0 : i32
        %add3A_237 = arith.addi %mul3A_235, %add3A_236 : i32
        %add3A_238 = arith.constant 7 : i32
        %add3A_239 = arith.addi %add3A_237, %add3A_238 : i32
        %broadcast_in_dim3A = arith.constant 0.000000e+00 : f32
        %broadcast_in_dim3A_240 = vector.broadcast %broadcast_in_dim3A : f32 to vector<16xf32>
        %broadcast_in_dim3A_241 = arith.constant 0.000000e+00 : f32
        %broadcast_in_dim3A_242 = vector.broadcast %broadcast_in_dim3A_241 : f32 to vector<16xf32>
        %broadcast_in_dim3A_243 = arith.constant 0.000000e+00 : f32
        %broadcast_in_dim3A_244 = vector.broadcast %broadcast_in_dim3A_243 : f32 to vector<16xf32>
        %broadcast_in_dim3A_245 = arith.constant 0.000000e+00 : f32
        %broadcast_in_dim3A_246 = vector.broadcast %broadcast_in_dim3A_245 : f32 to vector<16xf32>
        %broadcast_in_dim3A_247 = arith.constant 0.000000e+00 : f32
        %broadcast_in_dim3A_248 = vector.broadcast %broadcast_in_dim3A_247 : f32 to vector<16xf32>
        %broadcast_in_dim3A_249 = arith.constant 0.000000e+00 : f32
        %broadcast_in_dim3A_250 = vector.broadcast %broadcast_in_dim3A_249 : f32 to vector<16xf32>
        %broadcast_in_dim3A_251 = arith.constant 0.000000e+00 : f32
        %broadcast_in_dim3A_252 = vector.broadcast %broadcast_in_dim3A_251 : f32 to vector<16xf32>
        %broadcast_in_dim3A_253 = arith.constant 0.000000e+00 : f32
        %broadcast_in_dim3A_254 = vector.broadcast %broadcast_in_dim3A_253 : f32 to vector<16xf32>
        %get3A = arith.index_cast %add3A_197 : i32 to index
        %get3A_255 = arith.constant 0 : index
        %get3A_256 = tpu.vector_load %arg10[%get3A, %get3A_255] {strides = array<i32>} : memref<128x128xf32, #tpu.memory_space<vmem>>, vector<16xf32>,
        %add3A_257 = arith.constant 64 : i32
        %add3A_258 = arith.addi %add3A_197, %add3A_257 : i32
        %get3A_259 = arith.index_cast %add3A_258 : i32 to index
        %get3A_260 = arith.constant 0 : index
        %get3A_261 = tpu.vector_load %arg10[%get3A_259, %get3A_260] {strides = array<i32>} : memref<128x128xf32, #tpu.memory_space<vmem>>, vector<16xf32>,
        %sub3A_262 = arith.subf %get3A_256, %get3A_261 : vector<16xf32>
        %mul3A_263 = arith.mulf %sub3A_262, %sub3A_262 : vector<16xf32>
        %add3A_264 = arith.addf %broadcast_in_dim3A_240, %mul3A_263 : vector<16xf32>
        %get3A_265 = arith.index_cast %add3A_203 : i32 to index
        %get3A_266 = arith.constant 0 : index
        %get3A_267 = tpu.vector_load %arg10[%get3A_265, %get3A_266] {strides = array<i32>} : memref<128x128xf32, #tpu.memory_space<vmem>>, vector<16xf32>,
        %add3A_268 = arith.constant 64 : i32
        %add3A_269 = arith.addi %add3A_203, %add3A_268 : i32
        %get3A_270 = arith.index_cast %add3A_269 : i32 to index
        %get3A_271 = arith.constant 0 : index
        %get3A_272 = tpu.vector_load %arg10[%get3A_270, %get3A_271] {strides = array<i32>} : memref<128x128xf32, #tpu.memory_space<vmem>>, vector<16xf32>,
        %sub3A_273 = arith.subf %get3A_267, %get3A_272 : vector<16xf32>
        %mul3A_274 = arith.mulf %sub3A_273, %sub3A_273 : vector<16xf32>
        %add3A_275 = arith.addf %broadcast_in_dim3A_242, %mul3A_274 : vector<16xf32>
        %get3A_276 = arith.index_cast %add3A_209 : i32 to index
        %get3A_277 = arith.constant 0 : index
        %get3A_278 = tpu.vector_load %arg10[%get3A_276, %get3A_277] {strides = array<i32>} : memref<128x128xf32, #tpu.memory_space<vmem>>, vector<16xf32>,
        %add3A_279 = arith.constant 64 : i32
        %add3A_280 = arith.addi %add3A_209, %add3A_279 : i32
        %get3A_281 = arith.index_cast %add3A_280 : i32 to index
        %get3A_282 = arith.constant 0 : index
        %get3A_283 = tpu.vector_load %arg10[%get3A_281, %get3A_282] {strides = array<i32>} : memref<128x128xf32, #tpu.memory_space<vmem>>, vector<16xf32>,
        %sub3A_284 = arith.subf %get3A_278, %get3A_283 : vector<16xf32>
        %mul3A_285 = arith.mulf %sub3A_284, %sub3A_284 : vector<16xf32>
        %add3A_286 = arith.addf %broadcast_in_dim3A_244, %mul3A_285 : vector<16xf32>
        %get3A_287 = arith.index_cast %add3A_215 : i32 to index
        %get3A_288 = arith.constant 0 : index
        %get3A_289 = tpu.vector_load %arg10[%get3A_287, %get3A_288] {strides = array<i32>} : memref<128x128xf32, #tpu.memory_space<vmem>>, vector<16xf32>,
        %add3A_290 = arith.constant 64 : i32
        %add3A_291 = arith.addi %add3A_215, %add3A_290 : i32
        %get3A_292 = arith.index_cast %add3A_291 : i32 to index
        %get3A_293 = arith.constant 0 : index
        %get3A_294 = tpu.vector_load %arg10[%get3A_292, %get3A_293] {strides = array<i32>} : memref<128x128xf32, #tpu.memory_space<vmem>>, vector<16xf32>,
        %sub3A_295 = arith.subf %get3A_289, %get3A_294 : vector<16xf32>
        %mul3A_296 = arith.mulf %sub3A_295, %sub3A_295 : vector<16xf32>
        %add3A_297 = arith.addf %broadcast_in_dim3A_246, %mul3A_296 : vector<16xf32>
        %get3A_298 = arith.index_cast %add3A_221 : i32 to index
        %get3A_299 = arith.constant 0 : index
        %get3A_300 = tpu.vector_load %arg10[%get3A_298, %get3A_299] {strides = array<i32>} : memref<128x128xf32, #tpu.memory_space<vmem>>, vector<16xf32>,
        %add3A_301 = arith.constant 64 : i32
        %add3A_302 = arith.addi %add3A_221, %add3A_301 : i32
        %get3A_303 = arith.index_cast %add3A_302 : i32 to index
        %get3A_304 = arith.constant 0 : index
        %get3A_305 = tpu.vector_load %arg10[%get3A_303, %get3A_304] {strides = array<i32>} : memref<128x128xf32, #tpu.memory_space<vmem>>, vector<16xf32>,
        %sub3A_306 = arith.subf %get3A_300, %get3A_305 : vector<16xf32>
        %mul3A_307 = arith.mulf %sub3A_306, %sub3A_306 : vector<16xf32>
        %add3A_308 = arith.addf %broadcast_in_dim3A_248, %mul3A_307 : vector<16xf32>
        %get3A_309 = arith.index_cast %add3A_227 : i32 to index
        %get3A_310 = arith.constant 0 : index
        %get3A_311 = tpu.vector_load %arg10[%get3A_309, %get3A_310] {strides = array<i32>} : memref<128x128xf32, #tpu.memory_space<vmem>>, vector<16xf32>,
        %add3A_312 = arith.constant 64 : i32
        %add3A_313 = arith.addi %add3A_227, %add3A_312 : i32
        %get3A_314 = arith.index_cast %add3A_313 : i32 to index
        %get3A_315 = arith.constant 0 : index
        %get3A_316 = tpu.vector_load %arg10[%get3A_314, %get3A_315] {strides = array<i32>} : memref<128x128xf32, #tpu.memory_space<vmem>>, vector<16xf32>,
        %sub3A_317 = arith.subf %get3A_311, %get3A_316 : vector<16xf32>
        %mul3A_318 = arith.mulf %sub3A_317, %sub3A_317 : vector<16xf32>
        %add3A_319 = arith.addf %broadcast_in_dim3A_250, %mul3A_318 : vector<16xf32>
        %get3A_320 = arith.index_cast %add3A_233 : i32 to index
        %get3A_321 = arith.constant 0 : index
        %get3A_322 = tpu.vector_load %arg10[%get3A_320, %get3A_321] {strides = array<i32>} : memref<128x128xf32, #tpu.memory_space<vmem>>, vector<16xf32>,
        %add3A_323 = arith.constant 64 : i32
        %add3A_324 = arith.addi %add3A_233, %add3A_323 : i32
        %get3A_325 = arith.index_cast %add3A_324 : i32 to index
        %get3A_326 = arith.constant 0 : index
        %get3A_327 = tpu.vector_load %arg10[%get3A_325, %get3A_326] {strides = array<i32>} : memref<128x128xf32, #tpu.memory_space<vmem>>, vector<16xf32>,
        %sub3A_328 = arith.subf %get3A_322, %get3A_327 : vector<16xf32>
        %mul3A_329 = arith.mulf %sub3A_328, %sub3A_328 : vector<16xf32>
        %add3A_330 = arith.addf %broadcast_in_dim3A_252, %mul3A_329 : vector<16xf32>
        %get3A_331 = arith.index_cast %add3A_239 : i32 to index
        %get3A_332 = arith.constant 0 : index
        %get3A_333 = tpu.vector_load %arg10[%get3A_331, %get3A_332] {strides = array<i32>} : memref<128x128xf32, #tpu.memory_space<vmem>>, vector<16xf32>,
        %add3A_334 = arith.constant 64 : i32
        %add3A_335 = arith.addi %add3A_239, %add3A_334 : i32
        %get3A_336 = arith.index_cast %add3A_335 : i32 to index
        %get3A_337 = arith.constant 0 : index
        %get3A_338 = tpu.vector_load %arg10[%get3A_336, %get3A_337] {strides = array<i32>} : memref<128x128xf32, #tpu.memory_space<vmem>>, vector<16xf32>,
        %sub3A_339 = arith.subf %get3A_333, %get3A_338 : vector<16xf32>
        %mul3A_340 = arith.mulf %sub3A_339, %sub3A_339 : vector<16xf32>
        %add3A_341 = arith.addf %broadcast_in_dim3A_254, %mul3A_340 : vector<16xf32>
        %get3A_342 = arith.index_cast %add3A_197 : i32 to index
        %get3A_343 = arith.constant 16 : index
        %get3A_344 = tpu.vector_load %arg10[%get3A_342, %get3A_343] {strides = array<i32>} : memref<128x128xf32, #tpu.memory_space<vmem>>, vector<16xf32>,
        %add3A_345 = arith.constant 64 : i32
        %add3A_346 = arith.addi %add3A_197, %add3A_345 : i32
        %get3A_347 = arith.index_cast %add3A_346 : i32 to index
        %get3A_348 = arith.constant 16 : index
        %get3A_349 = tpu.vector_load %arg10[%get3A_347, %get3A_348] {strides = array<i32>} : memref<128x128xf32, #tpu.memory_space<vmem>>, vector<16xf32>,
        %sub3A_350 = arith.subf %get3A_344, %get3A_349 : vector<16xf32>
        %mul3A_351 = arith.mulf %sub3A_350, %sub3A_350 : vector<16xf32>
        %add3A_352 = arith.addf %add3A_264, %mul3A_351 : vector<16xf32>
        %get3A_353 = arith.index_cast %add3A_203 : i32 to index
        %get3A_354 = arith.constant 16 : index
        %get3A_355 = tpu.vector_load %arg10[%get3A_353, %get3A_354] {strides = array<i32>} : memref<128x128xf32, #tpu.memory_space<vmem>>, vector<16xf32>,
        %add3A_356 = arith.constant 64 : i32
        %add3A_357 = arith.addi %add3A_203, %add3A_356 : i32
        %get3A_358 = arith.index_cast %add3A_357 : i32 to index
        %get3A_359 = arith.constant 16 : index
        %get3A_360 = tpu.vector_load %arg10[%get3A_358, %get3A_359] {strides = array<i32>} : memref<128x128xf32, #tpu.memory_space<vmem>>, vector<16xf32>,
        %sub3A_361 = arith.subf %get3A_355, %get3A_360 : vector<16xf32>
        %mul3A_362 = arith.mulf %sub3A_361, %sub3A_361 : vector<16xf32>
        %add3A_363 = arith.addf %add3A_275, %mul3A_362 : vector<16xf32>
        %get3A_364 = arith.index_cast %add3A_209 : i32 to index
        %get3A_365 = arith.constant 16 : index
        %get3A_366 = tpu.vector_load %arg10[%get3A_364, %get3A_365] {strides = array<i32>} : memref<128x128xf32, #tpu.memory_space<vmem>>, vector<16xf32>,
        %add3A_367 = arith.constant 64 : i32
        %add3A_368 = arith.addi %add3A_209, %add3A_367 : i32
        %get3A_369 = arith.index_cast %add3A_368 : i32 to index
        %get3A_370 = arith.constant 16 : index
        %get3A_371 = tpu.vector_load %arg10[%get3A_369, %get3A_370] {strides = array<i32>} : memref<128x128xf32, #tpu.memory_space<vmem>>, vector<16xf32>,
        %sub3A_372 = arith.subf %get3A_366, %get3A_371 : vector<16xf32>
        %mul3A_373 = arith.mulf %sub3A_372, %sub3A_372 : vector<16xf32>
        %add3A_374 = arith.addf %add3A_286, %mul3A_373 : vector<16xf32>
        %get3A_375 = arith.index_cast %add3A_215 : i32 to index
        %get3A_376 = arith.constant 16 : index
        %get3A_377 = tpu.vector_load %arg10[%get3A_375, %get3A_376] {strides = array<i32>} : memref<128x128xf32, #tpu.memory_space<vmem>>, vector<16xf32>,
        %add3A_378 = arith.constant 64 : i32
        %add3A_379 = arith.addi %add3A_215, %add3A_378 : i32
        %get3A_380 = arith.index_cast %add3A_379 : i32 to index
        %get3A_381 = arith.constant 16 : index
        %get3A_382 = tpu.vector_load %arg10[%get3A_380, %get3A_381] {strides = array<i32>} : memref<128x128xf32, #tpu.memory_space<vmem>>, vector<16xf32>,
        %sub3A_383 = arith.subf %get3A_377, %get3A_382 : vector<16xf32>
        %mul3A_384 = arith.mulf %sub3A_383, %sub3A_383 : vector<16xf32>
        %add3A_385 = arith.addf %add3A_297, %mul3A_384 : vector<16xf32>
        %get3A_386 = arith.index_cast %add3A_221 : i32 to index
        %get3A_387 = arith.constant 16 : index
        %get3A_388 = tpu.vector_load %arg10[%get3A_386, %get3A_387] {strides = array<i32>} : memref<128x128xf32, #tpu.memory_space<vmem>>, vector<16xf32>,
        %add3A_389 = arith.constant 64 : i32
        %add3A_390 = arith.addi %add3A_221, %add3A_389 : i32
        %get3A_391 = arith.index_cast %add3A_390 : i32 to index
        %get3A_392 = arith.constant 16 : index
        %get3A_393 = tpu.vector_load %arg10[%get3A_391, %get3A_392] {strides = array<i32>} : memref<128x128xf32, #tpu.memory_space<vmem>>, vector<16xf32>,
        %sub3A_394 = arith.subf %get3A_388, %get3A_393 : vector<16xf32>
        %mul3A_395 = arith.mulf %sub3A_394, %sub3A_394 : vector<16xf32>
        %add3A_396 = arith.addf %add3A_308, %mul3A_395 : vector<16xf32>
        %get3A_397 = arith.index_cast %add3A_227 : i32 to index
        %get3A_398 = arith.constant 16 : index
        %get3A_399 = tpu.vector_load %arg10[%get3A_397, %get3A_398] {strides = array<i32>} : memref<128x128xf32, #tpu.memory_space<vmem>>, vector<16xf32>,
        %add3A_400 = arith.constant 64 : i32
        %add3A_401 = arith.addi %add3A_227, %add3A_400 : i32
        %get3A_402 = arith.index_cast %add3A_401 : i32 to index
        %get3A_403 = arith.constant 16 : index
        %get3A_404 = tpu.vector_load %arg10[%get3A_402, %get3A_403] {strides = array<i32>} : memref<128x128xf32, #tpu.memory_space<vmem>>, vector<16xf32>,
        %sub3A_405 = arith.subf %get3A_399, %get3A_404 : vector<16xf32>
        %mul3A_406 = arith.mulf %sub3A_405, %sub3A_405 : vector<16xf32>
        %add3A_407 = arith.addf %add3A_319, %mul3A_406 : vector<16xf32>
        %get3A_408 = arith.index_cast %add3A_233 : i32 to index
        %get3A_409 = arith.constant 16 : index
        %get3A_410 = tpu.vector_load %arg10[%get3A_408, %get3A_409] {strides = array<i32>} : memref<128x128xf32, #tpu.memory_space<vmem>>, vector<16xf32>,
        %add3A_411 = arith.constant 64 : i32
        %add3A_412 = arith.addi %add3A_233, %add3A_411 : i32
        %get3A_413 = arith.index_cast %add3A_412 : i32 to index
        %get3A_414 = arith.constant 16 : index
        %get3A_415 = tpu.vector_load %arg10[%get3A_413, %get3A_414] {strides = array<i32>} : memref<128x128xf32, #tpu.memory_space<vmem>>, vector<16xf32>,
        %sub3A_416 = arith.subf %get3A_410, %get3A_415 : vector<16xf32>
        %mul3A_417 = arith.mulf %sub3A_416, %sub3A_416 : vector<16xf32>
        %add3A_418 = arith.addf %add3A_330, %mul3A_417 : vector<16xf32>
        %get3A_419 = arith.index_cast %add3A_239 : i32 to index
        %get3A_420 = arith.constant 16 : index
        %get3A_421 = tpu.vector_load %arg10[%get3A_419, %get3A_420] {strides = array<i32>} : memref<128x128xf32, #tpu.memory_space<vmem>>, vector<16xf32>,
        %add3A_422 = arith.constant 64 : i32
        %add3A_423 = arith.addi %add3A_239, %add3A_422 : i32
        %get3A_424 = arith.index_cast %add3A_423 : i32 to index
        %get3A_425 = arith.constant 16 : index
        %get3A_426 = tpu.vector_load %arg10[%get3A_424, %get3A_425] {strides = array<i32>} : memref<128x128xf32, #tpu.memory_space<vmem>>, vector<16xf32>,
        %sub3A_427 = arith.subf %get3A_421, %get3A_426 : vector<16xf32>
        %mul3A_428 = arith.mulf %sub3A_427, %sub3A_427 : vector<16xf32>
        %add3A_429 = arith.addf %add3A_341, %mul3A_428 : vector<16xf32>
        %get3A_430 = arith.index_cast %add3A_197 : i32 to index
        %get3A_431 = arith.constant 32 : index
        %get3A_432 = tpu.vector_load %arg10[%get3A_430, %get3A_431] {strides = array<i32>} : memref<128x128xf32, #tpu.memory_space<vmem>>, vector<16xf32>,
        %add3A_433 = arith.constant 64 : i32
        %add3A_434 = arith.addi %add3A_197, %add3A_433 : i32
        %get3A_435 = arith.index_cast %add3A_434 : i32 to index
        %get3A_436 = arith.constant 32 : index
        %get3A_437 = tpu.vector_load %arg10[%get3A_435, %get3A_436] {strides = array<i32>} : memref<128x128xf32, #tpu.memory_space<vmem>>, vector<16xf32>,
        %sub3A_438 = arith.subf %get3A_432, %get3A_437 : vector<16xf32>
        %mul3A_439 = arith.mulf %sub3A_438, %sub3A_438 : vector<16xf32>
        %add3A_440 = arith.addf %add3A_352, %mul3A_439 : vector<16xf32>
        %get3A_441 = arith.index_cast %add3A_203 : i32 to index
        %get3A_442 = arith.constant 32 : index
        %get3A_443 = tpu.vector_load %arg10[%get3A_441, %get3A_442] {strides = array<i32>} : memref<128x128xf32, #tpu.memory_space<vmem>>, vector<16xf32>,
        %add3A_444 = arith.constant 64 : i32
        %add3A_445 = arith.addi %add3A_203, %add3A_444 : i32
        %get3A_446 = arith.index_cast %add3A_445 : i32 to index
        %get3A_447 = arith.constant 32 : index
        %get3A_448 = tpu.vector_load %arg10[%get3A_446, %get3A_447] {strides = array<i32>} : memref<128x128xf32, #tpu.memory_space<vmem>>, vector<16xf32>,
        %sub3A_449 = arith.subf %get3A_443, %get3A_448 : vector<16xf32>
        %mul3A_450 = arith.mulf %sub3A_449, %sub3A_449 : vector<16xf32>
        %add3A_451 = arith.addf %add3A_363, %mul3A_450 : vector<16xf32>
        %get3A_452 = arith.index_cast %add3A_209 : i32 to index
        %get3A_453 = arith.constant 32 : index
        %get3A_454 = tpu.vector_load %arg10[%get3A_452, %get3A_453] {strides = array<i32>} : memref<128x128xf32, #tpu.memory_space<vmem>>, vector<16xf32>,
        %add3A_455 = arith.constant 64 : i32
        %add3A_456 = arith.addi %add3A_209, %add3A_455 : i32
        %get3A_457 = arith.index_cast %add3A_456 : i32 to index
        %get3A_458 = arith.constant 32 : index
        %get3A_459 = tpu.vector_load %arg10[%get3A_457, %get3A_458] {strides = array<i32>} : memref<128x128xf32, #tpu.memory_space<vmem>>, vector<16xf32>,
        %sub3A_460 = arith.subf %get3A_454, %get3A_459 : vector<16xf32>
        %mul3A_461 = arith.mulf %sub3A_460, %sub3A_460 : vector<16xf32>
        %add3A_462 = arith.addf %add3A_374, %mul3A_461 : vector<16xf32>
        %get3A_463 = arith.index_cast %add3A_215 : i32 to index
        %get3A_464 = arith.constant 32 : index
        %get3A_465 = tpu.vector_load %arg10[%get3A_463, %get3A_464] {strides = array<i32>} : memref<128x128xf32, #tpu.memory_space<vmem>>, vector<16xf32>,
        %add3A_466 = arith.constant 64 : i32
        %add3A_467 = arith.addi %add3A_215, %add3A_466 : i32
        %get3A_468 = arith.index_cast %add3A_467 : i32 to index
        %get3A_469 = arith.constant 32 : index
        %get3A_470 = tpu.vector_load %arg10[%get3A_468, %get3A_469] {strides = array<i32>} : memref<128x128xf32, #tpu.memory_space<vmem>>, vector<16xf32>,
        %sub3A_471 = arith.subf %get3A_465, %get3A_470 : vector<16xf32>
        %mul3A_472 = arith.mulf %sub3A_471, %sub3A_471 : vector<16xf32>
        %add3A_473 = arith.addf %add3A_385, %mul3A_472 : vector<16xf32>
        %get3A_474 = arith.index_cast %add3A_221 : i32 to index
        %get3A_475 = arith.constant 32 : index
        %get3A_476 = tpu.vector_load %arg10[%get3A_474, %get3A_475] {strides = array<i32>} : memref<128x128xf32, #tpu.memory_space<vmem>>, vector<16xf32>,
        %add3A_477 = arith.constant 64 : i32
        %add3A_478 = arith.addi %add3A_221, %add3A_477 : i32
        %get3A_479 = arith.index_cast %add3A_478 : i32 to index
        %get3A_480 = arith.constant 32 : index
        %get3A_481 = tpu.vector_load %arg10[%get3A_479, %get3A_480] {strides = array<i32>} : memref<128x128xf32, #tpu.memory_space<vmem>>, vector<16xf32>,
        %sub3A_482 = arith.subf %get3A_476, %get3A_481 : vector<16xf32>
        %mul3A_483 = arith.mulf %sub3A_482, %sub3A_482 : vector<16xf32>
        %add3A_484 = arith.addf %add3A_396, %mul3A_483 : vector<16xf32>
        %get3A_485 = arith.index_cast %add3A_227 : i32 to index
        %get3A_486 = arith.constant 32 : index
        %get3A_487 = tpu.vector_load %arg10[%get3A_485, %get3A_486] {strides = array<i32>} : memref<128x128xf32, #tpu.memory_space<vmem>>, vector<16xf32>,
        %add3A_488 = arith.constant 64 : i32
        %add3A_489 = arith.addi %add3A_227, %add3A_488 : i32
        %get3A_490 = arith.index_cast %add3A_489 : i32 to index
        %get3A_491 = arith.constant 32 : index
        %get3A_492 = tpu.vector_load %arg10[%get3A_490, %get3A_491] {strides = array<i32>} : memref<128x128xf32, #tpu.memory_space<vmem>>, vector<16xf32>,
        %sub3A_493 = arith.subf %get3A_487, %get3A_492 : vector<16xf32>
        %mul3A_494 = arith.mulf %sub3A_493, %sub3A_493 : vector<16xf32>
        %add3A_495 = arith.addf %add3A_407, %mul3A_494 : vector<16xf32>
        %get3A_496 = arith.index_cast %add3A_233 : i32 to index
        %get3A_497 = arith.constant 32 : index
        %get3A_498 = tpu.vector_load %arg10[%get3A_496, %get3A_497] {strides = array<i32>} : memref<128x128xf32, #tpu.memory_space<vmem>>, vector<16xf32>,
        %add3A_499 = arith.constant 64 : i32
        %add3A_500 = arith.addi %add3A_233, %add3A_499 : i32
        %get3A_501 = arith.index_cast %add3A_500 : i32 to index
        %get3A_502 = arith.constant 32 : index
        %get3A_503 = tpu.vector_load %arg10[%get3A_501, %get3A_502] {strides = array<i32>} : memref<128x128xf32, #tpu.memory_space<vmem>>, vector<16xf32>,
        %sub3A_504 = arith.subf %get3A_498, %get3A_503 : vector<16xf32>
        %mul3A_505 = arith.mulf %sub3A_504, %sub3A_504 : vector<16xf32>
        %add3A_506 = arith.addf %add3A_418, %mul3A_505 : vector<16xf32>
        %get3A_507 = arith.index_cast %add3A_239 : i32 to index
        %get3A_508 = arith.constant 32 : index
        %get3A_509 = tpu.vector_load %arg10[%get3A_507, %get3A_508] {strides = array<i32>} : memref<128x128xf32, #tpu.memory_space<vmem>>, vector<16xf32>,
        %add3A_510 = arith.constant 64 : i32
        %add3A_511 = arith.addi %add3A_239, %add3A_510 : i32
        %get3A_512 = arith.index_cast %add3A_511 : i32 to index
        %get3A_513 = arith.constant 32 : index
        %get3A_514 = tpu.vector_load %arg10[%get3A_512, %get3A_513] {strides = array<i32>} : memref<128x128xf32, #tpu.memory_space<vmem>>, vector<16xf32>,
        %sub3A_515 = arith.subf %get3A_509, %get3A_514 : vector<16xf32>
        %mul3A_516 = arith.mulf %sub3A_515, %sub3A_515 : vector<16xf32>
        %add3A_517 = arith.addf %add3A_429, %mul3A_516 : vector<16xf32>
        %get3A_518 = arith.index_cast %add3A_197 : i32 to index
        %get3A_519 = arith.constant 48 : index
        %get3A_520 = tpu.vector_load %arg10[%get3A_518, %get3A_519] {strides = array<i32>} : memref<128x128xf32, #tpu.memory_space<vmem>>, vector<16xf32>,
        %add3A_521 = arith.constant 64 : i32
        %add3A_522 = arith.addi %add3A_197, %add3A_521 : i32
        %get3A_523 = arith.index_cast %add3A_522 : i32 to index
        %get3A_524 = arith.constant 48 : index
        %get3A_525 = tpu.vector_load %arg10[%get3A_523, %get3A_524] {strides = array<i32>} : memref<128x128xf32, #tpu.memory_space<vmem>>, vector<16xf32>,
        %sub3A_526 = arith.subf %get3A_520, %get3A_525 : vector<16xf32>
        %mul3A_527 = arith.mulf %sub3A_526, %sub3A_526 : vector<16xf32>
        %add3A_528 = arith.addf %add3A_440, %mul3A_527 : vector<16xf32>
        %get3A_529 = arith.index_cast %add3A_203 : i32 to index
        %get3A_530 = arith.constant 48 : index
        %get3A_531 = tpu.vector_load %arg10[%get3A_529, %get3A_530] {strides = array<i32>} : memref<128x128xf32, #tpu.memory_space<vmem>>, vector<16xf32>,
        %add3A_532 = arith.constant 64 : i32
        %add3A_533 = arith.addi %add3A_203, %add3A_532 : i32
        %get3A_534 = arith.index_cast %add3A_533 : i32 to index
        %get3A_535 = arith.constant 48 : index
        %get3A_536 = tpu.vector_load %arg10[%get3A_534, %get3A_535] {strides = array<i32>} : memref<128x128xf32, #tpu.memory_space<vmem>>, vector<16xf32>,
        %sub3A_537 = arith.subf %get3A_531, %get3A_536 : vector<16xf32>
        %mul3A_538 = arith.mulf %sub3A_537, %sub3A_537 : vector<16xf32>
        %add3A_539 = arith.addf %add3A_451, %mul3A_538 : vector<16xf32>
        %get3A_540 = arith.index_cast %add3A_209 : i32 to index
        %get3A_541 = arith.constant 48 : index
        %get3A_542 = tpu.vector_load %arg10[%get3A_540, %get3A_541] {strides = array<i32>} : memref<128x128xf32, #tpu.memory_space<vmem>>, vector<16xf32>,
        %add3A_543 = arith.constant 64 : i32
        %add3A_544 = arith.addi %add3A_209, %add3A_543 : i32
        %get3A_545 = arith.index_cast %add3A_544 : i32 to index
        %get3A_546 = arith.constant 48 : index
        %get3A_547 = tpu.vector_load %arg10[%get3A_545, %get3A_546] {strides = array<i32>} : memref<128x128xf32, #tpu.memory_space<vmem>>, vector<16xf32>,
        %sub3A_548 = arith.subf %get3A_542, %get3A_547 : vector<16xf32>
        %mul3A_549 = arith.mulf %sub3A_548, %sub3A_548 : vector<16xf32>
        %add3A_550 = arith.addf %add3A_462, %mul3A_549 : vector<16xf32>
        %get3A_551 = arith.index_cast %add3A_215 : i32 to index
        %get3A_552 = arith.constant 48 : index
        %get3A_553 = tpu.vector_load %arg10[%get3A_551, %get3A_552] {strides = array<i32>} : memref<128x128xf32, #tpu.memory_space<vmem>>, vector<16xf32>,
        %add3A_554 = arith.constant 64 : i32
        %add3A_555 = arith.addi %add3A_215, %add3A_554 : i32
        %get3A_556 = arith.index_cast %add3A_555 : i32 to index
        %get3A_557 = arith.constant 48 : index
        %get3A_558 = tpu.vector_load %arg10[%get3A_556, %get3A_557] {strides = array<i32>} : memref<128x128xf32, #tpu.memory_space<vmem>>, vector<16xf32>,
        %sub3A_559 = arith.subf %get3A_553, %get3A_558 : vector<16xf32>
        %mul3A_560 = arith.mulf %sub3A_559, %sub3A_559 : vector<16xf32>
        %add3A_561 = arith.addf %add3A_473, %mul3A_560 : vector<16xf32>
        %get3A_562 = arith.index_cast %add3A_221 : i32 to index
        %get3A_563 = arith.constant 48 : index
        %get3A_564 = tpu.vector_load %arg10[%get3A_562, %get3A_563] {strides = array<i32>} : memref<128x128xf32, #tpu.memory_space<vmem>>, vector<16xf32>,
        %add3A_565 = arith.constant 64 : i32
        %add3A_566 = arith.addi %add3A_221, %add3A_565 : i32
        %get3A_567 = arith.index_cast %add3A_566 : i32 to index
        %get3A_568 = arith.constant 48 : index
        %get3A_569 = tpu.vector_load %arg10[%get3A_567, %get3A_568] {strides = array<i32>} : memref<128x128xf32, #tpu.memory_space<vmem>>, vector<16xf32>,
        %sub3A_570 = arith.subf %get3A_564, %get3A_569 : vector<16xf32>
        %mul3A_571 = arith.mulf %sub3A_570, %sub3A_570 : vector<16xf32>
        %add3A_572 = arith.addf %add3A_484, %mul3A_571 : vector<16xf32>
        %get3A_573 = arith.index_cast %add3A_227 : i32 to index
        %get3A_574 = arith.constant 48 : index
        %get3A_575 = tpu.vector_load %arg10[%get3A_573, %get3A_574] {strides = array<i32>} : memref<128x128xf32, #tpu.memory_space<vmem>>, vector<16xf32>,
        %add3A_576 = arith.constant 64 : i32
        %add3A_577 = arith.addi %add3A_227, %add3A_576 : i32
        %get3A_578 = arith.index_cast %add3A_577 : i32 to index
        %get3A_579 = arith.constant 48 : index
        %get3A_580 = tpu.vector_load %arg10[%get3A_578, %get3A_579] {strides = array<i32>} : memref<128x128xf32, #tpu.memory_space<vmem>>, vector<16xf32>,
        %sub3A_581 = arith.subf %get3A_575, %get3A_580 : vector<16xf32>
        %mul3A_582 = arith.mulf %sub3A_581, %sub3A_581 : vector<16xf32>
        %add3A_583 = arith.addf %add3A_495, %mul3A_582 : vector<16xf32>
        %get3A_584 = arith.index_cast %add3A_233 : i32 to index
        %get3A_585 = arith.constant 48 : index
        %get3A_586 = tpu.vector_load %arg10[%get3A_584, %get3A_585] {strides = array<i32>} : memref<128x128xf32, #tpu.memory_space<vmem>>, vector<16xf32>,
        %add3A_587 = arith.constant 64 : i32
        %add3A_588 = arith.addi %add3A_233, %add3A_587 : i32
        %get3A_589 = arith.index_cast %add3A_588 : i32 to index
        %get3A_590 = arith.constant 48 : index
        %get3A_591 = tpu.vector_load %arg10[%get3A_589, %get3A_590] {strides = array<i32>} : memref<128x128xf32, #tpu.memory_space<vmem>>, vector<16xf32>,
        %sub3A_592 = arith.subf %get3A_586, %get3A_591 : vector<16xf32>
        %mul3A_593 = arith.mulf %sub3A_592, %sub3A_592 : vector<16xf32>
        %add3A_594 = arith.addf %add3A_506, %mul3A_593 : vector<16xf32>
        %get3A_595 = arith.index_cast %add3A_239 : i32 to index
        %get3A_596 = arith.constant 48 : index
        %get3A_597 = tpu.vector_load %arg10[%get3A_595, %get3A_596] {strides = array<i32>} : memref<128x128xf32, #tpu.memory_space<vmem>>, vector<16xf32>,
        %add3A_598 = arith.constant 64 : i32
        %add3A_599 = arith.addi %add3A_239, %add3A_598 : i32
        %get3A_600 = arith.index_cast %add3A_599 : i32 to index
        %get3A_601 = arith.constant 48 : index
        %get3A_602 = tpu.vector_load %arg10[%get3A_600, %get3A_601] {strides = array<i32>} : memref<128x128xf32, #tpu.memory_space<vmem>>, vector<16xf32>,
        %sub3A_603 = arith.subf %get3A_597, %get3A_602 : vector<16xf32>
        %mul3A_604 = arith.mulf %sub3A_603, %sub3A_603 : vector<16xf32>
        %add3A_605 = arith.addf %add3A_517, %mul3A_604 : vector<16xf32>
        %get3A_606 = arith.index_cast %add3A_197 : i32 to index
        %get3A_607 = arith.constant 64 : index
        %get3A_608 = tpu.vector_load %arg10[%get3A_606, %get3A_607] {strides = array<i32>} : memref<128x128xf32, #tpu.memory_space<vmem>>, vector<16xf32>,
        %add3A_609 = arith.constant 64 : i32
        %add3A_610 = arith.addi %add3A_197, %add3A_609 : i32
        %get3A_611 = arith.index_cast %add3A_610 : i32 to index
        %get3A_612 = arith.constant 64 : index
        %get3A_613 = tpu.vector_load %arg10[%get3A_611, %get3A_612] {strides = array<i32>} : memref<128x128xf32, #tpu.memory_space<vmem>>, vector<16xf32>,
        %sub3A_614 = arith.subf %get3A_608, %get3A_613 : vector<16xf32>
        %mul3A_615 = arith.mulf %sub3A_614, %sub3A_614 : vector<16xf32>
        %add3A_616 = arith.addf %add3A_528, %mul3A_615 : vector<16xf32>
        %get3A_617 = arith.index_cast %add3A_203 : i32 to index
        %get3A_618 = arith.constant 64 : index
        %get3A_619 = tpu.vector_load %arg10[%get3A_617, %get3A_618] {strides = array<i32>} : memref<128x128xf32, #tpu.memory_space<vmem>>, vector<16xf32>,
        %add3A_620 = arith.constant 64 : i32
        %add3A_621 = arith.addi %add3A_203, %add3A_620 : i32
        %get3A_622 = arith.index_cast %add3A_621 : i32 to index
        %get3A_623 = arith.constant 64 : index
        %get3A_624 = tpu.vector_load %arg10[%get3A_622, %get3A_623] {strides = array<i32>} : memref<128x128xf32, #tpu.memory_space<vmem>>, vector<16xf32>,
        %sub3A_625 = arith.subf %get3A_619, %get3A_624 : vector<16xf32>
        %mul3A_626 = arith.mulf %sub3A_625, %sub3A_625 : vector<16xf32>
        %add3A_627 = arith.addf %add3A_539, %mul3A_626 : vector<16xf32>
        %get3A_628 = arith.index_cast %add3A_209 : i32 to index
        %get3A_629 = arith.constant 64 : index
        %get3A_630 = tpu.vector_load %arg10[%get3A_628, %get3A_629] {strides = array<i32>} : memref<128x128xf32, #tpu.memory_space<vmem>>, vector<16xf32>,
        %add3A_631 = arith.constant 64 : i32
        %add3A_632 = arith.addi %add3A_209, %add3A_631 : i32
        %get3A_633 = arith.index_cast %add3A_632 : i32 to index
        %get3A_634 = arith.constant 64 : index
        %get3A_635 = tpu.vector_load %arg10[%get3A_633, %get3A_634] {strides = array<i32>} : memref<128x128xf32, #tpu.memory_space<vmem>>, vector<16xf32>,
        %sub3A_636 = arith.subf %get3A_630, %get3A_635 : vector<16xf32>
        %mul3A_637 = arith.mulf %sub3A_636, %sub3A_636 : vector<16xf32>
        %add3A_638 = arith.addf %add3A_550, %mul3A_637 : vector<16xf32>
        %get3A_639 = arith.index_cast %add3A_215 : i32 to index
        %get3A_640 = arith.constant 64 : index
        %get3A_641 = tpu.vector_load %arg10[%get3A_639, %get3A_640] {strides = array<i32>} : memref<128x128xf32, #tpu.memory_space<vmem>>, vector<16xf32>,
        %add3A_642 = arith.constant 64 : i32
        %add3A_643 = arith.addi %add3A_215, %add3A_642 : i32
        %get3A_644 = arith.index_cast %add3A_643 : i32 to index
        %get3A_645 = arith.constant 64 : index
        %get3A_646 = tpu.vector_load %arg10[%get3A_644, %get3A_645] {strides = array<i32>} : memref<128x128xf32, #tpu.memory_space<vmem>>, vector<16xf32>,
        %sub3A_647 = arith.subf %get3A_641, %get3A_646 : vector<16xf32>
        %mul3A_648 = arith.mulf %sub3A_647, %sub3A_647 : vector<16xf32>
        %add3A_649 = arith.addf %add3A_561, %mul3A_648 : vector<16xf32>
        %get3A_650 = arith.index_cast %add3A_221 : i32 to index
        %get3A_651 = arith.constant 64 : index
        %get3A_652 = tpu.vector_load %arg10[%get3A_650, %get3A_651] {strides = array<i32>} : memref<128x128xf32, #tpu.memory_space<vmem>>, vector<16xf32>,
        %add3A_653 = arith.constant 64 : i32
        %add3A_654 = arith.addi %add3A_221, %add3A_653 : i32
        %get3A_655 = arith.index_cast %add3A_654 : i32 to index
        %get3A_656 = arith.constant 64 : index
        %get3A_657 = tpu.vector_load %arg10[%get3A_655, %get3A_656] {strides = array<i32>} : memref<128x128xf32, #tpu.memory_space<vmem>>, vector<16xf32>,
        %sub3A_658 = arith.subf %get3A_652, %get3A_657 : vector<16xf32>
        %mul3A_659 = arith.mulf %sub3A_658, %sub3A_658 : vector<16xf32>
        %add3A_660 = arith.addf %add3A_572, %mul3A_659 : vector<16xf32>
        %get3A_661 = arith.index_cast %add3A_227 : i32 to index
        %get3A_662 = arith.constant 64 : index
        %get3A_663 = tpu.vector_load %arg10[%get3A_661, %get3A_662] {strides = array<i32>} : memref<128x128xf32, #tpu.memory_space<vmem>>, vector<16xf32>,
        %add3A_664 = arith.constant 64 : i32
        %add3A_665 = arith.addi %add3A_227, %add3A_664 : i32
        %get3A_666 = arith.index_cast %add3A_665 : i32 to index
        %get3A_667 = arith.constant 64 : index
        %get3A_668 = tpu.vector_load %arg10[%get3A_666, %get3A_667] {strides = array<i32>} : memref<128x128xf32, #tpu.memory_space<vmem>>, vector<16xf32>,
        %sub3A_669 = arith.subf %get3A_663, %get3A_668 : vector<16xf32>
        %mul3A_670 = arith.mulf %sub3A_669, %sub3A_669 : vector<16xf32>
        %add3A_671 = arith.addf %add3A_583, %mul3A_670 : vector<16xf32>
        %get3A_672 = arith.index_cast %add3A_233 : i32 to index
        %get3A_673 = arith.constant 64 : index
        %get3A_674 = tpu.vector_load %arg10[%get3A_672, %get3A_673] {strides = array<i32>} : memref<128x128xf32, #tpu.memory_space<vmem>>, vector<16xf32>,
        %add3A_675 = arith.constant 64 : i32
        %add3A_676 = arith.addi %add3A_233, %add3A_675 : i32
        %get3A_677 = arith.index_cast %add3A_676 : i32 to index
        %get3A_678 = arith.constant 64 : index
        %get3A_679 = tpu.vector_load %arg10[%get3A_677, %get3A_678] {strides = array<i32>} : memref<128x128xf32, #tpu.memory_space<vmem>>, vector<16xf32>,
        %sub3A_680 = arith.subf %get3A_674, %get3A_679 : vector<16xf32>
        %mul3A_681 = arith.mulf %sub3A_680, %sub3A_680 : vector<16xf32>
        %add3A_682 = arith.addf %add3A_594, %mul3A_681 : vector<16xf32>
        %get3A_683 = arith.index_cast %add3A_239 : i32 to index
        %get3A_684 = arith.constant 64 : index
        %get3A_685 = tpu.vector_load %arg10[%get3A_683, %get3A_684] {strides = array<i32>} : memref<128x128xf32, #tpu.memory_space<vmem>>, vector<16xf32>,
        %add3A_686 = arith.constant 64 : i32
        %add3A_687 = arith.addi %add3A_239, %add3A_686 : i32
        %get3A_688 = arith.index_cast %add3A_687 : i32 to index
        %get3A_689 = arith.constant 64 : index
        %get3A_690 = tpu.vector_load %arg10[%get3A_688, %get3A_689] {strides = array<i32>} : memref<128x128xf32, #tpu.memory_space<vmem>>, vector<16xf32>,
        %sub3A_691 = arith.subf %get3A_685, %get3A_690 : vector<16xf32>
        %mul3A_692 = arith.mulf %sub3A_691, %sub3A_691 : vector<16xf32>
        %add3A_693 = arith.addf %add3A_605, %mul3A_692 : vector<16xf32>
        %get3A_694 = arith.index_cast %add3A_197 : i32 to index
        %get3A_695 = arith.constant 80 : index
        %get3A_696 = tpu.vector_load %arg10[%get3A_694, %get3A_695] {strides = array<i32>} : memref<128x128xf32, #tpu.memory_space<vmem>>, vector<16xf32>,
        %add3A_697 = arith.constant 64 : i32
        %add3A_698 = arith.addi %add3A_197, %add3A_697 : i32
        %get3A_699 = arith.index_cast %add3A_698 : i32 to index
        %get3A_700 = arith.constant 80 : index
        %get3A_701 = tpu.vector_load %arg10[%get3A_699, %get3A_700] {strides = array<i32>} : memref<128x128xf32, #tpu.memory_space<vmem>>, vector<16xf32>,
        %sub3A_702 = arith.subf %get3A_696, %get3A_701 : vector<16xf32>
        %mul3A_703 = arith.mulf %sub3A_702, %sub3A_702 : vector<16xf32>
        %add3A_704 = arith.addf %add3A_616, %mul3A_703 : vector<16xf32>
        %get3A_705 = arith.index_cast %add3A_203 : i32 to index
        %get3A_706 = arith.constant 80 : index
        %get3A_707 = tpu.vector_load %arg10[%get3A_705, %get3A_706] {strides = array<i32>} : memref<128x128xf32, #tpu.memory_space<vmem>>, vector<16xf32>,
        %add3A_708 = arith.constant 64 : i32
        %add3A_709 = arith.addi %add3A_203, %add3A_708 : i32
        %get3A_710 = arith.index_cast %add3A_709 : i32 to index
        %get3A_711 = arith.constant 80 : index
        %get3A_712 = tpu.vector_load %arg10[%get3A_710, %get3A_711] {strides = array<i32>} : memref<128x128xf32, #tpu.memory_space<vmem>>, vector<16xf32>,
        %sub3A_713 = arith.subf %get3A_707, %get3A_712 : vector<16xf32>
        %mul3A_714 = arith.mulf %sub3A_713, %sub3A_713 : vector<16xf32>
        %add3A_715 = arith.addf %add3A_627, %mul3A_714 : vector<16xf32>
        %get3A_716 = arith.index_cast %add3A_209 : i32 to index
        %get3A_717 = arith.constant 80 : index
        %get3A_718 = tpu.vector_load %arg10[%get3A_716, %get3A_717] {strides = array<i32>} : memref<128x128xf32, #tpu.memory_space<vmem>>, vector<16xf32>,
        %add3A_719 = arith.constant 64 : i32
        %add3A_720 = arith.addi %add3A_209, %add3A_719 : i32
        %get3A_721 = arith.index_cast %add3A_720 : i32 to index
        %get3A_722 = arith.constant 80 : index
        %get3A_723 = tpu.vector_load %arg10[%get3A_721, %get3A_722] {strides = array<i32>} : memref<128x128xf32, #tpu.memory_space<vmem>>, vector<16xf32>,
        %sub3A_724 = arith.subf %get3A_718, %get3A_723 : vector<16xf32>
        %mul3A_725 = arith.mulf %sub3A_724, %sub3A_724 : vector<16xf32>
        %add3A_726 = arith.addf %add3A_638, %mul3A_725 : vector<16xf32>
        %get3A_727 = arith.index_cast %add3A_215 : i32 to index
        %get3A_728 = arith.constant 80 : index
        %get3A_729 = tpu.vector_load %arg10[%get3A_727, %get3A_728] {strides = array<i32>} : memref<128x128xf32, #tpu.memory_space<vmem>>, vector<16xf32>,
        %add3A_730 = arith.constant 64 : i32
        %add3A_731 = arith.addi %add3A_215, %add3A_730 : i32
        %get3A_732 = arith.index_cast %add3A_731 : i32 to index
        %get3A_733 = arith.constant 80 : index
        %get3A_734 = tpu.vector_load %arg10[%get3A_732, %get3A_733] {strides = array<i32>} : memref<128x128xf32, #tpu.memory_space<vmem>>, vector<16xf32>,
        %sub3A_735 = arith.subf %get3A_729, %get3A_734 : vector<16xf32>
        %mul3A_736 = arith.mulf %sub3A_735, %sub3A_735 : vector<16xf32>
        %add3A_737 = arith.addf %add3A_649, %mul3A_736 : vector<16xf32>
        %get3A_738 = arith.index_cast %add3A_221 : i32 to index
        %get3A_739 = arith.constant 80 : index
        %get3A_740 = tpu.vector_load %arg10[%get3A_738, %get3A_739] {strides = array<i32>} : memref<128x128xf32, #tpu.memory_space<vmem>>, vector<16xf32>,
        %add3A_741 = arith.constant 64 : i32
        %add3A_742 = arith.addi %add3A_221, %add3A_741 : i32
        %get3A_743 = arith.index_cast %add3A_742 : i32 to index
        %get3A_744 = arith.constant 80 : index
        %get3A_745 = tpu.vector_load %arg10[%get3A_743, %get3A_744] {strides = array<i32>} : memref<128x128xf32, #tpu.memory_space<vmem>>, vector<16xf32>,
        %sub3A_746 = arith.subf %get3A_740, %get3A_745 : vector<16xf32>
        %mul3A_747 = arith.mulf %sub3A_746, %sub3A_746 : vector<16xf32>
        %add3A_748 = arith.addf %add3A_660, %mul3A_747 : vector<16xf32>
        %get3A_749 = arith.index_cast %add3A_227 : i32 to index
        %get3A_750 = arith.constant 80 : index
        %get3A_751 = tpu.vector_load %arg10[%get3A_749, %get3A_750] {strides = array<i32>} : memref<128x128xf32, #tpu.memory_space<vmem>>, vector<16xf32>,
        %add3A_752 = arith.constant 64 : i32
        %add3A_753 = arith.addi %add3A_227, %add3A_752 : i32
        %get3A_754 = arith.index_cast %add3A_753 : i32 to index
        %get3A_755 = arith.constant 80 : index
        %get3A_756 = tpu.vector_load %arg10[%get3A_754, %get3A_755] {strides = array<i32>} : memref<128x128xf32, #tpu.memory_space<vmem>>, vector<16xf32>,
        %sub3A_757 = arith.subf %get3A_751, %get3A_756 : vector<16xf32>
        %mul3A_758 = arith.mulf %sub3A_757, %sub3A_757 : vector<16xf32>
        %add3A_759 = arith.addf %add3A_671, %mul3A_758 : vector<16xf32>
        %get3A_760 = arith.index_cast %add3A_233 : i32 to index
        %get3A_761 = arith.constant 80 : index
        %get3A_762 = tpu.vector_load %arg10[%get3A_760, %get3A_761] {strides = array<i32>} : memref<128x128xf32, #tpu.memory_space<vmem>>, vector<16xf32>,
        %add3A_763 = arith.constant 64 : i32
        %add3A_764 = arith.addi %add3A_233, %add3A_763 : i32
        %get3A_765 = arith.index_cast %add3A_764 : i32 to index
        %get3A_766 = arith.constant 80 : index
        %get3A_767 = tpu.vector_load %arg10[%get3A_765, %get3A_766] {strides = array<i32>} : memref<128x128xf32, #tpu.memory_space<vmem>>, vector<16xf32>,
        %sub3A_768 = arith.subf %get3A_762, %get3A_767 : vector<16xf32>
        %mul3A_769 = arith.mulf %sub3A_768, %sub3A_768 : vector<16xf32>
        %add3A_770 = arith.addf %add3A_682, %mul3A_769 : vector<16xf32>
        %get3A_771 = arith.index_cast %add3A_239 : i32 to index
        %get3A_772 = arith.constant 80 : index
        %get3A_773 = tpu.vector_load %arg10[%get3A_771, %get3A_772] {strides = array<i32>} : memref<128x128xf32, #tpu.memory_space<vmem>>, vector<16xf32>,
        %add3A_774 = arith.constant 64 : i32
        %add3A_775 = arith.addi %add3A_239, %add3A_774 : i32
        %get3A_776 = arith.index_cast %add3A_775 : i32 to index
        %get3A_777 = arith.constant 80 : index
        %get3A_778 = tpu.vector_load %arg10[%get3A_776, %get3A_777] {strides = array<i32>} : memref<128x128xf32, #tpu.memory_space<vmem>>, vector<16xf32>,
        %sub3A_779 = arith.subf %get3A_773, %get3A_778 : vector<16xf32>
        %mul3A_780 = arith.mulf %sub3A_779, %sub3A_779 : vector<16xf32>
        %add3A_781 = arith.addf %add3A_693, %mul3A_780 : vector<16xf32>
        %get3A_782 = arith.index_cast %add3A_197 : i32 to index
        %get3A_783 = arith.constant 96 : index
        %get3A_784 = tpu.vector_load %arg10[%get3A_782, %get3A_783] {strides = array<i32>} : memref<128x128xf32, #tpu.memory_space<vmem>>, vector<16xf32>,
        %add3A_785 = arith.constant 64 : i32
        %add3A_786 = arith.addi %add3A_197, %add3A_785 : i32
        %get3A_787 = arith.index_cast %add3A_786 : i32 to index
        %get3A_788 = arith.constant 96 : index
        %get3A_789 = tpu.vector_load %arg10[%get3A_787, %get3A_788] {strides = array<i32>} : memref<128x128xf32, #tpu.memory_space<vmem>>, vector<16xf32>,
        %sub3A_790 = arith.subf %get3A_784, %get3A_789 : vector<16xf32>
        %mul3A_791 = arith.mulf %sub3A_790, %sub3A_790 : vector<16xf32>
        %add3A_792 = arith.addf %add3A_704, %mul3A_791 : vector<16xf32>
        %get3A_793 = arith.index_cast %add3A_203 : i32 to index
        %get3A_794 = arith.constant 96 : index
        %get3A_795 = tpu.vector_load %arg10[%get3A_793, %get3A_794] {strides = array<i32>} : memref<128x128xf32, #tpu.memory_space<vmem>>, vector<16xf32>,
        %add3A_796 = arith.constant 64 : i32
        %add3A_797 = arith.addi %add3A_203, %add3A_796 : i32
        %get3A_798 = arith.index_cast %add3A_797 : i32 to index
        %get3A_799 = arith.constant 96 : index
        %get3A_800 = tpu.vector_load %arg10[%get3A_798, %get3A_799] {strides = array<i32>} : memref<128x128xf32, #tpu.memory_space<vmem>>, vector<16xf32>,
        %sub3A_801 = arith.subf %get3A_795, %get3A_800 : vector<16xf32>
        %mul3A_802 = arith.mulf %sub3A_801, %sub3A_801 : vector<16xf32>
        %add3A_803 = arith.addf %add3A_715, %mul3A_802 : vector<16xf32>
        %get3A_804 = arith.index_cast %add3A_209 : i32 to index
        %get3A_805 = arith.constant 96 : index
        %get3A_806 = tpu.vector_load %arg10[%get3A_804, %get3A_805] {strides = array<i32>} : memref<128x128xf32, #tpu.memory_space<vmem>>, vector<16xf32>,
        %add3A_807 = arith.constant 64 : i32
        %add3A_808 = arith.addi %add3A_209, %add3A_807 : i32
        %get3A_809 = arith.index_cast %add3A_808 : i32 to index
        %get3A_810 = arith.constant 96 : index
        %get3A_811 = tpu.vector_load %arg10[%get3A_809, %get3A_810] {strides = array<i32>} : memref<128x128xf32, #tpu.memory_space<vmem>>, vector<16xf32>,
        %sub3A_812 = arith.subf %get3A_806, %get3A_811 : vector<16xf32>
        %mul3A_813 = arith.mulf %sub3A_812, %sub3A_812 : vector<16xf32>
        %add3A_814 = arith.addf %add3A_726, %mul3A_813 : vector<16xf32>
        %get3A_815 = arith.index_cast %add3A_215 : i32 to index
        %get3A_816 = arith.constant 96 : index
        %get3A_817 = tpu.vector_load %arg10[%get3A_815, %get3A_816] {strides = array<i32>} : memref<128x128xf32, #tpu.memory_space<vmem>>, vector<16xf32>,
        %add3A_818 = arith.constant 64 : i32
        %add3A_819 = arith.addi %add3A_215, %add3A_818 : i32
        %get3A_820 = arith.index_cast %add3A_819 : i32 to index
        %get3A_821 = arith.constant 96 : index
        %get3A_822 = tpu.vector_load %arg10[%get3A_820, %get3A_821] {strides = array<i32>} : memref<128x128xf32, #tpu.memory_space<vmem>>, vector<16xf32>,
        %sub3A_823 = arith.subf %get3A_817, %get3A_822 : vector<16xf32>
        %mul3A_824 = arith.mulf %sub3A_823, %sub3A_823 : vector<16xf32>
        %add3A_825 = arith.addf %add3A_737, %mul3A_824 : vector<16xf32>
        %get3A_826 = arith.index_cast %add3A_221 : i32 to index
        %get3A_827 = arith.constant 96 : index
        %get3A_828 = tpu.vector_load %arg10[%get3A_826, %get3A_827] {strides = array<i32>} : memref<128x128xf32, #tpu.memory_space<vmem>>, vector<16xf32>,
        %add3A_829 = arith.constant 64 : i32
        %add3A_830 = arith.addi %add3A_221, %add3A_829 : i32
        %get3A_831 = arith.index_cast %add3A_830 : i32 to index
        %get3A_832 = arith.constant 96 : index
        %get3A_833 = tpu.vector_load %arg10[%get3A_831, %get3A_832] {strides = array<i32>} : memref<128x128xf32, #tpu.memory_space<vmem>>, vector<16xf32>,
        %sub3A_834 = arith.subf %get3A_828, %get3A_833 : vector<16xf32>
        %mul3A_835 = arith.mulf %sub3A_834, %sub3A_834 : vector<16xf32>
        %add3A_836 = arith.addf %add3A_748, %mul3A_835 : vector<16xf32>
        %get3A_837 = arith.index_cast %add3A_227 : i32 to index
        %get3A_838 = arith.constant 96 : index
        %get3A_839 = tpu.vector_load %arg10[%get3A_837, %get3A_838] {strides = array<i32>} : memref<128x128xf32, #tpu.memory_space<vmem>>, vector<16xf32>,
        %add3A_840 = arith.constant 64 : i32
        %add3A_841 = arith.addi %add3A_227, %add3A_840 : i32
        %get3A_842 = arith.index_cast %add3A_841 : i32 to index
        %get3A_843 = arith.constant 96 : index
        %get3A_844 = tpu.vector_load %arg10[%get3A_842, %get3A_843] {strides = array<i32>} : memref<128x128xf32, #tpu.memory_space<vmem>>, vector<16xf32>,
        %sub3A_845 = arith.subf %get3A_839, %get3A_844 : vector<16xf32>
        %mul3A_846 = arith.mulf %sub3A_845, %sub3A_845 : vector<16xf32>
        %add3A_847 = arith.addf %add3A_759, %mul3A_846 : vector<16xf32>
        %get3A_848 = arith.index_cast %add3A_233 : i32 to index
        %get3A_849 = arith.constant 96 : index
        %get3A_850 = tpu.vector_load %arg10[%get3A_848, %get3A_849] {strides = array<i32>} : memref<128x128xf32, #tpu.memory_space<vmem>>, vector<16xf32>,
        %add3A_851 = arith.constant 64 : i32
        %add3A_852 = arith.addi %add3A_233, %add3A_851 : i32
        %get3A_853 = arith.index_cast %add3A_852 : i32 to index
        %get3A_854 = arith.constant 96 : index
        %get3A_855 = tpu.vector_load %arg10[%get3A_853, %get3A_854] {strides = array<i32>} : memref<128x128xf32, #tpu.memory_space<vmem>>, vector<16xf32>,
        %sub3A_856 = arith.subf %get3A_850, %get3A_855 : vector<16xf32>
        %mul3A_857 = arith.mulf %sub3A_856, %sub3A_856 : vector<16xf32>
        %add3A_858 = arith.addf %add3A_770, %mul3A_857 : vector<16xf32>
        %get3A_859 = arith.index_cast %add3A_239 : i32 to index
        %get3A_860 = arith.constant 96 : index
        %get3A_861 = tpu.vector_load %arg10[%get3A_859, %get3A_860] {strides = array<i32>} : memref<128x128xf32, #tpu.memory_space<vmem>>, vector<16xf32>,
        %add3A_862 = arith.constant 64 : i32
        %add3A_863 = arith.addi %add3A_239, %add3A_862 : i32
        %get3A_864 = arith.index_cast %add3A_863 : i32 to index
        %get3A_865 = arith.constant 96 : index
        %get3A_866 = tpu.vector_load %arg10[%get3A_864, %get3A_865] {strides = array<i32>} : memref<128x128xf32, #tpu.memory_space<vmem>>, vector<16xf32>,
        %sub3A_867 = arith.subf %get3A_861, %get3A_866 : vector<16xf32>
        %mul3A_868 = arith.mulf %sub3A_867, %sub3A_867 : vector<16xf32>
        %add3A_869 = arith.addf %add3A_781, %mul3A_868 : vector<16xf32>
        %get3A_870 = arith.index_cast %add3A_197 : i32 to index
        %get3A_871 = arith.constant 112 : index
        %get3A_872 = tpu.vector_load %arg10[%get3A_870, %get3A_871] {strides = array<i32>} : memref<128x128xf32, #tpu.memory_space<vmem>>, vector<16xf32>,
        %add3A_873 = arith.constant 64 : i32
        %add3A_874 = arith.addi %add3A_197, %add3A_873 : i32
        %get3A_875 = arith.index_cast %add3A_874 : i32 to index
        %get3A_876 = arith.constant 112 : index
        %get3A_877 = tpu.vector_load %arg10[%get3A_875, %get3A_876] {strides = array<i32>} : memref<128x128xf32, #tpu.memory_space<vmem>>, vector<16xf32>,
        %sub3A_878 = arith.subf %get3A_872, %get3A_877 : vector<16xf32>
        %mul3A_879 = arith.mulf %sub3A_878, %sub3A_878 : vector<16xf32>
        %add3A_880 = arith.addf %add3A_792, %mul3A_879 : vector<16xf32>
        %get3A_881 = arith.index_cast %add3A_203 : i32 to index
        %get3A_882 = arith.constant 112 : index
        %get3A_883 = tpu.vector_load %arg10[%get3A_881, %get3A_882] {strides = array<i32>} : memref<128x128xf32, #tpu.memory_space<vmem>>, vector<16xf32>,
        %add3A_884 = arith.constant 64 : i32
        %add3A_885 = arith.addi %add3A_203, %add3A_884 : i32
        %get3A_886 = arith.index_cast %add3A_885 : i32 to index
        %get3A_887 = arith.constant 112 : index
        %get3A_888 = tpu.vector_load %arg10[%get3A_886, %get3A_887] {strides = array<i32>} : memref<128x128xf32, #tpu.memory_space<vmem>>, vector<16xf32>,
        %sub3A_889 = arith.subf %get3A_883, %get3A_888 : vector<16xf32>
        %mul3A_890 = arith.mulf %sub3A_889, %sub3A_889 : vector<16xf32>
        %add3A_891 = arith.addf %add3A_803, %mul3A_890 : vector<16xf32>
        %get3A_892 = arith.index_cast %add3A_209 : i32 to index
        %get3A_893 = arith.constant 112 : index
        %get3A_894 = tpu.vector_load %arg10[%get3A_892, %get3A_893] {strides = array<i32>} : memref<128x128xf32, #tpu.memory_space<vmem>>, vector<16xf32>,
        %add3A_895 = arith.constant 64 : i32
        %add3A_896 = arith.addi %add3A_209, %add3A_895 : i32
        %get3A_897 = arith.index_cast %add3A_896 : i32 to index
        %get3A_898 = arith.constant 112 : index
        %get3A_899 = tpu.vector_load %arg10[%get3A_897, %get3A_898] {strides = array<i32>} : memref<128x128xf32, #tpu.memory_space<vmem>>, vector<16xf32>,
        %sub3A_900 = arith.subf %get3A_894, %get3A_899 : vector<16xf32>
        %mul3A_901 = arith.mulf %sub3A_900, %sub3A_900 : vector<16xf32>
        %add3A_902 = arith.addf %add3A_814, %mul3A_901 : vector<16xf32>
        %get3A_903 = arith.index_cast %add3A_215 : i32 to index
        %get3A_904 = arith.constant 112 : index
        %get3A_905 = tpu.vector_load %arg10[%get3A_903, %get3A_904] {strides = array<i32>} : memref<128x128xf32, #tpu.memory_space<vmem>>, vector<16xf32>,
        %add3A_906 = arith.constant 64 : i32
        %add3A_907 = arith.addi %add3A_215, %add3A_906 : i32
        %get3A_908 = arith.index_cast %add3A_907 : i32 to index
        %get3A_909 = arith.constant 112 : index
        %get3A_910 = tpu.vector_load %arg10[%get3A_908, %get3A_909] {strides = array<i32>} : memref<128x128xf32, #tpu.memory_space<vmem>>, vector<16xf32>,
        %sub3A_911 = arith.subf %get3A_905, %get3A_910 : vector<16xf32>
        %mul3A_912 = arith.mulf %sub3A_911, %sub3A_911 : vector<16xf32>
        %add3A_913 = arith.addf %add3A_825, %mul3A_912 : vector<16xf32>
        %get3A_914 = arith.index_cast %add3A_221 : i32 to index
        %get3A_915 = arith.constant 112 : index
        %get3A_916 = tpu.vector_load %arg10[%get3A_914, %get3A_915] {strides = array<i32>} : memref<128x128xf32, #tpu.memory_space<vmem>>, vector<16xf32>,
        %add3A_917 = arith.constant 64 : i32
        %add3A_918 = arith.addi %add3A_221, %add3A_917 : i32
        %get3A_919 = arith.index_cast %add3A_918 : i32 to index
        %get3A_920 = arith.constant 112 : index
        %get3A_921 = tpu.vector_load %arg10[%get3A_919, %get3A_920] {strides = array<i32>} : memref<128x128xf32, #tpu.memory_space<vmem>>, vector<16xf32>,
        %sub3A_922 = arith.subf %get3A_916, %get3A_921 : vector<16xf32>
        %mul3A_923 = arith.mulf %sub3A_922, %sub3A_922 : vector<16xf32>
        %add3A_924 = arith.addf %add3A_836, %mul3A_923 : vector<16xf32>
        %get3A_925 = arith.index_cast %add3A_227 : i32 to index
        %get3A_926 = arith.constant 112 : index
        %get3A_927 = tpu.vector_load %arg10[%get3A_925, %get3A_926] {strides = array<i32>} : memref<128x128xf32, #tpu.memory_space<vmem>>, vector<16xf32>,
        %add3A_928 = arith.constant 64 : i32
        %add3A_929 = arith.addi %add3A_227, %add3A_928 : i32
        %get3A_930 = arith.index_cast %add3A_929 : i32 to index
        %get3A_931 = arith.constant 112 : index
        %get3A_932 = tpu.vector_load %arg10[%get3A_930, %get3A_931] {strides = array<i32>} : memref<128x128xf32, #tpu.memory_space<vmem>>, vector<16xf32>,
        %sub3A_933 = arith.subf %get3A_927, %get3A_932 : vector<16xf32>
        %mul3A_934 = arith.mulf %sub3A_933, %sub3A_933 : vector<16xf32>
        %add3A_935 = arith.addf %add3A_847, %mul3A_934 : vector<16xf32>
        %get3A_936 = arith.index_cast %add3A_233 : i32 to index
        %get3A_937 = arith.constant 112 : index
        %get3A_938 = tpu.vector_load %arg10[%get3A_936, %get3A_937] {strides = array<i32>} : memref<128x128xf32, #tpu.memory_space<vmem>>, vector<16xf32>,
        %add3A_939 = arith.constant 64 : i32
        %add3A_940 = arith.addi %add3A_233, %add3A_939 : i32
        %get3A_941 = arith.index_cast %add3A_940 : i32 to index
        %get3A_942 = arith.constant 112 : index
        %get3A_943 = tpu.vector_load %arg10[%get3A_941, %get3A_942] {strides = array<i32>} : memref<128x128xf32, #tpu.memory_space<vmem>>, vector<16xf32>,
        %sub3A_944 = arith.subf %get3A_938, %get3A_943 : vector<16xf32>
        %mul3A_945 = arith.mulf %sub3A_944, %sub3A_944 : vector<16xf32>
        %add3A_946 = arith.addf %add3A_858, %mul3A_945 : vector<16xf32>
        %get3A_947 = arith.index_cast %add3A_239 : i32 to index
        %get3A_948 = arith.constant 112 : index
        %get3A_949 = tpu.vector_load %arg10[%get3A_947, %get3A_948] {strides = array<i32>} : memref<128x128xf32, #tpu.memory_space<vmem>>, vector<16xf32>,
        %add3A_950 = arith.constant 64 : i32
        %add3A_951 = arith.addi %add3A_239, %add3A_950 : i32
        %get3A_952 = arith.index_cast %add3A_951 : i32 to index
        %get3A_953 = arith.constant 112 : index
        %get3A_954 = tpu.vector_load %arg10[%get3A_952, %get3A_953] {strides = array<i32>} : memref<128x128xf32, #tpu.memory_space<vmem>>, vector<16xf32>,
        %sub3A_955 = arith.subf %get3A_949, %get3A_954 : vector<16xf32>
        %mul3A_956 = arith.mulf %sub3A_955, %sub3A_955 : vector<16xf32>
        %add3A_957 = arith.addf %add3A_869, %mul3A_956 : vector<16xf32>
        %swap3A = arith.constant 0 : i32
        %swap3A_958 = arith.index_cast %swap3A : i32 to index
        %swap3A_959 = arith.constant 0 : index
        %swap3A_960 = tpu.vector_load %arg13[%swap3A_958, %swap3A_959] {strides = array<i32>} : memref<16x17xf32, #tpu.memory_space<vmem>>, vector<16xf32>,
        tpu.vector_store %arg13[%swap3A_958, %swap3A_959], %add3A_880 {strides = array<i32>} : memref<16x17xf32, #tpu.memory_space<vmem>>, vector<16xf32>,
        %swap3A_961 = arith.constant 1 : i32
        %swap3A_962 = arith.index_cast %swap3A_961 : i32 to index
        %swap3A_963 = arith.constant 0 : index
        %swap3A_964 = tpu.vector_load %arg13[%swap3A_962, %swap3A_963] {strides = array<i32>} : memref<16x17xf32, #tpu.memory_space<vmem>>, vector<16xf32>,
        tpu.vector_store %arg13[%swap3A_962, %swap3A_963], %add3A_891 {strides = array<i32>} : memref<16x17xf32, #tpu.memory_space<vmem>>, vector<16xf32>,
        %swap3A_965 = arith.constant 2 : i32
        %swap3A_966 = arith.index_cast %swap3A_965 : i32 to index
        %swap3A_967 = arith.constant 0 : index
        %swap3A_968 = tpu.vector_load %arg13[%swap3A_966, %swap3A_967] {strides = array<i32>} : memref<16x17xf32, #tpu.memory_space<vmem>>, vector<16xf32>,
        tpu.vector_store %arg13[%swap3A_966, %swap3A_967], %add3A_902 {strides = array<i32>} : memref<16x17xf32, #tpu.memory_space<vmem>>, vector<16xf32>,
        %swap3A_969 = arith.constant 3 : i32
        %swap3A_970 = arith.index_cast %swap3A_969 : i32 to index
        %swap3A_971 = arith.constant 0 : index
        %swap3A_972 = tpu.vector_load %arg13[%swap3A_970, %swap3A_971] {strides = array<i32>} : memref<16x17xf32, #tpu.memory_space<vmem>>, vector<16xf32>,
        tpu.vector_store %arg13[%swap3A_970, %swap3A_971], %add3A_913 {strides = array<i32>} : memref<16x17xf32, #tpu.memory_space<vmem>>, vector<16xf32>,
        %swap3A_973 = arith.constant 4 : i32
        %swap3A_974 = arith.index_cast %swap3A_973 : i32 to index
        %swap3A_975 = arith.constant 0 : index
        %swap3A_976 = tpu.vector_load %arg13[%swap3A_974, %swap3A_975] {strides = array<i32>} : memref<16x17xf32, #tpu.memory_space<vmem>>, vector<16xf32>,
        tpu.vector_store %arg13[%swap3A_974, %swap3A_975], %add3A_924 {strides = array<i32>} : memref<16x17xf32, #tpu.memory_space<vmem>>, vector<16xf32>,
        %swap3A_977 = arith.constant 5 : i32
        %swap3A_978 = arith.index_cast %swap3A_977 : i32 to index
        %swap3A_979 = arith.constant 0 : index
        %swap3A_980 = tpu.vector_load %arg13[%swap3A_978, %swap3A_979] {strides = array<i32>} : memref<16x17xf32, #tpu.memory_space<vmem>>, vector<16xf32>,
        tpu.vector_store %arg13[%swap3A_978, %swap3A_979], %add3A_935 {strides = array<i32>} : memref<16x17xf32, #tpu.memory_space<vmem>>, vector<16xf32>,
        %swap3A_981 = arith.constant 6 : i32
        %swap3A_982 = arith.index_cast %swap3A_981 : i32 to index
        %swap3A_983 = arith.constant 0 : index
        %swap3A_984 = tpu.vector_load %arg13[%swap3A_982, %swap3A_983] {strides = array<i32>} : memref<16x17xf32, #tpu.memory_space<vmem>>, vector<16xf32>,
        tpu.vector_store %arg13[%swap3A_982, %swap3A_983], %add3A_946 {strides = array<i32>} : memref<16x17xf32, #tpu.memory_space<vmem>>, vector<16xf32>,
        %swap3A_985 = arith.constant 7 : i32
        %swap3A_986 = arith.index_cast %swap3A_985 : i32 to index
        %swap3A_987 = arith.constant 0 : index
        %swap3A_988 = tpu.vector_load %arg13[%swap3A_986, %swap3A_987] {strides = array<i32>} : memref<16x17xf32, #tpu.memory_space<vmem>>, vector<16xf32>,
        tpu.vector_store %arg13[%swap3A_986, %swap3A_987], %add3A_957 {strides = array<i32>} : memref<16x17xf32, #tpu.memory_space<vmem>>, vector<16xf32>,
        %mul3A_989 = arith.constant 16 : i32
        %mul3A_990 = arith.muli %scan3A_190, %mul3A_989 : i32
        %add3A_991 = arith.constant 8 : i32
        %add3A_992 = arith.addi %mul3A_990, %add3A_991 : i32
        %add3A_993 = arith.constant 0 : i32
        %add3A_994 = arith.addi %add3A_992, %add3A_993 : i32
        %mul3A_995 = arith.constant 16 : i32
        %mul3A_996 = arith.muli %scan3A_190, %mul3A_995 : i32
        %add3A_997 = arith.constant 8 : i32
        %add3A_998 = arith.addi %mul3A_996, %add3A_997 : i32
        %add3A_999 = arith.constant 1 : i32
        %add3A_1000 = arith.addi %add3A_998, %add3A_999 : i32
        %mul3A_1001 = arith.constant 16 : i32
        %mul3A_1002 = arith.muli %scan3A_190, %mul3A_1001 : i32
        %add3A_1003 = arith.constant 8 : i32
        %add3A_1004 = arith.addi %mul3A_1002, %add3A_1003 : i32
        %add3A_1005 = arith.constant 2 : i32
        %add3A_1006 = arith.addi %add3A_1004, %add3A_1005 : i32
        %mul3A_1007 = arith.constant 16 : i32
        %mul3A_1008 = arith.muli %scan3A_190, %mul3A_1007 : i32
        %add3A_1009 = arith.constant 8 : i32
        %add3A_1010 = arith.addi %mul3A_1008, %add3A_1009 : i32
        %add3A_1011 = arith.constant 3 : i32
        %add3A_1012 = arith.addi %add3A_1010, %add3A_1011 : i32
        %mul3A_1013 = arith.constant 16 : i32
        %mul3A_1014 = arith.muli %scan3A_190, %mul3A_1013 : i32
        %add3A_1015 = arith.constant 8 : i32
        %add3A_1016 = arith.addi %mul3A_1014, %add3A_1015 : i32
        %add3A_1017 = arith.constant 4 : i32
        %add3A_1018 = arith.addi %add3A_1016, %add3A_1017 : i32
        %mul3A_1019 = arith.constant 16 : i32
        %mul3A_1020 = arith.muli %scan3A_190, %mul3A_1019 : i32
        %add3A_1021 = arith.constant 8 : i32
        %add3A_1022 = arith.addi %mul3A_1020, %add3A_1021 : i32
        %add3A_1023 = arith.constant 5 : i32
        %add3A_1024 = arith.addi %add3A_1022, %add3A_1023 : i32
        %mul3A_1025 = arith.constant 16 : i32
        %mul3A_1026 = arith.muli %scan3A_190, %mul3A_1025 : i32
        %add3A_1027 = arith.constant 8 : i32
        %add3A_1028 = arith.addi %mul3A_1026, %add3A_1027 : i32
        %add3A_1029 = arith.constant 6 : i32
        %add3A_1030 = arith.addi %add3A_1028, %add3A_1029 : i32
        %mul3A_1031 = arith.constant 16 : i32
        %mul3A_1032 = arith.muli %scan3A_190, %mul3A_1031 : i32
        %add3A_1033 = arith.constant 8 : i32
        %add3A_1034 = arith.addi %mul3A_1032, %add3A_1033 : i32
        %add3A_1035 = arith.constant 7 : i32
        %add3A_1036 = arith.addi %add3A_1034, %add3A_1035 : i32
        %broadcast_in_dim3A_1037 = arith.constant 0.000000e+00 : f32
        %broadcast_in_dim3A_1038 = vector.broadcast %broadcast_in_dim3A_1037 : f32 to vector<16xf32>
        %broadcast_in_dim3A_1039 = arith.constant 0.000000e+00 : f32
        %broadcast_in_dim3A_1040 = vector.broadcast %broadcast_in_dim3A_1039 : f32 to vector<16xf32>
        %broadcast_in_dim3A_1041 = arith.constant 0.000000e+00 : f32
        %broadcast_in_dim3A_1042 = vector.broadcast %broadcast_in_dim3A_1041 : f32 to vector<16xf32>
        %broadcast_in_dim3A_1043 = arith.constant 0.000000e+00 : f32
        %broadcast_in_dim3A_1044 = vector.broadcast %broadcast_in_dim3A_1043 : f32 to vector<16xf32>
        %broadcast_in_dim3A_1045 = arith.constant 0.000000e+00 : f32
        %broadcast_in_dim3A_1046 = vector.broadcast %broadcast_in_dim3A_1045 : f32 to vector<16xf32>
        %broadcast_in_dim3A_1047 = arith.constant 0.000000e+00 : f32
        %broadcast_in_dim3A_1048 = vector.broadcast %broadcast_in_dim3A_1047 : f32 to vector<16xf32>
        %broadcast_in_dim3A_1049 = arith.constant 0.000000e+00 : f32
        %broadcast_in_dim3A_1050 = vector.broadcast %broadcast_in_dim3A_1049 : f32 to vector<16xf32>
        %broadcast_in_dim3A_1051 = arith.constant 0.000000e+00 : f32
        %broadcast_in_dim3A_1052 = vector.broadcast %broadcast_in_dim3A_1051 : f32 to vector<16xf32>
        %get3A_1053 = arith.index_cast %add3A_994 : i32 to index
        %get3A_1054 = arith.constant 0 : index
        %get3A_1055 = tpu.vector_load %arg10[%get3A_1053, %get3A_1054] {strides = array<i32>} : memref<128x128xf32, #tpu.memory_space<vmem>>, vector<16xf32>,
        %add3A_1056 = arith.constant 64 : i32
        %add3A_1057 = arith.addi %add3A_994, %add3A_1056 : i32
        %get3A_1058 = arith.index_cast %add3A_1057 : i32 to index
        %get3A_1059 = arith.constant 0 : index
        %get3A_1060 = tpu.vector_load %arg10[%get3A_1058, %get3A_1059] {strides = array<i32>} : memref<128x128xf32, #tpu.memory_space<vmem>>, vector<16xf32>,
        %sub3A_1061 = arith.subf %get3A_1055, %get3A_1060 : vector<16xf32>
        %mul3A_1062 = arith.mulf %sub3A_1061, %sub3A_1061 : vector<16xf32>
        %add3A_1063 = arith.addf %broadcast_in_dim3A_1038, %mul3A_1062 : vector<16xf32>
        %get3A_1064 = arith.index_cast %add3A_1000 : i32 to index
        %get3A_1065 = arith.constant 0 : index
        %get3A_1066 = tpu.vector_load %arg10[%get3A_1064, %get3A_1065] {strides = array<i32>} : memref<128x128xf32, #tpu.memory_space<vmem>>, vector<16xf32>,
        %add3A_1067 = arith.constant 64 : i32
        %add3A_1068 = arith.addi %add3A_1000, %add3A_1067 : i32
        %get3A_1069 = arith.index_cast %add3A_1068 : i32 to index
        %get3A_1070 = arith.constant 0 : index
        %get3A_1071 = tpu.vector_load %arg10[%get3A_1069, %get3A_1070] {strides = array<i32>} : memref<128x128xf32, #tpu.memory_space<vmem>>, vector<16xf32>,
        %sub3A_1072 = arith.subf %get3A_1066, %get3A_1071 : vector<16xf32>
        %mul3A_1073 = arith.mulf %sub3A_1072, %sub3A_1072 : vector<16xf32>
        %add3A_1074 = arith.addf %broadcast_in_dim3A_1040, %mul3A_1073 : vector<16xf32>
        %get3A_1075 = arith.index_cast %add3A_1006 : i32 to index
        %get3A_1076 = arith.constant 0 : index
        %get3A_1077 = tpu.vector_load %arg10[%get3A_1075, %get3A_1076] {strides = array<i32>} : memref<128x128xf32, #tpu.memory_space<vmem>>, vector<16xf32>,
        %add3A_1078 = arith.constant 64 : i32
        %add3A_1079 = arith.addi %add3A_1006, %add3A_1078 : i32
        %get3A_1080 = arith.index_cast %add3A_1079 : i32 to index
        %get3A_1081 = arith.constant 0 : index
        %get3A_1082 = tpu.vector_load %arg10[%get3A_1080, %get3A_1081] {strides = array<i32>} : memref<128x128xf32, #tpu.memory_space<vmem>>, vector<16xf32>,
        %sub3A_1083 = arith.subf %get3A_1077, %get3A_1082 : vector<16xf32>
        %mul3A_1084 = arith.mulf %sub3A_1083, %sub3A_1083 : vector<16xf32>
        %add3A_1085 = arith.addf %broadcast_in_dim3A_1042, %mul3A_1084 : vector<16xf32>
        %get3A_1086 = arith.index_cast %add3A_1012 : i32 to index
        %get3A_1087 = arith.constant 0 : index
        %get3A_1088 = tpu.vector_load %arg10[%get3A_1086, %get3A_1087] {strides = array<i32>} : memref<128x128xf32, #tpu.memory_space<vmem>>, vector<16xf32>,
        %add3A_1089 = arith.constant 64 : i32
        %add3A_1090 = arith.addi %add3A_1012, %add3A_1089 : i32
        %get3A_1091 = arith.index_cast %add3A_1090 : i32 to index
        %get3A_1092 = arith.constant 0 : index
        %get3A_1093 = tpu.vector_load %arg10[%get3A_1091, %get3A_1092] {strides = array<i32>} : memref<128x128xf32, #tpu.memory_space<vmem>>, vector<16xf32>,
        %sub3A_1094 = arith.subf %get3A_1088, %get3A_1093 : vector<16xf32>
        %mul3A_1095 = arith.mulf %sub3A_1094, %sub3A_1094 : vector<16xf32>
        %add3A_1096 = arith.addf %broadcast_in_dim3A_1044, %mul3A_1095 : vector<16xf32>
        %get3A_1097 = arith.index_cast %add3A_1018 : i32 to index
        %get3A_1098 = arith.constant 0 : index
        %get3A_1099 = tpu.vector_load %arg10[%get3A_1097, %get3A_1098] {strides = array<i32>} : memref<128x128xf32, #tpu.memory_space<vmem>>, vector<16xf32>,
        %add3A_1100 = arith.constant 64 : i32
        %add3A_1101 = arith.addi %add3A_1018, %add3A_1100 : i32
        %get3A_1102 = arith.index_cast %add3A_1101 : i32 to index
        %get3A_1103 = arith.constant 0 : index
        %get3A_1104 = tpu.vector_load %arg10[%get3A_1102, %get3A_1103] {strides = array<i32>} : memref<128x128xf32, #tpu.memory_space<vmem>>, vector<16xf32>,
        %sub3A_1105 = arith.subf %get3A_1099, %get3A_1104 : vector<16xf32>
        %mul3A_1106 = arith.mulf %sub3A_1105, %sub3A_1105 : vector<16xf32>
        %add3A_1107 = arith.addf %broadcast_in_dim3A_1046, %mul3A_1106 : vector<16xf32>
        %get3A_1108 = arith.index_cast %add3A_1024 : i32 to index
        %get3A_1109 = arith.constant 0 : index
        %get3A_1110 = tpu.vector_load %arg10[%get3A_1108, %get3A_1109] {strides = array<i32>} : memref<128x128xf32, #tpu.memory_space<vmem>>, vector<16xf32>,
        %add3A_1111 = arith.constant 64 : i32
        %add3A_1112 = arith.addi %add3A_1024, %add3A_1111 : i32
        %get3A_1113 = arith.index_cast %add3A_1112 : i32 to index
        %get3A_1114 = arith.constant 0 : index
        %get3A_1115 = tpu.vector_load %arg10[%get3A_1113, %get3A_1114] {strides = array<i32>} : memref<128x128xf32, #tpu.memory_space<vmem>>, vector<16xf32>,
        %sub3A_1116 = arith.subf %get3A_1110, %get3A_1115 : vector<16xf32>
        %mul3A_1117 = arith.mulf %sub3A_1116, %sub3A_1116 : vector<16xf32>
        %add3A_1118 = arith.addf %broadcast_in_dim3A_1048, %mul3A_1117 : vector<16xf32>
        %get3A_1119 = arith.index_cast %add3A_1030 : i32 to index
        %get3A_1120 = arith.constant 0 : index
        %get3A_1121 = tpu.vector_load %arg10[%get3A_1119, %get3A_1120] {strides = array<i32>} : memref<128x128xf32, #tpu.memory_space<vmem>>, vector<16xf32>,
        %add3A_1122 = arith.constant 64 : i32
        %add3A_1123 = arith.addi %add3A_1030, %add3A_1122 : i32
        %get3A_1124 = arith.index_cast %add3A_1123 : i32 to index
        %get3A_1125 = arith.constant 0 : index
        %get3A_1126 = tpu.vector_load %arg10[%get3A_1124, %get3A_1125] {strides = array<i32>} : memref<128x128xf32, #tpu.memory_space<vmem>>, vector<16xf32>,
        %sub3A_1127 = arith.subf %get3A_1121, %get3A_1126 : vector<16xf32>
        %mul3A_1128 = arith.mulf %sub3A_1127, %sub3A_1127 : vector<16xf32>
        %add3A_1129 = arith.addf %broadcast_in_dim3A_1050, %mul3A_1128 : vector<16xf32>
        %get3A_1130 = arith.index_cast %add3A_1036 : i32 to index
        %get3A_1131 = arith.constant 0 : index
        %get3A_1132 = tpu.vector_load %arg10[%get3A_1130, %get3A_1131] {strides = array<i32>} : memref<128x128xf32, #tpu.memory_space<vmem>>, vector<16xf32>,
        %add3A_1133 = arith.constant 64 : i32
        %add3A_1134 = arith.addi %add3A_1036, %add3A_1133 : i32
        %get3A_1135 = arith.index_cast %add3A_1134 : i32 to index
        %get3A_1136 = arith.constant 0 : index
        %get3A_1137 = tpu.vector_load %arg10[%get3A_1135, %get3A_1136] {strides = array<i32>} : memref<128x128xf32, #tpu.memory_space<vmem>>, vector<16xf32>,
        %sub3A_1138 = arith.subf %get3A_1132, %get3A_1137 : vector<16xf32>
        %mul3A_1139 = arith.mulf %sub3A_1138, %sub3A_1138 : vector<16xf32>
        %add3A_1140 = arith.addf %broadcast_in_dim3A_1052, %mul3A_1139 : vector<16xf32>
        %get3A_1141 = arith.index_cast %add3A_994 : i32 to index
        %get3A_1142 = arith.constant 16 : index
        %get3A_1143 = tpu.vector_load %arg10[%get3A_1141, %get3A_1142] {strides = array<i32>} : memref<128x128xf32, #tpu.memory_space<vmem>>, vector<16xf32>,
        %add3A_1144 = arith.constant 64 : i32
        %add3A_1145 = arith.addi %add3A_994, %add3A_1144 : i32
        %get3A_1146 = arith.index_cast %add3A_1145 : i32 to index
        %get3A_1147 = arith.constant 16 : index
        %get3A_1148 = tpu.vector_load %arg10[%get3A_1146, %get3A_1147] {strides = array<i32>} : memref<128x128xf32, #tpu.memory_space<vmem>>, vector<16xf32>,
        %sub3A_1149 = arith.subf %get3A_1143, %get3A_1148 : vector<16xf32>
        %mul3A_1150 = arith.mulf %sub3A_1149, %sub3A_1149 : vector<16xf32>
        %add3A_1151 = arith.addf %add3A_1063, %mul3A_1150 : vector<16xf32>
        %get3A_1152 = arith.index_cast %add3A_1000 : i32 to index
        %get3A_1153 = arith.constant 16 : index
        %get3A_1154 = tpu.vector_load %arg10[%get3A_1152, %get3A_1153] {strides = array<i32>} : memref<128x128xf32, #tpu.memory_space<vmem>>, vector<16xf32>,
        %add3A_1155 = arith.constant 64 : i32
        %add3A_1156 = arith.addi %add3A_1000, %add3A_1155 : i32
        %get3A_1157 = arith.index_cast %add3A_1156 : i32 to index
        %get3A_1158 = arith.constant 16 : index
        %get3A_1159 = tpu.vector_load %arg10[%get3A_1157, %get3A_1158] {strides = array<i32>} : memref<128x128xf32, #tpu.memory_space<vmem>>, vector<16xf32>,
        %sub3A_1160 = arith.subf %get3A_1154, %get3A_1159 : vector<16xf32>
        %mul3A_1161 = arith.mulf %sub3A_1160, %sub3A_1160 : vector<16xf32>
        %add3A_1162 = arith.addf %add3A_1074, %mul3A_1161 : vector<16xf32>
        %get3A_1163 = arith.index_cast %add3A_1006 : i32 to index
        %get3A_1164 = arith.constant 16 : index
        %get3A_1165 = tpu.vector_load %arg10[%get3A_1163, %get3A_1164] {strides = array<i32>} : memref<128x128xf32, #tpu.memory_space<vmem>>, vector<16xf32>,
        %add3A_1166 = arith.constant 64 : i32
        %add3A_1167 = arith.addi %add3A_1006, %add3A_1166 : i32
        %get3A_1168 = arith.index_cast %add3A_1167 : i32 to index
        %get3A_1169 = arith.constant 16 : index
        %get3A_1170 = tpu.vector_load %arg10[%get3A_1168, %get3A_1169] {strides = array<i32>} : memref<128x128xf32, #tpu.memory_space<vmem>>, vector<16xf32>,
        %sub3A_1171 = arith.subf %get3A_1165, %get3A_1170 : vector<16xf32>
        %mul3A_1172 = arith.mulf %sub3A_1171, %sub3A_1171 : vector<16xf32>
        %add3A_1173 = arith.addf %add3A_1085, %mul3A_1172 : vector<16xf32>
        %get3A_1174 = arith.index_cast %add3A_1012 : i32 to index
        %get3A_1175 = arith.constant 16 : index
        %get3A_1176 = tpu.vector_load %arg10[%get3A_1174, %get3A_1175] {strides = array<i32>} : memref<128x128xf32, #tpu.memory_space<vmem>>, vector<16xf32>,
        %add3A_1177 = arith.constant 64 : i32
        %add3A_1178 = arith.addi %add3A_1012, %add3A_1177 : i32
        %get3A_1179 = arith.index_cast %add3A_1178 : i32 to index
        %get3A_1180 = arith.constant 16 : index
        %get3A_1181 = tpu.vector_load %arg10[%get3A_1179, %get3A_1180] {strides = array<i32>} : memref<128x128xf32, #tpu.memory_space<vmem>>, vector<16xf32>,
        %sub3A_1182 = arith.subf %get3A_1176, %get3A_1181 : vector<16xf32>
        %mul3A_1183 = arith.mulf %sub3A_1182, %sub3A_1182 : vector<16xf32>
        %add3A_1184 = arith.addf %add3A_1096, %mul3A_1183 : vector<16xf32>
        %get3A_1185 = arith.index_cast %add3A_1018 : i32 to index
        %get3A_1186 = arith.constant 16 : index
        %get3A_1187 = tpu.vector_load %arg10[%get3A_1185, %get3A_1186] {strides = array<i32>} : memref<128x128xf32, #tpu.memory_space<vmem>>, vector<16xf32>,
        %add3A_1188 = arith.constant 64 : i32
        %add3A_1189 = arith.addi %add3A_1018, %add3A_1188 : i32
        %get3A_1190 = arith.index_cast %add3A_1189 : i32 to index
        %get3A_1191 = arith.constant 16 : index
        %get3A_1192 = tpu.vector_load %arg10[%get3A_1190, %get3A_1191] {strides = array<i32>} : memref<128x128xf32, #tpu.memory_space<vmem>>, vector<16xf32>,
        %sub3A_1193 = arith.subf %get3A_1187, %get3A_1192 : vector<16xf32>
        %mul3A_1194 = arith.mulf %sub3A_1193, %sub3A_1193 : vector<16xf32>
        %add3A_1195 = arith.addf %add3A_1107, %mul3A_1194 : vector<16xf32>
        %get3A_1196 = arith.index_cast %add3A_1024 : i32 to index
        %get3A_1197 = arith.constant 16 : index
        %get3A_1198 = tpu.vector_load %arg10[%get3A_1196, %get3A_1197] {strides = array<i32>} : memref<128x128xf32, #tpu.memory_space<vmem>>, vector<16xf32>,
        %add3A_1199 = arith.constant 64 : i32
        %add3A_1200 = arith.addi %add3A_1024, %add3A_1199 : i32
        %get3A_1201 = arith.index_cast %add3A_1200 : i32 to index
        %get3A_1202 = arith.constant 16 : index
        %get3A_1203 = tpu.vector_load %arg10[%get3A_1201, %get3A_1202] {strides = array<i32>} : memref<128x128xf32, #tpu.memory_space<vmem>>, vector<16xf32>,
        %sub3A_1204 = arith.subf %get3A_1198, %get3A_1203 : vector<16xf32>
        %mul3A_1205 = arith.mulf %sub3A_1204, %sub3A_1204 : vector<16xf32>
        %add3A_1206 = arith.addf %add3A_1118, %mul3A_1205 : vector<16xf32>
        %get3A_1207 = arith.index_cast %add3A_1030 : i32 to index
        %get3A_1208 = arith.constant 16 : index
        %get3A_1209 = tpu.vector_load %arg10[%get3A_1207, %get3A_1208] {strides = array<i32>} : memref<128x128xf32, #tpu.memory_space<vmem>>, vector<16xf32>,
        %add3A_1210 = arith.constant 64 : i32
        %add3A_1211 = arith.addi %add3A_1030, %add3A_1210 : i32
        %get3A_1212 = arith.index_cast %add3A_1211 : i32 to index
        %get3A_1213 = arith.constant 16 : index
        %get3A_1214 = tpu.vector_load %arg10[%get3A_1212, %get3A_1213] {strides = array<i32>} : memref<128x128xf32, #tpu.memory_space<vmem>>, vector<16xf32>,
        %sub3A_1215 = arith.subf %get3A_1209, %get3A_1214 : vector<16xf32>
        %mul3A_1216 = arith.mulf %sub3A_1215, %sub3A_1215 : vector<16xf32>
        %add3A_1217 = arith.addf %add3A_1129, %mul3A_1216 : vector<16xf32>
        %get3A_1218 = arith.index_cast %add3A_1036 : i32 to index
        %get3A_1219 = arith.constant 16 : index
        %get3A_1220 = tpu.vector_load %arg10[%get3A_1218, %get3A_1219] {strides = array<i32>} : memref<128x128xf32, #tpu.memory_space<vmem>>, vector<16xf32>,
        %add3A_1221 = arith.constant 64 : i32
        %add3A_1222 = arith.addi %add3A_1036, %add3A_1221 : i32
        %get3A_1223 = arith.index_cast %add3A_1222 : i32 to index
        %get3A_1224 = arith.constant 16 : index
        %get3A_1225 = tpu.vector_load %arg10[%get3A_1223, %get3A_1224] {strides = array<i32>} : memref<128x128xf32, #tpu.memory_space<vmem>>, vector<16xf32>,
        %sub3A_1226 = arith.subf %get3A_1220, %get3A_1225 : vector<16xf32>
        %mul3A_1227 = arith.mulf %sub3A_1226, %sub3A_1226 : vector<16xf32>
        %add3A_1228 = arith.addf %add3A_1140, %mul3A_1227 : vector<16xf32>
        %get3A_1229 = arith.index_cast %add3A_994 : i32 to index
        %get3A_1230 = arith.constant 32 : index
        %get3A_1231 = tpu.vector_load %arg10[%get3A_1229, %get3A_1230] {strides = array<i32>} : memref<128x128xf32, #tpu.memory_space<vmem>>, vector<16xf32>,
        %add3A_1232 = arith.constant 64 : i32
        %add3A_1233 = arith.addi %add3A_994, %add3A_1232 : i32
        %get3A_1234 = arith.index_cast %add3A_1233 : i32 to index
        %get3A_1235 = arith.constant 32 : index
        %get3A_1236 = tpu.vector_load %arg10[%get3A_1234, %get3A_1235] {strides = array<i32>} : memref<128x128xf32, #tpu.memory_space<vmem>>, vector<16xf32>,
        %sub3A_1237 = arith.subf %get3A_1231, %get3A_1236 : vector<16xf32>
        %mul3A_1238 = arith.mulf %sub3A_1237, %sub3A_1237 : vector<16xf32>
        %add3A_1239 = arith.addf %add3A_1151, %mul3A_1238 : vector<16xf32>
        %get3A_1240 = arith.index_cast %add3A_1000 : i32 to index
        %get3A_1241 = arith.constant 32 : index
        %get3A_1242 = tpu.vector_load %arg10[%get3A_1240, %get3A_1241] {strides = array<i32>} : memref<128x128xf32, #tpu.memory_space<vmem>>, vector<16xf32>,
        %add3A_1243 = arith.constant 64 : i32
        %add3A_1244 = arith.addi %add3A_1000, %add3A_1243 : i32
        %get3A_1245 = arith.index_cast %add3A_1244 : i32 to index
        %get3A_1246 = arith.constant 32 : index
        %get3A_1247 = tpu.vector_load %arg10[%get3A_1245, %get3A_1246] {strides = array<i32>} : memref<128x128xf32, #tpu.memory_space<vmem>>, vector<16xf32>,
        %sub3A_1248 = arith.subf %get3A_1242, %get3A_1247 : vector<16xf32>
        %mul3A_1249 = arith.mulf %sub3A_1248, %sub3A_1248 : vector<16xf32>
        %add3A_1250 = arith.addf %add3A_1162, %mul3A_1249 : vector<16xf32>
        %get3A_1251 = arith.index_cast %add3A_1006 : i32 to index
        %get3A_1252 = arith.constant 32 : index
        %get3A_1253 = tpu.vector_load %arg10[%get3A_1251, %get3A_1252] {strides = array<i32>} : memref<128x128xf32, #tpu.memory_space<vmem>>, vector<16xf32>,
        %add3A_1254 = arith.constant 64 : i32
        %add3A_1255 = arith.addi %add3A_1006, %add3A_1254 : i32
        %get3A_1256 = arith.index_cast %add3A_1255 : i32 to index
        %get3A_1257 = arith.constant 32 : index
        %get3A_1258 = tpu.vector_load %arg10[%get3A_1256, %get3A_1257] {strides = array<i32>} : memref<128x128xf32, #tpu.memory_space<vmem>>, vector<16xf32>,
        %sub3A_1259 = arith.subf %get3A_1253, %get3A_1258 : vector<16xf32>
        %mul3A_1260 = arith.mulf %sub3A_1259, %sub3A_1259 : vector<16xf32>
        %add3A_1261 = arith.addf %add3A_1173, %mul3A_1260 : vector<16xf32>
        %get3A_1262 = arith.index_cast %add3A_1012 : i32 to index
        %get3A_1263 = arith.constant 32 : index
        %get3A_1264 = tpu.vector_load %arg10[%get3A_1262, %get3A_1263] {strides = array<i32>} : memref<128x128xf32, #tpu.memory_space<vmem>>, vector<16xf32>,
        %add3A_1265 = arith.constant 64 : i32
        %add3A_1266 = arith.addi %add3A_1012, %add3A_1265 : i32
        %get3A_1267 = arith.index_cast %add3A_1266 : i32 to index
        %get3A_1268 = arith.constant 32 : index
        %get3A_1269 = tpu.vector_load %arg10[%get3A_1267, %get3A_1268] {strides = array<i32>} : memref<128x128xf32, #tpu.memory_space<vmem>>, vector<16xf32>,
        %sub3A_1270 = arith.subf %get3A_1264, %get3A_1269 : vector<16xf32>
        %mul3A_1271 = arith.mulf %sub3A_1270, %sub3A_1270 : vector<16xf32>
        %add3A_1272 = arith.addf %add3A_1184, %mul3A_1271 : vector<16xf32>
        %get3A_1273 = arith.index_cast %add3A_1018 : i32 to index
        %get3A_1274 = arith.constant 32 : index
        %get3A_1275 = tpu.vector_load %arg10[%get3A_1273, %get3A_1274] {strides = array<i32>} : memref<128x128xf32, #tpu.memory_space<vmem>>, vector<16xf32>,
        %add3A_1276 = arith.constant 64 : i32
        %add3A_1277 = arith.addi %add3A_1018, %add3A_1276 : i32
        %get3A_1278 = arith.index_cast %add3A_1277 : i32 to index
        %get3A_1279 = arith.constant 32 : index
        %get3A_1280 = tpu.vector_load %arg10[%get3A_1278, %get3A_1279] {strides = array<i32>} : memref<128x128xf32, #tpu.memory_space<vmem>>, vector<16xf32>,
        %sub3A_1281 = arith.subf %get3A_1275, %get3A_1280 : vector<16xf32>
        %mul3A_1282 = arith.mulf %sub3A_1281, %sub3A_1281 : vector<16xf32>
        %add3A_1283 = arith.addf %add3A_1195, %mul3A_1282 : vector<16xf32>
        %get3A_1284 = arith.index_cast %add3A_1024 : i32 to index
        %get3A_1285 = arith.constant 32 : index
        %get3A_1286 = tpu.vector_load %arg10[%get3A_1284, %get3A_1285] {strides = array<i32>} : memref<128x128xf32, #tpu.memory_space<vmem>>, vector<16xf32>,
        %add3A_1287 = arith.constant 64 : i32
        %add3A_1288 = arith.addi %add3A_1024, %add3A_1287 : i32
        %get3A_1289 = arith.index_cast %add3A_1288 : i32 to index
        %get3A_1290 = arith.constant 32 : index
        %get3A_1291 = tpu.vector_load %arg10[%get3A_1289, %get3A_1290] {strides = array<i32>} : memref<128x128xf32, #tpu.memory_space<vmem>>, vector<16xf32>,
        %sub3A_1292 = arith.subf %get3A_1286, %get3A_1291 : vector<16xf32>
        %mul3A_1293 = arith.mulf %sub3A_1292, %sub3A_1292 : vector<16xf32>
        %add3A_1294 = arith.addf %add3A_1206, %mul3A_1293 : vector<16xf32>
        %get3A_1295 = arith.index_cast %add3A_1030 : i32 to index
        %get3A_1296 = arith.constant 32 : index
        %get3A_1297 = tpu.vector_load %arg10[%get3A_1295, %get3A_1296] {strides = array<i32>} : memref<128x128xf32, #tpu.memory_space<vmem>>, vector<16xf32>,
        %add3A_1298 = arith.constant 64 : i32
        %add3A_1299 = arith.addi %add3A_1030, %add3A_1298 : i32
        %get3A_1300 = arith.index_cast %add3A_1299 : i32 to index
        %get3A_1301 = arith.constant 32 : index
        %get3A_1302 = tpu.vector_load %arg10[%get3A_1300, %get3A_1301] {strides = array<i32>} : memref<128x128xf32, #tpu.memory_space<vmem>>, vector<16xf32>,
        %sub3A_1303 = arith.subf %get3A_1297, %get3A_1302 : vector<16xf32>
        %mul3A_1304 = arith.mulf %sub3A_1303, %sub3A_1303 : vector<16xf32>
        %add3A_1305 = arith.addf %add3A_1217, %mul3A_1304 : vector<16xf32>
        %get3A_1306 = arith.index_cast %add3A_1036 : i32 to index
        %get3A_1307 = arith.constant 32 : index
        %get3A_1308 = tpu.vector_load %arg10[%get3A_1306, %get3A_1307] {strides = array<i32>} : memref<128x128xf32, #tpu.memory_space<vmem>>, vector<16xf32>,
        %add3A_1309 = arith.constant 64 : i32
        %add3A_1310 = arith.addi %add3A_1036, %add3A_1309 : i32
        %get3A_1311 = arith.index_cast %add3A_1310 : i32 to index
        %get3A_1312 = arith.constant 32 : index
        %get3A_1313 = tpu.vector_load %arg10[%get3A_1311, %get3A_1312] {strides = array<i32>} : memref<128x128xf32, #tpu.memory_space<vmem>>, vector<16xf32>,
        %sub3A_1314 = arith.subf %get3A_1308, %get3A_1313 : vector<16xf32>
        %mul3A_1315 = arith.mulf %sub3A_1314, %sub3A_1314 : vector<16xf32>
        %add3A_1316 = arith.addf %add3A_1228, %mul3A_1315 : vector<16xf32>
        %get3A_1317 = arith.index_cast %add3A_994 : i32 to index
        %get3A_1318 = arith.constant 48 : index
        %get3A_1319 = tpu.vector_load %arg10[%get3A_1317, %get3A_1318] {strides = array<i32>} : memref<128x128xf32, #tpu.memory_space<vmem>>, vector<16xf32>,
        %add3A_1320 = arith.constant 64 : i32
        %add3A_1321 = arith.addi %add3A_994, %add3A_1320 : i32
        %get3A_1322 = arith.index_cast %add3A_1321 : i32 to index
        %get3A_1323 = arith.constant 48 : index
        %get3A_1324 = tpu.vector_load %arg10[%get3A_1322, %get3A_1323] {strides = array<i32>} : memref<128x128xf32, #tpu.memory_space<vmem>>, vector<16xf32>,
        %sub3A_1325 = arith.subf %get3A_1319, %get3A_1324 : vector<16xf32>
        %mul3A_1326 = arith.mulf %sub3A_1325, %sub3A_1325 : vector<16xf32>
        %add3A_1327 = arith.addf %add3A_1239, %mul3A_1326 : vector<16xf32>
        %get3A_1328 = arith.index_cast %add3A_1000 : i32 to index
        %get3A_1329 = arith.constant 48 : index
        %get3A_1330 = tpu.vector_load %arg10[%get3A_1328, %get3A_1329] {strides = array<i32>} : memref<128x128xf32, #tpu.memory_space<vmem>>, vector<16xf32>,
        %add3A_1331 = arith.constant 64 : i32
        %add3A_1332 = arith.addi %add3A_1000, %add3A_1331 : i32
        %get3A_1333 = arith.index_cast %add3A_1332 : i32 to index
        %get3A_1334 = arith.constant 48 : index
        %get3A_1335 = tpu.vector_load %arg10[%get3A_1333, %get3A_1334] {strides = array<i32>} : memref<128x128xf32, #tpu.memory_space<vmem>>, vector<16xf32>,
        %sub3A_1336 = arith.subf %get3A_1330, %get3A_1335 : vector<16xf32>
        %mul3A_1337 = arith.mulf %sub3A_1336, %sub3A_1336 : vector<16xf32>
        %add3A_1338 = arith.addf %add3A_1250, %mul3A_1337 : vector<16xf32>
        %get3A_1339 = arith.index_cast %add3A_1006 : i32 to index
        %get3A_1340 = arith.constant 48 : index
        %get3A_1341 = tpu.vector_load %arg10[%get3A_1339, %get3A_1340] {strides = array<i32>} : memref<128x128xf32, #tpu.memory_space<vmem>>, vector<16xf32>,
        %add3A_1342 = arith.constant 64 : i32
        %add3A_1343 = arith.addi %add3A_1006, %add3A_1342 : i32
        %get3A_1344 = arith.index_cast %add3A_1343 : i32 to index
        %get3A_1345 = arith.constant 48 : index
        %get3A_1346 = tpu.vector_load %arg10[%get3A_1344, %get3A_1345] {strides = array<i32>} : memref<128x128xf32, #tpu.memory_space<vmem>>, vector<16xf32>,
        %sub3A_1347 = arith.subf %get3A_1341, %get3A_1346 : vector<16xf32>
        %mul3A_1348 = arith.mulf %sub3A_1347, %sub3A_1347 : vector<16xf32>
        %add3A_1349 = arith.addf %add3A_1261, %mul3A_1348 : vector<16xf32>
        %get3A_1350 = arith.index_cast %add3A_1012 : i32 to index
        %get3A_1351 = arith.constant 48 : index
        %get3A_1352 = tpu.vector_load %arg10[%get3A_1350, %get3A_1351] {strides = array<i32>} : memref<128x128xf32, #tpu.memory_space<vmem>>, vector<16xf32>,
        %add3A_1353 = arith.constant 64 : i32
        %add3A_1354 = arith.addi %add3A_1012, %add3A_1353 : i32
        %get3A_1355 = arith.index_cast %add3A_1354 : i32 to index
        %get3A_1356 = arith.constant 48 : index
        %get3A_1357 = tpu.vector_load %arg10[%get3A_1355, %get3A_1356] {strides = array<i32>} : memref<128x128xf32, #tpu.memory_space<vmem>>, vector<16xf32>,
        %sub3A_1358 = arith.subf %get3A_1352, %get3A_1357 : vector<16xf32>
        %mul3A_1359 = arith.mulf %sub3A_1358, %sub3A_1358 : vector<16xf32>
        %add3A_1360 = arith.addf %add3A_1272, %mul3A_1359 : vector<16xf32>
        %get3A_1361 = arith.index_cast %add3A_1018 : i32 to index
        %get3A_1362 = arith.constant 48 : index
        %get3A_1363 = tpu.vector_load %arg10[%get3A_1361, %get3A_1362] {strides = array<i32>} : memref<128x128xf32, #tpu.memory_space<vmem>>, vector<16xf32>,
        %add3A_1364 = arith.constant 64 : i32
        %add3A_1365 = arith.addi %add3A_1018, %add3A_1364 : i32
        %get3A_1366 = arith.index_cast %add3A_1365 : i32 to index
        %get3A_1367 = arith.constant 48 : index
        %get3A_1368 = tpu.vector_load %arg10[%get3A_1366, %get3A_1367] {strides = array<i32>} : memref<128x128xf32, #tpu.memory_space<vmem>>, vector<16xf32>,
        %sub3A_1369 = arith.subf %get3A_1363, %get3A_1368 : vector<16xf32>
        %mul3A_1370 = arith.mulf %sub3A_1369, %sub3A_1369 : vector<16xf32>
        %add3A_1371 = arith.addf %add3A_1283, %mul3A_1370 : vector<16xf32>
        %get3A_1372 = arith.index_cast %add3A_1024 : i32 to index
        %get3A_1373 = arith.constant 48 : index
        %get3A_1374 = tpu.vector_load %arg10[%get3A_1372, %get3A_1373] {strides = array<i32>} : memref<128x128xf32, #tpu.memory_space<vmem>>, vector<16xf32>,
        %add3A_1375 = arith.constant 64 : i32
        %add3A_1376 = arith.addi %add3A_1024, %add3A_1375 : i32
        %get3A_1377 = arith.index_cast %add3A_1376 : i32 to index
        %get3A_1378 = arith.constant 48 : index
        %get3A_1379 = tpu.vector_load %arg10[%get3A_1377, %get3A_1378] {strides = array<i32>} : memref<128x128xf32, #tpu.memory_space<vmem>>, vector<16xf32>,
        %sub3A_1380 = arith.subf %get3A_1374, %get3A_1379 : vector<16xf32>
        %mul3A_1381 = arith.mulf %sub3A_1380, %sub3A_1380 : vector<16xf32>
        %add3A_1382 = arith.addf %add3A_1294, %mul3A_1381 : vector<16xf32>
        %get3A_1383 = arith.index_cast %add3A_1030 : i32 to index
        %get3A_1384 = arith.constant 48 : index
        %get3A_1385 = tpu.vector_load %arg10[%get3A_1383, %get3A_1384] {strides = array<i32>} : memref<128x128xf32, #tpu.memory_space<vmem>>, vector<16xf32>,
        %add3A_1386 = arith.constant 64 : i32
        %add3A_1387 = arith.addi %add3A_1030, %add3A_1386 : i32
        %get3A_1388 = arith.index_cast %add3A_1387 : i32 to index
        %get3A_1389 = arith.constant 48 : index
        %get3A_1390 = tpu.vector_load %arg10[%get3A_1388, %get3A_1389] {strides = array<i32>} : memref<128x128xf32, #tpu.memory_space<vmem>>, vector<16xf32>,
        %sub3A_1391 = arith.subf %get3A_1385, %get3A_1390 : vector<16xf32>
        %mul3A_1392 = arith.mulf %sub3A_1391, %sub3A_1391 : vector<16xf32>
        %add3A_1393 = arith.addf %add3A_1305, %mul3A_1392 : vector<16xf32>
        %get3A_1394 = arith.index_cast %add3A_1036 : i32 to index
        %get3A_1395 = arith.constant 48 : index
        %get3A_1396 = tpu.vector_load %arg10[%get3A_1394, %get3A_1395] {strides = array<i32>} : memref<128x128xf32, #tpu.memory_space<vmem>>, vector<16xf32>,
        %add3A_1397 = arith.constant 64 : i32
        %add3A_1398 = arith.addi %add3A_1036, %add3A_1397 : i32
        %get3A_1399 = arith.index_cast %add3A_1398 : i32 to index
        %get3A_1400 = arith.constant 48 : index
        %get3A_1401 = tpu.vector_load %arg10[%get3A_1399, %get3A_1400] {strides = array<i32>} : memref<128x128xf32, #tpu.memory_space<vmem>>, vector<16xf32>,
        %sub3A_1402 = arith.subf %get3A_1396, %get3A_1401 : vector<16xf32>
        %mul3A_1403 = arith.mulf %sub3A_1402, %sub3A_1402 : vector<16xf32>
        %add3A_1404 = arith.addf %add3A_1316, %mul3A_1403 : vector<16xf32>
        %get3A_1405 = arith.index_cast %add3A_994 : i32 to index
        %get3A_1406 = arith.constant 64 : index
        %get3A_1407 = tpu.vector_load %arg10[%get3A_1405, %get3A_1406] {strides = array<i32>} : memref<128x128xf32, #tpu.memory_space<vmem>>, vector<16xf32>,
        %add3A_1408 = arith.constant 64 : i32
        %add3A_1409 = arith.addi %add3A_994, %add3A_1408 : i32
        %get3A_1410 = arith.index_cast %add3A_1409 : i32 to index
        %get3A_1411 = arith.constant 64 : index
        %get3A_1412 = tpu.vector_load %arg10[%get3A_1410, %get3A_1411] {strides = array<i32>} : memref<128x128xf32, #tpu.memory_space<vmem>>, vector<16xf32>,
        %sub3A_1413 = arith.subf %get3A_1407, %get3A_1412 : vector<16xf32>
        %mul3A_1414 = arith.mulf %sub3A_1413, %sub3A_1413 : vector<16xf32>
        %add3A_1415 = arith.addf %add3A_1327, %mul3A_1414 : vector<16xf32>
        %get3A_1416 = arith.index_cast %add3A_1000 : i32 to index
        %get3A_1417 = arith.constant 64 : index
        %get3A_1418 = tpu.vector_load %arg10[%get3A_1416, %get3A_1417] {strides = array<i32>} : memref<128x128xf32, #tpu.memory_space<vmem>>, vector<16xf32>,
        %add3A_1419 = arith.constant 64 : i32
        %add3A_1420 = arith.addi %add3A_1000, %add3A_1419 : i32
        %get3A_1421 = arith.index_cast %add3A_1420 : i32 to index
        %get3A_1422 = arith.constant 64 : index
        %get3A_1423 = tpu.vector_load %arg10[%get3A_1421, %get3A_1422] {strides = array<i32>} : memref<128x128xf32, #tpu.memory_space<vmem>>, vector<16xf32>,
        %sub3A_1424 = arith.subf %get3A_1418, %get3A_1423 : vector<16xf32>
        %mul3A_1425 = arith.mulf %sub3A_1424, %sub3A_1424 : vector<16xf32>
        %add3A_1426 = arith.addf %add3A_1338, %mul3A_1425 : vector<16xf32>
        %get3A_1427 = arith.index_cast %add3A_1006 : i32 to index
        %get3A_1428 = arith.constant 64 : index
        %get3A_1429 = tpu.vector_load %arg10[%get3A_1427, %get3A_1428] {strides = array<i32>} : memref<128x128xf32, #tpu.memory_space<vmem>>, vector<16xf32>,
        %add3A_1430 = arith.constant 64 : i32
        %add3A_1431 = arith.addi %add3A_1006, %add3A_1430 : i32
        %get3A_1432 = arith.index_cast %add3A_1431 : i32 to index
        %get3A_1433 = arith.constant 64 : index
        %get3A_1434 = tpu.vector_load %arg10[%get3A_1432, %get3A_1433] {strides = array<i32>} : memref<128x128xf32, #tpu.memory_space<vmem>>, vector<16xf32>,
        %sub3A_1435 = arith.subf %get3A_1429, %get3A_1434 : vector<16xf32>
        %mul3A_1436 = arith.mulf %sub3A_1435, %sub3A_1435 : vector<16xf32>
        %add3A_1437 = arith.addf %add3A_1349, %mul3A_1436 : vector<16xf32>
        %get3A_1438 = arith.index_cast %add3A_1012 : i32 to index
        %get3A_1439 = arith.constant 64 : index
        %get3A_1440 = tpu.vector_load %arg10[%get3A_1438, %get3A_1439] {strides = array<i32>} : memref<128x128xf32, #tpu.memory_space<vmem>>, vector<16xf32>,
        %add3A_1441 = arith.constant 64 : i32
        %add3A_1442 = arith.addi %add3A_1012, %add3A_1441 : i32
        %get3A_1443 = arith.index_cast %add3A_1442 : i32 to index
        %get3A_1444 = arith.constant 64 : index
        %get3A_1445 = tpu.vector_load %arg10[%get3A_1443, %get3A_1444] {strides = array<i32>} : memref<128x128xf32, #tpu.memory_space<vmem>>, vector<16xf32>,
        %sub3A_1446 = arith.subf %get3A_1440, %get3A_1445 : vector<16xf32>
        %mul3A_1447 = arith.mulf %sub3A_1446, %sub3A_1446 : vector<16xf32>
        %add3A_1448 = arith.addf %add3A_1360, %mul3A_1447 : vector<16xf32>
        %get3A_1449 = arith.index_cast %add3A_1018 : i32 to index
        %get3A_1450 = arith.constant 64 : index
        %get3A_1451 = tpu.vector_load %arg10[%get3A_1449, %get3A_1450] {strides = array<i32>} : memref<128x128xf32, #tpu.memory_space<vmem>>, vector<16xf32>,
        %add3A_1452 = arith.constant 64 : i32
        %add3A_1453 = arith.addi %add3A_1018, %add3A_1452 : i32
        %get3A_1454 = arith.index_cast %add3A_1453 : i32 to index
        %get3A_1455 = arith.constant 64 : index
        %get3A_1456 = tpu.vector_load %arg10[%get3A_1454, %get3A_1455] {strides = array<i32>} : memref<128x128xf32, #tpu.memory_space<vmem>>, vector<16xf32>,
        %sub3A_1457 = arith.subf %get3A_1451, %get3A_1456 : vector<16xf32>
        %mul3A_1458 = arith.mulf %sub3A_1457, %sub3A_1457 : vector<16xf32>
        %add3A_1459 = arith.addf %add3A_1371, %mul3A_1458 : vector<16xf32>
        %get3A_1460 = arith.index_cast %add3A_1024 : i32 to index
        %get3A_1461 = arith.constant 64 : index
        %get3A_1462 = tpu.vector_load %arg10[%get3A_1460, %get3A_1461] {strides = array<i32>} : memref<128x128xf32, #tpu.memory_space<vmem>>, vector<16xf32>,
        %add3A_1463 = arith.constant 64 : i32
        %add3A_1464 = arith.addi %add3A_1024, %add3A_1463 : i32
        %get3A_1465 = arith.index_cast %add3A_1464 : i32 to index
        %get3A_1466 = arith.constant 64 : index
        %get3A_1467 = tpu.vector_load %arg10[%get3A_1465, %get3A_1466] {strides = array<i32>} : memref<128x128xf32, #tpu.memory_space<vmem>>, vector<16xf32>,
        %sub3A_1468 = arith.subf %get3A_1462, %get3A_1467 : vector<16xf32>
        %mul3A_1469 = arith.mulf %sub3A_1468, %sub3A_1468 : vector<16xf32>
        %add3A_1470 = arith.addf %add3A_1382, %mul3A_1469 : vector<16xf32>
        %get3A_1471 = arith.index_cast %add3A_1030 : i32 to index
        %get3A_1472 = arith.constant 64 : index
        %get3A_1473 = tpu.vector_load %arg10[%get3A_1471, %get3A_1472] {strides = array<i32>} : memref<128x128xf32, #tpu.memory_space<vmem>>, vector<16xf32>,
        %add3A_1474 = arith.constant 64 : i32
        %add3A_1475 = arith.addi %add3A_1030, %add3A_1474 : i32
        %get3A_1476 = arith.index_cast %add3A_1475 : i32 to index
        %get3A_1477 = arith.constant 64 : index
        %get3A_1478 = tpu.vector_load %arg10[%get3A_1476, %get3A_1477] {strides = array<i32>} : memref<128x128xf32, #tpu.memory_space<vmem>>, vector<16xf32>,
        %sub3A_1479 = arith.subf %get3A_1473, %get3A_1478 : vector<16xf32>
        %mul3A_1480 = arith.mulf %sub3A_1479, %sub3A_1479 : vector<16xf32>
        %add3A_1481 = arith.addf %add3A_1393, %mul3A_1480 : vector<16xf32>
        %get3A_1482 = arith.index_cast %add3A_1036 : i32 to index
        %get3A_1483 = arith.constant 64 : index
        %get3A_1484 = tpu.vector_load %arg10[%get3A_1482, %get3A_1483] {strides = array<i32>} : memref<128x128xf32, #tpu.memory_space<vmem>>, vector<16xf32>,
        %add3A_1485 = arith.constant 64 : i32
        %add3A_1486 = arith.addi %add3A_1036, %add3A_1485 : i32
        %get3A_1487 = arith.index_cast %add3A_1486 : i32 to index
        %get3A_1488 = arith.constant 64 : index
        %get3A_1489 = tpu.vector_load %arg10[%get3A_1487, %get3A_1488] {strides = array<i32>} : memref<128x128xf32, #tpu.memory_space<vmem>>, vector<16xf32>,
        %sub3A_1490 = arith.subf %get3A_1484, %get3A_1489 : vector<16xf32>
        %mul3A_1491 = arith.mulf %sub3A_1490, %sub3A_1490 : vector<16xf32>
        %add3A_1492 = arith.addf %add3A_1404, %mul3A_1491 : vector<16xf32>
        %get3A_1493 = arith.index_cast %add3A_994 : i32 to index
        %get3A_1494 = arith.constant 80 : index
        %get3A_1495 = tpu.vector_load %arg10[%get3A_1493, %get3A_1494] {strides = array<i32>} : memref<128x128xf32, #tpu.memory_space<vmem>>, vector<16xf32>,
        %add3A_1496 = arith.constant 64 : i32
        %add3A_1497 = arith.addi %add3A_994, %add3A_1496 : i32
        %get3A_1498 = arith.index_cast %add3A_1497 : i32 to index
        %get3A_1499 = arith.constant 80 : index
        %get3A_1500 = tpu.vector_load %arg10[%get3A_1498, %get3A_1499] {strides = array<i32>} : memref<128x128xf32, #tpu.memory_space<vmem>>, vector<16xf32>,
        %sub3A_1501 = arith.subf %get3A_1495, %get3A_1500 : vector<16xf32>
        %mul3A_1502 = arith.mulf %sub3A_1501, %sub3A_1501 : vector<16xf32>
        %add3A_1503 = arith.addf %add3A_1415, %mul3A_1502 : vector<16xf32>
        %get3A_1504 = arith.index_cast %add3A_1000 : i32 to index
        %get3A_1505 = arith.constant 80 : index
        %get3A_1506 = tpu.vector_load %arg10[%get3A_1504, %get3A_1505] {strides = array<i32>} : memref<128x128xf32, #tpu.memory_space<vmem>>, vector<16xf32>,
        %add3A_1507 = arith.constant 64 : i32
        %add3A_1508 = arith.addi %add3A_1000, %add3A_1507 : i32
        %get3A_1509 = arith.index_cast %add3A_1508 : i32 to index
        %get3A_1510 = arith.constant 80 : index
        %get3A_1511 = tpu.vector_load %arg10[%get3A_1509, %get3A_1510] {strides = array<i32>} : memref<128x128xf32, #tpu.memory_space<vmem>>, vector<16xf32>,
        %sub3A_1512 = arith.subf %get3A_1506, %get3A_1511 : vector<16xf32>
        %mul3A_1513 = arith.mulf %sub3A_1512, %sub3A_1512 : vector<16xf32>
        %add3A_1514 = arith.addf %add3A_1426, %mul3A_1513 : vector<16xf32>
        %get3A_1515 = arith.index_cast %add3A_1006 : i32 to index
        %get3A_1516 = arith.constant 80 : index
        %get3A_1517 = tpu.vector_load %arg10[%get3A_1515, %get3A_1516] {strides = array<i32>} : memref<128x128xf32, #tpu.memory_space<vmem>>, vector<16xf32>,
        %add3A_1518 = arith.constant 64 : i32
        %add3A_1519 = arith.addi %add3A_1006, %add3A_1518 : i32
        %get3A_1520 = arith.index_cast %add3A_1519 : i32 to index
        %get3A_1521 = arith.constant 80 : index
        %get3A_1522 = tpu.vector_load %arg10[%get3A_1520, %get3A_1521] {strides = array<i32>} : memref<128x128xf32, #tpu.memory_space<vmem>>, vector<16xf32>,
        %sub3A_1523 = arith.subf %get3A_1517, %get3A_1522 : vector<16xf32>
        %mul3A_1524 = arith.mulf %sub3A_1523, %sub3A_1523 : vector<16xf32>
        %add3A_1525 = arith.addf %add3A_1437, %mul3A_1524 : vector<16xf32>
        %get3A_1526 = arith.index_cast %add3A_1012 : i32 to index
        %get3A_1527 = arith.constant 80 : index
        %get3A_1528 = tpu.vector_load %arg10[%get3A_1526, %get3A_1527] {strides = array<i32>} : memref<128x128xf32, #tpu.memory_space<vmem>>, vector<16xf32>,
        %add3A_1529 = arith.constant 64 : i32
        %add3A_1530 = arith.addi %add3A_1012, %add3A_1529 : i32
        %get3A_1531 = arith.index_cast %add3A_1530 : i32 to index
        %get3A_1532 = arith.constant 80 : index
        %get3A_1533 = tpu.vector_load %arg10[%get3A_1531, %get3A_1532] {strides = array<i32>} : memref<128x128xf32, #tpu.memory_space<vmem>>, vector<16xf32>,
        %sub3A_1534 = arith.subf %get3A_1528, %get3A_1533 : vector<16xf32>
        %mul3A_1535 = arith.mulf %sub3A_1534, %sub3A_1534 : vector<16xf32>
        %add3A_1536 = arith.addf %add3A_1448, %mul3A_1535 : vector<16xf32>
        %get3A_1537 = arith.index_cast %add3A_1018 : i32 to index
        %get3A_1538 = arith.constant 80 : index
        %get3A_1539 = tpu.vector_load %arg10[%get3A_1537, %get3A_1538] {strides = array<i32>} : memref<128x128xf32, #tpu.memory_space<vmem>>, vector<16xf32>,
        %add3A_1540 = arith.constant 64 : i32
        %add3A_1541 = arith.addi %add3A_1018, %add3A_1540 : i32
        %get3A_1542 = arith.index_cast %add3A_1541 : i32 to index
        %get3A_1543 = arith.constant 80 : index
        %get3A_1544 = tpu.vector_load %arg10[%get3A_1542, %get3A_1543] {strides = array<i32>} : memref<128x128xf32, #tpu.memory_space<vmem>>, vector<16xf32>,
        %sub3A_1545 = arith.subf %get3A_1539, %get3A_1544 : vector<16xf32>
        %mul3A_1546 = arith.mulf %sub3A_1545, %sub3A_1545 : vector<16xf32>
        %add3A_1547 = arith.addf %add3A_1459, %mul3A_1546 : vector<16xf32>
        %get3A_1548 = arith.index_cast %add3A_1024 : i32 to index
        %get3A_1549 = arith.constant 80 : index
        %get3A_1550 = tpu.vector_load %arg10[%get3A_1548, %get3A_1549] {strides = array<i32>} : memref<128x128xf32, #tpu.memory_space<vmem>>, vector<16xf32>,
        %add3A_1551 = arith.constant 64 : i32
        %add3A_1552 = arith.addi %add3A_1024, %add3A_1551 : i32
        %get3A_1553 = arith.index_cast %add3A_1552 : i32 to index
        %get3A_1554 = arith.constant 80 : index
        %get3A_1555 = tpu.vector_load %arg10[%get3A_1553, %get3A_1554] {strides = array<i32>} : memref<128x128xf32, #tpu.memory_space<vmem>>, vector<16xf32>,
        %sub3A_1556 = arith.subf %get3A_1550, %get3A_1555 : vector<16xf32>
        %mul3A_1557 = arith.mulf %sub3A_1556, %sub3A_1556 : vector<16xf32>
        %add3A_1558 = arith.addf %add3A_1470, %mul3A_1557 : vector<16xf32>
        %get3A_1559 = arith.index_cast %add3A_1030 : i32 to index
        %get3A_1560 = arith.constant 80 : index
        %get3A_1561 = tpu.vector_load %arg10[%get3A_1559, %get3A_1560] {strides = array<i32>} : memref<128x128xf32, #tpu.memory_space<vmem>>, vector<16xf32>,
        %add3A_1562 = arith.constant 64 : i32
        %add3A_1563 = arith.addi %add3A_1030, %add3A_1562 : i32
        %get3A_1564 = arith.index_cast %add3A_1563 : i32 to index
        %get3A_1565 = arith.constant 80 : index
        %get3A_1566 = tpu.vector_load %arg10[%get3A_1564, %get3A_1565] {strides = array<i32>} : memref<128x128xf32, #tpu.memory_space<vmem>>, vector<16xf32>,
        %sub3A_1567 = arith.subf %get3A_1561, %get3A_1566 : vector<16xf32>
        %mul3A_1568 = arith.mulf %sub3A_1567, %sub3A_1567 : vector<16xf32>
        %add3A_1569 = arith.addf %add3A_1481, %mul3A_1568 : vector<16xf32>
        %get3A_1570 = arith.index_cast %add3A_1036 : i32 to index
        %get3A_1571 = arith.constant 80 : index
        %get3A_1572 = tpu.vector_load %arg10[%get3A_1570, %get3A_1571] {strides = array<i32>} : memref<128x128xf32, #tpu.memory_space<vmem>>, vector<16xf32>,
        %add3A_1573 = arith.constant 64 : i32
        %add3A_1574 = arith.addi %add3A_1036, %add3A_1573 : i32
        %get3A_1575 = arith.index_cast %add3A_1574 : i32 to index
        %get3A_1576 = arith.constant 80 : index
        %get3A_1577 = tpu.vector_load %arg10[%get3A_1575, %get3A_1576] {strides = array<i32>} : memref<128x128xf32, #tpu.memory_space<vmem>>, vector<16xf32>,
        %sub3A_1578 = arith.subf %get3A_1572, %get3A_1577 : vector<16xf32>
        %mul3A_1579 = arith.mulf %sub3A_1578, %sub3A_1578 : vector<16xf32>
        %add3A_1580 = arith.addf %add3A_1492, %mul3A_1579 : vector<16xf32>
        %get3A_1581 = arith.index_cast %add3A_994 : i32 to index
        %get3A_1582 = arith.constant 96 : index
        %get3A_1583 = tpu.vector_load %arg10[%get3A_1581, %get3A_1582] {strides = array<i32>} : memref<128x128xf32, #tpu.memory_space<vmem>>, vector<16xf32>,
        %add3A_1584 = arith.constant 64 : i32
        %add3A_1585 = arith.addi %add3A_994, %add3A_1584 : i32
        %get3A_1586 = arith.index_cast %add3A_1585 : i32 to index
        %get3A_1587 = arith.constant 96 : index
        %get3A_1588 = tpu.vector_load %arg10[%get3A_1586, %get3A_1587] {strides = array<i32>} : memref<128x128xf32, #tpu.memory_space<vmem>>, vector<16xf32>,
        %sub3A_1589 = arith.subf %get3A_1583, %get3A_1588 : vector<16xf32>
        %mul3A_1590 = arith.mulf %sub3A_1589, %sub3A_1589 : vector<16xf32>
        %add3A_1591 = arith.addf %add3A_1503, %mul3A_1590 : vector<16xf32>
        %get3A_1592 = arith.index_cast %add3A_1000 : i32 to index
        %get3A_1593 = arith.constant 96 : index
        %get3A_1594 = tpu.vector_load %arg10[%get3A_1592, %get3A_1593] {strides = array<i32>} : memref<128x128xf32, #tpu.memory_space<vmem>>, vector<16xf32>,
        %add3A_1595 = arith.constant 64 : i32
        %add3A_1596 = arith.addi %add3A_1000, %add3A_1595 : i32
        %get3A_1597 = arith.index_cast %add3A_1596 : i32 to index
        %get3A_1598 = arith.constant 96 : index
        %get3A_1599 = tpu.vector_load %arg10[%get3A_1597, %get3A_1598] {strides = array<i32>} : memref<128x128xf32, #tpu.memory_space<vmem>>, vector<16xf32>,
        %sub3A_1600 = arith.subf %get3A_1594, %get3A_1599 : vector<16xf32>
        %mul3A_1601 = arith.mulf %sub3A_1600, %sub3A_1600 : vector<16xf32>
        %add3A_1602 = arith.addf %add3A_1514, %mul3A_1601 : vector<16xf32>
        %get3A_1603 = arith.index_cast %add3A_1006 : i32 to index
        %get3A_1604 = arith.constant 96 : index
        %get3A_1605 = tpu.vector_load %arg10[%get3A_1603, %get3A_1604] {strides = array<i32>} : memref<128x128xf32, #tpu.memory_space<vmem>>, vector<16xf32>,
        %add3A_1606 = arith.constant 64 : i32
        %add3A_1607 = arith.addi %add3A_1006, %add3A_1606 : i32
        %get3A_1608 = arith.index_cast %add3A_1607 : i32 to index
        %get3A_1609 = arith.constant 96 : index
        %get3A_1610 = tpu.vector_load %arg10[%get3A_1608, %get3A_1609] {strides = array<i32>} : memref<128x128xf32, #tpu.memory_space<vmem>>, vector<16xf32>,
        %sub3A_1611 = arith.subf %get3A_1605, %get3A_1610 : vector<16xf32>
        %mul3A_1612 = arith.mulf %sub3A_1611, %sub3A_1611 : vector<16xf32>
        %add3A_1613 = arith.addf %add3A_1525, %mul3A_1612 : vector<16xf32>
        %get3A_1614 = arith.index_cast %add3A_1012 : i32 to index
        %get3A_1615 = arith.constant 96 : index
        %get3A_1616 = tpu.vector_load %arg10[%get3A_1614, %get3A_1615] {strides = array<i32>} : memref<128x128xf32, #tpu.memory_space<vmem>>, vector<16xf32>,
        %add3A_1617 = arith.constant 64 : i32
        %add3A_1618 = arith.addi %add3A_1012, %add3A_1617 : i32
        %get3A_1619 = arith.index_cast %add3A_1618 : i32 to index
        %get3A_1620 = arith.constant 96 : index
        %get3A_1621 = tpu.vector_load %arg10[%get3A_1619, %get3A_1620] {strides = array<i32>} : memref<128x128xf32, #tpu.memory_space<vmem>>, vector<16xf32>,
        %sub3A_1622 = arith.subf %get3A_1616, %get3A_1621 : vector<16xf32>
        %mul3A_1623 = arith.mulf %sub3A_1622, %sub3A_1622 : vector<16xf32>
        %add3A_1624 = arith.addf %add3A_1536, %mul3A_1623 : vector<16xf32>
        %get3A_1625 = arith.index_cast %add3A_1018 : i32 to index
        %get3A_1626 = arith.constant 96 : index
        %get3A_1627 = tpu.vector_load %arg10[%get3A_1625, %get3A_1626] {strides = array<i32>} : memref<128x128xf32, #tpu.memory_space<vmem>>, vector<16xf32>,
        %add3A_1628 = arith.constant 64 : i32
        %add3A_1629 = arith.addi %add3A_1018, %add3A_1628 : i32
        %get3A_1630 = arith.index_cast %add3A_1629 : i32 to index
        %get3A_1631 = arith.constant 96 : index
        %get3A_1632 = tpu.vector_load %arg10[%get3A_1630, %get3A_1631] {strides = array<i32>} : memref<128x128xf32, #tpu.memory_space<vmem>>, vector<16xf32>,
        %sub3A_1633 = arith.subf %get3A_1627, %get3A_1632 : vector<16xf32>
        %mul3A_1634 = arith.mulf %sub3A_1633, %sub3A_1633 : vector<16xf32>
        %add3A_1635 = arith.addf %add3A_1547, %mul3A_1634 : vector<16xf32>
        %get3A_1636 = arith.index_cast %add3A_1024 : i32 to index
        %get3A_1637 = arith.constant 96 : index
        %get3A_1638 = tpu.vector_load %arg10[%get3A_1636, %get3A_1637] {strides = array<i32>} : memref<128x128xf32, #tpu.memory_space<vmem>>, vector<16xf32>,
        %add3A_1639 = arith.constant 64 : i32
        %add3A_1640 = arith.addi %add3A_1024, %add3A_1639 : i32
        %get3A_1641 = arith.index_cast %add3A_1640 : i32 to index
        %get3A_1642 = arith.constant 96 : index
        %get3A_1643 = tpu.vector_load %arg10[%get3A_1641, %get3A_1642] {strides = array<i32>} : memref<128x128xf32, #tpu.memory_space<vmem>>, vector<16xf32>,
        %sub3A_1644 = arith.subf %get3A_1638, %get3A_1643 : vector<16xf32>
        %mul3A_1645 = arith.mulf %sub3A_1644, %sub3A_1644 : vector<16xf32>
        %add3A_1646 = arith.addf %add3A_1558, %mul3A_1645 : vector<16xf32>
        %get3A_1647 = arith.index_cast %add3A_1030 : i32 to index
        %get3A_1648 = arith.constant 96 : index
        %get3A_1649 = tpu.vector_load %arg10[%get3A_1647, %get3A_1648] {strides = array<i32>} : memref<128x128xf32, #tpu.memory_space<vmem>>, vector<16xf32>,
        %add3A_1650 = arith.constant 64 : i32
        %add3A_1651 = arith.addi %add3A_1030, %add3A_1650 : i32
        %get3A_1652 = arith.index_cast %add3A_1651 : i32 to index
        %get3A_1653 = arith.constant 96 : index
        %get3A_1654 = tpu.vector_load %arg10[%get3A_1652, %get3A_1653] {strides = array<i32>} : memref<128x128xf32, #tpu.memory_space<vmem>>, vector<16xf32>,
        %sub3A_1655 = arith.subf %get3A_1649, %get3A_1654 : vector<16xf32>
        %mul3A_1656 = arith.mulf %sub3A_1655, %sub3A_1655 : vector<16xf32>
        %add3A_1657 = arith.addf %add3A_1569, %mul3A_1656 : vector<16xf32>
        %get3A_1658 = arith.index_cast %add3A_1036 : i32 to index
        %get3A_1659 = arith.constant 96 : index
        %get3A_1660 = tpu.vector_load %arg10[%get3A_1658, %get3A_1659] {strides = array<i32>} : memref<128x128xf32, #tpu.memory_space<vmem>>, vector<16xf32>,
        %add3A_1661 = arith.constant 64 : i32
        %add3A_1662 = arith.addi %add3A_1036, %add3A_1661 : i32
        %get3A_1663 = arith.index_cast %add3A_1662 : i32 to index
        %get3A_1664 = arith.constant 96 : index
        %get3A_1665 = tpu.vector_load %arg10[%get3A_1663, %get3A_1664] {strides = array<i32>} : memref<128x128xf32, #tpu.memory_space<vmem>>, vector<16xf32>,
        %sub3A_1666 = arith.subf %get3A_1660, %get3A_1665 : vector<16xf32>
        %mul3A_1667 = arith.mulf %sub3A_1666, %sub3A_1666 : vector<16xf32>
        %add3A_1668 = arith.addf %add3A_1580, %mul3A_1667 : vector<16xf32>
        %get3A_1669 = arith.index_cast %add3A_994 : i32 to index
        %get3A_1670 = arith.constant 112 : index
        %get3A_1671 = tpu.vector_load %arg10[%get3A_1669, %get3A_1670] {strides = array<i32>} : memref<128x128xf32, #tpu.memory_space<vmem>>, vector<16xf32>,
        %add3A_1672 = arith.constant 64 : i32
        %add3A_1673 = arith.addi %add3A_994, %add3A_1672 : i32
        %get3A_1674 = arith.index_cast %add3A_1673 : i32 to index
        %get3A_1675 = arith.constant 112 : index
        %get3A_1676 = tpu.vector_load %arg10[%get3A_1674, %get3A_1675] {strides = array<i32>} : memref<128x128xf32, #tpu.memory_space<vmem>>, vector<16xf32>,
        %sub3A_1677 = arith.subf %get3A_1671, %get3A_1676 : vector<16xf32>
        %mul3A_1678 = arith.mulf %sub3A_1677, %sub3A_1677 : vector<16xf32>
        %add3A_1679 = arith.addf %add3A_1591, %mul3A_1678 : vector<16xf32>
        %get3A_1680 = arith.index_cast %add3A_1000 : i32 to index
        %get3A_1681 = arith.constant 112 : index
        %get3A_1682 = tpu.vector_load %arg10[%get3A_1680, %get3A_1681] {strides = array<i32>} : memref<128x128xf32, #tpu.memory_space<vmem>>, vector<16xf32>,
        %add3A_1683 = arith.constant 64 : i32
        %add3A_1684 = arith.addi %add3A_1000, %add3A_1683 : i32
        %get3A_1685 = arith.index_cast %add3A_1684 : i32 to index
        %get3A_1686 = arith.constant 112 : index
        %get3A_1687 = tpu.vector_load %arg10[%get3A_1685, %get3A_1686] {strides = array<i32>} : memref<128x128xf32, #tpu.memory_space<vmem>>, vector<16xf32>,
        %sub3A_1688 = arith.subf %get3A_1682, %get3A_1687 : vector<16xf32>
        %mul3A_1689 = arith.mulf %sub3A_1688, %sub3A_1688 : vector<16xf32>
        %add3A_1690 = arith.addf %add3A_1602, %mul3A_1689 : vector<16xf32>
        %get3A_1691 = arith.index_cast %add3A_1006 : i32 to index
        %get3A_1692 = arith.constant 112 : index
        %get3A_1693 = tpu.vector_load %arg10[%get3A_1691, %get3A_1692] {strides = array<i32>} : memref<128x128xf32, #tpu.memory_space<vmem>>, vector<16xf32>,
        %add3A_1694 = arith.constant 64 : i32
        %add3A_1695 = arith.addi %add3A_1006, %add3A_1694 : i32
        %get3A_1696 = arith.index_cast %add3A_1695 : i32 to index
        %get3A_1697 = arith.constant 112 : index
        %get3A_1698 = tpu.vector_load %arg10[%get3A_1696, %get3A_1697] {strides = array<i32>} : memref<128x128xf32, #tpu.memory_space<vmem>>, vector<16xf32>,
        %sub3A_1699 = arith.subf %get3A_1693, %get3A_1698 : vector<16xf32>
        %mul3A_1700 = arith.mulf %sub3A_1699, %sub3A_1699 : vector<16xf32>
        %add3A_1701 = arith.addf %add3A_1613, %mul3A_1700 : vector<16xf32>
        %get3A_1702 = arith.index_cast %add3A_1012 : i32 to index
        %get3A_1703 = arith.constant 112 : index
        %get3A_1704 = tpu.vector_load %arg10[%get3A_1702, %get3A_1703] {strides = array<i32>} : memref<128x128xf32, #tpu.memory_space<vmem>>, vector<16xf32>,
        %add3A_1705 = arith.constant 64 : i32
        %add3A_1706 = arith.addi %add3A_1012, %add3A_1705 : i32
        %get3A_1707 = arith.index_cast %add3A_1706 : i32 to index
        %get3A_1708 = arith.constant 112 : index
        %get3A_1709 = tpu.vector_load %arg10[%get3A_1707, %get3A_1708] {strides = array<i32>} : memref<128x128xf32, #tpu.memory_space<vmem>>, vector<16xf32>,
        %sub3A_1710 = arith.subf %get3A_1704, %get3A_1709 : vector<16xf32>
        %mul3A_1711 = arith.mulf %sub3A_1710, %sub3A_1710 : vector<16xf32>
        %add3A_1712 = arith.addf %add3A_1624, %mul3A_1711 : vector<16xf32>
        %get3A_1713 = arith.index_cast %add3A_1018 : i32 to index
        %get3A_1714 = arith.constant 112 : index
        %get3A_1715 = tpu.vector_load %arg10[%get3A_1713, %get3A_1714] {strides = array<i32>} : memref<128x128xf32, #tpu.memory_space<vmem>>, vector<16xf32>,
        %add3A_1716 = arith.constant 64 : i32
        %add3A_1717 = arith.addi %add3A_1018, %add3A_1716 : i32
        %get3A_1718 = arith.index_cast %add3A_1717 : i32 to index
        %get3A_1719 = arith.constant 112 : index
        %get3A_1720 = tpu.vector_load %arg10[%get3A_1718, %get3A_1719] {strides = array<i32>} : memref<128x128xf32, #tpu.memory_space<vmem>>, vector<16xf32>,
        %sub3A_1721 = arith.subf %get3A_1715, %get3A_1720 : vector<16xf32>
        %mul3A_1722 = arith.mulf %sub3A_1721, %sub3A_1721 : vector<16xf32>
        %add3A_1723 = arith.addf %add3A_1635, %mul3A_1722 : vector<16xf32>
        %get3A_1724 = arith.index_cast %add3A_1024 : i32 to index
        %get3A_1725 = arith.constant 112 : index
        %get3A_1726 = tpu.vector_load %arg10[%get3A_1724, %get3A_1725] {strides = array<i32>} : memref<128x128xf32, #tpu.memory_space<vmem>>, vector<16xf32>,
        %add3A_1727 = arith.constant 64 : i32
        %add3A_1728 = arith.addi %add3A_1024, %add3A_1727 : i32
        %get3A_1729 = arith.index_cast %add3A_1728 : i32 to index
        %get3A_1730 = arith.constant 112 : index
        %get3A_1731 = tpu.vector_load %arg10[%get3A_1729, %get3A_1730] {strides = array<i32>} : memref<128x128xf32, #tpu.memory_space<vmem>>, vector<16xf32>,
        %sub3A_1732 = arith.subf %get3A_1726, %get3A_1731 : vector<16xf32>
        %mul3A_1733 = arith.mulf %sub3A_1732, %sub3A_1732 : vector<16xf32>
        %add3A_1734 = arith.addf %add3A_1646, %mul3A_1733 : vector<16xf32>
        %get3A_1735 = arith.index_cast %add3A_1030 : i32 to index
        %get3A_1736 = arith.constant 112 : index
        %get3A_1737 = tpu.vector_load %arg10[%get3A_1735, %get3A_1736] {strides = array<i32>} : memref<128x128xf32, #tpu.memory_space<vmem>>, vector<16xf32>,
        %add3A_1738 = arith.constant 64 : i32
        %add3A_1739 = arith.addi %add3A_1030, %add3A_1738 : i32
        %get3A_1740 = arith.index_cast %add3A_1739 : i32 to index
        %get3A_1741 = arith.constant 112 : index
        %get3A_1742 = tpu.vector_load %arg10[%get3A_1740, %get3A_1741] {strides = array<i32>} : memref<128x128xf32, #tpu.memory_space<vmem>>, vector<16xf32>,
        %sub3A_1743 = arith.subf %get3A_1737, %get3A_1742 : vector<16xf32>
        %mul3A_1744 = arith.mulf %sub3A_1743, %sub3A_1743 : vector<16xf32>
        %add3A_1745 = arith.addf %add3A_1657, %mul3A_1744 : vector<16xf32>
        %get3A_1746 = arith.index_cast %add3A_1036 : i32 to index
        %get3A_1747 = arith.constant 112 : index
        %get3A_1748 = tpu.vector_load %arg10[%get3A_1746, %get3A_1747] {strides = array<i32>} : memref<128x128xf32, #tpu.memory_space<vmem>>, vector<16xf32>,
        %add3A_1749 = arith.constant 64 : i32
        %add3A_1750 = arith.addi %add3A_1036, %add3A_1749 : i32
        %get3A_1751 = arith.index_cast %add3A_1750 : i32 to index
        %get3A_1752 = arith.constant 112 : index
        %get3A_1753 = tpu.vector_load %arg10[%get3A_1751, %get3A_1752] {strides = array<i32>} : memref<128x128xf32, #tpu.memory_space<vmem>>, vector<16xf32>,
        %sub3A_1754 = arith.subf %get3A_1748, %get3A_1753 : vector<16xf32>
        %mul3A_1755 = arith.mulf %sub3A_1754, %sub3A_1754 : vector<16xf32>
        %add3A_1756 = arith.addf %add3A_1668, %mul3A_1755 : vector<16xf32>
        %swap3A_1757 = arith.constant 8 : i32
        %swap3A_1758 = arith.index_cast %swap3A_1757 : i32 to index
        %swap3A_1759 = arith.constant 0 : index
        %swap3A_1760 = tpu.vector_load %arg13[%swap3A_1758, %swap3A_1759] {strides = array<i32>} : memref<16x17xf32, #tpu.memory_space<vmem>>, vector<16xf32>,
        tpu.vector_store %arg13[%swap3A_1758, %swap3A_1759], %add3A_1679 {strides = array<i32>} : memref<16x17xf32, #tpu.memory_space<vmem>>, vector<16xf32>,
        %swap3A_1761 = arith.constant 9 : i32
        %swap3A_1762 = arith.index_cast %swap3A_1761 : i32 to index
        %swap3A_1763 = arith.constant 0 : index
        %swap3A_1764 = tpu.vector_load %arg13[%swap3A_1762, %swap3A_1763] {strides = array<i32>} : memref<16x17xf32, #tpu.memory_space<vmem>>, vector<16xf32>,
        tpu.vector_store %arg13[%swap3A_1762, %swap3A_1763], %add3A_1690 {strides = array<i32>} : memref<16x17xf32, #tpu.memory_space<vmem>>, vector<16xf32>,
        %swap3A_1765 = arith.constant 10 : i32
        %swap3A_1766 = arith.index_cast %swap3A_1765 : i32 to index
        %swap3A_1767 = arith.constant 0 : index
        %swap3A_1768 = tpu.vector_load %arg13[%swap3A_1766, %swap3A_1767] {strides = array<i32>} : memref<16x17xf32, #tpu.memory_space<vmem>>, vector<16xf32>,
        tpu.vector_store %arg13[%swap3A_1766, %swap3A_1767], %add3A_1701 {strides = array<i32>} : memref<16x17xf32, #tpu.memory_space<vmem>>, vector<16xf32>,
        %swap3A_1769 = arith.constant 11 : i32
        %swap3A_1770 = arith.index_cast %swap3A_1769 : i32 to index
        %swap3A_1771 = arith.constant 0 : index
        %swap3A_1772 = tpu.vector_load %arg13[%swap3A_1770, %swap3A_1771] {strides = array<i32>} : memref<16x17xf32, #tpu.memory_space<vmem>>, vector<16xf32>,
        tpu.vector_store %arg13[%swap3A_1770, %swap3A_1771], %add3A_1712 {strides = array<i32>} : memref<16x17xf32, #tpu.memory_space<vmem>>, vector<16xf32>,
        %swap3A_1773 = arith.constant 12 : i32
        %swap3A_1774 = arith.index_cast %swap3A_1773 : i32 to index
        %swap3A_1775 = arith.constant 0 : index
        %swap3A_1776 = tpu.vector_load %arg13[%swap3A_1774, %swap3A_1775] {strides = array<i32>} : memref<16x17xf32, #tpu.memory_space<vmem>>, vector<16xf32>,
        tpu.vector_store %arg13[%swap3A_1774, %swap3A_1775], %add3A_1723 {strides = array<i32>} : memref<16x17xf32, #tpu.memory_space<vmem>>, vector<16xf32>,
        %swap3A_1777 = arith.constant 13 : i32
        %swap3A_1778 = arith.index_cast %swap3A_1777 : i32 to index
        %swap3A_1779 = arith.constant 0 : index
        %swap3A_1780 = tpu.vector_load %arg13[%swap3A_1778, %swap3A_1779] {strides = array<i32>} : memref<16x17xf32, #tpu.memory_space<vmem>>, vector<16xf32>,
        tpu.vector_store %arg13[%swap3A_1778, %swap3A_1779], %add3A_1734 {strides = array<i32>} : memref<16x17xf32, #tpu.memory_space<vmem>>, vector<16xf32>,
        %swap3A_1781 = arith.constant 14 : i32
        %swap3A_1782 = arith.index_cast %swap3A_1781 : i32 to index
        %swap3A_1783 = arith.constant 0 : index
        %swap3A_1784 = tpu.vector_load %arg13[%swap3A_1782, %swap3A_1783] {strides = array<i32>} : memref<16x17xf32, #tpu.memory_space<vmem>>, vector<16xf32>,
        tpu.vector_store %arg13[%swap3A_1782, %swap3A_1783], %add3A_1745 {strides = array<i32>} : memref<16x17xf32, #tpu.memory_space<vmem>>, vector<16xf32>,
        %swap3A_1785 = arith.constant 15 : i32
        %swap3A_1786 = arith.index_cast %swap3A_1785 : i32 to index
        %swap3A_1787 = arith.constant 0 : index
        %swap3A_1788 = tpu.vector_load %arg13[%swap3A_1786, %swap3A_1787] {strides = array<i32>} : memref<16x17xf32, #tpu.memory_space<vmem>>, vector<16xf32>,
        tpu.vector_store %arg13[%swap3A_1786, %swap3A_1787], %add3A_1756 {strides = array<i32>} : memref<16x17xf32, #tpu.memory_space<vmem>>, vector<16xf32>,
        %broadcast_in_dim3A_1789 = arith.constant 0.000000e+00 : f32
        %broadcast_in_dim3A_1790 = vector.broadcast %broadcast_in_dim3A_1789 : f32 to vector<16xf32>
        %broadcast_in_dim3A_1791 = arith.constant 0 : i32
        %broadcast_in_dim3A_1792 = vector.broadcast %broadcast_in_dim3A_1791 : i32 to vector<16xi32>
        %gather3A = tpu.vector_load_idx %arg13[%iota3A, %broadcast_in_dim3A_1792] : memref<16x17xf32, #tpu.memory_space<vmem>>[vector<16xi32>, vector<16xi32>], vector<16xf32>,
        %add3A_1793 = arith.addf %broadcast_in_dim3A_1790, %gather3A : vector<16xf32>
        %broadcast_in_dim3A_1794 = arith.constant 1 : i32
        %broadcast_in_dim3A_1795 = vector.broadcast %broadcast_in_dim3A_1794 : i32 to vector<16xi32>
        %gather3A_1796 = tpu.vector_load_idx %arg13[%iota3A, %broadcast_in_dim3A_1795] : memref<16x17xf32, #tpu.memory_space<vmem>>[vector<16xi32>, vector<16xi32>], vector<16xf32>,
        %add3A_1797 = arith.addf %add3A_1793, %gather3A_1796 : vector<16xf32>
        %broadcast_in_dim3A_1798 = arith.constant 2 : i32
        %broadcast_in_dim3A_1799 = vector.broadcast %broadcast_in_dim3A_1798 : i32 to vector<16xi32>
        %gather3A_1800 = tpu.vector_load_idx %arg13[%iota3A, %broadcast_in_dim3A_1799] : memref<16x17xf32, #tpu.memory_space<vmem>>[vector<16xi32>, vector<16xi32>], vector<16xf32>,
        %add3A_1801 = arith.addf %add3A_1797, %gather3A_1800 : vector<16xf32>
        %broadcast_in_dim3A_1802 = arith.constant 3 : i32
        %broadcast_in_dim3A_1803 = vector.broadcast %broadcast_in_dim3A_1802 : i32 to vector<16xi32>
        %gather3A_1804 = tpu.vector_load_idx %arg13[%iota3A, %broadcast_in_dim3A_1803] : memref<16x17xf32, #tpu.memory_space<vmem>>[vector<16xi32>, vector<16xi32>], vector<16xf32>,
        %add3A_1805 = arith.addf %add3A_1801, %gather3A_1804 : vector<16xf32>
        %broadcast_in_dim3A_1806 = arith.constant 4 : i32
        %broadcast_in_dim3A_1807 = vector.broadcast %broadcast_in_dim3A_1806 : i32 to vector<16xi32>
        %gather3A_1808 = tpu.vector_load_idx %arg13[%iota3A, %broadcast_in_dim3A_1807] : memref<16x17xf32, #tpu.memory_space<vmem>>[vector<16xi32>, vector<16xi32>], vector<16xf32>,
        %add3A_1809 = arith.addf %add3A_1805, %gather3A_1808 : vector<16xf32>
        %broadcast_in_dim3A_1810 = arith.constant 5 : i32
        %broadcast_in_dim3A_1811 = vector.broadcast %broadcast_in_dim3A_1810 : i32 to vector<16xi32>
        %gather3A_1812 = tpu.vector_load_idx %arg13[%iota3A, %broadcast_in_dim3A_1811] : memref<16x17xf32, #tpu.memory_space<vmem>>[vector<16xi32>, vector<16xi32>], vector<16xf32>,
        %add3A_1813 = arith.addf %add3A_1809, %gather3A_1812 : vector<16xf32>
        %broadcast_in_dim3A_1814 = arith.constant 6 : i32
        %broadcast_in_dim3A_1815 = vector.broadcast %broadcast_in_dim3A_1814 : i32 to vector<16xi32>
        %gather3A_1816 = tpu.vector_load_idx %arg13[%iota3A, %broadcast_in_dim3A_1815] : memref<16x17xf32, #tpu.memory_space<vmem>>[vector<16xi32>, vector<16xi32>], vector<16xf32>,
        %add3A_1817 = arith.addf %add3A_1813, %gather3A_1816 : vector<16xf32>
        %broadcast_in_dim3A_1818 = arith.constant 7 : i32
        %broadcast_in_dim3A_1819 = vector.broadcast %broadcast_in_dim3A_1818 : i32 to vector<16xi32>
        %gather3A_1820 = tpu.vector_load_idx %arg13[%iota3A, %broadcast_in_dim3A_1819] : memref<16x17xf32, #tpu.memory_space<vmem>>[vector<16xi32>, vector<16xi32>], vector<16xf32>,
        %add3A_1821 = arith.addf %add3A_1817, %gather3A_1820 : vector<16xf32>
        %broadcast_in_dim3A_1822 = arith.constant 8 : i32
        %broadcast_in_dim3A_1823 = vector.broadcast %broadcast_in_dim3A_1822 : i32 to vector<16xi32>
        %gather3A_1824 = tpu.vector_load_idx %arg13[%iota3A, %broadcast_in_dim3A_1823] : memref<16x17xf32, #tpu.memory_space<vmem>>[vector<16xi32>, vector<16xi32>], vector<16xf32>,
        %add3A_1825 = arith.addf %add3A_1821, %gather3A_1824 : vector<16xf32>
        %broadcast_in_dim3A_1826 = arith.constant 9 : i32
        %broadcast_in_dim3A_1827 = vector.broadcast %broadcast_in_dim3A_1826 : i32 to vector<16xi32>
        %gather3A_1828 = tpu.vector_load_idx %arg13[%iota3A, %broadcast_in_dim3A_1827] : memref<16x17xf32, #tpu.memory_space<vmem>>[vector<16xi32>, vector<16xi32>], vector<16xf32>,
        %add3A_1829 = arith.addf %add3A_1825, %gather3A_1828 : vector<16xf32>
        %broadcast_in_dim3A_1830 = arith.constant 10 : i32
        %broadcast_in_dim3A_1831 = vector.broadcast %broadcast_in_dim3A_1830 : i32 to vector<16xi32>
        %gather3A_1832 = tpu.vector_load_idx %arg13[%iota3A, %broadcast_in_dim3A_1831] : memref<16x17xf32, #tpu.memory_space<vmem>>[vector<16xi32>, vector<16xi32>], vector<16xf32>,
        %add3A_1833 = arith.addf %add3A_1829, %gather3A_1832 : vector<16xf32>
        %broadcast_in_dim3A_1834 = arith.constant 11 : i32
        %broadcast_in_dim3A_1835 = vector.broadcast %broadcast_in_dim3A_1834 : i32 to vector<16xi32>
        %gather3A_1836 = tpu.vector_load_idx %arg13[%iota3A, %broadcast_in_dim3A_1835] : memref<16x17xf32, #tpu.memory_space<vmem>>[vector<16xi32>, vector<16xi32>], vector<16xf32>,
        %add3A_1837 = arith.addf %add3A_1833, %gather3A_1836 : vector<16xf32>
        %broadcast_in_dim3A_1838 = arith.constant 12 : i32
        %broadcast_in_dim3A_1839 = vector.broadcast %broadcast_in_dim3A_1838 : i32 to vector<16xi32>
        %gather3A_1840 = tpu.vector_load_idx %arg13[%iota3A, %broadcast_in_dim3A_1839] : memref<16x17xf32, #tpu.memory_space<vmem>>[vector<16xi32>, vector<16xi32>], vector<16xf32>,
        %add3A_1841 = arith.addf %add3A_1837, %gather3A_1840 : vector<16xf32>
        %broadcast_in_dim3A_1842 = arith.constant 13 : i32
        %broadcast_in_dim3A_1843 = vector.broadcast %broadcast_in_dim3A_1842 : i32 to vector<16xi32>
        %gather3A_1844 = tpu.vector_load_idx %arg13[%iota3A, %broadcast_in_dim3A_1843] : memref<16x17xf32, #tpu.memory_space<vmem>>[vector<16xi32>, vector<16xi32>], vector<16xf32>,
        %add3A_1845 = arith.addf %add3A_1841, %gather3A_1844 : vector<16xf32>
        %broadcast_in_dim3A_1846 = arith.constant 14 : i32
        %broadcast_in_dim3A_1847 = vector.broadcast %broadcast_in_dim3A_1846 : i32 to vector<16xi32>
        %gather3A_1848 = tpu.vector_load_idx %arg13[%iota3A, %broadcast_in_dim3A_1847] : memref<16x17xf32, #tpu.memory_space<vmem>>[vector<16xi32>, vector<16xi32>], vector<16xf32>,
        %add3A_1849 = arith.addf %add3A_1845, %gather3A_1848 : vector<16xf32>
        %broadcast_in_dim3A_1850 = arith.constant 15 : i32
        %broadcast_in_dim3A_1851 = vector.broadcast %broadcast_in_dim3A_1850 : i32 to vector<16xi32>
        %gather3A_1852 = tpu.vector_load_idx %arg13[%iota3A, %broadcast_in_dim3A_1851] : memref<16x17xf32, #tpu.memory_space<vmem>>[vector<16xi32>, vector<16xi32>], vector<16xf32>,
        %add3A_1853 = arith.addf %add3A_1849, %gather3A_1852 : vector<16xf32>
        %mul3A_1854 = arith.constant 64 : i32
        %mul3A_1855 = arith.muli %add3A_52, %mul3A_1854 : i32
        %mul3A_1856 = arith.constant 16 : i32
        %mul3A_1857 = arith.muli %scan3A_190, %mul3A_1856 : i32
        %add3A_1858 = arith.addi %mul3A_1855, %mul3A_1857 : i32
        %swap3A_1859 = arith.index_cast %add3A_1858 : i32 to index
        %swap3A_1860 = tpu.vector_load %arg12[%swap3A_1859] {strides = array<i32>} : memref<10240xf32, #tpu.memory_space<vmem>>, vector<16xf32>,
        tpu.vector_store %arg12[%swap3A_1859], %add3A_1853 {strides = array<i32>} : memref<10240xf32, #tpu.memory_space<vmem>>, vector<16xf32>,
        %scan3A_1861 = arith.constant 0 : i32
        scf.yield %scan3A_1861 : i32
      }
      %scan3A_113 = arith.constant 4 : i32
      %mul3A_114 = arith.constant 2 : i32
      %mul3A_115 = arith.muli %scan3A_47, %mul3A_114 : i32
      %add3A_116 = arith.constant 1 : i32
      %add3A_117 = arith.addi %mul3A_115, %add3A_116 : i32
      %jit3A_118 = arith.constant 16 : i32
      %div3A_119 = arith.divsi %add3A_117, %jit3A_118 : i32
      %sign3A_120 = arith.constant 0 : i32
      %sign3A_121 = arith.cmpi sgt, %add3A_117, %sign3A_120 : i32
      %sign3A_122 = arith.extui %sign3A_121 : i1 to i32
      %sign3A_123 = arith.constant 0 : i32
      %sign3A_124 = arith.cmpi slt, %add3A_117, %sign3A_123 : i32
      %sign3A_125 = arith.extui %sign3A_124 : i1 to i32
      %sign3A_126 = arith.subi %sign3A_122, %sign3A_125 : i32
      %sign3A_127 = arith.constant 0 : i32
      %sign3A_128 = arith.cmpi sgt, %jit3A_118, %sign3A_127 : i32
      %sign3A_129 = arith.extui %sign3A_128 : i1 to i32
      %sign3A_130 = arith.constant 0 : i32
      %sign3A_131 = arith.cmpi slt, %jit3A_118, %sign3A_130 : i32
      %sign3A_132 = arith.extui %sign3A_131 : i1 to i32
      %sign3A_133 = arith.subi %sign3A_129, %sign3A_132 : i32
      %ne3A_134 = arith.cmpi ne, %sign3A_126, %sign3A_133 : i32
      %rem3A_135 = arith.remsi %add3A_117, %jit3A_118 : i32
      %ne3A_136 = arith.constant 0 : i32
      %ne3A_137 = arith.cmpi ne, %rem3A_135, %ne3A_136 : i32
      %and3A_138 = arith.andi %ne3A_134, %ne3A_137 : i1
      %sub3A_139 = arith.constant 1 : i32
      %sub3A_140 = arith.subi %div3A_119, %sub3A_139 : i32
      %select_n3A_141 = arith.select %and3A_138, %sub3A_140, %div3A_119 : i32
      %rem3A_142 = arith.constant 2 : i32
      %rem3A_143 = arith.remsi %select_n3A_141, %rem3A_142 : i32
      %add3A_144 = arith.constant 1 : i32
      %add3A_145 = arith.addi %add3A_117, %add3A_144 : i32
      %rem3A_146 = arith.constant 16 : i32
      %rem3A_147 = arith.remsi %add3A_145, %rem3A_146 : i32
      %lt3A_148 = arith.constant 160 : i32
      %lt3A_149 = arith.cmpi slt, %add3A_145, %lt3A_148 : i32
      %ne3A_150 = arith.constant 0 : i32
      %ne3A_151 = arith.cmpi ne, %rem3A_147, %ne3A_150 : i32
      %and3A_152 = arith.andi %lt3A_149, %ne3A_151 : i1
      %convert_element_type3A_153 = arith.extui %and3A_152 : i1 to i32
      %cond3A_154 = arith.constant 0 : i32
      %cond3A_155 = arith.cmpi ne, %convert_element_type3A_153, %cond3A_154 : i32
      scf.if %cond3A_155 {
        %eq3A_190 = arith.constant 0 : i32
        %eq3A_191 = arith.cmpi eq, %rem3A_143, %eq3A_190 : i32
        %convert_element_type3A_192 = arith.extui %eq3A_191 : i1 to i32
        %cond3A_193 = arith.constant 0 : i32
        %cond3A_194 = arith.cmpi ne, %convert_element_type3A_192, %cond3A_193 : i32
        scf.if %cond3A_194 {
          %mul3A_200 = arith.constant 64 : i32
          %mul3A_201 = arith.muli %rem3A_147, %mul3A_200 : i32
          %dma_start3A_202 = arith.constant 0 : i32
          %dma_start3A_203 = arith.constant 0 : i32
          %dma_start3A_204 = tpu.memref_slice %arg10[%dma_start3A_202, %dma_start3A_203] : memref<128x128xf32, #tpu.memory_space<vmem>> -> memref<64x128xf32, #tpu.memory_space<vmem>>
          %dma_start3A_205 = tpu.memref_slice %arg6[%mul3A_201] : memref<1024xi32, #tpu.memory_space<vmem>> -> memref<64xi32, #tpu.memory_space<vmem>>
          %dma_start3A_206 = arith.constant 0 : i32
          %dma_start3A_207 = arith.constant 0 : i32
          %dma_start3A_208 = tpu.memref_slice %arg14[%dma_start3A_206, %dma_start3A_207] : memref<10000x128xf32, #tpu.memory_space<vmem_shared>> -> memref<10000x128xf32, #tpu.memory_space<vmem_shared>>
          tpu.enqueue_indirect_dma source(%dma_start3A_208 : memref<10000x128xf32, #tpu.memory_space<vmem_shared>>) target(%dma_start3A_204 : memref<64x128xf32, #tpu.memory_space<vmem>>) offsets(%dma_start3A_205 : memref<64xi32, #tpu.memory_space<vmem>>) semaphore(%arg17 : memref<!tpu.dma_semaphore, #tpu.memory_space<semaphore_mem>>)
          %dma_start3A_209 = arith.constant 64 : i32
          %dma_start3A_210 = arith.constant 0 : i32
          %dma_start3A_211 = tpu.memref_slice %arg10[%dma_start3A_209, %dma_start3A_210] : memref<128x128xf32, #tpu.memory_space<vmem>> -> memref<64x128xf32, #tpu.memory_space<vmem>>
          %dma_start3A_212 = tpu.memref_slice %arg8[%mul3A_201] : memref<1024xi32, #tpu.memory_space<vmem>> -> memref<64xi32, #tpu.memory_space<vmem>>
          %dma_start3A_213 = arith.constant 0 : i32
          %dma_start3A_214 = arith.constant 0 : i32
          %dma_start3A_215 = tpu.memref_slice %arg14[%dma_start3A_213, %dma_start3A_214] : memref<10000x128xf32, #tpu.memory_space<vmem_shared>> -> memref<10000x128xf32, #tpu.memory_space<vmem_shared>>
          tpu.enqueue_indirect_dma source(%dma_start3A_215 : memref<10000x128xf32, #tpu.memory_space<vmem_shared>>) target(%dma_start3A_211 : memref<64x128xf32, #tpu.memory_space<vmem>>) offsets(%dma_start3A_212 : memref<64xi32, #tpu.memory_space<vmem>>) semaphore(%arg17 : memref<!tpu.dma_semaphore, #tpu.memory_space<semaphore_mem>>)
        } else {
        }
        %eq3A_195 = arith.constant 1 : i32
        %eq3A_196 = arith.cmpi eq, %rem3A_143, %eq3A_195 : i32
        %convert_element_type3A_197 = arith.extui %eq3A_196 : i1 to i32
        %cond3A_198 = arith.constant 0 : i32
        %cond3A_199 = arith.cmpi ne, %convert_element_type3A_197, %cond3A_198 : i32
        scf.if %cond3A_199 {
          %mul3A_200 = arith.constant 64 : i32
          %mul3A_201 = arith.muli %rem3A_147, %mul3A_200 : i32
          %dma_start3A_202 = arith.constant 0 : i32
          %dma_start3A_203 = arith.constant 0 : i32
          %dma_start3A_204 = tpu.memref_slice %arg10[%dma_start3A_202, %dma_start3A_203] : memref<128x128xf32, #tpu.memory_space<vmem>> -> memref<64x128xf32, #tpu.memory_space<vmem>>
          %dma_start3A_205 = tpu.memref_slice %arg7[%mul3A_201] : memref<1024xi32, #tpu.memory_space<vmem>> -> memref<64xi32, #tpu.memory_space<vmem>>
          %dma_start3A_206 = arith.constant 0 : i32
          %dma_start3A_207 = arith.constant 0 : i32
          %dma_start3A_208 = tpu.memref_slice %arg14[%dma_start3A_206, %dma_start3A_207] : memref<10000x128xf32, #tpu.memory_space<vmem_shared>> -> memref<10000x128xf32, #tpu.memory_space<vmem_shared>>
          tpu.enqueue_indirect_dma source(%dma_start3A_208 : memref<10000x128xf32, #tpu.memory_space<vmem_shared>>) target(%dma_start3A_204 : memref<64x128xf32, #tpu.memory_space<vmem>>) offsets(%dma_start3A_205 : memref<64xi32, #tpu.memory_space<vmem>>) semaphore(%arg17 : memref<!tpu.dma_semaphore, #tpu.memory_space<semaphore_mem>>)
          %dma_start3A_209 = arith.constant 64 : i32
          %dma_start3A_210 = arith.constant 0 : i32
          %dma_start3A_211 = tpu.memref_slice %arg10[%dma_start3A_209, %dma_start3A_210] : memref<128x128xf32, #tpu.memory_space<vmem>> -> memref<64x128xf32, #tpu.memory_space<vmem>>
          %dma_start3A_212 = tpu.memref_slice %arg9[%mul3A_201] : memref<1024xi32, #tpu.memory_space<vmem>> -> memref<64xi32, #tpu.memory_space<vmem>>
          %dma_start3A_213 = arith.constant 0 : i32
          %dma_start3A_214 = arith.constant 0 : i32
          %dma_start3A_215 = tpu.memref_slice %arg14[%dma_start3A_213, %dma_start3A_214] : memref<10000x128xf32, #tpu.memory_space<vmem_shared>> -> memref<10000x128xf32, #tpu.memory_space<vmem_shared>>
          tpu.enqueue_indirect_dma source(%dma_start3A_215 : memref<10000x128xf32, #tpu.memory_space<vmem_shared>>) target(%dma_start3A_211 : memref<64x128xf32, #tpu.memory_space<vmem>>) offsets(%dma_start3A_212 : memref<64xi32, #tpu.memory_space<vmem>>) semaphore(%arg17 : memref<!tpu.dma_semaphore, #tpu.memory_space<semaphore_mem>>)
        } else {
        }
      } else {
      }
      %lt3A_156 = arith.constant 160 : i32
      %lt3A_157 = arith.cmpi slt, %add3A_145, %lt3A_156 : i32
      %eq3A_158 = arith.constant 0 : i32
      %eq3A_159 = arith.cmpi eq, %rem3A_147, %eq3A_158 : i32
      %and3A_160 = arith.andi %lt3A_157, %eq3A_159 : i1
      %convert_element_type3A_161 = arith.extui %and3A_160 : i1 to i32
      %cond3A_162 = arith.constant 0 : i32
      %cond3A_163 = arith.cmpi ne, %convert_element_type3A_161, %cond3A_162 : i32
      scf.if %cond3A_163 {
        %eq3A_190 = arith.constant 0 : i32
        %eq3A_191 = arith.cmpi eq, %rem3A_143, %eq3A_190 : i32
        %convert_element_type3A_192 = arith.extui %eq3A_191 : i1 to i32
        %cond3A_193 = arith.constant 0 : i32
        %cond3A_194 = arith.cmpi ne, %convert_element_type3A_192, %cond3A_193 : i32
        scf.if %cond3A_194 {
          %add3A_200 = arith.constant 1 : i32
          %add3A_201 = arith.addi %select_n3A_141, %add3A_200 : i32
          %mul3A_202 = arith.constant 1024 : i32
          %mul3A_203 = arith.muli %add3A_201, %mul3A_202 : i32
          %add3A_204 = arith.addi %mul3A_2, %mul3A_203 : i32
          %dma_wait3A_205 = tpu.memref_slice %arg3[%add3A_204] : memref<327680xi32, #tpu.memory_space<hbm>> -> memref<1024xi32, #tpu.memory_space<hbm>>
          %dma_wait3A_206 = tpu.memref_slice %arg3[%add3A_204] : memref<327680xi32, #tpu.memory_space<hbm>> -> memref<1024xi32, #tpu.memory_space<hbm>>
          tpu.wait_dma2 semaphore(%arg16 : memref<!tpu.dma_semaphore, #tpu.memory_space<semaphore_mem>>) src(%dma_wait3A_206 : memref<1024xi32, #tpu.memory_space<hbm>>) dst(%arg7 : memref<1024xi32, #tpu.memory_space<vmem>>)
          %dma_wait3A_207 = tpu.memref_slice %arg4[%add3A_204] : memref<327680xi32, #tpu.memory_space<hbm>> -> memref<1024xi32, #tpu.memory_space<hbm>>
          %dma_wait3A_208 = tpu.memref_slice %arg4[%add3A_204] : memref<327680xi32, #tpu.memory_space<hbm>> -> memref<1024xi32, #tpu.memory_space<hbm>>
          tpu.wait_dma2 semaphore(%arg16 : memref<!tpu.dma_semaphore, #tpu.memory_space<semaphore_mem>>) src(%dma_wait3A_208 : memref<1024xi32, #tpu.memory_space<hbm>>) dst(%arg9 : memref<1024xi32, #tpu.memory_space<vmem>>)
          %dma_start3A_209 = arith.constant 0 : i32
          %dma_start3A_210 = arith.constant 0 : i32
          %dma_start3A_211 = tpu.memref_slice %arg10[%dma_start3A_209, %dma_start3A_210] : memref<128x128xf32, #tpu.memory_space<vmem>> -> memref<64x128xf32, #tpu.memory_space<vmem>>
          %dma_start3A_212 = arith.constant 0 : i32
          %dma_start3A_213 = tpu.memref_slice %arg7[%dma_start3A_212] : memref<1024xi32, #tpu.memory_space<vmem>> -> memref<64xi32, #tpu.memory_space<vmem>>
          %dma_start3A_214 = arith.constant 0 : i32
          %dma_start3A_215 = arith.constant 0 : i32
          %dma_start3A_216 = tpu.memref_slice %arg14[%dma_start3A_214, %dma_start3A_215] : memref<10000x128xf32, #tpu.memory_space<vmem_shared>> -> memref<10000x128xf32, #tpu.memory_space<vmem_shared>>
          tpu.enqueue_indirect_dma source(%dma_start3A_216 : memref<10000x128xf32, #tpu.memory_space<vmem_shared>>) target(%dma_start3A_211 : memref<64x128xf32, #tpu.memory_space<vmem>>) offsets(%dma_start3A_213 : memref<64xi32, #tpu.memory_space<vmem>>) semaphore(%arg17 : memref<!tpu.dma_semaphore, #tpu.memory_space<semaphore_mem>>)
          %dma_start3A_217 = arith.constant 64 : i32
          %dma_start3A_218 = arith.constant 0 : i32
          %dma_start3A_219 = tpu.memref_slice %arg10[%dma_start3A_217, %dma_start3A_218] : memref<128x128xf32, #tpu.memory_space<vmem>> -> memref<64x128xf32, #tpu.memory_space<vmem>>
          %dma_start3A_220 = arith.constant 0 : i32
          %dma_start3A_221 = tpu.memref_slice %arg9[%dma_start3A_220] : memref<1024xi32, #tpu.memory_space<vmem>> -> memref<64xi32, #tpu.memory_space<vmem>>
          %dma_start3A_222 = arith.constant 0 : i32
          %dma_start3A_223 = arith.constant 0 : i32
          %dma_start3A_224 = tpu.memref_slice %arg14[%dma_start3A_222, %dma_start3A_223] : memref<10000x128xf32, #tpu.memory_space<vmem_shared>> -> memref<10000x128xf32, #tpu.memory_space<vmem_shared>>
          tpu.enqueue_indirect_dma source(%dma_start3A_224 : memref<10000x128xf32, #tpu.memory_space<vmem_shared>>) target(%dma_start3A_219 : memref<64x128xf32, #tpu.memory_space<vmem>>) offsets(%dma_start3A_221 : memref<64xi32, #tpu.memory_space<vmem>>) semaphore(%arg17 : memref<!tpu.dma_semaphore, #tpu.memory_space<semaphore_mem>>)
        } else {
        }
        %eq3A_195 = arith.constant 1 : i32
        %eq3A_196 = arith.cmpi eq, %rem3A_143, %eq3A_195 : i32
        %convert_element_type3A_197 = arith.extui %eq3A_196 : i1 to i32
        %cond3A_198 = arith.constant 0 : i32
        %cond3A_199 = arith.cmpi ne, %convert_element_type3A_197, %cond3A_198 : i32
        scf.if %cond3A_199 {
          %add3A_200 = arith.constant 1 : i32
          %add3A_201 = arith.addi %select_n3A_141, %add3A_200 : i32
          %mul3A_202 = arith.constant 1024 : i32
          %mul3A_203 = arith.muli %add3A_201, %mul3A_202 : i32
          %add3A_204 = arith.addi %mul3A_2, %mul3A_203 : i32
          %dma_wait3A_205 = tpu.memref_slice %arg3[%add3A_204] : memref<327680xi32, #tpu.memory_space<hbm>> -> memref<1024xi32, #tpu.memory_space<hbm>>
          %dma_wait3A_206 = tpu.memref_slice %arg3[%add3A_204] : memref<327680xi32, #tpu.memory_space<hbm>> -> memref<1024xi32, #tpu.memory_space<hbm>>
          tpu.wait_dma2 semaphore(%arg15 : memref<!tpu.dma_semaphore, #tpu.memory_space<semaphore_mem>>) src(%dma_wait3A_206 : memref<1024xi32, #tpu.memory_space<hbm>>) dst(%arg6 : memref<1024xi32, #tpu.memory_space<vmem>>)
          %dma_wait3A_207 = tpu.memref_slice %arg4[%add3A_204] : memref<327680xi32, #tpu.memory_space<hbm>> -> memref<1024xi32, #tpu.memory_space<hbm>>
          %dma_wait3A_208 = tpu.memref_slice %arg4[%add3A_204] : memref<327680xi32, #tpu.memory_space<hbm>> -> memref<1024xi32, #tpu.memory_space<hbm>>
          tpu.wait_dma2 semaphore(%arg15 : memref<!tpu.dma_semaphore, #tpu.memory_space<semaphore_mem>>) src(%dma_wait3A_208 : memref<1024xi32, #tpu.memory_space<hbm>>) dst(%arg8 : memref<1024xi32, #tpu.memory_space<vmem>>)
          %dma_start3A_209 = arith.constant 0 : i32
          %dma_start3A_210 = arith.constant 0 : i32
          %dma_start3A_211 = tpu.memref_slice %arg10[%dma_start3A_209, %dma_start3A_210] : memref<128x128xf32, #tpu.memory_space<vmem>> -> memref<64x128xf32, #tpu.memory_space<vmem>>
          %dma_start3A_212 = arith.constant 0 : i32
          %dma_start3A_213 = tpu.memref_slice %arg6[%dma_start3A_212] : memref<1024xi32, #tpu.memory_space<vmem>> -> memref<64xi32, #tpu.memory_space<vmem>>
          %dma_start3A_214 = arith.constant 0 : i32
          %dma_start3A_215 = arith.constant 0 : i32
          %dma_start3A_216 = tpu.memref_slice %arg14[%dma_start3A_214, %dma_start3A_215] : memref<10000x128xf32, #tpu.memory_space<vmem_shared>> -> memref<10000x128xf32, #tpu.memory_space<vmem_shared>>
          tpu.enqueue_indirect_dma source(%dma_start3A_216 : memref<10000x128xf32, #tpu.memory_space<vmem_shared>>) target(%dma_start3A_211 : memref<64x128xf32, #tpu.memory_space<vmem>>) offsets(%dma_start3A_213 : memref<64xi32, #tpu.memory_space<vmem>>) semaphore(%arg17 : memref<!tpu.dma_semaphore, #tpu.memory_space<semaphore_mem>>)
          %dma_start3A_217 = arith.constant 64 : i32
          %dma_start3A_218 = arith.constant 0 : i32
          %dma_start3A_219 = tpu.memref_slice %arg10[%dma_start3A_217, %dma_start3A_218] : memref<128x128xf32, #tpu.memory_space<vmem>> -> memref<64x128xf32, #tpu.memory_space<vmem>>
          %dma_start3A_220 = arith.constant 0 : i32
          %dma_start3A_221 = tpu.memref_slice %arg8[%dma_start3A_220] : memref<1024xi32, #tpu.memory_space<vmem>> -> memref<64xi32, #tpu.memory_space<vmem>>
          %dma_start3A_222 = arith.constant 0 : i32
          %dma_start3A_223 = arith.constant 0 : i32
          %dma_start3A_224 = tpu.memref_slice %arg14[%dma_start3A_222, %dma_start3A_223] : memref<10000x128xf32, #tpu.memory_space<vmem_shared>> -> memref<10000x128xf32, #tpu.memory_space<vmem_shared>>
          tpu.enqueue_indirect_dma source(%dma_start3A_224 : memref<10000x128xf32, #tpu.memory_space<vmem_shared>>) target(%dma_start3A_219 : memref<64x128xf32, #tpu.memory_space<vmem>>) offsets(%dma_start3A_221 : memref<64xi32, #tpu.memory_space<vmem>>) semaphore(%arg17 : memref<!tpu.dma_semaphore, #tpu.memory_space<semaphore_mem>>)
        } else {
        }
      } else {
      }
      %dma_wait3A_164 = arith.constant 0 : i32
      %dma_wait3A_165 = tpu.memref_slice %arg6[%dma_wait3A_164] : memref<1024xi32, #tpu.memory_space<vmem>> -> memref<128xi32, #tpu.memory_space<vmem>>
      %dma_wait3A_166 = arith.constant 0 : i32
      %dma_wait3A_167 = arith.constant 0 : i32
      %dma_wait3A_168 = tpu.memref_slice %arg14[%dma_wait3A_166, %dma_wait3A_167] : memref<10000x128xf32, #tpu.memory_space<vmem_shared>> -> memref<10000x128xf32, #tpu.memory_space<vmem_shared>>
      tpu.wait_indirect_dma semaphore(%arg18 : memref<!tpu.dma_semaphore, #tpu.memory_space<semaphore_mem>>) src(%dma_wait3A_168 : memref<10000x128xf32, #tpu.memory_space<vmem_shared>>) dst(%arg11 : memref<128x128xf32, #tpu.memory_space<vmem>>)
      %rem3A_169 = arith.constant 16 : i32
      %rem3A_170 = arith.remsi %add3A_117, %rem3A_169 : i32
      %eq3A_171 = arith.constant 15 : i32
      %eq3A_172 = arith.cmpi eq, %rem3A_170, %eq3A_171 : i32
      %add3A_173 = arith.constant 2 : i32
      %add3A_174 = arith.addi %select_n3A_141, %add3A_173 : i32
      %lt3A_175 = arith.constant 10 : i32
      %lt3A_176 = arith.cmpi slt, %add3A_174, %lt3A_175 : i32
      %and3A_177 = arith.andi %eq3A_172, %lt3A_176 : i1
      %convert_element_type3A_178 = arith.extui %and3A_177 : i1 to i32
      %cond3A_179 = arith.constant 0 : i32
      %cond3A_180 = arith.cmpi ne, %convert_element_type3A_178, %cond3A_179 : i32
      scf.if %cond3A_180 {
        %eq3A_190 = arith.constant 0 : i32
        %eq3A_191 = arith.cmpi eq, %rem3A_143, %eq3A_190 : i32
        %convert_element_type3A_192 = arith.extui %eq3A_191 : i1 to i32
        %cond3A_193 = arith.constant 0 : i32
        %cond3A_194 = arith.cmpi ne, %convert_element_type3A_192, %cond3A_193 : i32
        scf.if %cond3A_194 {
          %add3A_200 = arith.constant 2 : i32
          %add3A_201 = arith.addi %select_n3A_141, %add3A_200 : i32
          %mul3A_202 = arith.constant 1024 : i32
          %mul3A_203 = arith.muli %add3A_201, %mul3A_202 : i32
          %add3A_204 = arith.addi %mul3A_2, %mul3A_203 : i32
          %dma_start3A_205 = tpu.memref_slice %arg3[%add3A_204] : memref<327680xi32, #tpu.memory_space<hbm>> -> memref<1024xi32, #tpu.memory_space<hbm>>
          %dma_start3A_206 = tpu.memref_slice %arg3[%add3A_204] : memref<327680xi32, #tpu.memory_space<hbm>> -> memref<1024xi32, #tpu.memory_space<hbm>>
          tpu.enqueue_dma source(%dma_start3A_206 : memref<1024xi32, #tpu.memory_space<hbm>>) target(%arg6 : memref<1024xi32, #tpu.memory_space<vmem>>) target_semaphore(%arg15 : memref<!tpu.dma_semaphore, #tpu.memory_space<semaphore_mem>>)
          %dma_start3A_207 = tpu.memref_slice %arg4[%add3A_204] : memref<327680xi32, #tpu.memory_space<hbm>> -> memref<1024xi32, #tpu.memory_space<hbm>>
          %dma_start3A_208 = tpu.memref_slice %arg4[%add3A_204] : memref<327680xi32, #tpu.memory_space<hbm>> -> memref<1024xi32, #tpu.memory_space<hbm>>
          tpu.enqueue_dma source(%dma_start3A_208 : memref<1024xi32, #tpu.memory_space<hbm>>) target(%arg8 : memref<1024xi32, #tpu.memory_space<vmem>>) target_semaphore(%arg15 : memref<!tpu.dma_semaphore, #tpu.memory_space<semaphore_mem>>)
        } else {
        }
        %eq3A_195 = arith.constant 1 : i32
        %eq3A_196 = arith.cmpi eq, %rem3A_143, %eq3A_195 : i32
        %convert_element_type3A_197 = arith.extui %eq3A_196 : i1 to i32
        %cond3A_198 = arith.constant 0 : i32
        %cond3A_199 = arith.cmpi ne, %convert_element_type3A_197, %cond3A_198 : i32
        scf.if %cond3A_199 {
          %add3A_200 = arith.constant 2 : i32
          %add3A_201 = arith.addi %select_n3A_141, %add3A_200 : i32
          %mul3A_202 = arith.constant 1024 : i32
          %mul3A_203 = arith.muli %add3A_201, %mul3A_202 : i32
          %add3A_204 = arith.addi %mul3A_2, %mul3A_203 : i32
          %dma_start3A_205 = tpu.memref_slice %arg3[%add3A_204] : memref<327680xi32, #tpu.memory_space<hbm>> -> memref<1024xi32, #tpu.memory_space<hbm>>
          %dma_start3A_206 = tpu.memref_slice %arg3[%add3A_204] : memref<327680xi32, #tpu.memory_space<hbm>> -> memref<1024xi32, #tpu.memory_space<hbm>>
          tpu.enqueue_dma source(%dma_start3A_206 : memref<1024xi32, #tpu.memory_space<hbm>>) target(%arg7 : memref<1024xi32, #tpu.memory_space<vmem>>) target_semaphore(%arg16 : memref<!tpu.dma_semaphore, #tpu.memory_space<semaphore_mem>>)
          %dma_start3A_207 = tpu.memref_slice %arg4[%add3A_204] : memref<327680xi32, #tpu.memory_space<hbm>> -> memref<1024xi32, #tpu.memory_space<hbm>>
          %dma_start3A_208 = tpu.memref_slice %arg4[%add3A_204] : memref<327680xi32, #tpu.memory_space<hbm>> -> memref<1024xi32, #tpu.memory_space<hbm>>
          tpu.enqueue_dma source(%dma_start3A_208 : memref<1024xi32, #tpu.memory_space<hbm>>) target(%arg9 : memref<1024xi32, #tpu.memory_space<vmem>>) target_semaphore(%arg16 : memref<!tpu.dma_semaphore, #tpu.memory_space<semaphore_mem>>)
        } else {
        }
      } else {
      }
      %iota3A_181 = tpu.iota {dimensions = array<i32: 0>} : vector<16xi32>
      %scan3A_182 = arith.constant 0 : i32
      %scan3A_183 = arith.constant 0 : i32
      %scan3A_184 = arith.constant 4 : i32
      %scan3A_185 = arith.addi %scan3A_183, %scan3A_184 : i32
      %scan3A_186 = arith.constant 1 : i32
      %scan3A_187 = scf.for %scan3A_190 = %scan3A_183 to %scan3A_185 step %scan3A_186 iter_args(%scan3A_191 = %scan3A_182) -> (i32)  : i32 {
        %mul3A_192 = arith.constant 16 : i32
        %mul3A_193 = arith.muli %scan3A_190, %mul3A_192 : i32
        %add3A_194 = arith.constant 0 : i32
        %add3A_195 = arith.addi %mul3A_193, %add3A_194 : i32
        %add3A_196 = arith.constant 0 : i32
        %add3A_197 = arith.addi %add3A_195, %add3A_196 : i32
        %mul3A_198 = arith.constant 16 : i32
        %mul3A_199 = arith.muli %scan3A_190, %mul3A_198 : i32
        %add3A_200 = arith.constant 0 : i32
        %add3A_201 = arith.addi %mul3A_199, %add3A_200 : i32
        %add3A_202 = arith.constant 1 : i32
        %add3A_203 = arith.addi %add3A_201, %add3A_202 : i32
        %mul3A_204 = arith.constant 16 : i32
        %mul3A_205 = arith.muli %scan3A_190, %mul3A_204 : i32
        %add3A_206 = arith.constant 0 : i32
        %add3A_207 = arith.addi %mul3A_205, %add3A_206 : i32
        %add3A_208 = arith.constant 2 : i32
        %add3A_209 = arith.addi %add3A_207, %add3A_208 : i32
        %mul3A_210 = arith.constant 16 : i32
        %mul3A_211 = arith.muli %scan3A_190, %mul3A_210 : i32
        %add3A_212 = arith.constant 0 : i32
        %add3A_213 = arith.addi %mul3A_211, %add3A_212 : i32
        %add3A_214 = arith.constant 3 : i32
        %add3A_215 = arith.addi %add3A_213, %add3A_214 : i32
        %mul3A_216 = arith.constant 16 : i32
        %mul3A_217 = arith.muli %scan3A_190, %mul3A_216 : i32
        %add3A_218 = arith.constant 0 : i32
        %add3A_219 = arith.addi %mul3A_217, %add3A_218 : i32
        %add3A_220 = arith.constant 4 : i32
        %add3A_221 = arith.addi %add3A_219, %add3A_220 : i32
        %mul3A_222 = arith.constant 16 : i32
        %mul3A_223 = arith.muli %scan3A_190, %mul3A_222 : i32
        %add3A_224 = arith.constant 0 : i32
        %add3A_225 = arith.addi %mul3A_223, %add3A_224 : i32
        %add3A_226 = arith.constant 5 : i32
        %add3A_227 = arith.addi %add3A_225, %add3A_226 : i32
        %mul3A_228 = arith.constant 16 : i32
        %mul3A_229 = arith.muli %scan3A_190, %mul3A_228 : i32
        %add3A_230 = arith.constant 0 : i32
        %add3A_231 = arith.addi %mul3A_229, %add3A_230 : i32
        %add3A_232 = arith.constant 6 : i32
        %add3A_233 = arith.addi %add3A_231, %add3A_232 : i32
        %mul3A_234 = arith.constant 16 : i32
        %mul3A_235 = arith.muli %scan3A_190, %mul3A_234 : i32
        %add3A_236 = arith.constant 0 : i32
        %add3A_237 = arith.addi %mul3A_235, %add3A_236 : i32
        %add3A_238 = arith.constant 7 : i32
        %add3A_239 = arith.addi %add3A_237, %add3A_238 : i32
        %broadcast_in_dim3A = arith.constant 0.000000e+00 : f32
        %broadcast_in_dim3A_240 = vector.broadcast %broadcast_in_dim3A : f32 to vector<16xf32>
        %broadcast_in_dim3A_241 = arith.constant 0.000000e+00 : f32
        %broadcast_in_dim3A_242 = vector.broadcast %broadcast_in_dim3A_241 : f32 to vector<16xf32>
        %broadcast_in_dim3A_243 = arith.constant 0.000000e+00 : f32
        %broadcast_in_dim3A_244 = vector.broadcast %broadcast_in_dim3A_243 : f32 to vector<16xf32>
        %broadcast_in_dim3A_245 = arith.constant 0.000000e+00 : f32
        %broadcast_in_dim3A_246 = vector.broadcast %broadcast_in_dim3A_245 : f32 to vector<16xf32>
        %broadcast_in_dim3A_247 = arith.constant 0.000000e+00 : f32
        %broadcast_in_dim3A_248 = vector.broadcast %broadcast_in_dim3A_247 : f32 to vector<16xf32>
        %broadcast_in_dim3A_249 = arith.constant 0.000000e+00 : f32
        %broadcast_in_dim3A_250 = vector.broadcast %broadcast_in_dim3A_249 : f32 to vector<16xf32>
        %broadcast_in_dim3A_251 = arith.constant 0.000000e+00 : f32
        %broadcast_in_dim3A_252 = vector.broadcast %broadcast_in_dim3A_251 : f32 to vector<16xf32>
        %broadcast_in_dim3A_253 = arith.constant 0.000000e+00 : f32
        %broadcast_in_dim3A_254 = vector.broadcast %broadcast_in_dim3A_253 : f32 to vector<16xf32>
        %get3A = arith.index_cast %add3A_197 : i32 to index
        %get3A_255 = arith.constant 0 : index
        %get3A_256 = tpu.vector_load %arg11[%get3A, %get3A_255] {strides = array<i32>} : memref<128x128xf32, #tpu.memory_space<vmem>>, vector<16xf32>,
        %add3A_257 = arith.constant 64 : i32
        %add3A_258 = arith.addi %add3A_197, %add3A_257 : i32
        %get3A_259 = arith.index_cast %add3A_258 : i32 to index
        %get3A_260 = arith.constant 0 : index
        %get3A_261 = tpu.vector_load %arg11[%get3A_259, %get3A_260] {strides = array<i32>} : memref<128x128xf32, #tpu.memory_space<vmem>>, vector<16xf32>,
        %sub3A_262 = arith.subf %get3A_256, %get3A_261 : vector<16xf32>
        %mul3A_263 = arith.mulf %sub3A_262, %sub3A_262 : vector<16xf32>
        %add3A_264 = arith.addf %broadcast_in_dim3A_240, %mul3A_263 : vector<16xf32>
        %get3A_265 = arith.index_cast %add3A_203 : i32 to index
        %get3A_266 = arith.constant 0 : index
        %get3A_267 = tpu.vector_load %arg11[%get3A_265, %get3A_266] {strides = array<i32>} : memref<128x128xf32, #tpu.memory_space<vmem>>, vector<16xf32>,
        %add3A_268 = arith.constant 64 : i32
        %add3A_269 = arith.addi %add3A_203, %add3A_268 : i32
        %get3A_270 = arith.index_cast %add3A_269 : i32 to index
        %get3A_271 = arith.constant 0 : index
        %get3A_272 = tpu.vector_load %arg11[%get3A_270, %get3A_271] {strides = array<i32>} : memref<128x128xf32, #tpu.memory_space<vmem>>, vector<16xf32>,
        %sub3A_273 = arith.subf %get3A_267, %get3A_272 : vector<16xf32>
        %mul3A_274 = arith.mulf %sub3A_273, %sub3A_273 : vector<16xf32>
        %add3A_275 = arith.addf %broadcast_in_dim3A_242, %mul3A_274 : vector<16xf32>
        %get3A_276 = arith.index_cast %add3A_209 : i32 to index
        %get3A_277 = arith.constant 0 : index
        %get3A_278 = tpu.vector_load %arg11[%get3A_276, %get3A_277] {strides = array<i32>} : memref<128x128xf32, #tpu.memory_space<vmem>>, vector<16xf32>,
        %add3A_279 = arith.constant 64 : i32
        %add3A_280 = arith.addi %add3A_209, %add3A_279 : i32
        %get3A_281 = arith.index_cast %add3A_280 : i32 to index
        %get3A_282 = arith.constant 0 : index
        %get3A_283 = tpu.vector_load %arg11[%get3A_281, %get3A_282] {strides = array<i32>} : memref<128x128xf32, #tpu.memory_space<vmem>>, vector<16xf32>,
        %sub3A_284 = arith.subf %get3A_278, %get3A_283 : vector<16xf32>
        %mul3A_285 = arith.mulf %sub3A_284, %sub3A_284 : vector<16xf32>
        %add3A_286 = arith.addf %broadcast_in_dim3A_244, %mul3A_285 : vector<16xf32>
        %get3A_287 = arith.index_cast %add3A_215 : i32 to index
        %get3A_288 = arith.constant 0 : index
        %get3A_289 = tpu.vector_load %arg11[%get3A_287, %get3A_288] {strides = array<i32>} : memref<128x128xf32, #tpu.memory_space<vmem>>, vector<16xf32>,
        %add3A_290 = arith.constant 64 : i32
        %add3A_291 = arith.addi %add3A_215, %add3A_290 : i32
        %get3A_292 = arith.index_cast %add3A_291 : i32 to index
        %get3A_293 = arith.constant 0 : index
        %get3A_294 = tpu.vector_load %arg11[%get3A_292, %get3A_293] {strides = array<i32>} : memref<128x128xf32, #tpu.memory_space<vmem>>, vector<16xf32>,
        %sub3A_295 = arith.subf %get3A_289, %get3A_294 : vector<16xf32>
        %mul3A_296 = arith.mulf %sub3A_295, %sub3A_295 : vector<16xf32>
        %add3A_297 = arith.addf %broadcast_in_dim3A_246, %mul3A_296 : vector<16xf32>
        %get3A_298 = arith.index_cast %add3A_221 : i32 to index
        %get3A_299 = arith.constant 0 : index
        %get3A_300 = tpu.vector_load %arg11[%get3A_298, %get3A_299] {strides = array<i32>} : memref<128x128xf32, #tpu.memory_space<vmem>>, vector<16xf32>,
        %add3A_301 = arith.constant 64 : i32
        %add3A_302 = arith.addi %add3A_221, %add3A_301 : i32
        %get3A_303 = arith.index_cast %add3A_302 : i32 to index
        %get3A_304 = arith.constant 0 : index
        %get3A_305 = tpu.vector_load %arg11[%get3A_303, %get3A_304] {strides = array<i32>} : memref<128x128xf32, #tpu.memory_space<vmem>>, vector<16xf32>,
        %sub3A_306 = arith.subf %get3A_300, %get3A_305 : vector<16xf32>
        %mul3A_307 = arith.mulf %sub3A_306, %sub3A_306 : vector<16xf32>
        %add3A_308 = arith.addf %broadcast_in_dim3A_248, %mul3A_307 : vector<16xf32>
        %get3A_309 = arith.index_cast %add3A_227 : i32 to index
        %get3A_310 = arith.constant 0 : index
        %get3A_311 = tpu.vector_load %arg11[%get3A_309, %get3A_310] {strides = array<i32>} : memref<128x128xf32, #tpu.memory_space<vmem>>, vector<16xf32>,
        %add3A_312 = arith.constant 64 : i32
        %add3A_313 = arith.addi %add3A_227, %add3A_312 : i32
        %get3A_314 = arith.index_cast %add3A_313 : i32 to index
        %get3A_315 = arith.constant 0 : index
        %get3A_316 = tpu.vector_load %arg11[%get3A_314, %get3A_315] {strides = array<i32>} : memref<128x128xf32, #tpu.memory_space<vmem>>, vector<16xf32>,
        %sub3A_317 = arith.subf %get3A_311, %get3A_316 : vector<16xf32>
        %mul3A_318 = arith.mulf %sub3A_317, %sub3A_317 : vector<16xf32>
        %add3A_319 = arith.addf %broadcast_in_dim3A_250, %mul3A_318 : vector<16xf32>
        %get3A_320 = arith.index_cast %add3A_233 : i32 to index
        %get3A_321 = arith.constant 0 : index
        %get3A_322 = tpu.vector_load %arg11[%get3A_320, %get3A_321] {strides = array<i32>} : memref<128x128xf32, #tpu.memory_space<vmem>>, vector<16xf32>,
        %add3A_323 = arith.constant 64 : i32
        %add3A_324 = arith.addi %add3A_233, %add3A_323 : i32
        %get3A_325 = arith.index_cast %add3A_324 : i32 to index
        %get3A_326 = arith.constant 0 : index
        %get3A_327 = tpu.vector_load %arg11[%get3A_325, %get3A_326] {strides = array<i32>} : memref<128x128xf32, #tpu.memory_space<vmem>>, vector<16xf32>,
        %sub3A_328 = arith.subf %get3A_322, %get3A_327 : vector<16xf32>
        %mul3A_329 = arith.mulf %sub3A_328, %sub3A_328 : vector<16xf32>
        %add3A_330 = arith.addf %broadcast_in_dim3A_252, %mul3A_329 : vector<16xf32>
        %get3A_331 = arith.index_cast %add3A_239 : i32 to index
        %get3A_332 = arith.constant 0 : index
        %get3A_333 = tpu.vector_load %arg11[%get3A_331, %get3A_332] {strides = array<i32>} : memref<128x128xf32, #tpu.memory_space<vmem>>, vector<16xf32>,
        %add3A_334 = arith.constant 64 : i32
        %add3A_335 = arith.addi %add3A_239, %add3A_334 : i32
        %get3A_336 = arith.index_cast %add3A_335 : i32 to index
        %get3A_337 = arith.constant 0 : index
        %get3A_338 = tpu.vector_load %arg11[%get3A_336, %get3A_337] {strides = array<i32>} : memref<128x128xf32, #tpu.memory_space<vmem>>, vector<16xf32>,
        %sub3A_339 = arith.subf %get3A_333, %get3A_338 : vector<16xf32>
        %mul3A_340 = arith.mulf %sub3A_339, %sub3A_339 : vector<16xf32>
        %add3A_341 = arith.addf %broadcast_in_dim3A_254, %mul3A_340 : vector<16xf32>
        %get3A_342 = arith.index_cast %add3A_197 : i32 to index
        %get3A_343 = arith.constant 16 : index
        %get3A_344 = tpu.vector_load %arg11[%get3A_342, %get3A_343] {strides = array<i32>} : memref<128x128xf32, #tpu.memory_space<vmem>>, vector<16xf32>,
        %add3A_345 = arith.constant 64 : i32
        %add3A_346 = arith.addi %add3A_197, %add3A_345 : i32
        %get3A_347 = arith.index_cast %add3A_346 : i32 to index
        %get3A_348 = arith.constant 16 : index
        %get3A_349 = tpu.vector_load %arg11[%get3A_347, %get3A_348] {strides = array<i32>} : memref<128x128xf32, #tpu.memory_space<vmem>>, vector<16xf32>,
        %sub3A_350 = arith.subf %get3A_344, %get3A_349 : vector<16xf32>
        %mul3A_351 = arith.mulf %sub3A_350, %sub3A_350 : vector<16xf32>
        %add3A_352 = arith.addf %add3A_264, %mul3A_351 : vector<16xf32>
        %get3A_353 = arith.index_cast %add3A_203 : i32 to index
        %get3A_354 = arith.constant 16 : index
        %get3A_355 = tpu.vector_load %arg11[%get3A_353, %get3A_354] {strides = array<i32>} : memref<128x128xf32, #tpu.memory_space<vmem>>, vector<16xf32>,
        %add3A_356 = arith.constant 64 : i32
        %add3A_357 = arith.addi %add3A_203, %add3A_356 : i32
        %get3A_358 = arith.index_cast %add3A_357 : i32 to index
        %get3A_359 = arith.constant 16 : index
        %get3A_360 = tpu.vector_load %arg11[%get3A_358, %get3A_359] {strides = array<i32>} : memref<128x128xf32, #tpu.memory_space<vmem>>, vector<16xf32>,
        %sub3A_361 = arith.subf %get3A_355, %get3A_360 : vector<16xf32>
        %mul3A_362 = arith.mulf %sub3A_361, %sub3A_361 : vector<16xf32>
        %add3A_363 = arith.addf %add3A_275, %mul3A_362 : vector<16xf32>
        %get3A_364 = arith.index_cast %add3A_209 : i32 to index
        %get3A_365 = arith.constant 16 : index
        %get3A_366 = tpu.vector_load %arg11[%get3A_364, %get3A_365] {strides = array<i32>} : memref<128x128xf32, #tpu.memory_space<vmem>>, vector<16xf32>,
        %add3A_367 = arith.constant 64 : i32
        %add3A_368 = arith.addi %add3A_209, %add3A_367 : i32
        %get3A_369 = arith.index_cast %add3A_368 : i32 to index
        %get3A_370 = arith.constant 16 : index
        %get3A_371 = tpu.vector_load %arg11[%get3A_369, %get3A_370] {strides = array<i32>} : memref<128x128xf32, #tpu.memory_space<vmem>>, vector<16xf32>,
        %sub3A_372 = arith.subf %get3A_366, %get3A_371 : vector<16xf32>
        %mul3A_373 = arith.mulf %sub3A_372, %sub3A_372 : vector<16xf32>
        %add3A_374 = arith.addf %add3A_286, %mul3A_373 : vector<16xf32>
        %get3A_375 = arith.index_cast %add3A_215 : i32 to index
        %get3A_376 = arith.constant 16 : index
        %get3A_377 = tpu.vector_load %arg11[%get3A_375, %get3A_376] {strides = array<i32>} : memref<128x128xf32, #tpu.memory_space<vmem>>, vector<16xf32>,
        %add3A_378 = arith.constant 64 : i32
        %add3A_379 = arith.addi %add3A_215, %add3A_378 : i32
        %get3A_380 = arith.index_cast %add3A_379 : i32 to index
        %get3A_381 = arith.constant 16 : index
        %get3A_382 = tpu.vector_load %arg11[%get3A_380, %get3A_381] {strides = array<i32>} : memref<128x128xf32, #tpu.memory_space<vmem>>, vector<16xf32>,
        %sub3A_383 = arith.subf %get3A_377, %get3A_382 : vector<16xf32>
        %mul3A_384 = arith.mulf %sub3A_383, %sub3A_383 : vector<16xf32>
        %add3A_385 = arith.addf %add3A_297, %mul3A_384 : vector<16xf32>
        %get3A_386 = arith.index_cast %add3A_221 : i32 to index
        %get3A_387 = arith.constant 16 : index
        %get3A_388 = tpu.vector_load %arg11[%get3A_386, %get3A_387] {strides = array<i32>} : memref<128x128xf32, #tpu.memory_space<vmem>>, vector<16xf32>,
        %add3A_389 = arith.constant 64 : i32
        %add3A_390 = arith.addi %add3A_221, %add3A_389 : i32
        %get3A_391 = arith.index_cast %add3A_390 : i32 to index
        %get3A_392 = arith.constant 16 : index
        %get3A_393 = tpu.vector_load %arg11[%get3A_391, %get3A_392] {strides = array<i32>} : memref<128x128xf32, #tpu.memory_space<vmem>>, vector<16xf32>,
        %sub3A_394 = arith.subf %get3A_388, %get3A_393 : vector<16xf32>
        %mul3A_395 = arith.mulf %sub3A_394, %sub3A_394 : vector<16xf32>
        %add3A_396 = arith.addf %add3A_308, %mul3A_395 : vector<16xf32>
        %get3A_397 = arith.index_cast %add3A_227 : i32 to index
        %get3A_398 = arith.constant 16 : index
        %get3A_399 = tpu.vector_load %arg11[%get3A_397, %get3A_398] {strides = array<i32>} : memref<128x128xf32, #tpu.memory_space<vmem>>, vector<16xf32>,
        %add3A_400 = arith.constant 64 : i32
        %add3A_401 = arith.addi %add3A_227, %add3A_400 : i32
        %get3A_402 = arith.index_cast %add3A_401 : i32 to index
        %get3A_403 = arith.constant 16 : index
        %get3A_404 = tpu.vector_load %arg11[%get3A_402, %get3A_403] {strides = array<i32>} : memref<128x128xf32, #tpu.memory_space<vmem>>, vector<16xf32>,
        %sub3A_405 = arith.subf %get3A_399, %get3A_404 : vector<16xf32>
        %mul3A_406 = arith.mulf %sub3A_405, %sub3A_405 : vector<16xf32>
        %add3A_407 = arith.addf %add3A_319, %mul3A_406 : vector<16xf32>
        %get3A_408 = arith.index_cast %add3A_233 : i32 to index
        %get3A_409 = arith.constant 16 : index
        %get3A_410 = tpu.vector_load %arg11[%get3A_408, %get3A_409] {strides = array<i32>} : memref<128x128xf32, #tpu.memory_space<vmem>>, vector<16xf32>,
        %add3A_411 = arith.constant 64 : i32
        %add3A_412 = arith.addi %add3A_233, %add3A_411 : i32
        %get3A_413 = arith.index_cast %add3A_412 : i32 to index
        %get3A_414 = arith.constant 16 : index
        %get3A_415 = tpu.vector_load %arg11[%get3A_413, %get3A_414] {strides = array<i32>} : memref<128x128xf32, #tpu.memory_space<vmem>>, vector<16xf32>,
        %sub3A_416 = arith.subf %get3A_410, %get3A_415 : vector<16xf32>
        %mul3A_417 = arith.mulf %sub3A_416, %sub3A_416 : vector<16xf32>
        %add3A_418 = arith.addf %add3A_330, %mul3A_417 : vector<16xf32>
        %get3A_419 = arith.index_cast %add3A_239 : i32 to index
        %get3A_420 = arith.constant 16 : index
        %get3A_421 = tpu.vector_load %arg11[%get3A_419, %get3A_420] {strides = array<i32>} : memref<128x128xf32, #tpu.memory_space<vmem>>, vector<16xf32>,
        %add3A_422 = arith.constant 64 : i32
        %add3A_423 = arith.addi %add3A_239, %add3A_422 : i32
        %get3A_424 = arith.index_cast %add3A_423 : i32 to index
        %get3A_425 = arith.constant 16 : index
        %get3A_426 = tpu.vector_load %arg11[%get3A_424, %get3A_425] {strides = array<i32>} : memref<128x128xf32, #tpu.memory_space<vmem>>, vector<16xf32>,
        %sub3A_427 = arith.subf %get3A_421, %get3A_426 : vector<16xf32>
        %mul3A_428 = arith.mulf %sub3A_427, %sub3A_427 : vector<16xf32>
        %add3A_429 = arith.addf %add3A_341, %mul3A_428 : vector<16xf32>
        %get3A_430 = arith.index_cast %add3A_197 : i32 to index
        %get3A_431 = arith.constant 32 : index
        %get3A_432 = tpu.vector_load %arg11[%get3A_430, %get3A_431] {strides = array<i32>} : memref<128x128xf32, #tpu.memory_space<vmem>>, vector<16xf32>,
        %add3A_433 = arith.constant 64 : i32
        %add3A_434 = arith.addi %add3A_197, %add3A_433 : i32
        %get3A_435 = arith.index_cast %add3A_434 : i32 to index
        %get3A_436 = arith.constant 32 : index
        %get3A_437 = tpu.vector_load %arg11[%get3A_435, %get3A_436] {strides = array<i32>} : memref<128x128xf32, #tpu.memory_space<vmem>>, vector<16xf32>,
        %sub3A_438 = arith.subf %get3A_432, %get3A_437 : vector<16xf32>
        %mul3A_439 = arith.mulf %sub3A_438, %sub3A_438 : vector<16xf32>
        %add3A_440 = arith.addf %add3A_352, %mul3A_439 : vector<16xf32>
        %get3A_441 = arith.index_cast %add3A_203 : i32 to index
        %get3A_442 = arith.constant 32 : index
        %get3A_443 = tpu.vector_load %arg11[%get3A_441, %get3A_442] {strides = array<i32>} : memref<128x128xf32, #tpu.memory_space<vmem>>, vector<16xf32>,
        %add3A_444 = arith.constant 64 : i32
        %add3A_445 = arith.addi %add3A_203, %add3A_444 : i32
        %get3A_446 = arith.index_cast %add3A_445 : i32 to index
        %get3A_447 = arith.constant 32 : index
        %get3A_448 = tpu.vector_load %arg11[%get3A_446, %get3A_447] {strides = array<i32>} : memref<128x128xf32, #tpu.memory_space<vmem>>, vector<16xf32>,
        %sub3A_449 = arith.subf %get3A_443, %get3A_448 : vector<16xf32>
        %mul3A_450 = arith.mulf %sub3A_449, %sub3A_449 : vector<16xf32>
        %add3A_451 = arith.addf %add3A_363, %mul3A_450 : vector<16xf32>
        %get3A_452 = arith.index_cast %add3A_209 : i32 to index
        %get3A_453 = arith.constant 32 : index
        %get3A_454 = tpu.vector_load %arg11[%get3A_452, %get3A_453] {strides = array<i32>} : memref<128x128xf32, #tpu.memory_space<vmem>>, vector<16xf32>,
        %add3A_455 = arith.constant 64 : i32
        %add3A_456 = arith.addi %add3A_209, %add3A_455 : i32
        %get3A_457 = arith.index_cast %add3A_456 : i32 to index
        %get3A_458 = arith.constant 32 : index
        %get3A_459 = tpu.vector_load %arg11[%get3A_457, %get3A_458] {strides = array<i32>} : memref<128x128xf32, #tpu.memory_space<vmem>>, vector<16xf32>,
        %sub3A_460 = arith.subf %get3A_454, %get3A_459 : vector<16xf32>
        %mul3A_461 = arith.mulf %sub3A_460, %sub3A_460 : vector<16xf32>
        %add3A_462 = arith.addf %add3A_374, %mul3A_461 : vector<16xf32>
        %get3A_463 = arith.index_cast %add3A_215 : i32 to index
        %get3A_464 = arith.constant 32 : index
        %get3A_465 = tpu.vector_load %arg11[%get3A_463, %get3A_464] {strides = array<i32>} : memref<128x128xf32, #tpu.memory_space<vmem>>, vector<16xf32>,
        %add3A_466 = arith.constant 64 : i32
        %add3A_467 = arith.addi %add3A_215, %add3A_466 : i32
        %get3A_468 = arith.index_cast %add3A_467 : i32 to index
        %get3A_469 = arith.constant 32 : index
        %get3A_470 = tpu.vector_load %arg11[%get3A_468, %get3A_469] {strides = array<i32>} : memref<128x128xf32, #tpu.memory_space<vmem>>, vector<16xf32>,
        %sub3A_471 = arith.subf %get3A_465, %get3A_470 : vector<16xf32>
        %mul3A_472 = arith.mulf %sub3A_471, %sub3A_471 : vector<16xf32>
        %add3A_473 = arith.addf %add3A_385, %mul3A_472 : vector<16xf32>
        %get3A_474 = arith.index_cast %add3A_221 : i32 to index
        %get3A_475 = arith.constant 32 : index
        %get3A_476 = tpu.vector_load %arg11[%get3A_474, %get3A_475] {strides = array<i32>} : memref<128x128xf32, #tpu.memory_space<vmem>>, vector<16xf32>,
        %add3A_477 = arith.constant 64 : i32
        %add3A_478 = arith.addi %add3A_221, %add3A_477 : i32
        %get3A_479 = arith.index_cast %add3A_478 : i32 to index
        %get3A_480 = arith.constant 32 : index
        %get3A_481 = tpu.vector_load %arg11[%get3A_479, %get3A_480] {strides = array<i32>} : memref<128x128xf32, #tpu.memory_space<vmem>>, vector<16xf32>,
        %sub3A_482 = arith.subf %get3A_476, %get3A_481 : vector<16xf32>
        %mul3A_483 = arith.mulf %sub3A_482, %sub3A_482 : vector<16xf32>
        %add3A_484 = arith.addf %add3A_396, %mul3A_483 : vector<16xf32>
        %get3A_485 = arith.index_cast %add3A_227 : i32 to index
        %get3A_486 = arith.constant 32 : index
        %get3A_487 = tpu.vector_load %arg11[%get3A_485, %get3A_486] {strides = array<i32>} : memref<128x128xf32, #tpu.memory_space<vmem>>, vector<16xf32>,
        %add3A_488 = arith.constant 64 : i32
        %add3A_489 = arith.addi %add3A_227, %add3A_488 : i32
        %get3A_490 = arith.index_cast %add3A_489 : i32 to index
        %get3A_491 = arith.constant 32 : index
        %get3A_492 = tpu.vector_load %arg11[%get3A_490, %get3A_491] {strides = array<i32>} : memref<128x128xf32, #tpu.memory_space<vmem>>, vector<16xf32>,
        %sub3A_493 = arith.subf %get3A_487, %get3A_492 : vector<16xf32>
        %mul3A_494 = arith.mulf %sub3A_493, %sub3A_493 : vector<16xf32>
        %add3A_495 = arith.addf %add3A_407, %mul3A_494 : vector<16xf32>
        %get3A_496 = arith.index_cast %add3A_233 : i32 to index
        %get3A_497 = arith.constant 32 : index
        %get3A_498 = tpu.vector_load %arg11[%get3A_496, %get3A_497] {strides = array<i32>} : memref<128x128xf32, #tpu.memory_space<vmem>>, vector<16xf32>,
        %add3A_499 = arith.constant 64 : i32
        %add3A_500 = arith.addi %add3A_233, %add3A_499 : i32
        %get3A_501 = arith.index_cast %add3A_500 : i32 to index
        %get3A_502 = arith.constant 32 : index
        %get3A_503 = tpu.vector_load %arg11[%get3A_501, %get3A_502] {strides = array<i32>} : memref<128x128xf32, #tpu.memory_space<vmem>>, vector<16xf32>,
        %sub3A_504 = arith.subf %get3A_498, %get3A_503 : vector<16xf32>
        %mul3A_505 = arith.mulf %sub3A_504, %sub3A_504 : vector<16xf32>
        %add3A_506 = arith.addf %add3A_418, %mul3A_505 : vector<16xf32>
        %get3A_507 = arith.index_cast %add3A_239 : i32 to index
        %get3A_508 = arith.constant 32 : index
        %get3A_509 = tpu.vector_load %arg11[%get3A_507, %get3A_508] {strides = array<i32>} : memref<128x128xf32, #tpu.memory_space<vmem>>, vector<16xf32>,
        %add3A_510 = arith.constant 64 : i32
        %add3A_511 = arith.addi %add3A_239, %add3A_510 : i32
        %get3A_512 = arith.index_cast %add3A_511 : i32 to index
        %get3A_513 = arith.constant 32 : index
        %get3A_514 = tpu.vector_load %arg11[%get3A_512, %get3A_513] {strides = array<i32>} : memref<128x128xf32, #tpu.memory_space<vmem>>, vector<16xf32>,
        %sub3A_515 = arith.subf %get3A_509, %get3A_514 : vector<16xf32>
        %mul3A_516 = arith.mulf %sub3A_515, %sub3A_515 : vector<16xf32>
        %add3A_517 = arith.addf %add3A_429, %mul3A_516 : vector<16xf32>
        %get3A_518 = arith.index_cast %add3A_197 : i32 to index
        %get3A_519 = arith.constant 48 : index
        %get3A_520 = tpu.vector_load %arg11[%get3A_518, %get3A_519] {strides = array<i32>} : memref<128x128xf32, #tpu.memory_space<vmem>>, vector<16xf32>,
        %add3A_521 = arith.constant 64 : i32
        %add3A_522 = arith.addi %add3A_197, %add3A_521 : i32
        %get3A_523 = arith.index_cast %add3A_522 : i32 to index
        %get3A_524 = arith.constant 48 : index
        %get3A_525 = tpu.vector_load %arg11[%get3A_523, %get3A_524] {strides = array<i32>} : memref<128x128xf32, #tpu.memory_space<vmem>>, vector<16xf32>,
        %sub3A_526 = arith.subf %get3A_520, %get3A_525 : vector<16xf32>
        %mul3A_527 = arith.mulf %sub3A_526, %sub3A_526 : vector<16xf32>
        %add3A_528 = arith.addf %add3A_440, %mul3A_527 : vector<16xf32>
        %get3A_529 = arith.index_cast %add3A_203 : i32 to index
        %get3A_530 = arith.constant 48 : index
        %get3A_531 = tpu.vector_load %arg11[%get3A_529, %get3A_530] {strides = array<i32>} : memref<128x128xf32, #tpu.memory_space<vmem>>, vector<16xf32>,
        %add3A_532 = arith.constant 64 : i32
        %add3A_533 = arith.addi %add3A_203, %add3A_532 : i32
        %get3A_534 = arith.index_cast %add3A_533 : i32 to index
        %get3A_535 = arith.constant 48 : index
        %get3A_536 = tpu.vector_load %arg11[%get3A_534, %get3A_535] {strides = array<i32>} : memref<128x128xf32, #tpu.memory_space<vmem>>, vector<16xf32>,
        %sub3A_537 = arith.subf %get3A_531, %get3A_536 : vector<16xf32>
        %mul3A_538 = arith.mulf %sub3A_537, %sub3A_537 : vector<16xf32>
        %add3A_539 = arith.addf %add3A_451, %mul3A_538 : vector<16xf32>
        %get3A_540 = arith.index_cast %add3A_209 : i32 to index
        %get3A_541 = arith.constant 48 : index
        %get3A_542 = tpu.vector_load %arg11[%get3A_540, %get3A_541] {strides = array<i32>} : memref<128x128xf32, #tpu.memory_space<vmem>>, vector<16xf32>,
        %add3A_543 = arith.constant 64 : i32
        %add3A_544 = arith.addi %add3A_209, %add3A_543 : i32
        %get3A_545 = arith.index_cast %add3A_544 : i32 to index
        %get3A_546 = arith.constant 48 : index
        %get3A_547 = tpu.vector_load %arg11[%get3A_545, %get3A_546] {strides = array<i32>} : memref<128x128xf32, #tpu.memory_space<vmem>>, vector<16xf32>,
        %sub3A_548 = arith.subf %get3A_542, %get3A_547 : vector<16xf32>
        %mul3A_549 = arith.mulf %sub3A_548, %sub3A_548 : vector<16xf32>
        %add3A_550 = arith.addf %add3A_462, %mul3A_549 : vector<16xf32>
        %get3A_551 = arith.index_cast %add3A_215 : i32 to index
        %get3A_552 = arith.constant 48 : index
        %get3A_553 = tpu.vector_load %arg11[%get3A_551, %get3A_552] {strides = array<i32>} : memref<128x128xf32, #tpu.memory_space<vmem>>, vector<16xf32>,
        %add3A_554 = arith.constant 64 : i32
        %add3A_555 = arith.addi %add3A_215, %add3A_554 : i32
        %get3A_556 = arith.index_cast %add3A_555 : i32 to index
        %get3A_557 = arith.constant 48 : index
        %get3A_558 = tpu.vector_load %arg11[%get3A_556, %get3A_557] {strides = array<i32>} : memref<128x128xf32, #tpu.memory_space<vmem>>, vector<16xf32>,
        %sub3A_559 = arith.subf %get3A_553, %get3A_558 : vector<16xf32>
        %mul3A_560 = arith.mulf %sub3A_559, %sub3A_559 : vector<16xf32>
        %add3A_561 = arith.addf %add3A_473, %mul3A_560 : vector<16xf32>
        %get3A_562 = arith.index_cast %add3A_221 : i32 to index
        %get3A_563 = arith.constant 48 : index
        %get3A_564 = tpu.vector_load %arg11[%get3A_562, %get3A_563] {strides = array<i32>} : memref<128x128xf32, #tpu.memory_space<vmem>>, vector<16xf32>,
        %add3A_565 = arith.constant 64 : i32
        %add3A_566 = arith.addi %add3A_221, %add3A_565 : i32
        %get3A_567 = arith.index_cast %add3A_566 : i32 to index
        %get3A_568 = arith.constant 48 : index
        %get3A_569 = tpu.vector_load %arg11[%get3A_567, %get3A_568] {strides = array<i32>} : memref<128x128xf32, #tpu.memory_space<vmem>>, vector<16xf32>,
        %sub3A_570 = arith.subf %get3A_564, %get3A_569 : vector<16xf32>
        %mul3A_571 = arith.mulf %sub3A_570, %sub3A_570 : vector<16xf32>
        %add3A_572 = arith.addf %add3A_484, %mul3A_571 : vector<16xf32>
        %get3A_573 = arith.index_cast %add3A_227 : i32 to index
        %get3A_574 = arith.constant 48 : index
        %get3A_575 = tpu.vector_load %arg11[%get3A_573, %get3A_574] {strides = array<i32>} : memref<128x128xf32, #tpu.memory_space<vmem>>, vector<16xf32>,
        %add3A_576 = arith.constant 64 : i32
        %add3A_577 = arith.addi %add3A_227, %add3A_576 : i32
        %get3A_578 = arith.index_cast %add3A_577 : i32 to index
        %get3A_579 = arith.constant 48 : index
        %get3A_580 = tpu.vector_load %arg11[%get3A_578, %get3A_579] {strides = array<i32>} : memref<128x128xf32, #tpu.memory_space<vmem>>, vector<16xf32>,
        %sub3A_581 = arith.subf %get3A_575, %get3A_580 : vector<16xf32>
        %mul3A_582 = arith.mulf %sub3A_581, %sub3A_581 : vector<16xf32>
        %add3A_583 = arith.addf %add3A_495, %mul3A_582 : vector<16xf32>
        %get3A_584 = arith.index_cast %add3A_233 : i32 to index
        %get3A_585 = arith.constant 48 : index
        %get3A_586 = tpu.vector_load %arg11[%get3A_584, %get3A_585] {strides = array<i32>} : memref<128x128xf32, #tpu.memory_space<vmem>>, vector<16xf32>,
        %add3A_587 = arith.constant 64 : i32
        %add3A_588 = arith.addi %add3A_233, %add3A_587 : i32
        %get3A_589 = arith.index_cast %add3A_588 : i32 to index
        %get3A_590 = arith.constant 48 : index
        %get3A_591 = tpu.vector_load %arg11[%get3A_589, %get3A_590] {strides = array<i32>} : memref<128x128xf32, #tpu.memory_space<vmem>>, vector<16xf32>,
        %sub3A_592 = arith.subf %get3A_586, %get3A_591 : vector<16xf32>
        %mul3A_593 = arith.mulf %sub3A_592, %sub3A_592 : vector<16xf32>
        %add3A_594 = arith.addf %add3A_506, %mul3A_593 : vector<16xf32>
        %get3A_595 = arith.index_cast %add3A_239 : i32 to index
        %get3A_596 = arith.constant 48 : index
        %get3A_597 = tpu.vector_load %arg11[%get3A_595, %get3A_596] {strides = array<i32>} : memref<128x128xf32, #tpu.memory_space<vmem>>, vector<16xf32>,
        %add3A_598 = arith.constant 64 : i32
        %add3A_599 = arith.addi %add3A_239, %add3A_598 : i32
        %get3A_600 = arith.index_cast %add3A_599 : i32 to index
        %get3A_601 = arith.constant 48 : index
        %get3A_602 = tpu.vector_load %arg11[%get3A_600, %get3A_601] {strides = array<i32>} : memref<128x128xf32, #tpu.memory_space<vmem>>, vector<16xf32>,
        %sub3A_603 = arith.subf %get3A_597, %get3A_602 : vector<16xf32>
        %mul3A_604 = arith.mulf %sub3A_603, %sub3A_603 : vector<16xf32>
        %add3A_605 = arith.addf %add3A_517, %mul3A_604 : vector<16xf32>
        %get3A_606 = arith.index_cast %add3A_197 : i32 to index
        %get3A_607 = arith.constant 64 : index
        %get3A_608 = tpu.vector_load %arg11[%get3A_606, %get3A_607] {strides = array<i32>} : memref<128x128xf32, #tpu.memory_space<vmem>>, vector<16xf32>,
        %add3A_609 = arith.constant 64 : i32
        %add3A_610 = arith.addi %add3A_197, %add3A_609 : i32
        %get3A_611 = arith.index_cast %add3A_610 : i32 to index
        %get3A_612 = arith.constant 64 : index
        %get3A_613 = tpu.vector_load %arg11[%get3A_611, %get3A_612] {strides = array<i32>} : memref<128x128xf32, #tpu.memory_space<vmem>>, vector<16xf32>,
        %sub3A_614 = arith.subf %get3A_608, %get3A_613 : vector<16xf32>
        %mul3A_615 = arith.mulf %sub3A_614, %sub3A_614 : vector<16xf32>
        %add3A_616 = arith.addf %add3A_528, %mul3A_615 : vector<16xf32>
        %get3A_617 = arith.index_cast %add3A_203 : i32 to index
        %get3A_618 = arith.constant 64 : index
        %get3A_619 = tpu.vector_load %arg11[%get3A_617, %get3A_618] {strides = array<i32>} : memref<128x128xf32, #tpu.memory_space<vmem>>, vector<16xf32>,
        %add3A_620 = arith.constant 64 : i32
        %add3A_621 = arith.addi %add3A_203, %add3A_620 : i32
        %get3A_622 = arith.index_cast %add3A_621 : i32 to index
        %get3A_623 = arith.constant 64 : index
        %get3A_624 = tpu.vector_load %arg11[%get3A_622, %get3A_623] {strides = array<i32>} : memref<128x128xf32, #tpu.memory_space<vmem>>, vector<16xf32>,
        %sub3A_625 = arith.subf %get3A_619, %get3A_624 : vector<16xf32>
        %mul3A_626 = arith.mulf %sub3A_625, %sub3A_625 : vector<16xf32>
        %add3A_627 = arith.addf %add3A_539, %mul3A_626 : vector<16xf32>
        %get3A_628 = arith.index_cast %add3A_209 : i32 to index
        %get3A_629 = arith.constant 64 : index
        %get3A_630 = tpu.vector_load %arg11[%get3A_628, %get3A_629] {strides = array<i32>} : memref<128x128xf32, #tpu.memory_space<vmem>>, vector<16xf32>,
        %add3A_631 = arith.constant 64 : i32
        %add3A_632 = arith.addi %add3A_209, %add3A_631 : i32
        %get3A_633 = arith.index_cast %add3A_632 : i32 to index
        %get3A_634 = arith.constant 64 : index
        %get3A_635 = tpu.vector_load %arg11[%get3A_633, %get3A_634] {strides = array<i32>} : memref<128x128xf32, #tpu.memory_space<vmem>>, vector<16xf32>,
        %sub3A_636 = arith.subf %get3A_630, %get3A_635 : vector<16xf32>
        %mul3A_637 = arith.mulf %sub3A_636, %sub3A_636 : vector<16xf32>
        %add3A_638 = arith.addf %add3A_550, %mul3A_637 : vector<16xf32>
        %get3A_639 = arith.index_cast %add3A_215 : i32 to index
        %get3A_640 = arith.constant 64 : index
        %get3A_641 = tpu.vector_load %arg11[%get3A_639, %get3A_640] {strides = array<i32>} : memref<128x128xf32, #tpu.memory_space<vmem>>, vector<16xf32>,
        %add3A_642 = arith.constant 64 : i32
        %add3A_643 = arith.addi %add3A_215, %add3A_642 : i32
        %get3A_644 = arith.index_cast %add3A_643 : i32 to index
        %get3A_645 = arith.constant 64 : index
        %get3A_646 = tpu.vector_load %arg11[%get3A_644, %get3A_645] {strides = array<i32>} : memref<128x128xf32, #tpu.memory_space<vmem>>, vector<16xf32>,
        %sub3A_647 = arith.subf %get3A_641, %get3A_646 : vector<16xf32>
        %mul3A_648 = arith.mulf %sub3A_647, %sub3A_647 : vector<16xf32>
        %add3A_649 = arith.addf %add3A_561, %mul3A_648 : vector<16xf32>
        %get3A_650 = arith.index_cast %add3A_221 : i32 to index
        %get3A_651 = arith.constant 64 : index
        %get3A_652 = tpu.vector_load %arg11[%get3A_650, %get3A_651] {strides = array<i32>} : memref<128x128xf32, #tpu.memory_space<vmem>>, vector<16xf32>,
        %add3A_653 = arith.constant 64 : i32
        %add3A_654 = arith.addi %add3A_221, %add3A_653 : i32
        %get3A_655 = arith.index_cast %add3A_654 : i32 to index
        %get3A_656 = arith.constant 64 : index
        %get3A_657 = tpu.vector_load %arg11[%get3A_655, %get3A_656] {strides = array<i32>} : memref<128x128xf32, #tpu.memory_space<vmem>>, vector<16xf32>,
        %sub3A_658 = arith.subf %get3A_652, %get3A_657 : vector<16xf32>
        %mul3A_659 = arith.mulf %sub3A_658, %sub3A_658 : vector<16xf32>
        %add3A_660 = arith.addf %add3A_572, %mul3A_659 : vector<16xf32>
        %get3A_661 = arith.index_cast %add3A_227 : i32 to index
        %get3A_662 = arith.constant 64 : index
        %get3A_663 = tpu.vector_load %arg11[%get3A_661, %get3A_662] {strides = array<i32>} : memref<128x128xf32, #tpu.memory_space<vmem>>, vector<16xf32>,
        %add3A_664 = arith.constant 64 : i32
        %add3A_665 = arith.addi %add3A_227, %add3A_664 : i32
        %get3A_666 = arith.index_cast %add3A_665 : i32 to index
        %get3A_667 = arith.constant 64 : index
        %get3A_668 = tpu.vector_load %arg11[%get3A_666, %get3A_667] {strides = array<i32>} : memref<128x128xf32, #tpu.memory_space<vmem>>, vector<16xf32>,
        %sub3A_669 = arith.subf %get3A_663, %get3A_668 : vector<16xf32>
        %mul3A_670 = arith.mulf %sub3A_669, %sub3A_669 : vector<16xf32>
        %add3A_671 = arith.addf %add3A_583, %mul3A_670 : vector<16xf32>
        %get3A_672 = arith.index_cast %add3A_233 : i32 to index
        %get3A_673 = arith.constant 64 : index
        %get3A_674 = tpu.vector_load %arg11[%get3A_672, %get3A_673] {strides = array<i32>} : memref<128x128xf32, #tpu.memory_space<vmem>>, vector<16xf32>,
        %add3A_675 = arith.constant 64 : i32
        %add3A_676 = arith.addi %add3A_233, %add3A_675 : i32
        %get3A_677 = arith.index_cast %add3A_676 : i32 to index
        %get3A_678 = arith.constant 64 : index
        %get3A_679 = tpu.vector_load %arg11[%get3A_677, %get3A_678] {strides = array<i32>} : memref<128x128xf32, #tpu.memory_space<vmem>>, vector<16xf32>,
        %sub3A_680 = arith.subf %get3A_674, %get3A_679 : vector<16xf32>
        %mul3A_681 = arith.mulf %sub3A_680, %sub3A_680 : vector<16xf32>
        %add3A_682 = arith.addf %add3A_594, %mul3A_681 : vector<16xf32>
        %get3A_683 = arith.index_cast %add3A_239 : i32 to index
        %get3A_684 = arith.constant 64 : index
        %get3A_685 = tpu.vector_load %arg11[%get3A_683, %get3A_684] {strides = array<i32>} : memref<128x128xf32, #tpu.memory_space<vmem>>, vector<16xf32>,
        %add3A_686 = arith.constant 64 : i32
        %add3A_687 = arith.addi %add3A_239, %add3A_686 : i32
        %get3A_688 = arith.index_cast %add3A_687 : i32 to index
        %get3A_689 = arith.constant 64 : index
        %get3A_690 = tpu.vector_load %arg11[%get3A_688, %get3A_689] {strides = array<i32>} : memref<128x128xf32, #tpu.memory_space<vmem>>, vector<16xf32>,
        %sub3A_691 = arith.subf %get3A_685, %get3A_690 : vector<16xf32>
        %mul3A_692 = arith.mulf %sub3A_691, %sub3A_691 : vector<16xf32>
        %add3A_693 = arith.addf %add3A_605, %mul3A_692 : vector<16xf32>
        %get3A_694 = arith.index_cast %add3A_197 : i32 to index
        %get3A_695 = arith.constant 80 : index
        %get3A_696 = tpu.vector_load %arg11[%get3A_694, %get3A_695] {strides = array<i32>} : memref<128x128xf32, #tpu.memory_space<vmem>>, vector<16xf32>,
        %add3A_697 = arith.constant 64 : i32
        %add3A_698 = arith.addi %add3A_197, %add3A_697 : i32
        %get3A_699 = arith.index_cast %add3A_698 : i32 to index
        %get3A_700 = arith.constant 80 : index
        %get3A_701 = tpu.vector_load %arg11[%get3A_699, %get3A_700] {strides = array<i32>} : memref<128x128xf32, #tpu.memory_space<vmem>>, vector<16xf32>,
        %sub3A_702 = arith.subf %get3A_696, %get3A_701 : vector<16xf32>
        %mul3A_703 = arith.mulf %sub3A_702, %sub3A_702 : vector<16xf32>
        %add3A_704 = arith.addf %add3A_616, %mul3A_703 : vector<16xf32>
        %get3A_705 = arith.index_cast %add3A_203 : i32 to index
        %get3A_706 = arith.constant 80 : index
        %get3A_707 = tpu.vector_load %arg11[%get3A_705, %get3A_706] {strides = array<i32>} : memref<128x128xf32, #tpu.memory_space<vmem>>, vector<16xf32>,
        %add3A_708 = arith.constant 64 : i32
        %add3A_709 = arith.addi %add3A_203, %add3A_708 : i32
        %get3A_710 = arith.index_cast %add3A_709 : i32 to index
        %get3A_711 = arith.constant 80 : index
        %get3A_712 = tpu.vector_load %arg11[%get3A_710, %get3A_711] {strides = array<i32>} : memref<128x128xf32, #tpu.memory_space<vmem>>, vector<16xf32>,
        %sub3A_713 = arith.subf %get3A_707, %get3A_712 : vector<16xf32>
        %mul3A_714 = arith.mulf %sub3A_713, %sub3A_713 : vector<16xf32>
        %add3A_715 = arith.addf %add3A_627, %mul3A_714 : vector<16xf32>
        %get3A_716 = arith.index_cast %add3A_209 : i32 to index
        %get3A_717 = arith.constant 80 : index
        %get3A_718 = tpu.vector_load %arg11[%get3A_716, %get3A_717] {strides = array<i32>} : memref<128x128xf32, #tpu.memory_space<vmem>>, vector<16xf32>,
        %add3A_719 = arith.constant 64 : i32
        %add3A_720 = arith.addi %add3A_209, %add3A_719 : i32
        %get3A_721 = arith.index_cast %add3A_720 : i32 to index
        %get3A_722 = arith.constant 80 : index
        %get3A_723 = tpu.vector_load %arg11[%get3A_721, %get3A_722] {strides = array<i32>} : memref<128x128xf32, #tpu.memory_space<vmem>>, vector<16xf32>,
        %sub3A_724 = arith.subf %get3A_718, %get3A_723 : vector<16xf32>
        %mul3A_725 = arith.mulf %sub3A_724, %sub3A_724 : vector<16xf32>
        %add3A_726 = arith.addf %add3A_638, %mul3A_725 : vector<16xf32>
        %get3A_727 = arith.index_cast %add3A_215 : i32 to index
        %get3A_728 = arith.constant 80 : index
        %get3A_729 = tpu.vector_load %arg11[%get3A_727, %get3A_728] {strides = array<i32>} : memref<128x128xf32, #tpu.memory_space<vmem>>, vector<16xf32>,
        %add3A_730 = arith.constant 64 : i32
        %add3A_731 = arith.addi %add3A_215, %add3A_730 : i32
        %get3A_732 = arith.index_cast %add3A_731 : i32 to index
        %get3A_733 = arith.constant 80 : index
        %get3A_734 = tpu.vector_load %arg11[%get3A_732, %get3A_733] {strides = array<i32>} : memref<128x128xf32, #tpu.memory_space<vmem>>, vector<16xf32>,
        %sub3A_735 = arith.subf %get3A_729, %get3A_734 : vector<16xf32>
        %mul3A_736 = arith.mulf %sub3A_735, %sub3A_735 : vector<16xf32>
        %add3A_737 = arith.addf %add3A_649, %mul3A_736 : vector<16xf32>
        %get3A_738 = arith.index_cast %add3A_221 : i32 to index
        %get3A_739 = arith.constant 80 : index
        %get3A_740 = tpu.vector_load %arg11[%get3A_738, %get3A_739] {strides = array<i32>} : memref<128x128xf32, #tpu.memory_space<vmem>>, vector<16xf32>,
        %add3A_741 = arith.constant 64 : i32
        %add3A_742 = arith.addi %add3A_221, %add3A_741 : i32
        %get3A_743 = arith.index_cast %add3A_742 : i32 to index
        %get3A_744 = arith.constant 80 : index
        %get3A_745 = tpu.vector_load %arg11[%get3A_743, %get3A_744] {strides = array<i32>} : memref<128x128xf32, #tpu.memory_space<vmem>>, vector<16xf32>,
        %sub3A_746 = arith.subf %get3A_740, %get3A_745 : vector<16xf32>
        %mul3A_747 = arith.mulf %sub3A_746, %sub3A_746 : vector<16xf32>
        %add3A_748 = arith.addf %add3A_660, %mul3A_747 : vector<16xf32>
        %get3A_749 = arith.index_cast %add3A_227 : i32 to index
        %get3A_750 = arith.constant 80 : index
        %get3A_751 = tpu.vector_load %arg11[%get3A_749, %get3A_750] {strides = array<i32>} : memref<128x128xf32, #tpu.memory_space<vmem>>, vector<16xf32>,
        %add3A_752 = arith.constant 64 : i32
        %add3A_753 = arith.addi %add3A_227, %add3A_752 : i32
        %get3A_754 = arith.index_cast %add3A_753 : i32 to index
        %get3A_755 = arith.constant 80 : index
        %get3A_756 = tpu.vector_load %arg11[%get3A_754, %get3A_755] {strides = array<i32>} : memref<128x128xf32, #tpu.memory_space<vmem>>, vector<16xf32>,
        %sub3A_757 = arith.subf %get3A_751, %get3A_756 : vector<16xf32>
        %mul3A_758 = arith.mulf %sub3A_757, %sub3A_757 : vector<16xf32>
        %add3A_759 = arith.addf %add3A_671, %mul3A_758 : vector<16xf32>
        %get3A_760 = arith.index_cast %add3A_233 : i32 to index
        %get3A_761 = arith.constant 80 : index
        %get3A_762 = tpu.vector_load %arg11[%get3A_760, %get3A_761] {strides = array<i32>} : memref<128x128xf32, #tpu.memory_space<vmem>>, vector<16xf32>,
        %add3A_763 = arith.constant 64 : i32
        %add3A_764 = arith.addi %add3A_233, %add3A_763 : i32
        %get3A_765 = arith.index_cast %add3A_764 : i32 to index
        %get3A_766 = arith.constant 80 : index
        %get3A_767 = tpu.vector_load %arg11[%get3A_765, %get3A_766] {strides = array<i32>} : memref<128x128xf32, #tpu.memory_space<vmem>>, vector<16xf32>,
        %sub3A_768 = arith.subf %get3A_762, %get3A_767 : vector<16xf32>
        %mul3A_769 = arith.mulf %sub3A_768, %sub3A_768 : vector<16xf32>
        %add3A_770 = arith.addf %add3A_682, %mul3A_769 : vector<16xf32>
        %get3A_771 = arith.index_cast %add3A_239 : i32 to index
        %get3A_772 = arith.constant 80 : index
        %get3A_773 = tpu.vector_load %arg11[%get3A_771, %get3A_772] {strides = array<i32>} : memref<128x128xf32, #tpu.memory_space<vmem>>, vector<16xf32>,
        %add3A_774 = arith.constant 64 : i32
        %add3A_775 = arith.addi %add3A_239, %add3A_774 : i32
        %get3A_776 = arith.index_cast %add3A_775 : i32 to index
        %get3A_777 = arith.constant 80 : index
        %get3A_778 = tpu.vector_load %arg11[%get3A_776, %get3A_777] {strides = array<i32>} : memref<128x128xf32, #tpu.memory_space<vmem>>, vector<16xf32>,
        %sub3A_779 = arith.subf %get3A_773, %get3A_778 : vector<16xf32>
        %mul3A_780 = arith.mulf %sub3A_779, %sub3A_779 : vector<16xf32>
        %add3A_781 = arith.addf %add3A_693, %mul3A_780 : vector<16xf32>
        %get3A_782 = arith.index_cast %add3A_197 : i32 to index
        %get3A_783 = arith.constant 96 : index
        %get3A_784 = tpu.vector_load %arg11[%get3A_782, %get3A_783] {strides = array<i32>} : memref<128x128xf32, #tpu.memory_space<vmem>>, vector<16xf32>,
        %add3A_785 = arith.constant 64 : i32
        %add3A_786 = arith.addi %add3A_197, %add3A_785 : i32
        %get3A_787 = arith.index_cast %add3A_786 : i32 to index
        %get3A_788 = arith.constant 96 : index
        %get3A_789 = tpu.vector_load %arg11[%get3A_787, %get3A_788] {strides = array<i32>} : memref<128x128xf32, #tpu.memory_space<vmem>>, vector<16xf32>,
        %sub3A_790 = arith.subf %get3A_784, %get3A_789 : vector<16xf32>
        %mul3A_791 = arith.mulf %sub3A_790, %sub3A_790 : vector<16xf32>
        %add3A_792 = arith.addf %add3A_704, %mul3A_791 : vector<16xf32>
        %get3A_793 = arith.index_cast %add3A_203 : i32 to index
        %get3A_794 = arith.constant 96 : index
        %get3A_795 = tpu.vector_load %arg11[%get3A_793, %get3A_794] {strides = array<i32>} : memref<128x128xf32, #tpu.memory_space<vmem>>, vector<16xf32>,
        %add3A_796 = arith.constant 64 : i32
        %add3A_797 = arith.addi %add3A_203, %add3A_796 : i32
        %get3A_798 = arith.index_cast %add3A_797 : i32 to index
        %get3A_799 = arith.constant 96 : index
        %get3A_800 = tpu.vector_load %arg11[%get3A_798, %get3A_799] {strides = array<i32>} : memref<128x128xf32, #tpu.memory_space<vmem>>, vector<16xf32>,
        %sub3A_801 = arith.subf %get3A_795, %get3A_800 : vector<16xf32>
        %mul3A_802 = arith.mulf %sub3A_801, %sub3A_801 : vector<16xf32>
        %add3A_803 = arith.addf %add3A_715, %mul3A_802 : vector<16xf32>
        %get3A_804 = arith.index_cast %add3A_209 : i32 to index
        %get3A_805 = arith.constant 96 : index
        %get3A_806 = tpu.vector_load %arg11[%get3A_804, %get3A_805] {strides = array<i32>} : memref<128x128xf32, #tpu.memory_space<vmem>>, vector<16xf32>,
        %add3A_807 = arith.constant 64 : i32
        %add3A_808 = arith.addi %add3A_209, %add3A_807 : i32
        %get3A_809 = arith.index_cast %add3A_808 : i32 to index
        %get3A_810 = arith.constant 96 : index
        %get3A_811 = tpu.vector_load %arg11[%get3A_809, %get3A_810] {strides = array<i32>} : memref<128x128xf32, #tpu.memory_space<vmem>>, vector<16xf32>,
        %sub3A_812 = arith.subf %get3A_806, %get3A_811 : vector<16xf32>
        %mul3A_813 = arith.mulf %sub3A_812, %sub3A_812 : vector<16xf32>
        %add3A_814 = arith.addf %add3A_726, %mul3A_813 : vector<16xf32>
        %get3A_815 = arith.index_cast %add3A_215 : i32 to index
        %get3A_816 = arith.constant 96 : index
        %get3A_817 = tpu.vector_load %arg11[%get3A_815, %get3A_816] {strides = array<i32>} : memref<128x128xf32, #tpu.memory_space<vmem>>, vector<16xf32>,
        %add3A_818 = arith.constant 64 : i32
        %add3A_819 = arith.addi %add3A_215, %add3A_818 : i32
        %get3A_820 = arith.index_cast %add3A_819 : i32 to index
        %get3A_821 = arith.constant 96 : index
        %get3A_822 = tpu.vector_load %arg11[%get3A_820, %get3A_821] {strides = array<i32>} : memref<128x128xf32, #tpu.memory_space<vmem>>, vector<16xf32>,
        %sub3A_823 = arith.subf %get3A_817, %get3A_822 : vector<16xf32>
        %mul3A_824 = arith.mulf %sub3A_823, %sub3A_823 : vector<16xf32>
        %add3A_825 = arith.addf %add3A_737, %mul3A_824 : vector<16xf32>
        %get3A_826 = arith.index_cast %add3A_221 : i32 to index
        %get3A_827 = arith.constant 96 : index
        %get3A_828 = tpu.vector_load %arg11[%get3A_826, %get3A_827] {strides = array<i32>} : memref<128x128xf32, #tpu.memory_space<vmem>>, vector<16xf32>,
        %add3A_829 = arith.constant 64 : i32
        %add3A_830 = arith.addi %add3A_221, %add3A_829 : i32
        %get3A_831 = arith.index_cast %add3A_830 : i32 to index
        %get3A_832 = arith.constant 96 : index
        %get3A_833 = tpu.vector_load %arg11[%get3A_831, %get3A_832] {strides = array<i32>} : memref<128x128xf32, #tpu.memory_space<vmem>>, vector<16xf32>,
        %sub3A_834 = arith.subf %get3A_828, %get3A_833 : vector<16xf32>
        %mul3A_835 = arith.mulf %sub3A_834, %sub3A_834 : vector<16xf32>
        %add3A_836 = arith.addf %add3A_748, %mul3A_835 : vector<16xf32>
        %get3A_837 = arith.index_cast %add3A_227 : i32 to index
        %get3A_838 = arith.constant 96 : index
        %get3A_839 = tpu.vector_load %arg11[%get3A_837, %get3A_838] {strides = array<i32>} : memref<128x128xf32, #tpu.memory_space<vmem>>, vector<16xf32>,
        %add3A_840 = arith.constant 64 : i32
        %add3A_841 = arith.addi %add3A_227, %add3A_840 : i32
        %get3A_842 = arith.index_cast %add3A_841 : i32 to index
        %get3A_843 = arith.constant 96 : index
        %get3A_844 = tpu.vector_load %arg11[%get3A_842, %get3A_843] {strides = array<i32>} : memref<128x128xf32, #tpu.memory_space<vmem>>, vector<16xf32>,
        %sub3A_845 = arith.subf %get3A_839, %get3A_844 : vector<16xf32>
        %mul3A_846 = arith.mulf %sub3A_845, %sub3A_845 : vector<16xf32>
        %add3A_847 = arith.addf %add3A_759, %mul3A_846 : vector<16xf32>
        %get3A_848 = arith.index_cast %add3A_233 : i32 to index
        %get3A_849 = arith.constant 96 : index
        %get3A_850 = tpu.vector_load %arg11[%get3A_848, %get3A_849] {strides = array<i32>} : memref<128x128xf32, #tpu.memory_space<vmem>>, vector<16xf32>,
        %add3A_851 = arith.constant 64 : i32
        %add3A_852 = arith.addi %add3A_233, %add3A_851 : i32
        %get3A_853 = arith.index_cast %add3A_852 : i32 to index
        %get3A_854 = arith.constant 96 : index
        %get3A_855 = tpu.vector_load %arg11[%get3A_853, %get3A_854] {strides = array<i32>} : memref<128x128xf32, #tpu.memory_space<vmem>>, vector<16xf32>,
        %sub3A_856 = arith.subf %get3A_850, %get3A_855 : vector<16xf32>
        %mul3A_857 = arith.mulf %sub3A_856, %sub3A_856 : vector<16xf32>
        %add3A_858 = arith.addf %add3A_770, %mul3A_857 : vector<16xf32>
        %get3A_859 = arith.index_cast %add3A_239 : i32 to index
        %get3A_860 = arith.constant 96 : index
        %get3A_861 = tpu.vector_load %arg11[%get3A_859, %get3A_860] {strides = array<i32>} : memref<128x128xf32, #tpu.memory_space<vmem>>, vector<16xf32>,
        %add3A_862 = arith.constant 64 : i32
        %add3A_863 = arith.addi %add3A_239, %add3A_862 : i32
        %get3A_864 = arith.index_cast %add3A_863 : i32 to index
        %get3A_865 = arith.constant 96 : index
        %get3A_866 = tpu.vector_load %arg11[%get3A_864, %get3A_865] {strides = array<i32>} : memref<128x128xf32, #tpu.memory_space<vmem>>, vector<16xf32>,
        %sub3A_867 = arith.subf %get3A_861, %get3A_866 : vector<16xf32>
        %mul3A_868 = arith.mulf %sub3A_867, %sub3A_867 : vector<16xf32>
        %add3A_869 = arith.addf %add3A_781, %mul3A_868 : vector<16xf32>
        %get3A_870 = arith.index_cast %add3A_197 : i32 to index
        %get3A_871 = arith.constant 112 : index
        %get3A_872 = tpu.vector_load %arg11[%get3A_870, %get3A_871] {strides = array<i32>} : memref<128x128xf32, #tpu.memory_space<vmem>>, vector<16xf32>,
        %add3A_873 = arith.constant 64 : i32
        %add3A_874 = arith.addi %add3A_197, %add3A_873 : i32
        %get3A_875 = arith.index_cast %add3A_874 : i32 to index
        %get3A_876 = arith.constant 112 : index
        %get3A_877 = tpu.vector_load %arg11[%get3A_875, %get3A_876] {strides = array<i32>} : memref<128x128xf32, #tpu.memory_space<vmem>>, vector<16xf32>,
        %sub3A_878 = arith.subf %get3A_872, %get3A_877 : vector<16xf32>
        %mul3A_879 = arith.mulf %sub3A_878, %sub3A_878 : vector<16xf32>
        %add3A_880 = arith.addf %add3A_792, %mul3A_879 : vector<16xf32>
        %get3A_881 = arith.index_cast %add3A_203 : i32 to index
        %get3A_882 = arith.constant 112 : index
        %get3A_883 = tpu.vector_load %arg11[%get3A_881, %get3A_882] {strides = array<i32>} : memref<128x128xf32, #tpu.memory_space<vmem>>, vector<16xf32>,
        %add3A_884 = arith.constant 64 : i32
        %add3A_885 = arith.addi %add3A_203, %add3A_884 : i32
        %get3A_886 = arith.index_cast %add3A_885 : i32 to index
        %get3A_887 = arith.constant 112 : index
        %get3A_888 = tpu.vector_load %arg11[%get3A_886, %get3A_887] {strides = array<i32>} : memref<128x128xf32, #tpu.memory_space<vmem>>, vector<16xf32>,
        %sub3A_889 = arith.subf %get3A_883, %get3A_888 : vector<16xf32>
        %mul3A_890 = arith.mulf %sub3A_889, %sub3A_889 : vector<16xf32>
        %add3A_891 = arith.addf %add3A_803, %mul3A_890 : vector<16xf32>
        %get3A_892 = arith.index_cast %add3A_209 : i32 to index
        %get3A_893 = arith.constant 112 : index
        %get3A_894 = tpu.vector_load %arg11[%get3A_892, %get3A_893] {strides = array<i32>} : memref<128x128xf32, #tpu.memory_space<vmem>>, vector<16xf32>,
        %add3A_895 = arith.constant 64 : i32
        %add3A_896 = arith.addi %add3A_209, %add3A_895 : i32
        %get3A_897 = arith.index_cast %add3A_896 : i32 to index
        %get3A_898 = arith.constant 112 : index
        %get3A_899 = tpu.vector_load %arg11[%get3A_897, %get3A_898] {strides = array<i32>} : memref<128x128xf32, #tpu.memory_space<vmem>>, vector<16xf32>,
        %sub3A_900 = arith.subf %get3A_894, %get3A_899 : vector<16xf32>
        %mul3A_901 = arith.mulf %sub3A_900, %sub3A_900 : vector<16xf32>
        %add3A_902 = arith.addf %add3A_814, %mul3A_901 : vector<16xf32>
        %get3A_903 = arith.index_cast %add3A_215 : i32 to index
        %get3A_904 = arith.constant 112 : index
        %get3A_905 = tpu.vector_load %arg11[%get3A_903, %get3A_904] {strides = array<i32>} : memref<128x128xf32, #tpu.memory_space<vmem>>, vector<16xf32>,
        %add3A_906 = arith.constant 64 : i32
        %add3A_907 = arith.addi %add3A_215, %add3A_906 : i32
        %get3A_908 = arith.index_cast %add3A_907 : i32 to index
        %get3A_909 = arith.constant 112 : index
        %get3A_910 = tpu.vector_load %arg11[%get3A_908, %get3A_909] {strides = array<i32>} : memref<128x128xf32, #tpu.memory_space<vmem>>, vector<16xf32>,
        %sub3A_911 = arith.subf %get3A_905, %get3A_910 : vector<16xf32>
        %mul3A_912 = arith.mulf %sub3A_911, %sub3A_911 : vector<16xf32>
        %add3A_913 = arith.addf %add3A_825, %mul3A_912 : vector<16xf32>
        %get3A_914 = arith.index_cast %add3A_221 : i32 to index
        %get3A_915 = arith.constant 112 : index
        %get3A_916 = tpu.vector_load %arg11[%get3A_914, %get3A_915] {strides = array<i32>} : memref<128x128xf32, #tpu.memory_space<vmem>>, vector<16xf32>,
        %add3A_917 = arith.constant 64 : i32
        %add3A_918 = arith.addi %add3A_221, %add3A_917 : i32
        %get3A_919 = arith.index_cast %add3A_918 : i32 to index
        %get3A_920 = arith.constant 112 : index
        %get3A_921 = tpu.vector_load %arg11[%get3A_919, %get3A_920] {strides = array<i32>} : memref<128x128xf32, #tpu.memory_space<vmem>>, vector<16xf32>,
        %sub3A_922 = arith.subf %get3A_916, %get3A_921 : vector<16xf32>
        %mul3A_923 = arith.mulf %sub3A_922, %sub3A_922 : vector<16xf32>
        %add3A_924 = arith.addf %add3A_836, %mul3A_923 : vector<16xf32>
        %get3A_925 = arith.index_cast %add3A_227 : i32 to index
        %get3A_926 = arith.constant 112 : index
        %get3A_927 = tpu.vector_load %arg11[%get3A_925, %get3A_926] {strides = array<i32>} : memref<128x128xf32, #tpu.memory_space<vmem>>, vector<16xf32>,
        %add3A_928 = arith.constant 64 : i32
        %add3A_929 = arith.addi %add3A_227, %add3A_928 : i32
        %get3A_930 = arith.index_cast %add3A_929 : i32 to index
        %get3A_931 = arith.constant 112 : index
        %get3A_932 = tpu.vector_load %arg11[%get3A_930, %get3A_931] {strides = array<i32>} : memref<128x128xf32, #tpu.memory_space<vmem>>, vector<16xf32>,
        %sub3A_933 = arith.subf %get3A_927, %get3A_932 : vector<16xf32>
        %mul3A_934 = arith.mulf %sub3A_933, %sub3A_933 : vector<16xf32>
        %add3A_935 = arith.addf %add3A_847, %mul3A_934 : vector<16xf32>
        %get3A_936 = arith.index_cast %add3A_233 : i32 to index
        %get3A_937 = arith.constant 112 : index
        %get3A_938 = tpu.vector_load %arg11[%get3A_936, %get3A_937] {strides = array<i32>} : memref<128x128xf32, #tpu.memory_space<vmem>>, vector<16xf32>,
        %add3A_939 = arith.constant 64 : i32
        %add3A_940 = arith.addi %add3A_233, %add3A_939 : i32
        %get3A_941 = arith.index_cast %add3A_940 : i32 to index
        %get3A_942 = arith.constant 112 : index
        %get3A_943 = tpu.vector_load %arg11[%get3A_941, %get3A_942] {strides = array<i32>} : memref<128x128xf32, #tpu.memory_space<vmem>>, vector<16xf32>,
        %sub3A_944 = arith.subf %get3A_938, %get3A_943 : vector<16xf32>
        %mul3A_945 = arith.mulf %sub3A_944, %sub3A_944 : vector<16xf32>
        %add3A_946 = arith.addf %add3A_858, %mul3A_945 : vector<16xf32>
        %get3A_947 = arith.index_cast %add3A_239 : i32 to index
        %get3A_948 = arith.constant 112 : index
        %get3A_949 = tpu.vector_load %arg11[%get3A_947, %get3A_948] {strides = array<i32>} : memref<128x128xf32, #tpu.memory_space<vmem>>, vector<16xf32>,
        %add3A_950 = arith.constant 64 : i32
        %add3A_951 = arith.addi %add3A_239, %add3A_950 : i32
        %get3A_952 = arith.index_cast %add3A_951 : i32 to index
        %get3A_953 = arith.constant 112 : index
        %get3A_954 = tpu.vector_load %arg11[%get3A_952, %get3A_953] {strides = array<i32>} : memref<128x128xf32, #tpu.memory_space<vmem>>, vector<16xf32>,
        %sub3A_955 = arith.subf %get3A_949, %get3A_954 : vector<16xf32>
        %mul3A_956 = arith.mulf %sub3A_955, %sub3A_955 : vector<16xf32>
        %add3A_957 = arith.addf %add3A_869, %mul3A_956 : vector<16xf32>
        %swap3A = arith.constant 0 : i32
        %swap3A_958 = arith.index_cast %swap3A : i32 to index
        %swap3A_959 = arith.constant 0 : index
        %swap3A_960 = tpu.vector_load %arg13[%swap3A_958, %swap3A_959] {strides = array<i32>} : memref<16x17xf32, #tpu.memory_space<vmem>>, vector<16xf32>,
        tpu.vector_store %arg13[%swap3A_958, %swap3A_959], %add3A_880 {strides = array<i32>} : memref<16x17xf32, #tpu.memory_space<vmem>>, vector<16xf32>,
        %swap3A_961 = arith.constant 1 : i32
        %swap3A_962 = arith.index_cast %swap3A_961 : i32 to index
        %swap3A_963 = arith.constant 0 : index
        %swap3A_964 = tpu.vector_load %arg13[%swap3A_962, %swap3A_963] {strides = array<i32>} : memref<16x17xf32, #tpu.memory_space<vmem>>, vector<16xf32>,
        tpu.vector_store %arg13[%swap3A_962, %swap3A_963], %add3A_891 {strides = array<i32>} : memref<16x17xf32, #tpu.memory_space<vmem>>, vector<16xf32>,
        %swap3A_965 = arith.constant 2 : i32
        %swap3A_966 = arith.index_cast %swap3A_965 : i32 to index
        %swap3A_967 = arith.constant 0 : index
        %swap3A_968 = tpu.vector_load %arg13[%swap3A_966, %swap3A_967] {strides = array<i32>} : memref<16x17xf32, #tpu.memory_space<vmem>>, vector<16xf32>,
        tpu.vector_store %arg13[%swap3A_966, %swap3A_967], %add3A_902 {strides = array<i32>} : memref<16x17xf32, #tpu.memory_space<vmem>>, vector<16xf32>,
        %swap3A_969 = arith.constant 3 : i32
        %swap3A_970 = arith.index_cast %swap3A_969 : i32 to index
        %swap3A_971 = arith.constant 0 : index
        %swap3A_972 = tpu.vector_load %arg13[%swap3A_970, %swap3A_971] {strides = array<i32>} : memref<16x17xf32, #tpu.memory_space<vmem>>, vector<16xf32>,
        tpu.vector_store %arg13[%swap3A_970, %swap3A_971], %add3A_913 {strides = array<i32>} : memref<16x17xf32, #tpu.memory_space<vmem>>, vector<16xf32>,
        %swap3A_973 = arith.constant 4 : i32
        %swap3A_974 = arith.index_cast %swap3A_973 : i32 to index
        %swap3A_975 = arith.constant 0 : index
        %swap3A_976 = tpu.vector_load %arg13[%swap3A_974, %swap3A_975] {strides = array<i32>} : memref<16x17xf32, #tpu.memory_space<vmem>>, vector<16xf32>,
        tpu.vector_store %arg13[%swap3A_974, %swap3A_975], %add3A_924 {strides = array<i32>} : memref<16x17xf32, #tpu.memory_space<vmem>>, vector<16xf32>,
        %swap3A_977 = arith.constant 5 : i32
        %swap3A_978 = arith.index_cast %swap3A_977 : i32 to index
        %swap3A_979 = arith.constant 0 : index
        %swap3A_980 = tpu.vector_load %arg13[%swap3A_978, %swap3A_979] {strides = array<i32>} : memref<16x17xf32, #tpu.memory_space<vmem>>, vector<16xf32>,
        tpu.vector_store %arg13[%swap3A_978, %swap3A_979], %add3A_935 {strides = array<i32>} : memref<16x17xf32, #tpu.memory_space<vmem>>, vector<16xf32>,
        %swap3A_981 = arith.constant 6 : i32
        %swap3A_982 = arith.index_cast %swap3A_981 : i32 to index
        %swap3A_983 = arith.constant 0 : index
        %swap3A_984 = tpu.vector_load %arg13[%swap3A_982, %swap3A_983] {strides = array<i32>} : memref<16x17xf32, #tpu.memory_space<vmem>>, vector<16xf32>,
        tpu.vector_store %arg13[%swap3A_982, %swap3A_983], %add3A_946 {strides = array<i32>} : memref<16x17xf32, #tpu.memory_space<vmem>>, vector<16xf32>,
        %swap3A_985 = arith.constant 7 : i32
        %swap3A_986 = arith.index_cast %swap3A_985 : i32 to index
        %swap3A_987 = arith.constant 0 : index
        %swap3A_988 = tpu.vector_load %arg13[%swap3A_986, %swap3A_987] {strides = array<i32>} : memref<16x17xf32, #tpu.memory_space<vmem>>, vector<16xf32>,
        tpu.vector_store %arg13[%swap3A_986, %swap3A_987], %add3A_957 {strides = array<i32>} : memref<16x17xf32, #tpu.memory_space<vmem>>, vector<16xf32>,
        %mul3A_989 = arith.constant 16 : i32
        %mul3A_990 = arith.muli %scan3A_190, %mul3A_989 : i32
        %add3A_991 = arith.constant 8 : i32
        %add3A_992 = arith.addi %mul3A_990, %add3A_991 : i32
        %add3A_993 = arith.constant 0 : i32
        %add3A_994 = arith.addi %add3A_992, %add3A_993 : i32
        %mul3A_995 = arith.constant 16 : i32
        %mul3A_996 = arith.muli %scan3A_190, %mul3A_995 : i32
        %add3A_997 = arith.constant 8 : i32
        %add3A_998 = arith.addi %mul3A_996, %add3A_997 : i32
        %add3A_999 = arith.constant 1 : i32
        %add3A_1000 = arith.addi %add3A_998, %add3A_999 : i32
        %mul3A_1001 = arith.constant 16 : i32
        %mul3A_1002 = arith.muli %scan3A_190, %mul3A_1001 : i32
        %add3A_1003 = arith.constant 8 : i32
        %add3A_1004 = arith.addi %mul3A_1002, %add3A_1003 : i32
        %add3A_1005 = arith.constant 2 : i32
        %add3A_1006 = arith.addi %add3A_1004, %add3A_1005 : i32
        %mul3A_1007 = arith.constant 16 : i32
        %mul3A_1008 = arith.muli %scan3A_190, %mul3A_1007 : i32
        %add3A_1009 = arith.constant 8 : i32
        %add3A_1010 = arith.addi %mul3A_1008, %add3A_1009 : i32
        %add3A_1011 = arith.constant 3 : i32
        %add3A_1012 = arith.addi %add3A_1010, %add3A_1011 : i32
        %mul3A_1013 = arith.constant 16 : i32
        %mul3A_1014 = arith.muli %scan3A_190, %mul3A_1013 : i32
        %add3A_1015 = arith.constant 8 : i32
        %add3A_1016 = arith.addi %mul3A_1014, %add3A_1015 : i32
        %add3A_1017 = arith.constant 4 : i32
        %add3A_1018 = arith.addi %add3A_1016, %add3A_1017 : i32
        %mul3A_1019 = arith.constant 16 : i32
        %mul3A_1020 = arith.muli %scan3A_190, %mul3A_1019 : i32
        %add3A_1021 = arith.constant 8 : i32
        %add3A_1022 = arith.addi %mul3A_1020, %add3A_1021 : i32
        %add3A_1023 = arith.constant 5 : i32
        %add3A_1024 = arith.addi %add3A_1022, %add3A_1023 : i32
        %mul3A_1025 = arith.constant 16 : i32
        %mul3A_1026 = arith.muli %scan3A_190, %mul3A_1025 : i32
        %add3A_1027 = arith.constant 8 : i32
        %add3A_1028 = arith.addi %mul3A_1026, %add3A_1027 : i32
        %add3A_1029 = arith.constant 6 : i32
        %add3A_1030 = arith.addi %add3A_1028, %add3A_1029 : i32
        %mul3A_1031 = arith.constant 16 : i32
        %mul3A_1032 = arith.muli %scan3A_190, %mul3A_1031 : i32
        %add3A_1033 = arith.constant 8 : i32
        %add3A_1034 = arith.addi %mul3A_1032, %add3A_1033 : i32
        %add3A_1035 = arith.constant 7 : i32
        %add3A_1036 = arith.addi %add3A_1034, %add3A_1035 : i32
        %broadcast_in_dim3A_1037 = arith.constant 0.000000e+00 : f32
        %broadcast_in_dim3A_1038 = vector.broadcast %broadcast_in_dim3A_1037 : f32 to vector<16xf32>
        %broadcast_in_dim3A_1039 = arith.constant 0.000000e+00 : f32
        %broadcast_in_dim3A_1040 = vector.broadcast %broadcast_in_dim3A_1039 : f32 to vector<16xf32>
        %broadcast_in_dim3A_1041 = arith.constant 0.000000e+00 : f32
        %broadcast_in_dim3A_1042 = vector.broadcast %broadcast_in_dim3A_1041 : f32 to vector<16xf32>
        %broadcast_in_dim3A_1043 = arith.constant 0.000000e+00 : f32
        %broadcast_in_dim3A_1044 = vector.broadcast %broadcast_in_dim3A_1043 : f32 to vector<16xf32>
        %broadcast_in_dim3A_1045 = arith.constant 0.000000e+00 : f32
        %broadcast_in_dim3A_1046 = vector.broadcast %broadcast_in_dim3A_1045 : f32 to vector<16xf32>
        %broadcast_in_dim3A_1047 = arith.constant 0.000000e+00 : f32
        %broadcast_in_dim3A_1048 = vector.broadcast %broadcast_in_dim3A_1047 : f32 to vector<16xf32>
        %broadcast_in_dim3A_1049 = arith.constant 0.000000e+00 : f32
        %broadcast_in_dim3A_1050 = vector.broadcast %broadcast_in_dim3A_1049 : f32 to vector<16xf32>
        %broadcast_in_dim3A_1051 = arith.constant 0.000000e+00 : f32
        %broadcast_in_dim3A_1052 = vector.broadcast %broadcast_in_dim3A_1051 : f32 to vector<16xf32>
        %get3A_1053 = arith.index_cast %add3A_994 : i32 to index
        %get3A_1054 = arith.constant 0 : index
        %get3A_1055 = tpu.vector_load %arg11[%get3A_1053, %get3A_1054] {strides = array<i32>} : memref<128x128xf32, #tpu.memory_space<vmem>>, vector<16xf32>,
        %add3A_1056 = arith.constant 64 : i32
        %add3A_1057 = arith.addi %add3A_994, %add3A_1056 : i32
        %get3A_1058 = arith.index_cast %add3A_1057 : i32 to index
        %get3A_1059 = arith.constant 0 : index
        %get3A_1060 = tpu.vector_load %arg11[%get3A_1058, %get3A_1059] {strides = array<i32>} : memref<128x128xf32, #tpu.memory_space<vmem>>, vector<16xf32>,
        %sub3A_1061 = arith.subf %get3A_1055, %get3A_1060 : vector<16xf32>
        %mul3A_1062 = arith.mulf %sub3A_1061, %sub3A_1061 : vector<16xf32>
        %add3A_1063 = arith.addf %broadcast_in_dim3A_1038, %mul3A_1062 : vector<16xf32>
        %get3A_1064 = arith.index_cast %add3A_1000 : i32 to index
        %get3A_1065 = arith.constant 0 : index
        %get3A_1066 = tpu.vector_load %arg11[%get3A_1064, %get3A_1065] {strides = array<i32>} : memref<128x128xf32, #tpu.memory_space<vmem>>, vector<16xf32>,
        %add3A_1067 = arith.constant 64 : i32
        %add3A_1068 = arith.addi %add3A_1000, %add3A_1067 : i32
        %get3A_1069 = arith.index_cast %add3A_1068 : i32 to index
        %get3A_1070 = arith.constant 0 : index
        %get3A_1071 = tpu.vector_load %arg11[%get3A_1069, %get3A_1070] {strides = array<i32>} : memref<128x128xf32, #tpu.memory_space<vmem>>, vector<16xf32>,
        %sub3A_1072 = arith.subf %get3A_1066, %get3A_1071 : vector<16xf32>
        %mul3A_1073 = arith.mulf %sub3A_1072, %sub3A_1072 : vector<16xf32>
        %add3A_1074 = arith.addf %broadcast_in_dim3A_1040, %mul3A_1073 : vector<16xf32>
        %get3A_1075 = arith.index_cast %add3A_1006 : i32 to index
        %get3A_1076 = arith.constant 0 : index
        %get3A_1077 = tpu.vector_load %arg11[%get3A_1075, %get3A_1076] {strides = array<i32>} : memref<128x128xf32, #tpu.memory_space<vmem>>, vector<16xf32>,
        %add3A_1078 = arith.constant 64 : i32
        %add3A_1079 = arith.addi %add3A_1006, %add3A_1078 : i32
        %get3A_1080 = arith.index_cast %add3A_1079 : i32 to index
        %get3A_1081 = arith.constant 0 : index
        %get3A_1082 = tpu.vector_load %arg11[%get3A_1080, %get3A_1081] {strides = array<i32>} : memref<128x128xf32, #tpu.memory_space<vmem>>, vector<16xf32>,
        %sub3A_1083 = arith.subf %get3A_1077, %get3A_1082 : vector<16xf32>
        %mul3A_1084 = arith.mulf %sub3A_1083, %sub3A_1083 : vector<16xf32>
        %add3A_1085 = arith.addf %broadcast_in_dim3A_1042, %mul3A_1084 : vector<16xf32>
        %get3A_1086 = arith.index_cast %add3A_1012 : i32 to index
        %get3A_1087 = arith.constant 0 : index
        %get3A_1088 = tpu.vector_load %arg11[%get3A_1086, %get3A_1087] {strides = array<i32>} : memref<128x128xf32, #tpu.memory_space<vmem>>, vector<16xf32>,
        %add3A_1089 = arith.constant 64 : i32
        %add3A_1090 = arith.addi %add3A_1012, %add3A_1089 : i32
        %get3A_1091 = arith.index_cast %add3A_1090 : i32 to index
        %get3A_1092 = arith.constant 0 : index
        %get3A_1093 = tpu.vector_load %arg11[%get3A_1091, %get3A_1092] {strides = array<i32>} : memref<128x128xf32, #tpu.memory_space<vmem>>, vector<16xf32>,
        %sub3A_1094 = arith.subf %get3A_1088, %get3A_1093 : vector<16xf32>
        %mul3A_1095 = arith.mulf %sub3A_1094, %sub3A_1094 : vector<16xf32>
        %add3A_1096 = arith.addf %broadcast_in_dim3A_1044, %mul3A_1095 : vector<16xf32>
        %get3A_1097 = arith.index_cast %add3A_1018 : i32 to index
        %get3A_1098 = arith.constant 0 : index
        %get3A_1099 = tpu.vector_load %arg11[%get3A_1097, %get3A_1098] {strides = array<i32>} : memref<128x128xf32, #tpu.memory_space<vmem>>, vector<16xf32>,
        %add3A_1100 = arith.constant 64 : i32
        %add3A_1101 = arith.addi %add3A_1018, %add3A_1100 : i32
        %get3A_1102 = arith.index_cast %add3A_1101 : i32 to index
        %get3A_1103 = arith.constant 0 : index
        %get3A_1104 = tpu.vector_load %arg11[%get3A_1102, %get3A_1103] {strides = array<i32>} : memref<128x128xf32, #tpu.memory_space<vmem>>, vector<16xf32>,
        %sub3A_1105 = arith.subf %get3A_1099, %get3A_1104 : vector<16xf32>
        %mul3A_1106 = arith.mulf %sub3A_1105, %sub3A_1105 : vector<16xf32>
        %add3A_1107 = arith.addf %broadcast_in_dim3A_1046, %mul3A_1106 : vector<16xf32>
        %get3A_1108 = arith.index_cast %add3A_1024 : i32 to index
        %get3A_1109 = arith.constant 0 : index
        %get3A_1110 = tpu.vector_load %arg11[%get3A_1108, %get3A_1109] {strides = array<i32>} : memref<128x128xf32, #tpu.memory_space<vmem>>, vector<16xf32>,
        %add3A_1111 = arith.constant 64 : i32
        %add3A_1112 = arith.addi %add3A_1024, %add3A_1111 : i32
        %get3A_1113 = arith.index_cast %add3A_1112 : i32 to index
        %get3A_1114 = arith.constant 0 : index
        %get3A_1115 = tpu.vector_load %arg11[%get3A_1113, %get3A_1114] {strides = array<i32>} : memref<128x128xf32, #tpu.memory_space<vmem>>, vector<16xf32>,
        %sub3A_1116 = arith.subf %get3A_1110, %get3A_1115 : vector<16xf32>
        %mul3A_1117 = arith.mulf %sub3A_1116, %sub3A_1116 : vector<16xf32>
        %add3A_1118 = arith.addf %broadcast_in_dim3A_1048, %mul3A_1117 : vector<16xf32>
        %get3A_1119 = arith.index_cast %add3A_1030 : i32 to index
        %get3A_1120 = arith.constant 0 : index
        %get3A_1121 = tpu.vector_load %arg11[%get3A_1119, %get3A_1120] {strides = array<i32>} : memref<128x128xf32, #tpu.memory_space<vmem>>, vector<16xf32>,
        %add3A_1122 = arith.constant 64 : i32
        %add3A_1123 = arith.addi %add3A_1030, %add3A_1122 : i32
        %get3A_1124 = arith.index_cast %add3A_1123 : i32 to index
        %get3A_1125 = arith.constant 0 : index
        %get3A_1126 = tpu.vector_load %arg11[%get3A_1124, %get3A_1125] {strides = array<i32>} : memref<128x128xf32, #tpu.memory_space<vmem>>, vector<16xf32>,
        %sub3A_1127 = arith.subf %get3A_1121, %get3A_1126 : vector<16xf32>
        %mul3A_1128 = arith.mulf %sub3A_1127, %sub3A_1127 : vector<16xf32>
        %add3A_1129 = arith.addf %broadcast_in_dim3A_1050, %mul3A_1128 : vector<16xf32>
        %get3A_1130 = arith.index_cast %add3A_1036 : i32 to index
        %get3A_1131 = arith.constant 0 : index
        %get3A_1132 = tpu.vector_load %arg11[%get3A_1130, %get3A_1131] {strides = array<i32>} : memref<128x128xf32, #tpu.memory_space<vmem>>, vector<16xf32>,
        %add3A_1133 = arith.constant 64 : i32
        %add3A_1134 = arith.addi %add3A_1036, %add3A_1133 : i32
        %get3A_1135 = arith.index_cast %add3A_1134 : i32 to index
        %get3A_1136 = arith.constant 0 : index
        %get3A_1137 = tpu.vector_load %arg11[%get3A_1135, %get3A_1136] {strides = array<i32>} : memref<128x128xf32, #tpu.memory_space<vmem>>, vector<16xf32>,
        %sub3A_1138 = arith.subf %get3A_1132, %get3A_1137 : vector<16xf32>
        %mul3A_1139 = arith.mulf %sub3A_1138, %sub3A_1138 : vector<16xf32>
        %add3A_1140 = arith.addf %broadcast_in_dim3A_1052, %mul3A_1139 : vector<16xf32>
        %get3A_1141 = arith.index_cast %add3A_994 : i32 to index
        %get3A_1142 = arith.constant 16 : index
        %get3A_1143 = tpu.vector_load %arg11[%get3A_1141, %get3A_1142] {strides = array<i32>} : memref<128x128xf32, #tpu.memory_space<vmem>>, vector<16xf32>,
        %add3A_1144 = arith.constant 64 : i32
        %add3A_1145 = arith.addi %add3A_994, %add3A_1144 : i32
        %get3A_1146 = arith.index_cast %add3A_1145 : i32 to index
        %get3A_1147 = arith.constant 16 : index
        %get3A_1148 = tpu.vector_load %arg11[%get3A_1146, %get3A_1147] {strides = array<i32>} : memref<128x128xf32, #tpu.memory_space<vmem>>, vector<16xf32>,
        %sub3A_1149 = arith.subf %get3A_1143, %get3A_1148 : vector<16xf32>
        %mul3A_1150 = arith.mulf %sub3A_1149, %sub3A_1149 : vector<16xf32>
        %add3A_1151 = arith.addf %add3A_1063, %mul3A_1150 : vector<16xf32>
        %get3A_1152 = arith.index_cast %add3A_1000 : i32 to index
        %get3A_1153 = arith.constant 16 : index
        %get3A_1154 = tpu.vector_load %arg11[%get3A_1152, %get3A_1153] {strides = array<i32>} : memref<128x128xf32, #tpu.memory_space<vmem>>, vector<16xf32>,
        %add3A_1155 = arith.constant 64 : i32
        %add3A_1156 = arith.addi %add3A_1000, %add3A_1155 : i32
        %get3A_1157 = arith.index_cast %add3A_1156 : i32 to index
        %get3A_1158 = arith.constant 16 : index
        %get3A_1159 = tpu.vector_load %arg11[%get3A_1157, %get3A_1158] {strides = array<i32>} : memref<128x128xf32, #tpu.memory_space<vmem>>, vector<16xf32>,
        %sub3A_1160 = arith.subf %get3A_1154, %get3A_1159 : vector<16xf32>
        %mul3A_1161 = arith.mulf %sub3A_1160, %sub3A_1160 : vector<16xf32>
        %add3A_1162 = arith.addf %add3A_1074, %mul3A_1161 : vector<16xf32>
        %get3A_1163 = arith.index_cast %add3A_1006 : i32 to index
        %get3A_1164 = arith.constant 16 : index
        %get3A_1165 = tpu.vector_load %arg11[%get3A_1163, %get3A_1164] {strides = array<i32>} : memref<128x128xf32, #tpu.memory_space<vmem>>, vector<16xf32>,
        %add3A_1166 = arith.constant 64 : i32
        %add3A_1167 = arith.addi %add3A_1006, %add3A_1166 : i32
        %get3A_1168 = arith.index_cast %add3A_1167 : i32 to index
        %get3A_1169 = arith.constant 16 : index
        %get3A_1170 = tpu.vector_load %arg11[%get3A_1168, %get3A_1169] {strides = array<i32>} : memref<128x128xf32, #tpu.memory_space<vmem>>, vector<16xf32>,
        %sub3A_1171 = arith.subf %get3A_1165, %get3A_1170 : vector<16xf32>
        %mul3A_1172 = arith.mulf %sub3A_1171, %sub3A_1171 : vector<16xf32>
        %add3A_1173 = arith.addf %add3A_1085, %mul3A_1172 : vector<16xf32>
        %get3A_1174 = arith.index_cast %add3A_1012 : i32 to index
        %get3A_1175 = arith.constant 16 : index
        %get3A_1176 = tpu.vector_load %arg11[%get3A_1174, %get3A_1175] {strides = array<i32>} : memref<128x128xf32, #tpu.memory_space<vmem>>, vector<16xf32>,
        %add3A_1177 = arith.constant 64 : i32
        %add3A_1178 = arith.addi %add3A_1012, %add3A_1177 : i32
        %get3A_1179 = arith.index_cast %add3A_1178 : i32 to index
        %get3A_1180 = arith.constant 16 : index
        %get3A_1181 = tpu.vector_load %arg11[%get3A_1179, %get3A_1180] {strides = array<i32>} : memref<128x128xf32, #tpu.memory_space<vmem>>, vector<16xf32>,
        %sub3A_1182 = arith.subf %get3A_1176, %get3A_1181 : vector<16xf32>
        %mul3A_1183 = arith.mulf %sub3A_1182, %sub3A_1182 : vector<16xf32>
        %add3A_1184 = arith.addf %add3A_1096, %mul3A_1183 : vector<16xf32>
        %get3A_1185 = arith.index_cast %add3A_1018 : i32 to index
        %get3A_1186 = arith.constant 16 : index
        %get3A_1187 = tpu.vector_load %arg11[%get3A_1185, %get3A_1186] {strides = array<i32>} : memref<128x128xf32, #tpu.memory_space<vmem>>, vector<16xf32>,
        %add3A_1188 = arith.constant 64 : i32
        %add3A_1189 = arith.addi %add3A_1018, %add3A_1188 : i32
        %get3A_1190 = arith.index_cast %add3A_1189 : i32 to index
        %get3A_1191 = arith.constant 16 : index
        %get3A_1192 = tpu.vector_load %arg11[%get3A_1190, %get3A_1191] {strides = array<i32>} : memref<128x128xf32, #tpu.memory_space<vmem>>, vector<16xf32>,
        %sub3A_1193 = arith.subf %get3A_1187, %get3A_1192 : vector<16xf32>
        %mul3A_1194 = arith.mulf %sub3A_1193, %sub3A_1193 : vector<16xf32>
        %add3A_1195 = arith.addf %add3A_1107, %mul3A_1194 : vector<16xf32>
        %get3A_1196 = arith.index_cast %add3A_1024 : i32 to index
        %get3A_1197 = arith.constant 16 : index
        %get3A_1198 = tpu.vector_load %arg11[%get3A_1196, %get3A_1197] {strides = array<i32>} : memref<128x128xf32, #tpu.memory_space<vmem>>, vector<16xf32>,
        %add3A_1199 = arith.constant 64 : i32
        %add3A_1200 = arith.addi %add3A_1024, %add3A_1199 : i32
        %get3A_1201 = arith.index_cast %add3A_1200 : i32 to index
        %get3A_1202 = arith.constant 16 : index
        %get3A_1203 = tpu.vector_load %arg11[%get3A_1201, %get3A_1202] {strides = array<i32>} : memref<128x128xf32, #tpu.memory_space<vmem>>, vector<16xf32>,
        %sub3A_1204 = arith.subf %get3A_1198, %get3A_1203 : vector<16xf32>
        %mul3A_1205 = arith.mulf %sub3A_1204, %sub3A_1204 : vector<16xf32>
        %add3A_1206 = arith.addf %add3A_1118, %mul3A_1205 : vector<16xf32>
        %get3A_1207 = arith.index_cast %add3A_1030 : i32 to index
        %get3A_1208 = arith.constant 16 : index
        %get3A_1209 = tpu.vector_load %arg11[%get3A_1207, %get3A_1208] {strides = array<i32>} : memref<128x128xf32, #tpu.memory_space<vmem>>, vector<16xf32>,
        %add3A_1210 = arith.constant 64 : i32
        %add3A_1211 = arith.addi %add3A_1030, %add3A_1210 : i32
        %get3A_1212 = arith.index_cast %add3A_1211 : i32 to index
        %get3A_1213 = arith.constant 16 : index
        %get3A_1214 = tpu.vector_load %arg11[%get3A_1212, %get3A_1213] {strides = array<i32>} : memref<128x128xf32, #tpu.memory_space<vmem>>, vector<16xf32>,
        %sub3A_1215 = arith.subf %get3A_1209, %get3A_1214 : vector<16xf32>
        %mul3A_1216 = arith.mulf %sub3A_1215, %sub3A_1215 : vector<16xf32>
        %add3A_1217 = arith.addf %add3A_1129, %mul3A_1216 : vector<16xf32>
        %get3A_1218 = arith.index_cast %add3A_1036 : i32 to index
        %get3A_1219 = arith.constant 16 : index
        %get3A_1220 = tpu.vector_load %arg11[%get3A_1218, %get3A_1219] {strides = array<i32>} : memref<128x128xf32, #tpu.memory_space<vmem>>, vector<16xf32>,
        %add3A_1221 = arith.constant 64 : i32
        %add3A_1222 = arith.addi %add3A_1036, %add3A_1221 : i32
        %get3A_1223 = arith.index_cast %add3A_1222 : i32 to index
        %get3A_1224 = arith.constant 16 : index
        %get3A_1225 = tpu.vector_load %arg11[%get3A_1223, %get3A_1224] {strides = array<i32>} : memref<128x128xf32, #tpu.memory_space<vmem>>, vector<16xf32>,
        %sub3A_1226 = arith.subf %get3A_1220, %get3A_1225 : vector<16xf32>
        %mul3A_1227 = arith.mulf %sub3A_1226, %sub3A_1226 : vector<16xf32>
        %add3A_1228 = arith.addf %add3A_1140, %mul3A_1227 : vector<16xf32>
        %get3A_1229 = arith.index_cast %add3A_994 : i32 to index
        %get3A_1230 = arith.constant 32 : index
        %get3A_1231 = tpu.vector_load %arg11[%get3A_1229, %get3A_1230] {strides = array<i32>} : memref<128x128xf32, #tpu.memory_space<vmem>>, vector<16xf32>,
        %add3A_1232 = arith.constant 64 : i32
        %add3A_1233 = arith.addi %add3A_994, %add3A_1232 : i32
        %get3A_1234 = arith.index_cast %add3A_1233 : i32 to index
        %get3A_1235 = arith.constant 32 : index
        %get3A_1236 = tpu.vector_load %arg11[%get3A_1234, %get3A_1235] {strides = array<i32>} : memref<128x128xf32, #tpu.memory_space<vmem>>, vector<16xf32>,
        %sub3A_1237 = arith.subf %get3A_1231, %get3A_1236 : vector<16xf32>
        %mul3A_1238 = arith.mulf %sub3A_1237, %sub3A_1237 : vector<16xf32>
        %add3A_1239 = arith.addf %add3A_1151, %mul3A_1238 : vector<16xf32>
        %get3A_1240 = arith.index_cast %add3A_1000 : i32 to index
        %get3A_1241 = arith.constant 32 : index
        %get3A_1242 = tpu.vector_load %arg11[%get3A_1240, %get3A_1241] {strides = array<i32>} : memref<128x128xf32, #tpu.memory_space<vmem>>, vector<16xf32>,
        %add3A_1243 = arith.constant 64 : i32
        %add3A_1244 = arith.addi %add3A_1000, %add3A_1243 : i32
        %get3A_1245 = arith.index_cast %add3A_1244 : i32 to index
        %get3A_1246 = arith.constant 32 : index
        %get3A_1247 = tpu.vector_load %arg11[%get3A_1245, %get3A_1246] {strides = array<i32>} : memref<128x128xf32, #tpu.memory_space<vmem>>, vector<16xf32>,
        %sub3A_1248 = arith.subf %get3A_1242, %get3A_1247 : vector<16xf32>
        %mul3A_1249 = arith.mulf %sub3A_1248, %sub3A_1248 : vector<16xf32>
        %add3A_1250 = arith.addf %add3A_1162, %mul3A_1249 : vector<16xf32>
        %get3A_1251 = arith.index_cast %add3A_1006 : i32 to index
        %get3A_1252 = arith.constant 32 : index
        %get3A_1253 = tpu.vector_load %arg11[%get3A_1251, %get3A_1252] {strides = array<i32>} : memref<128x128xf32, #tpu.memory_space<vmem>>, vector<16xf32>,
        %add3A_1254 = arith.constant 64 : i32
        %add3A_1255 = arith.addi %add3A_1006, %add3A_1254 : i32
        %get3A_1256 = arith.index_cast %add3A_1255 : i32 to index
        %get3A_1257 = arith.constant 32 : index
        %get3A_1258 = tpu.vector_load %arg11[%get3A_1256, %get3A_1257] {strides = array<i32>} : memref<128x128xf32, #tpu.memory_space<vmem>>, vector<16xf32>,
        %sub3A_1259 = arith.subf %get3A_1253, %get3A_1258 : vector<16xf32>
        %mul3A_1260 = arith.mulf %sub3A_1259, %sub3A_1259 : vector<16xf32>
        %add3A_1261 = arith.addf %add3A_1173, %mul3A_1260 : vector<16xf32>
        %get3A_1262 = arith.index_cast %add3A_1012 : i32 to index
        %get3A_1263 = arith.constant 32 : index
        %get3A_1264 = tpu.vector_load %arg11[%get3A_1262, %get3A_1263] {strides = array<i32>} : memref<128x128xf32, #tpu.memory_space<vmem>>, vector<16xf32>,
        %add3A_1265 = arith.constant 64 : i32
        %add3A_1266 = arith.addi %add3A_1012, %add3A_1265 : i32
        %get3A_1267 = arith.index_cast %add3A_1266 : i32 to index
        %get3A_1268 = arith.constant 32 : index
        %get3A_1269 = tpu.vector_load %arg11[%get3A_1267, %get3A_1268] {strides = array<i32>} : memref<128x128xf32, #tpu.memory_space<vmem>>, vector<16xf32>,
        %sub3A_1270 = arith.subf %get3A_1264, %get3A_1269 : vector<16xf32>
        %mul3A_1271 = arith.mulf %sub3A_1270, %sub3A_1270 : vector<16xf32>
        %add3A_1272 = arith.addf %add3A_1184, %mul3A_1271 : vector<16xf32>
        %get3A_1273 = arith.index_cast %add3A_1018 : i32 to index
        %get3A_1274 = arith.constant 32 : index
        %get3A_1275 = tpu.vector_load %arg11[%get3A_1273, %get3A_1274] {strides = array<i32>} : memref<128x128xf32, #tpu.memory_space<vmem>>, vector<16xf32>,
        %add3A_1276 = arith.constant 64 : i32
        %add3A_1277 = arith.addi %add3A_1018, %add3A_1276 : i32
        %get3A_1278 = arith.index_cast %add3A_1277 : i32 to index
        %get3A_1279 = arith.constant 32 : index
        %get3A_1280 = tpu.vector_load %arg11[%get3A_1278, %get3A_1279] {strides = array<i32>} : memref<128x128xf32, #tpu.memory_space<vmem>>, vector<16xf32>,
        %sub3A_1281 = arith.subf %get3A_1275, %get3A_1280 : vector<16xf32>
        %mul3A_1282 = arith.mulf %sub3A_1281, %sub3A_1281 : vector<16xf32>
        %add3A_1283 = arith.addf %add3A_1195, %mul3A_1282 : vector<16xf32>
        %get3A_1284 = arith.index_cast %add3A_1024 : i32 to index
        %get3A_1285 = arith.constant 32 : index
        %get3A_1286 = tpu.vector_load %arg11[%get3A_1284, %get3A_1285] {strides = array<i32>} : memref<128x128xf32, #tpu.memory_space<vmem>>, vector<16xf32>,
        %add3A_1287 = arith.constant 64 : i32
        %add3A_1288 = arith.addi %add3A_1024, %add3A_1287 : i32
        %get3A_1289 = arith.index_cast %add3A_1288 : i32 to index
        %get3A_1290 = arith.constant 32 : index
        %get3A_1291 = tpu.vector_load %arg11[%get3A_1289, %get3A_1290] {strides = array<i32>} : memref<128x128xf32, #tpu.memory_space<vmem>>, vector<16xf32>,
        %sub3A_1292 = arith.subf %get3A_1286, %get3A_1291 : vector<16xf32>
        %mul3A_1293 = arith.mulf %sub3A_1292, %sub3A_1292 : vector<16xf32>
        %add3A_1294 = arith.addf %add3A_1206, %mul3A_1293 : vector<16xf32>
        %get3A_1295 = arith.index_cast %add3A_1030 : i32 to index
        %get3A_1296 = arith.constant 32 : index
        %get3A_1297 = tpu.vector_load %arg11[%get3A_1295, %get3A_1296] {strides = array<i32>} : memref<128x128xf32, #tpu.memory_space<vmem>>, vector<16xf32>,
        %add3A_1298 = arith.constant 64 : i32
        %add3A_1299 = arith.addi %add3A_1030, %add3A_1298 : i32
        %get3A_1300 = arith.index_cast %add3A_1299 : i32 to index
        %get3A_1301 = arith.constant 32 : index
        %get3A_1302 = tpu.vector_load %arg11[%get3A_1300, %get3A_1301] {strides = array<i32>} : memref<128x128xf32, #tpu.memory_space<vmem>>, vector<16xf32>,
        %sub3A_1303 = arith.subf %get3A_1297, %get3A_1302 : vector<16xf32>
        %mul3A_1304 = arith.mulf %sub3A_1303, %sub3A_1303 : vector<16xf32>
        %add3A_1305 = arith.addf %add3A_1217, %mul3A_1304 : vector<16xf32>
        %get3A_1306 = arith.index_cast %add3A_1036 : i32 to index
        %get3A_1307 = arith.constant 32 : index
        %get3A_1308 = tpu.vector_load %arg11[%get3A_1306, %get3A_1307] {strides = array<i32>} : memref<128x128xf32, #tpu.memory_space<vmem>>, vector<16xf32>,
        %add3A_1309 = arith.constant 64 : i32
        %add3A_1310 = arith.addi %add3A_1036, %add3A_1309 : i32
        %get3A_1311 = arith.index_cast %add3A_1310 : i32 to index
        %get3A_1312 = arith.constant 32 : index
        %get3A_1313 = tpu.vector_load %arg11[%get3A_1311, %get3A_1312] {strides = array<i32>} : memref<128x128xf32, #tpu.memory_space<vmem>>, vector<16xf32>,
        %sub3A_1314 = arith.subf %get3A_1308, %get3A_1313 : vector<16xf32>
        %mul3A_1315 = arith.mulf %sub3A_1314, %sub3A_1314 : vector<16xf32>
        %add3A_1316 = arith.addf %add3A_1228, %mul3A_1315 : vector<16xf32>
        %get3A_1317 = arith.index_cast %add3A_994 : i32 to index
        %get3A_1318 = arith.constant 48 : index
        %get3A_1319 = tpu.vector_load %arg11[%get3A_1317, %get3A_1318] {strides = array<i32>} : memref<128x128xf32, #tpu.memory_space<vmem>>, vector<16xf32>,
        %add3A_1320 = arith.constant 64 : i32
        %add3A_1321 = arith.addi %add3A_994, %add3A_1320 : i32
        %get3A_1322 = arith.index_cast %add3A_1321 : i32 to index
        %get3A_1323 = arith.constant 48 : index
        %get3A_1324 = tpu.vector_load %arg11[%get3A_1322, %get3A_1323] {strides = array<i32>} : memref<128x128xf32, #tpu.memory_space<vmem>>, vector<16xf32>,
        %sub3A_1325 = arith.subf %get3A_1319, %get3A_1324 : vector<16xf32>
        %mul3A_1326 = arith.mulf %sub3A_1325, %sub3A_1325 : vector<16xf32>
        %add3A_1327 = arith.addf %add3A_1239, %mul3A_1326 : vector<16xf32>
        %get3A_1328 = arith.index_cast %add3A_1000 : i32 to index
        %get3A_1329 = arith.constant 48 : index
        %get3A_1330 = tpu.vector_load %arg11[%get3A_1328, %get3A_1329] {strides = array<i32>} : memref<128x128xf32, #tpu.memory_space<vmem>>, vector<16xf32>,
        %add3A_1331 = arith.constant 64 : i32
        %add3A_1332 = arith.addi %add3A_1000, %add3A_1331 : i32
        %get3A_1333 = arith.index_cast %add3A_1332 : i32 to index
        %get3A_1334 = arith.constant 48 : index
        %get3A_1335 = tpu.vector_load %arg11[%get3A_1333, %get3A_1334] {strides = array<i32>} : memref<128x128xf32, #tpu.memory_space<vmem>>, vector<16xf32>,
        %sub3A_1336 = arith.subf %get3A_1330, %get3A_1335 : vector<16xf32>
        %mul3A_1337 = arith.mulf %sub3A_1336, %sub3A_1336 : vector<16xf32>
        %add3A_1338 = arith.addf %add3A_1250, %mul3A_1337 : vector<16xf32>
        %get3A_1339 = arith.index_cast %add3A_1006 : i32 to index
        %get3A_1340 = arith.constant 48 : index
        %get3A_1341 = tpu.vector_load %arg11[%get3A_1339, %get3A_1340] {strides = array<i32>} : memref<128x128xf32, #tpu.memory_space<vmem>>, vector<16xf32>,
        %add3A_1342 = arith.constant 64 : i32
        %add3A_1343 = arith.addi %add3A_1006, %add3A_1342 : i32
        %get3A_1344 = arith.index_cast %add3A_1343 : i32 to index
        %get3A_1345 = arith.constant 48 : index
        %get3A_1346 = tpu.vector_load %arg11[%get3A_1344, %get3A_1345] {strides = array<i32>} : memref<128x128xf32, #tpu.memory_space<vmem>>, vector<16xf32>,
        %sub3A_1347 = arith.subf %get3A_1341, %get3A_1346 : vector<16xf32>
        %mul3A_1348 = arith.mulf %sub3A_1347, %sub3A_1347 : vector<16xf32>
        %add3A_1349 = arith.addf %add3A_1261, %mul3A_1348 : vector<16xf32>
        %get3A_1350 = arith.index_cast %add3A_1012 : i32 to index
        %get3A_1351 = arith.constant 48 : index
        %get3A_1352 = tpu.vector_load %arg11[%get3A_1350, %get3A_1351] {strides = array<i32>} : memref<128x128xf32, #tpu.memory_space<vmem>>, vector<16xf32>,
        %add3A_1353 = arith.constant 64 : i32
        %add3A_1354 = arith.addi %add3A_1012, %add3A_1353 : i32
        %get3A_1355 = arith.index_cast %add3A_1354 : i32 to index
        %get3A_1356 = arith.constant 48 : index
        %get3A_1357 = tpu.vector_load %arg11[%get3A_1355, %get3A_1356] {strides = array<i32>} : memref<128x128xf32, #tpu.memory_space<vmem>>, vector<16xf32>,
        %sub3A_1358 = arith.subf %get3A_1352, %get3A_1357 : vector<16xf32>
        %mul3A_1359 = arith.mulf %sub3A_1358, %sub3A_1358 : vector<16xf32>
        %add3A_1360 = arith.addf %add3A_1272, %mul3A_1359 : vector<16xf32>
        %get3A_1361 = arith.index_cast %add3A_1018 : i32 to index
        %get3A_1362 = arith.constant 48 : index
        %get3A_1363 = tpu.vector_load %arg11[%get3A_1361, %get3A_1362] {strides = array<i32>} : memref<128x128xf32, #tpu.memory_space<vmem>>, vector<16xf32>,
        %add3A_1364 = arith.constant 64 : i32
        %add3A_1365 = arith.addi %add3A_1018, %add3A_1364 : i32
        %get3A_1366 = arith.index_cast %add3A_1365 : i32 to index
        %get3A_1367 = arith.constant 48 : index
        %get3A_1368 = tpu.vector_load %arg11[%get3A_1366, %get3A_1367] {strides = array<i32>} : memref<128x128xf32, #tpu.memory_space<vmem>>, vector<16xf32>,
        %sub3A_1369 = arith.subf %get3A_1363, %get3A_1368 : vector<16xf32>
        %mul3A_1370 = arith.mulf %sub3A_1369, %sub3A_1369 : vector<16xf32>
        %add3A_1371 = arith.addf %add3A_1283, %mul3A_1370 : vector<16xf32>
        %get3A_1372 = arith.index_cast %add3A_1024 : i32 to index
        %get3A_1373 = arith.constant 48 : index
        %get3A_1374 = tpu.vector_load %arg11[%get3A_1372, %get3A_1373] {strides = array<i32>} : memref<128x128xf32, #tpu.memory_space<vmem>>, vector<16xf32>,
        %add3A_1375 = arith.constant 64 : i32
        %add3A_1376 = arith.addi %add3A_1024, %add3A_1375 : i32
        %get3A_1377 = arith.index_cast %add3A_1376 : i32 to index
        %get3A_1378 = arith.constant 48 : index
        %get3A_1379 = tpu.vector_load %arg11[%get3A_1377, %get3A_1378] {strides = array<i32>} : memref<128x128xf32, #tpu.memory_space<vmem>>, vector<16xf32>,
        %sub3A_1380 = arith.subf %get3A_1374, %get3A_1379 : vector<16xf32>
        %mul3A_1381 = arith.mulf %sub3A_1380, %sub3A_1380 : vector<16xf32>
        %add3A_1382 = arith.addf %add3A_1294, %mul3A_1381 : vector<16xf32>
        %get3A_1383 = arith.index_cast %add3A_1030 : i32 to index
        %get3A_1384 = arith.constant 48 : index
        %get3A_1385 = tpu.vector_load %arg11[%get3A_1383, %get3A_1384] {strides = array<i32>} : memref<128x128xf32, #tpu.memory_space<vmem>>, vector<16xf32>,
        %add3A_1386 = arith.constant 64 : i32
        %add3A_1387 = arith.addi %add3A_1030, %add3A_1386 : i32
        %get3A_1388 = arith.index_cast %add3A_1387 : i32 to index
        %get3A_1389 = arith.constant 48 : index
        %get3A_1390 = tpu.vector_load %arg11[%get3A_1388, %get3A_1389] {strides = array<i32>} : memref<128x128xf32, #tpu.memory_space<vmem>>, vector<16xf32>,
        %sub3A_1391 = arith.subf %get3A_1385, %get3A_1390 : vector<16xf32>
        %mul3A_1392 = arith.mulf %sub3A_1391, %sub3A_1391 : vector<16xf32>
        %add3A_1393 = arith.addf %add3A_1305, %mul3A_1392 : vector<16xf32>
        %get3A_1394 = arith.index_cast %add3A_1036 : i32 to index
        %get3A_1395 = arith.constant 48 : index
        %get3A_1396 = tpu.vector_load %arg11[%get3A_1394, %get3A_1395] {strides = array<i32>} : memref<128x128xf32, #tpu.memory_space<vmem>>, vector<16xf32>,
        %add3A_1397 = arith.constant 64 : i32
        %add3A_1398 = arith.addi %add3A_1036, %add3A_1397 : i32
        %get3A_1399 = arith.index_cast %add3A_1398 : i32 to index
        %get3A_1400 = arith.constant 48 : index
        %get3A_1401 = tpu.vector_load %arg11[%get3A_1399, %get3A_1400] {strides = array<i32>} : memref<128x128xf32, #tpu.memory_space<vmem>>, vector<16xf32>,
        %sub3A_1402 = arith.subf %get3A_1396, %get3A_1401 : vector<16xf32>
        %mul3A_1403 = arith.mulf %sub3A_1402, %sub3A_1402 : vector<16xf32>
        %add3A_1404 = arith.addf %add3A_1316, %mul3A_1403 : vector<16xf32>
        %get3A_1405 = arith.index_cast %add3A_994 : i32 to index
        %get3A_1406 = arith.constant 64 : index
        %get3A_1407 = tpu.vector_load %arg11[%get3A_1405, %get3A_1406] {strides = array<i32>} : memref<128x128xf32, #tpu.memory_space<vmem>>, vector<16xf32>,
        %add3A_1408 = arith.constant 64 : i32
        %add3A_1409 = arith.addi %add3A_994, %add3A_1408 : i32
        %get3A_1410 = arith.index_cast %add3A_1409 : i32 to index
        %get3A_1411 = arith.constant 64 : index
        %get3A_1412 = tpu.vector_load %arg11[%get3A_1410, %get3A_1411] {strides = array<i32>} : memref<128x128xf32, #tpu.memory_space<vmem>>, vector<16xf32>,
        %sub3A_1413 = arith.subf %get3A_1407, %get3A_1412 : vector<16xf32>
        %mul3A_1414 = arith.mulf %sub3A_1413, %sub3A_1413 : vector<16xf32>
        %add3A_1415 = arith.addf %add3A_1327, %mul3A_1414 : vector<16xf32>
        %get3A_1416 = arith.index_cast %add3A_1000 : i32 to index
        %get3A_1417 = arith.constant 64 : index
        %get3A_1418 = tpu.vector_load %arg11[%get3A_1416, %get3A_1417] {strides = array<i32>} : memref<128x128xf32, #tpu.memory_space<vmem>>, vector<16xf32>,
        %add3A_1419 = arith.constant 64 : i32
        %add3A_1420 = arith.addi %add3A_1000, %add3A_1419 : i32
        %get3A_1421 = arith.index_cast %add3A_1420 : i32 to index
        %get3A_1422 = arith.constant 64 : index
        %get3A_1423 = tpu.vector_load %arg11[%get3A_1421, %get3A_1422] {strides = array<i32>} : memref<128x128xf32, #tpu.memory_space<vmem>>, vector<16xf32>,
        %sub3A_1424 = arith.subf %get3A_1418, %get3A_1423 : vector<16xf32>
        %mul3A_1425 = arith.mulf %sub3A_1424, %sub3A_1424 : vector<16xf32>
        %add3A_1426 = arith.addf %add3A_1338, %mul3A_1425 : vector<16xf32>
        %get3A_1427 = arith.index_cast %add3A_1006 : i32 to index
        %get3A_1428 = arith.constant 64 : index
        %get3A_1429 = tpu.vector_load %arg11[%get3A_1427, %get3A_1428] {strides = array<i32>} : memref<128x128xf32, #tpu.memory_space<vmem>>, vector<16xf32>,
        %add3A_1430 = arith.constant 64 : i32
        %add3A_1431 = arith.addi %add3A_1006, %add3A_1430 : i32
        %get3A_1432 = arith.index_cast %add3A_1431 : i32 to index
        %get3A_1433 = arith.constant 64 : index
        %get3A_1434 = tpu.vector_load %arg11[%get3A_1432, %get3A_1433] {strides = array<i32>} : memref<128x128xf32, #tpu.memory_space<vmem>>, vector<16xf32>,
        %sub3A_1435 = arith.subf %get3A_1429, %get3A_1434 : vector<16xf32>
        %mul3A_1436 = arith.mulf %sub3A_1435, %sub3A_1435 : vector<16xf32>
        %add3A_1437 = arith.addf %add3A_1349, %mul3A_1436 : vector<16xf32>
        %get3A_1438 = arith.index_cast %add3A_1012 : i32 to index
        %get3A_1439 = arith.constant 64 : index
        %get3A_1440 = tpu.vector_load %arg11[%get3A_1438, %get3A_1439] {strides = array<i32>} : memref<128x128xf32, #tpu.memory_space<vmem>>, vector<16xf32>,
        %add3A_1441 = arith.constant 64 : i32
        %add3A_1442 = arith.addi %add3A_1012, %add3A_1441 : i32
        %get3A_1443 = arith.index_cast %add3A_1442 : i32 to index
        %get3A_1444 = arith.constant 64 : index
        %get3A_1445 = tpu.vector_load %arg11[%get3A_1443, %get3A_1444] {strides = array<i32>} : memref<128x128xf32, #tpu.memory_space<vmem>>, vector<16xf32>,
        %sub3A_1446 = arith.subf %get3A_1440, %get3A_1445 : vector<16xf32>
        %mul3A_1447 = arith.mulf %sub3A_1446, %sub3A_1446 : vector<16xf32>
        %add3A_1448 = arith.addf %add3A_1360, %mul3A_1447 : vector<16xf32>
        %get3A_1449 = arith.index_cast %add3A_1018 : i32 to index
        %get3A_1450 = arith.constant 64 : index
        %get3A_1451 = tpu.vector_load %arg11[%get3A_1449, %get3A_1450] {strides = array<i32>} : memref<128x128xf32, #tpu.memory_space<vmem>>, vector<16xf32>,
        %add3A_1452 = arith.constant 64 : i32
        %add3A_1453 = arith.addi %add3A_1018, %add3A_1452 : i32
        %get3A_1454 = arith.index_cast %add3A_1453 : i32 to index
        %get3A_1455 = arith.constant 64 : index
        %get3A_1456 = tpu.vector_load %arg11[%get3A_1454, %get3A_1455] {strides = array<i32>} : memref<128x128xf32, #tpu.memory_space<vmem>>, vector<16xf32>,
        %sub3A_1457 = arith.subf %get3A_1451, %get3A_1456 : vector<16xf32>
        %mul3A_1458 = arith.mulf %sub3A_1457, %sub3A_1457 : vector<16xf32>
        %add3A_1459 = arith.addf %add3A_1371, %mul3A_1458 : vector<16xf32>
        %get3A_1460 = arith.index_cast %add3A_1024 : i32 to index
        %get3A_1461 = arith.constant 64 : index
        %get3A_1462 = tpu.vector_load %arg11[%get3A_1460, %get3A_1461] {strides = array<i32>} : memref<128x128xf32, #tpu.memory_space<vmem>>, vector<16xf32>,
        %add3A_1463 = arith.constant 64 : i32
        %add3A_1464 = arith.addi %add3A_1024, %add3A_1463 : i32
        %get3A_1465 = arith.index_cast %add3A_1464 : i32 to index
        %get3A_1466 = arith.constant 64 : index
        %get3A_1467 = tpu.vector_load %arg11[%get3A_1465, %get3A_1466] {strides = array<i32>} : memref<128x128xf32, #tpu.memory_space<vmem>>, vector<16xf32>,
        %sub3A_1468 = arith.subf %get3A_1462, %get3A_1467 : vector<16xf32>
        %mul3A_1469 = arith.mulf %sub3A_1468, %sub3A_1468 : vector<16xf32>
        %add3A_1470 = arith.addf %add3A_1382, %mul3A_1469 : vector<16xf32>
        %get3A_1471 = arith.index_cast %add3A_1030 : i32 to index
        %get3A_1472 = arith.constant 64 : index
        %get3A_1473 = tpu.vector_load %arg11[%get3A_1471, %get3A_1472] {strides = array<i32>} : memref<128x128xf32, #tpu.memory_space<vmem>>, vector<16xf32>,
        %add3A_1474 = arith.constant 64 : i32
        %add3A_1475 = arith.addi %add3A_1030, %add3A_1474 : i32
        %get3A_1476 = arith.index_cast %add3A_1475 : i32 to index
        %get3A_1477 = arith.constant 64 : index
        %get3A_1478 = tpu.vector_load %arg11[%get3A_1476, %get3A_1477] {strides = array<i32>} : memref<128x128xf32, #tpu.memory_space<vmem>>, vector<16xf32>,
        %sub3A_1479 = arith.subf %get3A_1473, %get3A_1478 : vector<16xf32>
        %mul3A_1480 = arith.mulf %sub3A_1479, %sub3A_1479 : vector<16xf32>
        %add3A_1481 = arith.addf %add3A_1393, %mul3A_1480 : vector<16xf32>
        %get3A_1482 = arith.index_cast %add3A_1036 : i32 to index
        %get3A_1483 = arith.constant 64 : index
        %get3A_1484 = tpu.vector_load %arg11[%get3A_1482, %get3A_1483] {strides = array<i32>} : memref<128x128xf32, #tpu.memory_space<vmem>>, vector<16xf32>,
        %add3A_1485 = arith.constant 64 : i32
        %add3A_1486 = arith.addi %add3A_1036, %add3A_1485 : i32
        %get3A_1487 = arith.index_cast %add3A_1486 : i32 to index
        %get3A_1488 = arith.constant 64 : index
        %get3A_1489 = tpu.vector_load %arg11[%get3A_1487, %get3A_1488] {strides = array<i32>} : memref<128x128xf32, #tpu.memory_space<vmem>>, vector<16xf32>,
        %sub3A_1490 = arith.subf %get3A_1484, %get3A_1489 : vector<16xf32>
        %mul3A_1491 = arith.mulf %sub3A_1490, %sub3A_1490 : vector<16xf32>
        %add3A_1492 = arith.addf %add3A_1404, %mul3A_1491 : vector<16xf32>
        %get3A_1493 = arith.index_cast %add3A_994 : i32 to index
        %get3A_1494 = arith.constant 80 : index
        %get3A_1495 = tpu.vector_load %arg11[%get3A_1493, %get3A_1494] {strides = array<i32>} : memref<128x128xf32, #tpu.memory_space<vmem>>, vector<16xf32>,
        %add3A_1496 = arith.constant 64 : i32
        %add3A_1497 = arith.addi %add3A_994, %add3A_1496 : i32
        %get3A_1498 = arith.index_cast %add3A_1497 : i32 to index
        %get3A_1499 = arith.constant 80 : index
        %get3A_1500 = tpu.vector_load %arg11[%get3A_1498, %get3A_1499] {strides = array<i32>} : memref<128x128xf32, #tpu.memory_space<vmem>>, vector<16xf32>,
        %sub3A_1501 = arith.subf %get3A_1495, %get3A_1500 : vector<16xf32>
        %mul3A_1502 = arith.mulf %sub3A_1501, %sub3A_1501 : vector<16xf32>
        %add3A_1503 = arith.addf %add3A_1415, %mul3A_1502 : vector<16xf32>
        %get3A_1504 = arith.index_cast %add3A_1000 : i32 to index
        %get3A_1505 = arith.constant 80 : index
        %get3A_1506 = tpu.vector_load %arg11[%get3A_1504, %get3A_1505] {strides = array<i32>} : memref<128x128xf32, #tpu.memory_space<vmem>>, vector<16xf32>,
        %add3A_1507 = arith.constant 64 : i32
        %add3A_1508 = arith.addi %add3A_1000, %add3A_1507 : i32
        %get3A_1509 = arith.index_cast %add3A_1508 : i32 to index
        %get3A_1510 = arith.constant 80 : index
        %get3A_1511 = tpu.vector_load %arg11[%get3A_1509, %get3A_1510] {strides = array<i32>} : memref<128x128xf32, #tpu.memory_space<vmem>>, vector<16xf32>,
        %sub3A_1512 = arith.subf %get3A_1506, %get3A_1511 : vector<16xf32>
        %mul3A_1513 = arith.mulf %sub3A_1512, %sub3A_1512 : vector<16xf32>
        %add3A_1514 = arith.addf %add3A_1426, %mul3A_1513 : vector<16xf32>
        %get3A_1515 = arith.index_cast %add3A_1006 : i32 to index
        %get3A_1516 = arith.constant 80 : index
        %get3A_1517 = tpu.vector_load %arg11[%get3A_1515, %get3A_1516] {strides = array<i32>} : memref<128x128xf32, #tpu.memory_space<vmem>>, vector<16xf32>,
        %add3A_1518 = arith.constant 64 : i32
        %add3A_1519 = arith.addi %add3A_1006, %add3A_1518 : i32
        %get3A_1520 = arith.index_cast %add3A_1519 : i32 to index
        %get3A_1521 = arith.constant 80 : index
        %get3A_1522 = tpu.vector_load %arg11[%get3A_1520, %get3A_1521] {strides = array<i32>} : memref<128x128xf32, #tpu.memory_space<vmem>>, vector<16xf32>,
        %sub3A_1523 = arith.subf %get3A_1517, %get3A_1522 : vector<16xf32>
        %mul3A_1524 = arith.mulf %sub3A_1523, %sub3A_1523 : vector<16xf32>
        %add3A_1525 = arith.addf %add3A_1437, %mul3A_1524 : vector<16xf32>
        %get3A_1526 = arith.index_cast %add3A_1012 : i32 to index
        %get3A_1527 = arith.constant 80 : index
        %get3A_1528 = tpu.vector_load %arg11[%get3A_1526, %get3A_1527] {strides = array<i32>} : memref<128x128xf32, #tpu.memory_space<vmem>>, vector<16xf32>,
        %add3A_1529 = arith.constant 64 : i32
        %add3A_1530 = arith.addi %add3A_1012, %add3A_1529 : i32
        %get3A_1531 = arith.index_cast %add3A_1530 : i32 to index
        %get3A_1532 = arith.constant 80 : index
        %get3A_1533 = tpu.vector_load %arg11[%get3A_1531, %get3A_1532] {strides = array<i32>} : memref<128x128xf32, #tpu.memory_space<vmem>>, vector<16xf32>,
        %sub3A_1534 = arith.subf %get3A_1528, %get3A_1533 : vector<16xf32>
        %mul3A_1535 = arith.mulf %sub3A_1534, %sub3A_1534 : vector<16xf32>
        %add3A_1536 = arith.addf %add3A_1448, %mul3A_1535 : vector<16xf32>
        %get3A_1537 = arith.index_cast %add3A_1018 : i32 to index
        %get3A_1538 = arith.constant 80 : index
        %get3A_1539 = tpu.vector_load %arg11[%get3A_1537, %get3A_1538] {strides = array<i32>} : memref<128x128xf32, #tpu.memory_space<vmem>>, vector<16xf32>,
        %add3A_1540 = arith.constant 64 : i32
        %add3A_1541 = arith.addi %add3A_1018, %add3A_1540 : i32
        %get3A_1542 = arith.index_cast %add3A_1541 : i32 to index
        %get3A_1543 = arith.constant 80 : index
        %get3A_1544 = tpu.vector_load %arg11[%get3A_1542, %get3A_1543] {strides = array<i32>} : memref<128x128xf32, #tpu.memory_space<vmem>>, vector<16xf32>,
        %sub3A_1545 = arith.subf %get3A_1539, %get3A_1544 : vector<16xf32>
        %mul3A_1546 = arith.mulf %sub3A_1545, %sub3A_1545 : vector<16xf32>
        %add3A_1547 = arith.addf %add3A_1459, %mul3A_1546 : vector<16xf32>
        %get3A_1548 = arith.index_cast %add3A_1024 : i32 to index
        %get3A_1549 = arith.constant 80 : index
        %get3A_1550 = tpu.vector_load %arg11[%get3A_1548, %get3A_1549] {strides = array<i32>} : memref<128x128xf32, #tpu.memory_space<vmem>>, vector<16xf32>,
        %add3A_1551 = arith.constant 64 : i32
        %add3A_1552 = arith.addi %add3A_1024, %add3A_1551 : i32
        %get3A_1553 = arith.index_cast %add3A_1552 : i32 to index
        %get3A_1554 = arith.constant 80 : index
        %get3A_1555 = tpu.vector_load %arg11[%get3A_1553, %get3A_1554] {strides = array<i32>} : memref<128x128xf32, #tpu.memory_space<vmem>>, vector<16xf32>,
        %sub3A_1556 = arith.subf %get3A_1550, %get3A_1555 : vector<16xf32>
        %mul3A_1557 = arith.mulf %sub3A_1556, %sub3A_1556 : vector<16xf32>
        %add3A_1558 = arith.addf %add3A_1470, %mul3A_1557 : vector<16xf32>
        %get3A_1559 = arith.index_cast %add3A_1030 : i32 to index
        %get3A_1560 = arith.constant 80 : index
        %get3A_1561 = tpu.vector_load %arg11[%get3A_1559, %get3A_1560] {strides = array<i32>} : memref<128x128xf32, #tpu.memory_space<vmem>>, vector<16xf32>,
        %add3A_1562 = arith.constant 64 : i32
        %add3A_1563 = arith.addi %add3A_1030, %add3A_1562 : i32
        %get3A_1564 = arith.index_cast %add3A_1563 : i32 to index
        %get3A_1565 = arith.constant 80 : index
        %get3A_1566 = tpu.vector_load %arg11[%get3A_1564, %get3A_1565] {strides = array<i32>} : memref<128x128xf32, #tpu.memory_space<vmem>>, vector<16xf32>,
        %sub3A_1567 = arith.subf %get3A_1561, %get3A_1566 : vector<16xf32>
        %mul3A_1568 = arith.mulf %sub3A_1567, %sub3A_1567 : vector<16xf32>
        %add3A_1569 = arith.addf %add3A_1481, %mul3A_1568 : vector<16xf32>
        %get3A_1570 = arith.index_cast %add3A_1036 : i32 to index
        %get3A_1571 = arith.constant 80 : index
        %get3A_1572 = tpu.vector_load %arg11[%get3A_1570, %get3A_1571] {strides = array<i32>} : memref<128x128xf32, #tpu.memory_space<vmem>>, vector<16xf32>,
        %add3A_1573 = arith.constant 64 : i32
        %add3A_1574 = arith.addi %add3A_1036, %add3A_1573 : i32
        %get3A_1575 = arith.index_cast %add3A_1574 : i32 to index
        %get3A_1576 = arith.constant 80 : index
        %get3A_1577 = tpu.vector_load %arg11[%get3A_1575, %get3A_1576] {strides = array<i32>} : memref<128x128xf32, #tpu.memory_space<vmem>>, vector<16xf32>,
        %sub3A_1578 = arith.subf %get3A_1572, %get3A_1577 : vector<16xf32>
        %mul3A_1579 = arith.mulf %sub3A_1578, %sub3A_1578 : vector<16xf32>
        %add3A_1580 = arith.addf %add3A_1492, %mul3A_1579 : vector<16xf32>
        %get3A_1581 = arith.index_cast %add3A_994 : i32 to index
        %get3A_1582 = arith.constant 96 : index
        %get3A_1583 = tpu.vector_load %arg11[%get3A_1581, %get3A_1582] {strides = array<i32>} : memref<128x128xf32, #tpu.memory_space<vmem>>, vector<16xf32>,
        %add3A_1584 = arith.constant 64 : i32
        %add3A_1585 = arith.addi %add3A_994, %add3A_1584 : i32
        %get3A_1586 = arith.index_cast %add3A_1585 : i32 to index
        %get3A_1587 = arith.constant 96 : index
        %get3A_1588 = tpu.vector_load %arg11[%get3A_1586, %get3A_1587] {strides = array<i32>} : memref<128x128xf32, #tpu.memory_space<vmem>>, vector<16xf32>,
        %sub3A_1589 = arith.subf %get3A_1583, %get3A_1588 : vector<16xf32>
        %mul3A_1590 = arith.mulf %sub3A_1589, %sub3A_1589 : vector<16xf32>
        %add3A_1591 = arith.addf %add3A_1503, %mul3A_1590 : vector<16xf32>
        %get3A_1592 = arith.index_cast %add3A_1000 : i32 to index
        %get3A_1593 = arith.constant 96 : index
        %get3A_1594 = tpu.vector_load %arg11[%get3A_1592, %get3A_1593] {strides = array<i32>} : memref<128x128xf32, #tpu.memory_space<vmem>>, vector<16xf32>,
        %add3A_1595 = arith.constant 64 : i32
        %add3A_1596 = arith.addi %add3A_1000, %add3A_1595 : i32
        %get3A_1597 = arith.index_cast %add3A_1596 : i32 to index
        %get3A_1598 = arith.constant 96 : index
        %get3A_1599 = tpu.vector_load %arg11[%get3A_1597, %get3A_1598] {strides = array<i32>} : memref<128x128xf32, #tpu.memory_space<vmem>>, vector<16xf32>,
        %sub3A_1600 = arith.subf %get3A_1594, %get3A_1599 : vector<16xf32>
        %mul3A_1601 = arith.mulf %sub3A_1600, %sub3A_1600 : vector<16xf32>
        %add3A_1602 = arith.addf %add3A_1514, %mul3A_1601 : vector<16xf32>
        %get3A_1603 = arith.index_cast %add3A_1006 : i32 to index
        %get3A_1604 = arith.constant 96 : index
        %get3A_1605 = tpu.vector_load %arg11[%get3A_1603, %get3A_1604] {strides = array<i32>} : memref<128x128xf32, #tpu.memory_space<vmem>>, vector<16xf32>,
        %add3A_1606 = arith.constant 64 : i32
        %add3A_1607 = arith.addi %add3A_1006, %add3A_1606 : i32
        %get3A_1608 = arith.index_cast %add3A_1607 : i32 to index
        %get3A_1609 = arith.constant 96 : index
        %get3A_1610 = tpu.vector_load %arg11[%get3A_1608, %get3A_1609] {strides = array<i32>} : memref<128x128xf32, #tpu.memory_space<vmem>>, vector<16xf32>,
        %sub3A_1611 = arith.subf %get3A_1605, %get3A_1610 : vector<16xf32>
        %mul3A_1612 = arith.mulf %sub3A_1611, %sub3A_1611 : vector<16xf32>
        %add3A_1613 = arith.addf %add3A_1525, %mul3A_1612 : vector<16xf32>
        %get3A_1614 = arith.index_cast %add3A_1012 : i32 to index
        %get3A_1615 = arith.constant 96 : index
        %get3A_1616 = tpu.vector_load %arg11[%get3A_1614, %get3A_1615] {strides = array<i32>} : memref<128x128xf32, #tpu.memory_space<vmem>>, vector<16xf32>,
        %add3A_1617 = arith.constant 64 : i32
        %add3A_1618 = arith.addi %add3A_1012, %add3A_1617 : i32
        %get3A_1619 = arith.index_cast %add3A_1618 : i32 to index
        %get3A_1620 = arith.constant 96 : index
        %get3A_1621 = tpu.vector_load %arg11[%get3A_1619, %get3A_1620] {strides = array<i32>} : memref<128x128xf32, #tpu.memory_space<vmem>>, vector<16xf32>,
        %sub3A_1622 = arith.subf %get3A_1616, %get3A_1621 : vector<16xf32>
        %mul3A_1623 = arith.mulf %sub3A_1622, %sub3A_1622 : vector<16xf32>
        %add3A_1624 = arith.addf %add3A_1536, %mul3A_1623 : vector<16xf32>
        %get3A_1625 = arith.index_cast %add3A_1018 : i32 to index
        %get3A_1626 = arith.constant 96 : index
        %get3A_1627 = tpu.vector_load %arg11[%get3A_1625, %get3A_1626] {strides = array<i32>} : memref<128x128xf32, #tpu.memory_space<vmem>>, vector<16xf32>,
        %add3A_1628 = arith.constant 64 : i32
        %add3A_1629 = arith.addi %add3A_1018, %add3A_1628 : i32
        %get3A_1630 = arith.index_cast %add3A_1629 : i32 to index
        %get3A_1631 = arith.constant 96 : index
        %get3A_1632 = tpu.vector_load %arg11[%get3A_1630, %get3A_1631] {strides = array<i32>} : memref<128x128xf32, #tpu.memory_space<vmem>>, vector<16xf32>,
        %sub3A_1633 = arith.subf %get3A_1627, %get3A_1632 : vector<16xf32>
        %mul3A_1634 = arith.mulf %sub3A_1633, %sub3A_1633 : vector<16xf32>
        %add3A_1635 = arith.addf %add3A_1547, %mul3A_1634 : vector<16xf32>
        %get3A_1636 = arith.index_cast %add3A_1024 : i32 to index
        %get3A_1637 = arith.constant 96 : index
        %get3A_1638 = tpu.vector_load %arg11[%get3A_1636, %get3A_1637] {strides = array<i32>} : memref<128x128xf32, #tpu.memory_space<vmem>>, vector<16xf32>,
        %add3A_1639 = arith.constant 64 : i32
        %add3A_1640 = arith.addi %add3A_1024, %add3A_1639 : i32
        %get3A_1641 = arith.index_cast %add3A_1640 : i32 to index
        %get3A_1642 = arith.constant 96 : index
        %get3A_1643 = tpu.vector_load %arg11[%get3A_1641, %get3A_1642] {strides = array<i32>} : memref<128x128xf32, #tpu.memory_space<vmem>>, vector<16xf32>,
        %sub3A_1644 = arith.subf %get3A_1638, %get3A_1643 : vector<16xf32>
        %mul3A_1645 = arith.mulf %sub3A_1644, %sub3A_1644 : vector<16xf32>
        %add3A_1646 = arith.addf %add3A_1558, %mul3A_1645 : vector<16xf32>
        %get3A_1647 = arith.index_cast %add3A_1030 : i32 to index
        %get3A_1648 = arith.constant 96 : index
        %get3A_1649 = tpu.vector_load %arg11[%get3A_1647, %get3A_1648] {strides = array<i32>} : memref<128x128xf32, #tpu.memory_space<vmem>>, vector<16xf32>,
        %add3A_1650 = arith.constant 64 : i32
        %add3A_1651 = arith.addi %add3A_1030, %add3A_1650 : i32
        %get3A_1652 = arith.index_cast %add3A_1651 : i32 to index
        %get3A_1653 = arith.constant 96 : index
        %get3A_1654 = tpu.vector_load %arg11[%get3A_1652, %get3A_1653] {strides = array<i32>} : memref<128x128xf32, #tpu.memory_space<vmem>>, vector<16xf32>,
        %sub3A_1655 = arith.subf %get3A_1649, %get3A_1654 : vector<16xf32>
        %mul3A_1656 = arith.mulf %sub3A_1655, %sub3A_1655 : vector<16xf32>
        %add3A_1657 = arith.addf %add3A_1569, %mul3A_1656 : vector<16xf32>
        %get3A_1658 = arith.index_cast %add3A_1036 : i32 to index
        %get3A_1659 = arith.constant 96 : index
        %get3A_1660 = tpu.vector_load %arg11[%get3A_1658, %get3A_1659] {strides = array<i32>} : memref<128x128xf32, #tpu.memory_space<vmem>>, vector<16xf32>,
        %add3A_1661 = arith.constant 64 : i32
        %add3A_1662 = arith.addi %add3A_1036, %add3A_1661 : i32
        %get3A_1663 = arith.index_cast %add3A_1662 : i32 to index
        %get3A_1664 = arith.constant 96 : index
        %get3A_1665 = tpu.vector_load %arg11[%get3A_1663, %get3A_1664] {strides = array<i32>} : memref<128x128xf32, #tpu.memory_space<vmem>>, vector<16xf32>,
        %sub3A_1666 = arith.subf %get3A_1660, %get3A_1665 : vector<16xf32>
        %mul3A_1667 = arith.mulf %sub3A_1666, %sub3A_1666 : vector<16xf32>
        %add3A_1668 = arith.addf %add3A_1580, %mul3A_1667 : vector<16xf32>
        %get3A_1669 = arith.index_cast %add3A_994 : i32 to index
        %get3A_1670 = arith.constant 112 : index
        %get3A_1671 = tpu.vector_load %arg11[%get3A_1669, %get3A_1670] {strides = array<i32>} : memref<128x128xf32, #tpu.memory_space<vmem>>, vector<16xf32>,
        %add3A_1672 = arith.constant 64 : i32
        %add3A_1673 = arith.addi %add3A_994, %add3A_1672 : i32
        %get3A_1674 = arith.index_cast %add3A_1673 : i32 to index
        %get3A_1675 = arith.constant 112 : index
        %get3A_1676 = tpu.vector_load %arg11[%get3A_1674, %get3A_1675] {strides = array<i32>} : memref<128x128xf32, #tpu.memory_space<vmem>>, vector<16xf32>,
        %sub3A_1677 = arith.subf %get3A_1671, %get3A_1676 : vector<16xf32>
        %mul3A_1678 = arith.mulf %sub3A_1677, %sub3A_1677 : vector<16xf32>
        %add3A_1679 = arith.addf %add3A_1591, %mul3A_1678 : vector<16xf32>
        %get3A_1680 = arith.index_cast %add3A_1000 : i32 to index
        %get3A_1681 = arith.constant 112 : index
        %get3A_1682 = tpu.vector_load %arg11[%get3A_1680, %get3A_1681] {strides = array<i32>} : memref<128x128xf32, #tpu.memory_space<vmem>>, vector<16xf32>,
        %add3A_1683 = arith.constant 64 : i32
        %add3A_1684 = arith.addi %add3A_1000, %add3A_1683 : i32
        %get3A_1685 = arith.index_cast %add3A_1684 : i32 to index
        %get3A_1686 = arith.constant 112 : index
        %get3A_1687 = tpu.vector_load %arg11[%get3A_1685, %get3A_1686] {strides = array<i32>} : memref<128x128xf32, #tpu.memory_space<vmem>>, vector<16xf32>,
        %sub3A_1688 = arith.subf %get3A_1682, %get3A_1687 : vector<16xf32>
        %mul3A_1689 = arith.mulf %sub3A_1688, %sub3A_1688 : vector<16xf32>
        %add3A_1690 = arith.addf %add3A_1602, %mul3A_1689 : vector<16xf32>
        %get3A_1691 = arith.index_cast %add3A_1006 : i32 to index
        %get3A_1692 = arith.constant 112 : index
        %get3A_1693 = tpu.vector_load %arg11[%get3A_1691, %get3A_1692] {strides = array<i32>} : memref<128x128xf32, #tpu.memory_space<vmem>>, vector<16xf32>,
        %add3A_1694 = arith.constant 64 : i32
        %add3A_1695 = arith.addi %add3A_1006, %add3A_1694 : i32
        %get3A_1696 = arith.index_cast %add3A_1695 : i32 to index
        %get3A_1697 = arith.constant 112 : index
        %get3A_1698 = tpu.vector_load %arg11[%get3A_1696, %get3A_1697] {strides = array<i32>} : memref<128x128xf32, #tpu.memory_space<vmem>>, vector<16xf32>,
        %sub3A_1699 = arith.subf %get3A_1693, %get3A_1698 : vector<16xf32>
        %mul3A_1700 = arith.mulf %sub3A_1699, %sub3A_1699 : vector<16xf32>
        %add3A_1701 = arith.addf %add3A_1613, %mul3A_1700 : vector<16xf32>
        %get3A_1702 = arith.index_cast %add3A_1012 : i32 to index
        %get3A_1703 = arith.constant 112 : index
        %get3A_1704 = tpu.vector_load %arg11[%get3A_1702, %get3A_1703] {strides = array<i32>} : memref<128x128xf32, #tpu.memory_space<vmem>>, vector<16xf32>,
        %add3A_1705 = arith.constant 64 : i32
        %add3A_1706 = arith.addi %add3A_1012, %add3A_1705 : i32
        %get3A_1707 = arith.index_cast %add3A_1706 : i32 to index
        %get3A_1708 = arith.constant 112 : index
        %get3A_1709 = tpu.vector_load %arg11[%get3A_1707, %get3A_1708] {strides = array<i32>} : memref<128x128xf32, #tpu.memory_space<vmem>>, vector<16xf32>,
        %sub3A_1710 = arith.subf %get3A_1704, %get3A_1709 : vector<16xf32>
        %mul3A_1711 = arith.mulf %sub3A_1710, %sub3A_1710 : vector<16xf32>
        %add3A_1712 = arith.addf %add3A_1624, %mul3A_1711 : vector<16xf32>
        %get3A_1713 = arith.index_cast %add3A_1018 : i32 to index
        %get3A_1714 = arith.constant 112 : index
        %get3A_1715 = tpu.vector_load %arg11[%get3A_1713, %get3A_1714] {strides = array<i32>} : memref<128x128xf32, #tpu.memory_space<vmem>>, vector<16xf32>,
        %add3A_1716 = arith.constant 64 : i32
        %add3A_1717 = arith.addi %add3A_1018, %add3A_1716 : i32
        %get3A_1718 = arith.index_cast %add3A_1717 : i32 to index
        %get3A_1719 = arith.constant 112 : index
        %get3A_1720 = tpu.vector_load %arg11[%get3A_1718, %get3A_1719] {strides = array<i32>} : memref<128x128xf32, #tpu.memory_space<vmem>>, vector<16xf32>,
        %sub3A_1721 = arith.subf %get3A_1715, %get3A_1720 : vector<16xf32>
        %mul3A_1722 = arith.mulf %sub3A_1721, %sub3A_1721 : vector<16xf32>
        %add3A_1723 = arith.addf %add3A_1635, %mul3A_1722 : vector<16xf32>
        %get3A_1724 = arith.index_cast %add3A_1024 : i32 to index
        %get3A_1725 = arith.constant 112 : index
        %get3A_1726 = tpu.vector_load %arg11[%get3A_1724, %get3A_1725] {strides = array<i32>} : memref<128x128xf32, #tpu.memory_space<vmem>>, vector<16xf32>,
        %add3A_1727 = arith.constant 64 : i32
        %add3A_1728 = arith.addi %add3A_1024, %add3A_1727 : i32
        %get3A_1729 = arith.index_cast %add3A_1728 : i32 to index
        %get3A_1730 = arith.constant 112 : index
        %get3A_1731 = tpu.vector_load %arg11[%get3A_1729, %get3A_1730] {strides = array<i32>} : memref<128x128xf32, #tpu.memory_space<vmem>>, vector<16xf32>,
        %sub3A_1732 = arith.subf %get3A_1726, %get3A_1731 : vector<16xf32>
        %mul3A_1733 = arith.mulf %sub3A_1732, %sub3A_1732 : vector<16xf32>
        %add3A_1734 = arith.addf %add3A_1646, %mul3A_1733 : vector<16xf32>
        %get3A_1735 = arith.index_cast %add3A_1030 : i32 to index
        %get3A_1736 = arith.constant 112 : index
        %get3A_1737 = tpu.vector_load %arg11[%get3A_1735, %get3A_1736] {strides = array<i32>} : memref<128x128xf32, #tpu.memory_space<vmem>>, vector<16xf32>,
        %add3A_1738 = arith.constant 64 : i32
        %add3A_1739 = arith.addi %add3A_1030, %add3A_1738 : i32
        %get3A_1740 = arith.index_cast %add3A_1739 : i32 to index
        %get3A_1741 = arith.constant 112 : index
        %get3A_1742 = tpu.vector_load %arg11[%get3A_1740, %get3A_1741] {strides = array<i32>} : memref<128x128xf32, #tpu.memory_space<vmem>>, vector<16xf32>,
        %sub3A_1743 = arith.subf %get3A_1737, %get3A_1742 : vector<16xf32>
        %mul3A_1744 = arith.mulf %sub3A_1743, %sub3A_1743 : vector<16xf32>
        %add3A_1745 = arith.addf %add3A_1657, %mul3A_1744 : vector<16xf32>
        %get3A_1746 = arith.index_cast %add3A_1036 : i32 to index
        %get3A_1747 = arith.constant 112 : index
        %get3A_1748 = tpu.vector_load %arg11[%get3A_1746, %get3A_1747] {strides = array<i32>} : memref<128x128xf32, #tpu.memory_space<vmem>>, vector<16xf32>,
        %add3A_1749 = arith.constant 64 : i32
        %add3A_1750 = arith.addi %add3A_1036, %add3A_1749 : i32
        %get3A_1751 = arith.index_cast %add3A_1750 : i32 to index
        %get3A_1752 = arith.constant 112 : index
        %get3A_1753 = tpu.vector_load %arg11[%get3A_1751, %get3A_1752] {strides = array<i32>} : memref<128x128xf32, #tpu.memory_space<vmem>>, vector<16xf32>,
        %sub3A_1754 = arith.subf %get3A_1748, %get3A_1753 : vector<16xf32>
        %mul3A_1755 = arith.mulf %sub3A_1754, %sub3A_1754 : vector<16xf32>
        %add3A_1756 = arith.addf %add3A_1668, %mul3A_1755 : vector<16xf32>
        %swap3A_1757 = arith.constant 8 : i32
        %swap3A_1758 = arith.index_cast %swap3A_1757 : i32 to index
        %swap3A_1759 = arith.constant 0 : index
        %swap3A_1760 = tpu.vector_load %arg13[%swap3A_1758, %swap3A_1759] {strides = array<i32>} : memref<16x17xf32, #tpu.memory_space<vmem>>, vector<16xf32>,
        tpu.vector_store %arg13[%swap3A_1758, %swap3A_1759], %add3A_1679 {strides = array<i32>} : memref<16x17xf32, #tpu.memory_space<vmem>>, vector<16xf32>,
        %swap3A_1761 = arith.constant 9 : i32
        %swap3A_1762 = arith.index_cast %swap3A_1761 : i32 to index
        %swap3A_1763 = arith.constant 0 : index
        %swap3A_1764 = tpu.vector_load %arg13[%swap3A_1762, %swap3A_1763] {strides = array<i32>} : memref<16x17xf32, #tpu.memory_space<vmem>>, vector<16xf32>,
        tpu.vector_store %arg13[%swap3A_1762, %swap3A_1763], %add3A_1690 {strides = array<i32>} : memref<16x17xf32, #tpu.memory_space<vmem>>, vector<16xf32>,
        %swap3A_1765 = arith.constant 10 : i32
        %swap3A_1766 = arith.index_cast %swap3A_1765 : i32 to index
        %swap3A_1767 = arith.constant 0 : index
        %swap3A_1768 = tpu.vector_load %arg13[%swap3A_1766, %swap3A_1767] {strides = array<i32>} : memref<16x17xf32, #tpu.memory_space<vmem>>, vector<16xf32>,
        tpu.vector_store %arg13[%swap3A_1766, %swap3A_1767], %add3A_1701 {strides = array<i32>} : memref<16x17xf32, #tpu.memory_space<vmem>>, vector<16xf32>,
        %swap3A_1769 = arith.constant 11 : i32
        %swap3A_1770 = arith.index_cast %swap3A_1769 : i32 to index
        %swap3A_1771 = arith.constant 0 : index
        %swap3A_1772 = tpu.vector_load %arg13[%swap3A_1770, %swap3A_1771] {strides = array<i32>} : memref<16x17xf32, #tpu.memory_space<vmem>>, vector<16xf32>,
        tpu.vector_store %arg13[%swap3A_1770, %swap3A_1771], %add3A_1712 {strides = array<i32>} : memref<16x17xf32, #tpu.memory_space<vmem>>, vector<16xf32>,
        %swap3A_1773 = arith.constant 12 : i32
        %swap3A_1774 = arith.index_cast %swap3A_1773 : i32 to index
        %swap3A_1775 = arith.constant 0 : index
        %swap3A_1776 = tpu.vector_load %arg13[%swap3A_1774, %swap3A_1775] {strides = array<i32>} : memref<16x17xf32, #tpu.memory_space<vmem>>, vector<16xf32>,
        tpu.vector_store %arg13[%swap3A_1774, %swap3A_1775], %add3A_1723 {strides = array<i32>} : memref<16x17xf32, #tpu.memory_space<vmem>>, vector<16xf32>,
        %swap3A_1777 = arith.constant 13 : i32
        %swap3A_1778 = arith.index_cast %swap3A_1777 : i32 to index
        %swap3A_1779 = arith.constant 0 : index
        %swap3A_1780 = tpu.vector_load %arg13[%swap3A_1778, %swap3A_1779] {strides = array<i32>} : memref<16x17xf32, #tpu.memory_space<vmem>>, vector<16xf32>,
        tpu.vector_store %arg13[%swap3A_1778, %swap3A_1779], %add3A_1734 {strides = array<i32>} : memref<16x17xf32, #tpu.memory_space<vmem>>, vector<16xf32>,
        %swap3A_1781 = arith.constant 14 : i32
        %swap3A_1782 = arith.index_cast %swap3A_1781 : i32 to index
        %swap3A_1783 = arith.constant 0 : index
        %swap3A_1784 = tpu.vector_load %arg13[%swap3A_1782, %swap3A_1783] {strides = array<i32>} : memref<16x17xf32, #tpu.memory_space<vmem>>, vector<16xf32>,
        tpu.vector_store %arg13[%swap3A_1782, %swap3A_1783], %add3A_1745 {strides = array<i32>} : memref<16x17xf32, #tpu.memory_space<vmem>>, vector<16xf32>,
        %swap3A_1785 = arith.constant 15 : i32
        %swap3A_1786 = arith.index_cast %swap3A_1785 : i32 to index
        %swap3A_1787 = arith.constant 0 : index
        %swap3A_1788 = tpu.vector_load %arg13[%swap3A_1786, %swap3A_1787] {strides = array<i32>} : memref<16x17xf32, #tpu.memory_space<vmem>>, vector<16xf32>,
        tpu.vector_store %arg13[%swap3A_1786, %swap3A_1787], %add3A_1756 {strides = array<i32>} : memref<16x17xf32, #tpu.memory_space<vmem>>, vector<16xf32>,
        %broadcast_in_dim3A_1789 = arith.constant 0.000000e+00 : f32
        %broadcast_in_dim3A_1790 = vector.broadcast %broadcast_in_dim3A_1789 : f32 to vector<16xf32>
        %broadcast_in_dim3A_1791 = arith.constant 0 : i32
        %broadcast_in_dim3A_1792 = vector.broadcast %broadcast_in_dim3A_1791 : i32 to vector<16xi32>
        %gather3A = tpu.vector_load_idx %arg13[%iota3A_181, %broadcast_in_dim3A_1792] : memref<16x17xf32, #tpu.memory_space<vmem>>[vector<16xi32>, vector<16xi32>], vector<16xf32>,
        %add3A_1793 = arith.addf %broadcast_in_dim3A_1790, %gather3A : vector<16xf32>
        %broadcast_in_dim3A_1794 = arith.constant 1 : i32
        %broadcast_in_dim3A_1795 = vector.broadcast %broadcast_in_dim3A_1794 : i32 to vector<16xi32>
        %gather3A_1796 = tpu.vector_load_idx %arg13[%iota3A_181, %broadcast_in_dim3A_1795] : memref<16x17xf32, #tpu.memory_space<vmem>>[vector<16xi32>, vector<16xi32>], vector<16xf32>,
        %add3A_1797 = arith.addf %add3A_1793, %gather3A_1796 : vector<16xf32>
        %broadcast_in_dim3A_1798 = arith.constant 2 : i32
        %broadcast_in_dim3A_1799 = vector.broadcast %broadcast_in_dim3A_1798 : i32 to vector<16xi32>
        %gather3A_1800 = tpu.vector_load_idx %arg13[%iota3A_181, %broadcast_in_dim3A_1799] : memref<16x17xf32, #tpu.memory_space<vmem>>[vector<16xi32>, vector<16xi32>], vector<16xf32>,
        %add3A_1801 = arith.addf %add3A_1797, %gather3A_1800 : vector<16xf32>
        %broadcast_in_dim3A_1802 = arith.constant 3 : i32
        %broadcast_in_dim3A_1803 = vector.broadcast %broadcast_in_dim3A_1802 : i32 to vector<16xi32>
        %gather3A_1804 = tpu.vector_load_idx %arg13[%iota3A_181, %broadcast_in_dim3A_1803] : memref<16x17xf32, #tpu.memory_space<vmem>>[vector<16xi32>, vector<16xi32>], vector<16xf32>,
        %add3A_1805 = arith.addf %add3A_1801, %gather3A_1804 : vector<16xf32>
        %broadcast_in_dim3A_1806 = arith.constant 4 : i32
        %broadcast_in_dim3A_1807 = vector.broadcast %broadcast_in_dim3A_1806 : i32 to vector<16xi32>
        %gather3A_1808 = tpu.vector_load_idx %arg13[%iota3A_181, %broadcast_in_dim3A_1807] : memref<16x17xf32, #tpu.memory_space<vmem>>[vector<16xi32>, vector<16xi32>], vector<16xf32>,
        %add3A_1809 = arith.addf %add3A_1805, %gather3A_1808 : vector<16xf32>
        %broadcast_in_dim3A_1810 = arith.constant 5 : i32
        %broadcast_in_dim3A_1811 = vector.broadcast %broadcast_in_dim3A_1810 : i32 to vector<16xi32>
        %gather3A_1812 = tpu.vector_load_idx %arg13[%iota3A_181, %broadcast_in_dim3A_1811] : memref<16x17xf32, #tpu.memory_space<vmem>>[vector<16xi32>, vector<16xi32>], vector<16xf32>,
        %add3A_1813 = arith.addf %add3A_1809, %gather3A_1812 : vector<16xf32>
        %broadcast_in_dim3A_1814 = arith.constant 6 : i32
        %broadcast_in_dim3A_1815 = vector.broadcast %broadcast_in_dim3A_1814 : i32 to vector<16xi32>
        %gather3A_1816 = tpu.vector_load_idx %arg13[%iota3A_181, %broadcast_in_dim3A_1815] : memref<16x17xf32, #tpu.memory_space<vmem>>[vector<16xi32>, vector<16xi32>], vector<16xf32>,
        %add3A_1817 = arith.addf %add3A_1813, %gather3A_1816 : vector<16xf32>
        %broadcast_in_dim3A_1818 = arith.constant 7 : i32
        %broadcast_in_dim3A_1819 = vector.broadcast %broadcast_in_dim3A_1818 : i32 to vector<16xi32>
        %gather3A_1820 = tpu.vector_load_idx %arg13[%iota3A_181, %broadcast_in_dim3A_1819] : memref<16x17xf32, #tpu.memory_space<vmem>>[vector<16xi32>, vector<16xi32>], vector<16xf32>,
        %add3A_1821 = arith.addf %add3A_1817, %gather3A_1820 : vector<16xf32>
        %broadcast_in_dim3A_1822 = arith.constant 8 : i32
        %broadcast_in_dim3A_1823 = vector.broadcast %broadcast_in_dim3A_1822 : i32 to vector<16xi32>
        %gather3A_1824 = tpu.vector_load_idx %arg13[%iota3A_181, %broadcast_in_dim3A_1823] : memref<16x17xf32, #tpu.memory_space<vmem>>[vector<16xi32>, vector<16xi32>], vector<16xf32>,
        %add3A_1825 = arith.addf %add3A_1821, %gather3A_1824 : vector<16xf32>
        %broadcast_in_dim3A_1826 = arith.constant 9 : i32
        %broadcast_in_dim3A_1827 = vector.broadcast %broadcast_in_dim3A_1826 : i32 to vector<16xi32>
        %gather3A_1828 = tpu.vector_load_idx %arg13[%iota3A_181, %broadcast_in_dim3A_1827] : memref<16x17xf32, #tpu.memory_space<vmem>>[vector<16xi32>, vector<16xi32>], vector<16xf32>,
        %add3A_1829 = arith.addf %add3A_1825, %gather3A_1828 : vector<16xf32>
        %broadcast_in_dim3A_1830 = arith.constant 10 : i32
        %broadcast_in_dim3A_1831 = vector.broadcast %broadcast_in_dim3A_1830 : i32 to vector<16xi32>
        %gather3A_1832 = tpu.vector_load_idx %arg13[%iota3A_181, %broadcast_in_dim3A_1831] : memref<16x17xf32, #tpu.memory_space<vmem>>[vector<16xi32>, vector<16xi32>], vector<16xf32>,
        %add3A_1833 = arith.addf %add3A_1829, %gather3A_1832 : vector<16xf32>
        %broadcast_in_dim3A_1834 = arith.constant 11 : i32
        %broadcast_in_dim3A_1835 = vector.broadcast %broadcast_in_dim3A_1834 : i32 to vector<16xi32>
        %gather3A_1836 = tpu.vector_load_idx %arg13[%iota3A_181, %broadcast_in_dim3A_1835] : memref<16x17xf32, #tpu.memory_space<vmem>>[vector<16xi32>, vector<16xi32>], vector<16xf32>,
        %add3A_1837 = arith.addf %add3A_1833, %gather3A_1836 : vector<16xf32>
        %broadcast_in_dim3A_1838 = arith.constant 12 : i32
        %broadcast_in_dim3A_1839 = vector.broadcast %broadcast_in_dim3A_1838 : i32 to vector<16xi32>
        %gather3A_1840 = tpu.vector_load_idx %arg13[%iota3A_181, %broadcast_in_dim3A_1839] : memref<16x17xf32, #tpu.memory_space<vmem>>[vector<16xi32>, vector<16xi32>], vector<16xf32>,
        %add3A_1841 = arith.addf %add3A_1837, %gather3A_1840 : vector<16xf32>
        %broadcast_in_dim3A_1842 = arith.constant 13 : i32
        %broadcast_in_dim3A_1843 = vector.broadcast %broadcast_in_dim3A_1842 : i32 to vector<16xi32>
        %gather3A_1844 = tpu.vector_load_idx %arg13[%iota3A_181, %broadcast_in_dim3A_1843] : memref<16x17xf32, #tpu.memory_space<vmem>>[vector<16xi32>, vector<16xi32>], vector<16xf32>,
        %add3A_1845 = arith.addf %add3A_1841, %gather3A_1844 : vector<16xf32>
        %broadcast_in_dim3A_1846 = arith.constant 14 : i32
        %broadcast_in_dim3A_1847 = vector.broadcast %broadcast_in_dim3A_1846 : i32 to vector<16xi32>
        %gather3A_1848 = tpu.vector_load_idx %arg13[%iota3A_181, %broadcast_in_dim3A_1847] : memref<16x17xf32, #tpu.memory_space<vmem>>[vector<16xi32>, vector<16xi32>], vector<16xf32>,
        %add3A_1849 = arith.addf %add3A_1845, %gather3A_1848 : vector<16xf32>
        %broadcast_in_dim3A_1850 = arith.constant 15 : i32
        %broadcast_in_dim3A_1851 = vector.broadcast %broadcast_in_dim3A_1850 : i32 to vector<16xi32>
        %gather3A_1852 = tpu.vector_load_idx %arg13[%iota3A_181, %broadcast_in_dim3A_1851] : memref<16x17xf32, #tpu.memory_space<vmem>>[vector<16xi32>, vector<16xi32>], vector<16xf32>,
        %add3A_1853 = arith.addf %add3A_1849, %gather3A_1852 : vector<16xf32>
        %mul3A_1854 = arith.constant 64 : i32
        %mul3A_1855 = arith.muli %add3A_117, %mul3A_1854 : i32
        %mul3A_1856 = arith.constant 16 : i32
        %mul3A_1857 = arith.muli %scan3A_190, %mul3A_1856 : i32
        %add3A_1858 = arith.addi %mul3A_1855, %mul3A_1857 : i32
        %swap3A_1859 = arith.index_cast %add3A_1858 : i32 to index
        %swap3A_1860 = tpu.vector_load %arg12[%swap3A_1859] {strides = array<i32>} : memref<10240xf32, #tpu.memory_space<vmem>>, vector<16xf32>,
        tpu.vector_store %arg12[%swap3A_1859], %add3A_1853 {strides = array<i32>} : memref<10240xf32, #tpu.memory_space<vmem>>, vector<16xf32>,
        %scan3A_1861 = arith.constant 0 : i32
        scf.yield %scan3A_1861 : i32
      }
      %scan3A_188 = arith.constant 4 : i32
      %scan3A_189 = arith.constant 0 : i32
      scf.yield %scan3A_189 : i32
    }
    %scan3A_46 = arith.constant 80 : i32
    "tpu.region"() ({
      %run_scoped3A = tpu.sem_alloc : memref<!tpu.dma_semaphore, #tpu.memory_space<semaphore_mem>>
      %dma_start3A_47 = tpu.memref_slice %arg5[%mul3A_2] : memref<327680xf32, #tpu.memory_space<hbm>> -> memref<10240xf32, #tpu.memory_space<hbm>>
      %dma_start3A_48 = tpu.memref_slice %arg5[%mul3A_2] : memref<327680xf32, #tpu.memory_space<hbm>> -> memref<10240xf32, #tpu.memory_space<hbm>>
      tpu.enqueue_dma source(%arg12 : memref<10240xf32, #tpu.memory_space<vmem>>) target(%dma_start3A_48 : memref<10240xf32, #tpu.memory_space<hbm>>) target_semaphore(%run_scoped3A : memref<!tpu.dma_semaphore, #tpu.memory_space<semaphore_mem>>)
      %dma_wait3A_49 = tpu.memref_slice %arg5[%mul3A_2] : memref<327680xf32, #tpu.memory_space<hbm>> -> memref<10240xf32, #tpu.memory_space<hbm>>
      %dma_wait3A_50 = tpu.memref_slice %arg5[%mul3A_2] : memref<327680xf32, #tpu.memory_space<hbm>> -> memref<10240xf32, #tpu.memory_space<hbm>>
      tpu.wait_dma2 semaphore(%run_scoped3A : memref<!tpu.dma_semaphore, #tpu.memory_space<semaphore_mem>>) src(%arg12 : memref<10240xf32, #tpu.memory_space<vmem>>) dst(%dma_wait3A_50 : memref<10240xf32, #tpu.memory_space<hbm>>)
      tpu.yield
    }) : () -> ()
    return
  }
}

module attributes {stable_mosaic.version = 14 : i64} {
  func.func @body(%arg0: memref<640x512xf32, #tpu.memory_space<vmem>>, %arg1: memref<640x512xf32, #tpu.memory_space<vmem>>) attributes {dimension_semantics = [], scalar_prefetch = 0 : i64, scratch_operands = 0 : i64, tpu.core_type = #tpu.core_type<tc>} {
    %get3A = arith.constant 0 : index
    %get3A_0 = arith.constant 0 : index
    %get3A_1 = vector.load %arg0[%get3A, %get3A_0] : memref<640x512xf32, #tpu.memory_space<vmem>>, vector<640x512xf32>
    %sqrt3A = math.sqrt %get3A_1 : vector<640x512xf32>
    %add3A = arith.constant 9.99999974E-6 : f32
    %add3A_2 = vector.broadcast %add3A : f32 to vector<640x512xf32>
    %add3A_3 = arith.addf %add3A_2, %sqrt3A : vector<640x512xf32>
    %log3A = math.log %add3A_3 : vector<640x512xf32>
    %swap3A = arith.constant 0 : index
    %swap3A_4 = arith.constant 0 : index
    %swap3A_5 = vector.load %arg1[%swap3A, %swap3A_4] : memref<640x512xf32, #tpu.memory_space<vmem>>, vector<640x512xf32>
    tpu.vector_store %arg1[%swap3A, %swap3A_4], %log3A {strides = array<i32>} : memref<640x512xf32, #tpu.memory_space<vmem>>, vector<640x512xf32>,
    return
  }
}

</mosaic_0001>

<sc_bundles>
// kernel: kernel.4.cloned.1.call-start
scs
__scs_entry_jumppad:
0x0: {  	(pc) =	sbr.rel $0x88, $3  }
0x1: {  	(tag) =	ssettag $0x0;
	lr =	simm.s32 $0x1  }
0x2: {  	[smem:$0x3F9F] =	sst lr;
	_ =	strace $0xD0000000  }
0x3: {  	_ = 	snop  }
0x4: {  	_ = 	snop  }
0x5: {  	_ = 	snop  }
0x6: {  	_ = 	snop  }
0x7: {  	_ = 	snop  }
__scs_overlays_trampoline_lowered:
0x8: {  	[smem:$0x3FAE] =	sst s0  }
0x9: {  	[smem:$0x3FAF] =	sst s1  }
0xa: {  	[smem:$0x3FB0] =	sst s2  }
0xb: {  	[smem:$0x3FB1] =	sst s3  }
0xc: {  	[smem:$0x3FB2] =	sst s4  }
0xd: {  	[smem:$0x3FB3] =	sst s5  }
0xe: {  	[smem:$0x3FB4] =	sst s6  }
0xf: {  	[smem:$0x3FB5] =	sst s7  }
0x10: {  	[smem:$0x3FB6] =	sst s8  }
0x11: {  	[smem:$0x3FB7] =	sst s9;
	s0 =	simm.s32 @!p0 $0x0  }
0x12: {  	s1 =	sld [smem:$0x3F9D];
	s0 =	simm.s32 @p0 $0x1  }
0x13: {  	[smem:$0x3FB8] =	sst s0;
	s0 =	simm.s32 @!p1 $0x0  }
0x14: {  	s2 =	sld [smem:$0x3F9C];
	s0 =	simm.s32 @p1 $0x1  }
0x15: {  	[smem:$0x3FB9] =	sst s0;
	s0 =	simm.s32 @!p2 $0x0  }
0x16: {  	s3 =	sld [smem:$0x3FDB];
	s0 =	simm.s32 @p2 $0x1  }
0x17: {  	s4 =	simm.s32 $0x1BF5;
	[smem:$0x3FBB] =	sst s0  }
0x18: {  	s0 =	sld [smem:$0x3F9E];
	_ =	swait.ge [sflag:s4], $0x0  }
0x19: {  	s7 =	sld [smem:$0x3F9F]  }
0x1a: {  	s8 =	sadd.s32 $0xFFFFE003, lr  }
0x1b: {  	s9 =	sadd.s32 $0xFFFFFEF7, lr;
	s5 =	simm.s32 $0xFFFFFFFF;
	p2 =	slt.u32 s8, $0xFFFFF086  }
0x1c: {  	p1 =	slt.u32 s9, $0xF7A;
	s5 =	simm.s32 @!p2 $0x0  }
0x1d: {  	s5 =	simm.s32 @p1 $0x1;
	p0 =	seq.s32 s7, s2  }
0x1e: {  	s7 =	smul.u32 @!p0 $0xF7A, s2;
	p2 =	seq.s32 @!p0 s5, $0x0  }
0x1f: {  	s9 =	smul.u32 $0xF7A, s1;
	s8 =	simm.s32 @!p0 $0x1BF5;
	p2 =	por !p2, p0  }
0x20: {  	[sflag:s8] =	ssyncset.s32 @!p0 $0xFFFFF086;
	s6 =	sadd.s32 @!p0 s3, s7;
	s7 =	simm.s32 @!p0 $0x108  }
0x21: {  	s3 =	sadd.s32 s3, s9;
	s6 =	sadd.s32 @!p0 $0x88, s6;
	s7 =	simm.s32 @p2 $0x1082  }
0x22: {  	[simem:s7], [sflag:s8] =	dma.local @!p0 [hbm:s6], $0xF7A  }
0x23: {  	s9 =	sor.u32 $0xD0000000, s2;
	s6 =	simm.s32 $0x108;
	_ =	swait.ge @!p0 [sflag:s8], $0x0  }
0x24: {  	s3 =	sadd.s32 $0x88, s3;
	s6 =	simm.s32 @!p1 $0x1082;
	[sflag:s4] =	ssyncset.s32 $0xFFFFF086  }
0x25: {  	[simem:s6], [sflag:s4] =	dma.local [hbm:s3], $0xF7A  }
0x26: {  	[smem:$0x3F9F] =	sst s1;
	(tag) =	ssettag s2;
	_ =	strace s9  }
0x27: {  	s1 =	sld [smem:$0x3FAF]  }
0x28: {  	s2 =	sld [smem:$0x3FB0]  }
0x29: {  	s4 =	sld [smem:$0x3FB2]  }
0x2a: {  	p0 =	seq.s32 s5, $0x0;
	s5 =	sld [smem:$0x3FB3]  }
0x2b: {  	s6 =	sld [smem:$0x3FB4]  }
0x2c: {  	s7 =	sld [smem:$0x3FB5]  }
0x2d: {  	s3 =	simm.s32 $0x108;
	s8 =	sld [smem:$0x3FB6]  }
0x2e: {  	s3 =	simm.s32 @!p0 $0x1082;
	s9 =	sld [smem:$0x3FB7]  }
0x2f: {  	lr =	sadd.s32 s0, s3;
	s0 =	sld [smem:$0x3FAE]  }
0x30: {  	s3 =	sld [smem:$0x3FB1]  }
0x31: {  	[smem:$0x3FBA] =	sst s10  }
0x32: {  	s10 =	sld [smem:$0x3FB8];
	_ =	sdelay $0x3  }
0x33: {  	p0 =	seq.s32 s10, $0x1;
	s10 =	sld [smem:$0x3FBA];
	_ =	sdelay $0x3  }
0x34: {  	[smem:$0x3FBA] =	sst s10  }
0x35: {  	s10 =	sld [smem:$0x3FB9];
	_ =	sdelay $0x3  }
0x36: {  	p1 =	seq.s32 s10, $0x1;
	s10 =	sld [smem:$0x3FBA];
	_ =	sdelay $0x3  }
0x37: {  	[smem:$0x3FBA] =	sst s10  }
0x38: {  	s10 =	sld [smem:$0x3FBB]  }
0x39: {  	_ = 	snop;
	(pc) =	sbr.ind lr, $3  }
0x3a: {  	_ = 	snop  }
0x3b: {  	_ = 	snop  }
0x3c: {  	p2 =	seq.s32 s10, $0x1;
	s10 =	sld [smem:$0x3FBA]  }
0x3d: {  	_ =	shalt  }
0x3e: {  	_ =	shalt  }
0x3f: {  	_ =	shalt  }
0x40: {  	_ =	shalt  }
0x41: {  	_ =	shalt  }
0x42: {  	_ =	shalt  }
0x43: {  	_ =	shalt  }
0x44: {  	_ =	shalt  }
0x45: {  	_ =	shalt  }
0x46: {  	_ =	shalt  }
0x47: {  	_ =	shalt  }
0x48: {  	_ =	shalt  }
0x49: {  	_ =	shalt  }
0x4a: {  	_ =	shalt  }
0x4b: {  	_ =	shalt  }
0x4c: {  	_ =	shalt  }
0x4d: {  	_ =	shalt  }
0x4e: {  	_ =	shalt  }
0x4f: {  	_ =	shalt  }
0x50: {  	_ =	shalt  }
0x51: {  	_ =	shalt  }
0x52: {  	_ =	shalt  }
0x53: {  	_ =	shalt  }
0x54: {  	_ =	shalt  }
0x55: {  	_ =	shalt  }
0x56: {  	_ =	shalt  }
0x57: {  	_ =	shalt  }
0x58: {  	_ =	shalt  }
0x59: {  	_ =	shalt  }
0x5a: {  	_ =	shalt  }
0x5b: {  	_ =	shalt  }
0x5c: {  	_ =	shalt  }
0x5d: {  	_ =	shalt  }
0x5e: {  	_ =	shalt  }
0x5f: {  	_ =	shalt  }
0x60: {  	_ =	shalt  }
0x61: {  	_ =	shalt  }
0x62: {  	_ =	shalt  }
0x63: {  	_ =	shalt  }
0x64: {  	_ =	shalt  }
0x65: {  	_ =	shalt  }
0x66: {  	_ =	shalt  }
0x67: {  	_ =	shalt  }
0x68: {  	_ =	shalt  }
0x69: {  	_ =	shalt  }
0x6a: {  	_ =	shalt  }
0x6b: {  	_ =	shalt  }
0x6c: {  	_ =	shalt  }
0x6d: {  	_ =	shalt  }
0x6e: {  	_ =	shalt  }
0x6f: {  	_ =	shalt  }
0x70: {  	_ =	shalt  }
0x71: {  	_ =	shalt  }
0x72: {  	_ =	shalt  }
0x73: {  	_ =	shalt  }
0x74: {  	_ =	shalt  }
0x75: {  	_ =	shalt  }
0x76: {  	_ =	shalt  }
0x77: {  	_ =	shalt  }
0x78: {  	_ =	shalt  }
0x79: {  	_ =	shalt  }
0x7a: {  	_ =	shalt  }
0x7b: {  	_ =	shalt  }
0x7c: {  	_ =	shalt  }
0x7d: {  	_ =	shalt  }
0x7e: {  	_ =	shalt  }
0x7f: {  	_ =	shalt  }
0x80: {  	_ =	shalt  }
0x81: {  	_ =	shalt  }
0x82: {  	_ =	shalt  }
0x83: {  	_ =	shalt  }
0x84: {  	_ =	shalt  }
0x85: {  	_ =	shalt  }
0x86: {  	_ =	shalt  }
0x87: {  	_ =	shalt  }
.Lfunc_end0:
.L_simem_size_0:
called_computation_lowered:
.L_overlay_start_0:
0x88: {  	s2 =	sld [smem:$0x3FD9]  }
0x89: {  	s3 =	sld [smem:$0x3FFE];
	_ =	sdelay $0x1  }
0x8a: {  	s1 =	srdreg.scid  }
0x8b: {  	s0 =	sand.u32 $0x1, s1  }
0x8c: {  	s17 =	sshll.u32 s0, $0xA;
	s2 =	sadd.s32 s3, s2  }
0x8d: {  	s2 =	sadd.s32 s2, s17  }
0x8e: {  	[smem:$0x3FC6] =	sst s2  }
0x8f: {  	_ = 	snop  }
0x90: {  	s2 =	sld [smem:$0x3FC9];
	(tm) =	ssettm $0x1  }
0x91: {  	s18 =	sld [smem:$0x3FFB];
	_ =	sdelay $0x3  }
0x92: {  	_ =	strace s18  }
0x93: {  	s3 =	sld [smem:$0x3FFC];
	_ =	sdelay $0x3  }
0x94: {  	_ =	strace s3  }
0x95: {  	s3 =	sld [smem:$0x3FFD];
	_ =	sdelay $0x3  }
0x96: {  	_ =	strace s3  }
0x97: {  	_ =	strace $0x8FFFFFFF  }
0x98: {  	s19 =	sld [smem:$0x3FDB];
	_ =	sdelay $0x1  }
0x99: {  	s4 =	simm.s32 $_scs_section_size  }
0x9a: {  	s5 =	simm.s32 $_size__tile_overlayer_lowered;
	s6 =	simm.s32 $_tile_overlayer_lowered  }
0x9b: {  	s22 =	simm.s32 $0x1BFF;
	s21 =	sshll.u32 s6, $0x1;
	s3 =	sadd.s32 s4, s19  }
0x9c: {  	s7 =	simm.s32 $0x0;
	s20 =	sshll.u32 s5, $0x1;
	s5 =	sadd.s32 s21, s3  }
0x9d: {  	[timem:s7], [sflag:s22] =	dma.local [hbm:s5], s20  }
0x9e: {  	_ =	swait.ge [sflag:s22], s20  }
0x9f: {  	s4 =	ssub.s32 $0x0, s20;
	[sflag:s22] =	ssyncset.done $0x0  }
0xa0: {  	[sflag:s22] =	ssyncadd.s32 s4;
	_ =	sdelay $0x1  }
0xa1: {  	s23 =	simm.s32 $0x1B8B  }
0xa2: {  	_ =	swait.ge [sflag:s23], $0x1  }
0xa3: {  	[sflag:s23] =	ssyncset.done $0x0  }
0xa4: {  	s25 =	simm.s32 $0x1B8E;
	s24 =	sld [smem:$0x3FFE];
	[sflag:s23] =	ssyncadd.s32 $0xFFFFFFFF  }
0xa5: {  	s26 =	simm.s32 $execute0_lowered;
	[smem:$0x3FD2] =	sst s25  }
0xa6: {  	s5 =	sshll.u32 s26, $0x1;
	_ =	strace $0x80000046;
	[dreg:$0x1] =	wrdreg $0xFFFFFFFF  }
0xa7: {  	s28 =	simm.s32 $_size_execute0_lowered;
	s3 =	sadd.s32 s3, s5;
	[dreg:$0x0] =	wrdreg $0x0  }
0xa8: {  	s5 =	sshll.u32 s28, $0x1;
	[dreg:$0x2] =	wrdreg s3  }
0xa9: {  	[dreg:$0x3] =	wrdreg s5  }
0xaa: {  	[dreg:$0x4] =	wrdreg $0xC0  }
0xab: {  	_ =	task [dreg:s7], $0x5FFFF  }
0xac: {  	[dreg:$0x1] =	wrdreg $0xFFFFFFFF  }
0xad: {  	[dreg:$0x0] =	wrdreg $0x60  }
0xae: {  	[dreg:$0x2] =	wrdreg s2  }
0xaf: {  	[dreg:$0x3] =	wrdreg s24  }
0xb0: {  	[dreg:$0x4] =	wrdreg $0xC0000  }
0xb1: {  	[dreg:$0x5] =	wrdreg $0x9  }
0xb2: {  	_ =	task.clear_ibuf [dreg:s7], $0x6FFFF;
	_ =	strace $0x90000046  }
0xb3: {  	s29 =	simm.s32 $0x9;
	_ =	strace $0x80000048  }
0xb4: {  	_ =	swait.ge [sflag:s29], $0x1  }
0xb5: {  	[sflag:s29] =	ssyncadd.s32 $0xFFFFFFFF  }
0xb6: {  	_ =	strace $0x90000048  }
0xb7: {  	_ =	sfence  }
0xb8: {  	s30 =	sld [smem:$0x0];
	_ =	sdelay $0x2  }
0xb9: {  	s31 =	sshll.u32 s1, $0xD;
	s1 =	sshrl.u32 s1, $0x2  }
0xba: {  	s3 =	sand.u32 $0x4000, s31;
	s1 =	sadd.s32 s1, s30  }
0xbb: {  	s0 =	sor.u32 s3, s0;
	s1 =	sshll.u32 s1, $0x11  }
0xbc: {  	s0 =	sor.u32 s1, s0  }
0xbd: {  	s0 =	sadd.s32 $0x8F2B, s0  }
0xbe: {  	[sflag:s0] =	ssyncadd.remote.s32 $0x1  }
0xbf: {  	_ =	sfence.sel $0xFFFF  }
0xc0: {  	[dreg:$0x0] =	wrdreg $0xFFFFFFFF;
	(pc) =	sbr.abs _section_cstart, $3  }
0xc1: {  	[dreg:$0x1] =	wrdreg $0xFFFFFFFF  }
0xc2: {  	_ =	task.clear_ibuf [dreg:s7], $0x2FFFF;
	_ =	strace $0x9FFFFFFF  }
0xc3: {  	(tm) =	ssettm $0x7FFFFFFF  }
tec
execute0_lowered:
.L_overlay_start_1:
0x0: {  	(tag) =	ssettag $0x1  }
0x1: {  	s1 =	rddreg [dreg:$0x0];
	s3 =	srdreg.scid;
	v0 =	vlaneseq.u32  }
0x2: {  	s0 =	rddreg [dreg:$0x1];
	s4 =	sand.u32 $0x1, s3;
	s3 =	simm.s32 $0x0;
	v4 =	vmul.u32 $0x80, v0  }
0x3: {  	[smem:$0x7FF] =	sst s3  }
0x4: {  	s2 =	rddreg [dreg:$0x2];
	_ =	strace $0x80000047;
	v5 =	vor.u32 $0x1, v4;
	[tilespmem:$0x1FF00] =	vst v4  }
0x5: {  	v6 =	vor.u32 $0x2, v4;
	[tilespmem:$0x1FF10] =	vst v5  }
0x6: {  	s5 =	stileid.u32;
	s19 =	simm.s32 $0x5;
	s21 =	simm.s32 $0x1;
	v7 =	vor.u32 $0x3, v4;
	[tilespmem:$0x1FF20] =	vst v6  }
0x7: {  	s22 =	simm.s32 $0x40;
	s28 =	simm.s32 $0x3;
	s29 =	simm.s32 $0xB800;
	v8 =	vor.u32 $0x4, v4;
	[tilespmem:$0x1FF30] =	vst v7  }
0x8: {  	s30 =	simm.s32 $0x4;
	s6 =	sshll.u32 s5, $0x1;
	s9 =	smul.u32 $0x4E000, s5;
	v9 =	vor.u32 $0x5, v4;
	[tilespmem:$0x1FF40] =	vst v8  }
0x9: {  	s10 =	smul.u32 $0x2700, s5;
	s31 =	sshll.u32 s5, $0x6;
	s16 =	sadd.s32 $0x138000, s2;
	v10 =	vor.u32 $0x6, v4;
	[tilespmem:$0x1FF50] =	vst v9  }
0xa: {  	s11 =	sadd.s32 $0x27000, s1;
	p0 =	sne.s32 s5, $0x0;
	s6 =	sor.u32 s4, s6;
	v11 =	vor.u32 $0x7, v4;
	[tilespmem:$0x1FF60] =	vst v10  }
0xb: {  	s23 =	ssub.s32 $0x2, s4;
	s4 =	sadd.s32 $0xA000, s0;
	s20 =	sshrl.u32 @!p0 s16, $0x3;
	v12 =	vor.u32 $0x8, v4;
	[tilespmem:$0x1FF70] =	vst v11  }
0xc: {  	s14 =	smul.u32 $0x2800, s6;
	s7 =	sshrl.u32 s23, $0x1;
	s9 =	sshrl.u32 s9, $0x2;
	v13 =	vor.u32 $0x9, v4;
	[tilespmem:$0x1FF80] =	vst v12  }
0xd: {  	v14 =	vor.u32 $0xA, v4;
	s13 =	ssub.s32 s23, s7;
	s15 =	sadd.s32 s9, s2;
	s9 =	sadd.s32 s1, s10;
	[tilespmem:$0x1FF90] =	vst v13  }
0xe: {  	v15 =	vor.u32 $0xB, v4;
	s10 =	sor.u32 $0x1C05, s31;
	s1 =	simm.s32 $0x0;
	[tilespmem:$0x1FFA0] =	vst v14;
	s8 =	sshrl.u32 s14, $0x3  }
0xf: {  	v16 =	vor.u32 $0xC, v4;
	[tilespmem:$0x1FFB0] =	vst v15;
	s13 =	smax.u32 s13, $0x1;
	s14 =	sadd.s32 $0x800, s14;
	s18 =	sshrl.u32 s15, $0x3  }
0x10: {  	v17 =	vor.u32 $0xD, v4;
	[tilespmem:$0x1FFC0] =	vst v16;
	s24 =	sadd.s32 s4, s8;
	s6 =	sadd.s32 s0, s8;
	s8 =	sor.u32 $0x80, s8  }
0x11: {  	v18 =	vor.u32 $0xE, v4;
	[tilespmem:$0x1FFD0] =	vst v17;
	[dreg:$0x4] =	wrdreg s24;
	s25 =	sadd.s32 s4, s8;
	s26 =	sadd.s32 s0, s8  }
0x12: {  	v19 =	vor.u32 $0xF, v4;
	[tilespmem:$0x1FFE0] =	vst v18;
	s12 =	sadd.s32 $0x14000, s6;
	s24 =	simm.s32 $0x3000;
	[dreg:$0x5] =	wrdreg s25  }
0x13: {  	[tilespmem:$0x1FFF0] =	vst v19;
	[dreg:$0x6] =	wrdreg s26;
	s25 =	simm.s32 $0x5000;
	s26 =	simm.s32 $0x7000  }
.LBB2_1:
0x14: {  	s5 =	rddreg [dreg:$0x4]  }
0x15: {  	[tilespmem:s3], [sflag:$0x1] =	stream.linear.gather [hbm4b:s5+s3], $0x400, $0x38;
	[tilespmem:$0x1F880] =	vst v63  }
0x16: {  	s7 =	simm.s32 $0x800  }
0x17: {  	[tilespmem:s7], [sflag:$0x1] =	stream.linear.gather [hbm4b:s6+s3], $0x400, $0x38;
	[tilespmem:$0x1F880] =	vst v63  }
0x18: {  	s16 =	rddreg [dreg:$0x5];
	s8 =	simm.s32 $0x400  }
0x19: {  	[tilespmem:s8], [sflag:$0x2] =	stream.linear.gather [hbm4b:s16+s3], $0x400, $0x38;
	[tilespmem:$0x1F880] =	vst v63  }
0x1a: {  	s17 =	rddreg [dreg:$0x6];
	s23 =	simm.s32 $0xC00  }
0x1b: {  	[tilespmem:s23], [sflag:$0x2] =	stream.linear.gather [hbm4b:s17+s3], $0x400, $0x38;
	[tilespmem:$0x1F880] =	vst v63  }
0x1c: {  	[spmem:s18], [sflag:s10] =	dma.local [hbm:s9], $0x2700  }
0x1d: {  	_ =	swait.ge [sflag:s19], $0x2700  }
0x1e: {  	[sflag:s19] =	ssyncset.done $0x0  }
0x1f: {  	s5 =	simm.s32 @!p0 $0x5;
	[sflag:s19] =	ssyncadd.s32 $0xFFFFD900  }
0x20: {  	[spmem:s20], [sflag:s10] =	dma.local @!p0 [hbm:s11], $0x100  }
0x21: {  	_ =	swait.ge @!p0 [sflag:s5], $0x100  }
0x22: {  	[sflag:s5] =	ssyncset.done @!p0 $0x0  }
0x23: {  	[sflag:s5] =	ssyncadd.s32 @!p0 $0xFFFFFF00  }
0x24: {  	[bflag:$0x0] =	sbarrier.arrive $0xFFFF  }
0x25: {  	_ =	swait.ge [sflag:s21], $0x400  }
0x26: {  	[sflag:s21] =	ssyncset.done $0x0  }
0x27: {  	[sflag:s21] =	ssyncadd.s32 $0xFFFFFC00  }
0x28: {  	_ =	swait.ge [sflag:s21], $0x400  }
0x29: {  	[sflag:s21] =	ssyncset.done $0x0  }
0x2a: {  	s31 =	simm.s32 $0x1000;
	[sflag:s21] =	ssyncadd.s32 $0xFFFFFC00  }
0x2b: {  	[tilespmem:s31], [sflag:$0x3] =	stream.indirect.gather [spmem:s2], $0x80, s3, s22, $0xb8;
	[tilespmem:$0x1F880] =	vst v63  }
0x2c: {  	s16 =	simm.s32 $0x0  }
0x2d: {  	[tilespmem:s24], [sflag:$0x3] =	stream.indirect.gather [spmem:s2], $0x80, s7, s22, $0xb8;
	[tilespmem:$0x1F880] =	vst v63  }
.LBB2_2:
0x2e: {  	s17 =	sshllo.u32 s16, $0x1;
	s5 =	sand.u32 $0x8, s16  }
0x2f: {  	s8 =	sshll.u32 s16, $0x7;
	s7 =	simm.s32 $0x800;
	s23 =	sand.u32 $0xF, s17  }
0x30: {  	p1 =	seq.s32 s5, $0x0;
	s31 =	sand.u32 $0x400, s8;
	s15 =	sshll.u32 s23, $0x6  }
0x31: {  	s7 =	simm.s32 @!p1 $0xC00;
	s31 =	sor.u32 s15, s31  }
0x32: {  	[tilespmem:s25], [sflag:$0x4] =	stream.indirect.gather [spmem:s2], $0x80, s31, s22, $0xb8;
	[tilespmem:$0x1F880] =	vst v63  }
0x33: {  	s5 =	sand.u32 $0x3FFFFF80, s8;
	s7 =	sor.u32 s15, s7  }
0x34: {  	[tilespmem:s26], [sflag:$0x4] =	stream.indirect.gather [spmem:s2], $0x80, s7, s22, $0xb8;
	[tilespmem:$0x1F880] =	vst v63  }
0x35: {  	s5 =	sadd.s32 $0x9000, s5;
	_ =	swait.ge [sflag:s28], $0x4000  }
0x36: {  	v0 =	vmov s5;
	[sflag:s28] =	ssyncset.done $0x0  }
0x37: {  	s15 =	simm.s32 $0x0;
	s31 =	sshll.u32 s16, $0x1;
	[tilespmem:$0x1FEF0] =	vst v0;
	[sflag:s28] =	ssyncadd.s32 $0xFFFFC000  }
.LBB2_3:
0x38: {  	s5 =	sshll.u32 s15, $0xB  }
0x39: {  	s5 =	sand.u32 $0x3FFFF800, s5  }
0x3a: {  	v17 =	vld [tilespmem:s5+$0x1000]  }
0x3b: {  	v18 =	vld [tilespmem:s5+$0x3000]  }
0x3c: {  	v19 =	vld [tilespmem:s5+$0x1080]  }
0x3d: {  	v20 =	vld [tilespmem:s5+$0x3080]  }
0x3e: {  	v21 =	vld [tilespmem:s5+$0x1100]  }
0x3f: {  	v22 =	vld [tilespmem:s5+$0x3100]  }
0x40: {  	v23 =	vld [tilespmem:s5+$0x1180]  }
0x41: {  	v24 =	vld [tilespmem:s5+$0x3180]  }
0x42: {  	v25 =	vld [tilespmem:s5+$0x1200]  }
0x43: {  	v26 =	vld [tilespmem:s5+$0x3200]  }
0x44: {  	v27 =	vld [tilespmem:s5+$0x1280]  }
0x45: {  	v28 =	vld [tilespmem:s5+$0x3280]  }
0x46: {  	v29 =	vld [tilespmem:s5+$0x1300]  }
0x47: {  	v30 =	vld [tilespmem:s5+$0x3300]  }
0x48: {  	v31 =	vld [tilespmem:s5+$0x1380]  }
0x49: {  	v32 =	vld [tilespmem:s5+$0x3380]  }
0x4a: {  	v33 =	vld [tilespmem:s5+$0x1010]  }
0x4b: {  	v34 =	vld [tilespmem:s5+$0x3010]  }
0x4c: {  	v35 =	vld [tilespmem:s5+$0x1090]  }
0x4d: {  	v36 =	vld [tilespmem:s5+$0x3090]  }
0x4e: {  	v37 =	vld [tilespmem:s5+$0x1110]  }
0x4f: {  	v38 =	vld [tilespmem:s5+$0x3110]  }
0x50: {  	v39 =	vld [tilespmem:s5+$0x1190]  }
0x51: {  	v40 =	vld [tilespmem:s5+$0x3190]  }
0x52: {  	v41 =	vld [tilespmem:s5+$0x1210]  }
0x53: {  	v42 =	vld [tilespmem:s5+$0x3210]  }
0x54: {  	v43 =	vld [tilespmem:s5+$0x1290]  }
0x55: {  	v44 =	vld [tilespmem:s5+$0x3290]  }
0x56: {  	v45 =	vld [tilespmem:s5+$0x1310]  }
0x57: {  	v46 =	vld [tilespmem:s5+$0x3310]  }
0x58: {  	v47 =	vld [tilespmem:s5+$0x1390]  }
0x59: {  	v48 =	vld [tilespmem:s5+$0x3390]  }
0x5a: {  	v49 =	vld [tilespmem:s5+$0x1020]  }
0x5b: {  	v50 =	vld [tilespmem:s5+$0x3020]  }
0x5c: {  	v51 =	vld [tilespmem:s5+$0x10A0]  }
0x5d: {  	v52 =	vld [tilespmem:s5+$0x30A0]  }
0x5e: {  	v53 =	vld [tilespmem:s5+$0x1120]  }
0x5f: {  	v54 =	vld [tilespmem:s5+$0x3120]  }
0x60: {  	v55 =	vld [tilespmem:s5+$0x11A0]  }
0x61: {  	v56 =	vld [tilespmem:s5+$0x31A0]  }
0x62: {  	v57 =	vld [tilespmem:s5+$0x1220]  }
0x63: {  	v58 =	vld [tilespmem:s5+$0x3220]  }
0x64: {  	v59 =	vld [tilespmem:s5+$0x12A0]  }
0x65: {  	v60 =	vld [tilespmem:s5+$0x32A0]  }
0x66: {  	v61 =	vld [tilespmem:s5+$0x1320]  }
0x67: {  	v62 =	vld [tilespmem:s5+$0x3320]  }
0x68: {  	v63 =	vld [tilespmem:s5+$0x13A0]  }
0x69: {  	v0 =	vld [tilespmem:s5+$0x33A0]  }
0x6a: {  	v1 =	vld [tilespmem:s5+$0x1030]  }
0x6b: {  	v2 =	vld [tilespmem:s5+$0x3030]  }
0x6c: {  	v3 =	vld [tilespmem:s5+$0x10B0]  }
0x6d: {  	v4 =	vld [tilespmem:s5+$0x30B0]  }
0x6e: {  	v5 =	vld [tilespmem:s5+$0x1130]  }
0x6f: {  	v6 =	vld [tilespmem:s5+$0x3130]  }
0x70: {  	v7 =	vld [tilespmem:s5+$0x11B0]  }
0x71: {  	v8 =	vld [tilespmem:s5+$0x31B0]  }
0x72: {  	v9 =	vld [tilespmem:s5+$0x1230]  }
0x73: {  	v10 =	vld [tilespmem:s5+$0x3230]  }
0x74: {  	v11 =	vld [tilespmem:s5+$0x12B0]  }
0x75: {  	v13 =	vld [tilespmem:s5+$0x1330]  }
0x76: {  	v12 =	vld [tilespmem:s5+$0x32B0]  }
0x77: {  	v14 =	vld [tilespmem:s5+$0x3330]  }
0x78: {  	v15 =	vld [tilespmem:s5+$0x13B0]  }
0x79: {  	v16 =	vld [tilespmem:s5+$0x33B0]  }
0x7a: {  	[tilespmem:$0x1FED0] =	vst v13;
	v13 =	vld [tilespmem:s5+$0x1040]  }
0x7b: {  	v17 =	vsub.f32 v17, v18;
	v18 =	vld [tilespmem:s5+$0x10C0]  }
0x7c: {  	v19 =	vsub.f32 v19, v20;
	v20 =	vsub.f32 v21, v22;
	v21 =	vld [tilespmem:s5+$0x30C0]  }
0x7d: {  	v22 =	vsub.f32 v23, v24;
	v24 =	vld [tilespmem:s5+$0x1140]  }
0x7e: {  	v23 =	vsub.f32 v25, v26;
	v26 =	vld [tilespmem:s5+$0x3140]  }
0x7f: {  	v25 =	vsub.f32 v27, v28;
	v27 =	vsub.f32 v33, v34;
	v33 =	vld [tilespmem:s5+$0x11C0]  }
0x80: {  	v36 =	vsub.f32 v35, v36;
	v35 =	vld [tilespmem:s5+$0x31C0]  }
0x81: {  	v34 =	vsub.f32 v37, v38;
	v37 =	vld [tilespmem:s5+$0x1240]  }
0x82: {  	v38 =	vsub.f32 v31, v32;
	v32 =	vld [tilespmem:s5+$0x3240]  }
0x83: {  	v44 =	vsub.f32 v43, v44;
	v43 =	vld [tilespmem:s5+$0x13C0]  }
0x84: {  	v1 =	vsub.f32 v1, v2;
	v2 =	vld [tilespmem:s5+$0x3250]  }
0x85: {  	v3 =	vsub.f32 v3, v4;
	v4 =	vld [tilespmem:s5+$0x12D0]  }
0x86: {  	v15 =	vsub.f32 v15, v16;
	v16 =	vld [tilespmem:s5+$0x3060]  }
0x87: {  	v40 =	vsub.f32 v39, v40;
	v42 =	vsub.f32 v41, v42;
	v39 =	vmul.f32 v34, v34;
	v34 =	vld [tilespmem:s5+$0x32C0]  }
0x88: {  	v29 =	vsub.f32 v29, v30;
	v28 =	vmul.f32 v36, v36;
	v30 =	vmul.f32 v38, v38;
	v36 =	vld [tilespmem:s5+$0x1340]  }
0x89: {  	v31 =	vmul.f32 v42, v42;
	v38 =	vsub.f32 v45, v46;
	v46 =	vsub.f32 v51, v52;
	v42 =	vld [tilespmem:s5+$0x1050]  }
0x8a: {  	v51 =	vsub.f32 v53, v54;
	v52 =	vsub.f32 v55, v56;
	v53 =	vld [tilespmem:s5+$0x30D0]  }
0x8b: {  	v54 =	vsub.f32 v57, v58;
	v58 =	vsub.f32 v7, v8;
	v7 =	vld [tilespmem:s5+$0x32D0]  }
0x8c: {  	v55 =	vsub.f32 v59, v60;
	v59 =	vsub.f32 v9, v10;
	v10 =	vld [tilespmem:s5+$0x1350]  }
0x8d: {  	v60 =	vsub.f32 v11, v12;
	v11 =	vld [tilespmem:s5+$0x3350]  }
0x8e: {  	v19 =	vmul.f32 v19, v19;
	v12 =	vld [tilespmem:s5+$0x13D0]  }
0x8f: {  	v22 =	vmul.f32 v22, v22;
	v40 =	vmul.f32 v40, v40;
	v56 =	vsub.f32 v61, v62;
	v61 =	vld [tilespmem:$0x1FED0]  }
0x90: {  	v20 =	vmul.f32 v20, v20;
	v19 =	vadd.f32 v28, v19;
	v28 =	vld [tilespmem:s5+$0x12C0]  }
0x91: {  	v23 =	vmul.f32 v23, v23;
	v22 =	vadd.f32 v40, v22;
	v40 =	vld [tilespmem:s5+$0x3340]  }
0x92: {  	v17 =	vmul.f32 v17, v17;
	v20 =	vadd.f32 v39, v20;
	v39 =	vld [tilespmem:s5+$0x33C0]  }
0x93: {  	v25 =	vmul.f32 v25, v25;
	v27 =	vmul.f32 v27, v27;
	v23 =	vadd.f32 v31, v23;
	v31 =	vld [tilespmem:s5+$0x3050]  }
0x94: {  	v48 =	vsub.f32 v47, v48;
	v47 =	vmul.f32 v38, v38;
	v38 =	vmul.f32 v51, v51;
	v51 =	vld [tilespmem:s5+$0x3260]  }
0x95: {  	v0 =	vsub.f32 v63, v0;
	v29 =	vmul.f32 v29, v29;
	v57 =	vmul.f32 v56, v56;
	v56 =	vld [tilespmem:s5+$0x32E0]  }
0x96: {  	v5 =	vsub.f32 v5, v6;
	v48 =	vmul.f32 v48, v48;
	v6 =	vmul.f32 v58, v58;
	v58 =	vld [tilespmem:s5+$0x1360]  }
0x97: {  	v45 =	vsub.f32 v49, v50;
	v0 =	vmul.f32 v0, v0;
	v8 =	vmul.f32 v59, v59;
	v59 =	vld [tilespmem:s5+$0x3360]  }
0x98: {  	v17 =	vadd.f32 v27, v17;
	v27 =	vmul.f32 v44, v44;
	v9 =	vmul.f32 v60, v60;
	v60 =	vld [tilespmem:s5+$0x13E0]  }
0x99: {  	v49 =	vmul.f32 v45, v45;
	v30 =	vadd.f32 v48, v30;
	v44 =	vld [tilespmem:s5+$0x11F0];
	v18 =	vsub.f32 v18, v21  }
0x9a: {  	v50 =	vmul.f32 v46, v46;
	[tilespmem:$0x1FEE0] =	vst v13;
	v13 =	vld [tilespmem:s5+$0x3040];
	v63 =	vsub.f32 v24, v26;
	v37 =	vsub.f32 v37, v32  }
0x9b: {  	v41 =	vmul.f32 v52, v52;
	v24 =	vld [tilespmem:s5+$0x1160];
	v25 =	vadd.f32 v27, v25;
	v29 =	vadd.f32 v47, v29  }
0x9c: {  	v45 =	vmul.f32 v54, v54;
	v21 =	vld [tilespmem:s5+$0x3160];
	v17 =	vadd.f32 v49, v17;
	v19 =	vadd.f32 v50, v19  }
0x9d: {  	v27 =	vld [tilespmem:s5+$0x10D0];
	v20 =	vadd.f32 v38, v20;
	v22 =	vadd.f32 v41, v22  }
0x9e: {  	v1 =	vmul.f32 v1, v1;
	v47 =	vld [tilespmem:s5+$0x1150];
	v23 =	vadd.f32 v45, v23;
	v0 =	vadd.f32 v0, v30  }
0x9f: {  	v46 =	vmul.f32 v55, v55;
	v49 =	vld [tilespmem:s5+$0x3150];
	v30 =	vsub.f32 v33, v35;
	v14 =	vsub.f32 v61, v14  }
0xa0: {  	v3 =	vmul.f32 v3, v3;
	v50 =	vld [tilespmem:s5+$0x11D0];
	v4 =	vsub.f32 v4, v7;
	v10 =	vsub.f32 v10, v11  }
0xa1: {  	v5 =	vmul.f32 v5, v5;
	v41 =	vld [tilespmem:s5+$0x31D0];
	v25 =	vadd.f32 v46, v25;
	v29 =	vadd.f32 v57, v29  }
0xa2: {  	v15 =	vmul.f32 v15, v15;
	v45 =	vld [tilespmem:s5+$0x1250];
	v1 =	vadd.f32 v1, v17;
	v3 =	vadd.f32 v3, v19  }
0xa3: {  	v62 =	vld [tilespmem:$0x1FEE0];
	v5 =	vadd.f32 v5, v20;
	v6 =	vadd.f32 v6, v22  }
0xa4: {  	v33 =	vmul.f32 v63, v63;
	v63 =	vld [tilespmem:s5+$0x33E0];
	v8 =	vadd.f32 v8, v23;
	v0 =	vadd.f32 v15, v0  }
0xa5: {  	v18 =	vmul.f32 v18, v18;
	v17 =	vld [tilespmem:s5+$0x33D0];
	v38 =	vsub.f32 v28, v34;
	v46 =	vsub.f32 v36, v40  }
0xa6: {  	v19 =	vld [tilespmem:s5+$0x1060];
	v35 =	vmul.f32 v30, v30;
	v48 =	vsub.f32 v43, v39;
	v52 =	vsub.f32 v42, v31  }
0xa7: {  	v20 =	vld [tilespmem:s5+$0x10E0];
	v15 =	vmul.f32 v37, v37;
	v9 =	vadd.f32 v9, v25;
	v3 =	vadd.f32 v18, v3  }
0xa8: {  	v22 =	vld [tilespmem:s5+$0x30E0];
	v14 =	vmul.f32 v14, v14;
	v5 =	vadd.f32 v33, v5;
	v6 =	vadd.f32 v35, v6  }
0xa9: {  	v23 =	vld [tilespmem:s5+$0x31E0];
	v4 =	vmul.f32 v4, v4;
	v8 =	vadd.f32 v15, v8;
	v15 =	vsub.f32 v58, v59  }
0xaa: {  	v37 =	vld [tilespmem:s5+$0x10F0];
	v10 =	vmul.f32 v10, v10;
	v13 =	vsub.f32 v62, v13;
	v14 =	vadd.f32 v14, v29  }
0xab: {  	v36 =	vld [tilespmem:s5+$0x3070];
	v27 =	vsub.f32 v27, v53;
	v54 =	vmul.f32 v46, v46;
	v55 =	vmul.f32 v48, v48  }
0xac: {  	v18 =	vld [tilespmem:s5+$0x11E0];
	v57 =	vmul.f32 v52, v52;
	v61 =	vsub.f32 v47, v49;
	v62 =	vsub.f32 v50, v41  }
0xad: {  	v25 =	vld [tilespmem:s5+$0x1260];
	v2 =	vsub.f32 v45, v2;
	v45 =	vsub.f32 v24, v21;
	v15 =	vmul.f32 v15, v15  }
0xae: {  	v35 =	vld [tilespmem:s5+$0x1070];
	v13 =	vmul.f32 v13, v13;
	v27 =	vmul.f32 v27, v27;
	v14 =	vadd.f32 v54, v14  }
0xaf: {  	v53 =	vld [tilespmem:s5+$0x12E0];
	v0 =	vadd.f32 v55, v0;
	v26 =	vmul.f32 v61, v61;
	v12 =	vsub.f32 v12, v17  }
0xb0: {  	v46 =	vld [tilespmem:s5+$0x31F0];
	v2 =	vmul.f32 v2, v2;
	v41 =	vsub.f32 v19, v16;
	v43 =	vsub.f32 v20, v22  }
0xb1: {  	v40 =	vld [tilespmem:s5+$0x1170];
	v50 =	vmul.f32 v45, v45;
	v1 =	vadd.f32 v13, v1;
	v3 =	vadd.f32 v27, v3  }
0xb2: {  	v42 =	vld [tilespmem:s5+$0x3170];
	v13 =	vmul.f32 v38, v38;
	v5 =	vadd.f32 v26, v5;
	v2 =	vadd.f32 v2, v8  }
0xb3: {  	v58 =	vld [tilespmem:s5+$0x13F0];
	v27 =	vmul.f32 v62, v62;
	v10 =	vadd.f32 v10, v14;
	v18 =	vsub.f32 v18, v23  }
0xb4: {  	v49 =	vld [tilespmem:s5+$0x1270];
	v39 =	vmul.f32 v12, v12;
	v47 =	vsub.f32 v25, v51;
	v7 =	vsub.f32 v35, v36  }
0xb5: {  	v54 =	vld [tilespmem:s5+$0x12F0];
	v12 =	vmul.f32 v41, v41;
	v48 =	vsub.f32 v53, v56;
	v16 =	vsub.f32 v44, v46  }
0xb6: {  	v55 =	vld [tilespmem:s5+$0x32F0];
	v8 =	vmul.f32 v43, v43;
	v9 =	vadd.f32 v13, v9;
	v1 =	vadd.f32 v57, v1  }
0xb7: {  	v38 =	vld [tilespmem:s5+$0x30F0];
	v6 =	vadd.f32 v27, v6;
	v0 =	vadd.f32 v39, v0;
	v18 =	vmul.f32 v18, v18  }
0xb8: {  	v51 =	vld [tilespmem:s5+$0x3270];
	v3 =	vadd.f32 v8, v3;
	v52 =	vmul.f32 v47, v47;
	v5 =	vadd.f32 v50, v5  }
0xb9: {  	v59 =	vld [tilespmem:s5+$0x33F0];
	v13 =	vsub.f32 v60, v63;
	v7 =	vmul.f32 v7, v7;
	v4 =	vadd.f32 v4, v9  }
0xba: {  	v56 =	vld [tilespmem:s5+$0x1370];
	v53 =	vmul.f32 v48, v48;
	v1 =	vadd.f32 v12, v1;
	v6 =	vadd.f32 v18, v6  }
0xbb: {  	v57 =	vld [tilespmem:s5+$0x3370];
	v16 =	vmul.f32 v16, v16;
	v2 =	vadd.f32 v52, v2;
	v9 =	vsub.f32 v40, v42  }
0xbc: {  	v13 =	vmul.f32 v13, v13;
	v12 =	vsub.f32 v54, v55;
	v17 =	vsub.f32 v37, v38  }
0xbd: {  	v61 =	vsub.f32 v49, v51;
	v1 =	vadd.f32 v7, v1;
	v60 =	vmul.f32 v9, v9  }
0xbe: {  	v4 =	vadd.f32 v53, v4;
	v63 =	vadd.f32 v16, v6;
	v12 =	vmul.f32 v12, v12  }
0xbf: {  	v16 =	vsub.f32 v58, v59;
	v17 =	vmul.f32 v17, v17;
	v5 =	vadd.f32 v60, v5;
	[tilespmem:$0xB800] =	vst v1  }
0xc0: {  	v62 =	vmul.f32 v61, v61;
	v8 =	vsub.f32 v56, v57;
	v4 =	vadd.f32 v12, v4;
	[tilespmem:$0xB980] =	vst v63  }
0xc1: {  	v0 =	vadd.f32 v13, v0;
	v19 =	vmul.f32 v16, v16;
	v3 =	vadd.f32 v17, v3;
	[tilespmem:$0xB900] =	vst v5  }
0xc2: {  	v17 =	vadd.f32 v15, v10;
	v2 =	vadd.f32 v62, v2;
	v18 =	vmul.f32 v8, v8;
	[tilespmem:$0xBA80] =	vst v4  }
0xc3: {  	v0 =	vadd.f32 v19, v0;
	[tilespmem:$0xB880] =	vst v3  }
0xc4: {  	v20 =	vadd.f32 v18, v17;
	[tilespmem:$0xBA00] =	vst v2  }
0xc5: {  	[tilespmem:$0xBB80] =	vst v0  }
0xc6: {  	[tilespmem:$0xBB00] =	vst v20  }
0xc7: {  	v0 =	vld [tilespmem:s5+$0x1400]  }
0xc8: {  	v1 =	vld [tilespmem:s5+$0x3400]  }
0xc9: {  	v2 =	vld [tilespmem:s5+$0x1480]  }
0xca: {  	v3 =	vld [tilespmem:s5+$0x3480]  }
0xcb: {  	v4 =	vld [tilespmem:s5+$0x1500]  }
0xcc: {  	v5 =	vld [tilespmem:s5+$0x3500]  }
0xcd: {  	v6 =	vld [tilespmem:s5+$0x1580]  }
0xce: {  	v7 =	vld [tilespmem:s5+$0x3580]  }
0xcf: {  	v8 =	vld [tilespmem:s5+$0x1600]  }
0xd0: {  	v9 =	vld [tilespmem:s5+$0x3600]  }
0xd1: {  	v10 =	vld [tilespmem:s5+$0x1680]  }
0xd2: {  	v11 =	vld [tilespmem:s5+$0x3680]  }
0xd3: {  	v12 =	vld [tilespmem:s5+$0x1700]  }
0xd4: {  	v13 =	vld [tilespmem:s5+$0x3700]  }
0xd5: {  	v14 =	vld [tilespmem:s5+$0x1780]  }
0xd6: {  	v15 =	vld [tilespmem:s5+$0x3780]  }
0xd7: {  	v16 =	vld [tilespmem:s5+$0x1410]  }
0xd8: {  	v17 =	vld [tilespmem:s5+$0x3410]  }
0xd9: {  	v18 =	vld [tilespmem:s5+$0x1490]  }
0xda: {  	v19 =	vld [tilespmem:s5+$0x3490]  }
0xdb: {  	v20 =	vld [tilespmem:s5+$0x1510]  }
0xdc: {  	v21 =	vld [tilespmem:s5+$0x3510]  }
0xdd: {  	v22 =	vld [tilespmem:s5+$0x1590]  }
0xde: {  	v23 =	vld [tilespmem:s5+$0x3590]  }
0xdf: {  	v24 =	vld [tilespmem:s5+$0x1610]  }
0xe0: {  	v25 =	vld [tilespmem:s5+$0x3610]  }
0xe1: {  	v26 =	vld [tilespmem:s5+$0x1690]  }
0xe2: {  	v27 =	vld [tilespmem:s5+$0x3690]  }
0xe3: {  	v28 =	vld [tilespmem:s5+$0x1710]  }
0xe4: {  	v29 =	vld [tilespmem:s5+$0x3710]  }
0xe5: {  	v30 =	vld [tilespmem:s5+$0x1790]  }
0xe6: {  	v31 =	vld [tilespmem:s5+$0x3790]  }
0xe7: {  	v32 =	vld [tilespmem:s5+$0x1420]  }
0xe8: {  	v33 =	vld [tilespmem:s5+$0x3420]  }
0xe9: {  	v34 =	vld [tilespmem:s5+$0x14A0]  }
0xea: {  	v35 =	vld [tilespmem:s5+$0x34A0]  }
0xeb: {  	v36 =	vld [tilespmem:s5+$0x1520]  }
0xec: {  	v37 =	vld [tilespmem:s5+$0x3520]  }
0xed: {  	v38 =	vld [tilespmem:s5+$0x15A0]  }
0xee: {  	v39 =	vld [tilespmem:s5+$0x35A0]  }
0xef: {  	v40 =	vld [tilespmem:s5+$0x1620]  }
0xf0: {  	v41 =	vld [tilespmem:s5+$0x3620]  }
0xf1: {  	v42 =	vld [tilespmem:s5+$0x16A0]  }
0xf2: {  	v43 =	vld [tilespmem:s5+$0x36A0]  }
0xf3: {  	v44 =	vld [tilespmem:s5+$0x1720]  }
0xf4: {  	v45 =	vld [tilespmem:s5+$0x3720]  }
0xf5: {  	v46 =	vld [tilespmem:s5+$0x17A0]  }
0xf6: {  	v47 =	vld [tilespmem:s5+$0x37A0]  }
0xf7: {  	v48 =	vld [tilespmem:s5+$0x1430]  }
0xf8: {  	v49 =	vld [tilespmem:s5+$0x3430]  }
0xf9: {  	v50 =	vld [tilespmem:s5+$0x14B0]  }
0xfa: {  	v51 =	vld [tilespmem:s5+$0x34B0]  }
0xfb: {  	v52 =	vld [tilespmem:s5+$0x1530]  }
0xfc: {  	v53 =	vld [tilespmem:s5+$0x3530]  }
0xfd: {  	v54 =	vld [tilespmem:s5+$0x15B0]  }
0xfe: {  	v55 =	vld [tilespmem:s5+$0x35B0]  }
0xff: {  	v56 =	vld [tilespmem:s5+$0x1630]  }
0x100: {  	v57 =	vld [tilespmem:s5+$0x3630]  }
0x101: {  	v58 =	vld [tilespmem:s5+$0x16B0]  }
0x102: {  	v59 =	vld [tilespmem:s5+$0x36B0]  }
0x103: {  	v60 =	vld [tilespmem:s5+$0x1730]  }
0x104: {  	v61 =	vld [tilespmem:s5+$0x3730]  }
0x105: {  	v62 =	vld [tilespmem:s5+$0x17B0]  }
0x106: {  	v63 =	vld [tilespmem:s5+$0x37B0]  }
0x107: {  	v0 =	vsub.f32 v0, v1;
	v1 =	vld [tilespmem:s5+$0x1440]  }
0x108: {  	v2 =	vsub.f32 v2, v3;
	v3 =	vsub.f32 v4, v5;
	v4 =	vld [tilespmem:s5+$0x3440]  }
0x109: {  	v5 =	vsub.f32 v6, v7;
	v7 =	vld [tilespmem:s5+$0x14C0]  }
0x10a: {  	v6 =	vsub.f32 v8, v9;
	v8 =	vsub.f32 v10, v11;
	v10 =	vld [tilespmem:s5+$0x34C0]  }
0x10b: {  	v9 =	vsub.f32 v12, v13;
	v13 =	vld [tilespmem:s5+$0x1540]  }
0x10c: {  	v11 =	vsub.f32 v16, v17;
	v17 =	vld [tilespmem:s5+$0x3540]  }
0x10d: {  	v12 =	vsub.f32 v18, v19;
	v19 =	vld [tilespmem:s5+$0x15C0]  }
0x10e: {  	v18 =	vld [tilespmem:s5+$0x1640]  }
0x10f: {  	v14 =	vsub.f32 v14, v15;
	v15 =	vld [tilespmem:s5+$0x16C0]  }
0x110: {  	v25 =	vsub.f32 v24, v25;
	v24 =	vld [tilespmem:s5+$0x1740]  }
0x111: {  	v16 =	vsub.f32 v20, v21;
	v20 =	vsub.f32 v26, v27;
	v26 =	vld [tilespmem:s5+$0x3740]  }
0x112: {  	v29 =	vsub.f32 v28, v29;
	v28 =	vld [tilespmem:s5+$0x37C0]  }
0x113: {  	v41 =	vsub.f32 v40, v41;
	v40 =	vld [tilespmem:s5+$0x36D0]  }
0x114: {  	v37 =	vsub.f32 v36, v37;
	v36 =	vld [tilespmem:s5+$0x1750]  }
0x115: {  	v49 =	vsub.f32 v48, v49;
	v48 =	vld [tilespmem:s5+$0x35E0]  }
0x116: {  	v21 =	vsub.f32 v22, v23;
	v53 =	vsub.f32 v52, v53;
	v52 =	vld [tilespmem:s5+$0x3660]  }
0x117: {  	v30 =	vsub.f32 v30, v31;
	v31 =	vsub.f32 v32, v33;
	v22 =	vmul.f32 v16, v16;
	v16 =	vld [tilespmem:s5+$0x35C0]  }
0x118: {  	v34 =	vsub.f32 v34, v35;
	v39 =	vsub.f32 v38, v39;
	v23 =	vmul.f32 v21, v21;
	v21 =	vld [tilespmem:s5+$0x17C0]  }
0x119: {  	v42 =	vsub.f32 v42, v43;
	v43 =	vsub.f32 v44, v45;
	v33 =	vmul.f32 v29, v29;
	v29 =	vld [tilespmem:s5+$0x14D0]  }
0x11a: {  	v44 =	vsub.f32 v46, v47;
	v51 =	vsub.f32 v50, v51;
	v35 =	vmul.f32 v34, v34;
	v34 =	vld [tilespmem:s5+$0x1650]  }
0x11b: {  	v54 =	vsub.f32 v54, v55;
	v2 =	vmul.f32 v2, v2;
	v45 =	vmul.f32 v42, v42;
	v42 =	vld [tilespmem:s5+$0x3750]  }
0x11c: {  	v55 =	vsub.f32 v56, v57;
	v3 =	vmul.f32 v3, v3;
	v46 =	vmul.f32 v43, v43;
	v43 =	vld [tilespmem:s5+$0x1460]  }
0x11d: {  	v12 =	vmul.f32 v12, v12;
	v56 =	vmul.f32 v51, v51;
	v51 =	vld [tilespmem:s5+$0x1660]  }
0x11e: {  	v58 =	vsub.f32 v58, v59;
	v27 =	vmul.f32 v39, v39;
	v39 =	vmul.f32 v55, v55;
	v55 =	vld [tilespmem:s5+$0x16E0]  }
0x11f: {  	v60 =	vsub.f32 v60, v61;
	v5 =	vmul.f32 v5, v5;
	v2 =	vadd.f32 v12, v2;
	v12 =	vld [tilespmem:s5+$0x3640]  }
0x120: {  	v8 =	vmul.f32 v8, v8;
	v32 =	vmul.f32 v20, v20;
	v3 =	vadd.f32 v22, v3;
	v22 =	vld [tilespmem:s5+$0x36C0]  }
0x121: {  	v9 =	vmul.f32 v9, v9;
	v5 =	vadd.f32 v23, v5;
	v23 =	vmul.f32 v30, v30;
	v30 =	vld [tilespmem:s5+$0x34D0]  }
0x122: {  	v61 =	vsub.f32 v62, v63;
	v0 =	vmul.f32 v0, v0;
	v8 =	vadd.f32 v32, v8;
	v32 =	vld [tilespmem:s5+$0x1550]  }
0x123: {  	v11 =	vmul.f32 v11, v11;
	v6 =	vmul.f32 v6, v6;
	v9 =	vadd.f32 v33, v9;
	v33 =	vld [tilespmem:s5+$0x35D0]  }
0x124: {  	v14 =	vmul.f32 v14, v14;
	v20 =	vmul.f32 v41, v41;
	v1 =	vsub.f32 v1, v4;
	v4 =	vld [tilespmem:s5+$0x3460]  }
0x125: {  	v0 =	vadd.f32 v11, v0;
	v11 =	vmul.f32 v25, v25;
	v7 =	vsub.f32 v7, v10;
	v10 =	vld [tilespmem:s5+$0x14E0]  }
0x126: {  	v25 =	vmul.f32 v31, v31;
	v13 =	vsub.f32 v13, v17;
	v17 =	vld [tilespmem:s5+$0x34E0];
	v50 =	vsub.f32 v24, v26  }
0x127: {  	v47 =	vmul.f32 v44, v44;
	v24 =	vld [tilespmem:s5+$0x37F0];
	v6 =	vadd.f32 v11, v6;
	v14 =	vadd.f32 v23, v14  }
0x128: {  	v57 =	vmul.f32 v53, v53;
	v11 =	vld [tilespmem:s5+$0x1450];
	v0 =	vadd.f32 v25, v0;
	v2 =	vadd.f32 v35, v2  }
0x129: {  	v23 =	vld [tilespmem:s5+$0x3450];
	v25 =	vmul.f32 v37, v37;
	v5 =	vadd.f32 v27, v5;
	v8 =	vadd.f32 v45, v8  }
0x12a: {  	v38 =	vmul.f32 v54, v54;
	v35 =	vld [tilespmem:s5+$0x3550];
	v9 =	vadd.f32 v46, v9;
	v16 =	vsub.f32 v19, v16  }
0x12b: {  	v59 =	vmul.f32 v58, v58;
	v27 =	vld [tilespmem:s5+$0x15D0];
	v21 =	vsub.f32 v21, v28;
	v3 =	vadd.f32 v25, v3  }
0x12c: {  	v62 =	vmul.f32 v60, v60;
	v37 =	vld [tilespmem:s5+$0x16D0];
	v6 =	vadd.f32 v20, v6;
	v14 =	vadd.f32 v47, v14  }
0x12d: {  	v63 =	vmul.f32 v61, v61;
	v19 =	vld [tilespmem:s5+$0x1560];
	v2 =	vadd.f32 v56, v2;
	v5 =	vadd.f32 v38, v5  }
0x12e: {  	v20 =	vld [tilespmem:s5+$0x3650];
	v25 =	vmul.f32 v49, v49;
	v8 =	vadd.f32 v59, v8;
	v9 =	vadd.f32 v62, v9  }
0x12f: {  	v7 =	vmul.f32 v7, v7;
	v38 =	vld [tilespmem:s5+$0x37D0];
	v46 =	vsub.f32 v18, v12;
	v49 =	vsub.f32 v15, v22  }
0x130: {  	v45 =	vmul.f32 v16, v16;
	v16 =	vld [tilespmem:s5+$0x3560];
	v56 =	vsub.f32 v29, v30;
	v0 =	vadd.f32 v25, v0  }
0x131: {  	v54 =	vmul.f32 v50, v50;
	v12 =	vld [tilespmem:s5+$0x15E0];
	v3 =	vadd.f32 v57, v3;
	v6 =	vadd.f32 v39, v6  }
0x132: {  	v1 =	vmul.f32 v1, v1;
	v25 =	vld [tilespmem:s5+$0x17D0];
	v14 =	vadd.f32 v63, v14;
	v2 =	vadd.f32 v7, v2  }
0x133: {  	v44 =	vmul.f32 v13, v13;
	v57 =	vld [tilespmem:s5+$0x36E0];
	v58 =	vadd.f32 v54, v9;
	v4 =	vsub.f32 v43, v4  }
0x134: {  	v21 =	vmul.f32 v21, v21;
	v9 =	vld [tilespmem:s5+$0x1760];
	v10 =	vsub.f32 v10, v17;
	v47 =	vadd.f32 v45, v5  }
0x135: {  	v63 =	vld [tilespmem:s5+$0x17E0];
	v7 =	vmul.f32 v46, v46;
	v11 =	vsub.f32 v11, v23;
	v61 =	vsub.f32 v32, v35  }
0x136: {  	v43 =	vld [tilespmem:s5+$0x1570];
	v53 =	vmul.f32 v49, v49;
	v62 =	vsub.f32 v27, v33;
	v0 =	vadd.f32 v1, v0  }
0x137: {  	v60 =	vmul.f32 v56, v56;
	v33 =	vld [tilespmem:s5+$0x37E0];
	v1 =	vadd.f32 v44, v3;
	v59 =	vadd.f32 v21, v14  }
0x138: {  	v35 =	vld [tilespmem:s5+$0x1470];
	v4 =	vmul.f32 v4, v4;
	v6 =	vadd.f32 v7, v6;
	v7 =	vadd.f32 v53, v8  }
0x139: {  	v45 =	vld [tilespmem:s5+$0x3570];
	v11 =	vmul.f32 v11, v11;
	v2 =	vadd.f32 v60, v2;
	v32 =	vsub.f32 v34, v20  }
0x13a: {  	v46 =	vld [tilespmem:s5+$0x15F0];
	v21 =	vmul.f32 v61, v61;
	v34 =	vsub.f32 v37, v40;
	v37 =	vsub.f32 v36, v42  }
0x13b: {  	v56 =	vld [tilespmem:s5+$0x36F0];
	v23 =	vmul.f32 v62, v62;
	v16 =	vsub.f32 v19, v16;
	v5 =	vsub.f32 v12, v48  }
0x13c: {  	v14 =	vld [tilespmem:s5+$0x3760];
	v49 =	vmul.f32 v10, v10;
	v0 =	vadd.f32 v11, v0;
	v25 =	vsub.f32 v25, v38  }
0x13d: {  	v40 =	vld [tilespmem:s5+$0x14F0];
	v11 =	vmul.f32 v32, v32;
	v1 =	vadd.f32 v21, v1;
	v3 =	vadd.f32 v23, v47  }
0x13e: {  	v42 =	vld [tilespmem:s5+$0x34F0];
	v39 =	vmul.f32 v34, v34;
	v47 =	vsub.f32 v51, v52;
	v15 =	vsub.f32 v55, v57  }
0x13f: {  	v53 =	vld [tilespmem:s5+$0x16F0];
	v41 =	vmul.f32 v37, v37;
	v2 =	vadd.f32 v49, v2;
	v60 =	vsub.f32 v43, v45  }
0x140: {  	v48 =	vld [tilespmem:s5+$0x35F0];
	v50 =	vmul.f32 v16, v16;
	v63 =	vsub.f32 v63, v33;
	v6 =	vadd.f32 v11, v6  }
0x141: {  	v38 =	vld [tilespmem:s5+$0x3470];
	v5 =	vmul.f32 v5, v5;
	v7 =	vadd.f32 v39, v7;
	v8 =	vadd.f32 v41, v58  }
0x142: {  	v51 =	vld [tilespmem:s5+$0x1670];
	v25 =	vmul.f32 v25, v25;
	v0 =	vadd.f32 v4, v0;
	v9 =	vsub.f32 v9, v14  }
0x143: {  	v52 =	vld [tilespmem:s5+$0x3670];
	v12 =	vmul.f32 v47, v47;
	v1 =	vadd.f32 v50, v1;
	v3 =	vadd.f32 v5, v3  }
0x144: {  	v62 =	vld [tilespmem:s5+$0x17F0];
	v55 =	vmul.f32 v15, v15;
	v58 =	vsub.f32 v40, v42;
	v4 =	vsub.f32 v53, v56  }
0x145: {  	v61 =	vld [tilespmem:s5+$0x3770];
	v37 =	vmul.f32 v63, v63;
	v44 =	vadd.f32 v25, v59;
	v54 =	vadd.f32 v12, v6  }
0x146: {  	v59 =	vld [tilespmem:s5+$0x1770];
	v6 =	vadd.f32 v55, v7;
	v17 =	vsub.f32 v46, v48;
	v7 =	vmul.f32 v60, v60  }
0x147: {  	v34 =	vmul.f32 v9, v9;
	v57 =	vsub.f32 v35, v38;
	v15 =	vmul.f32 v58, v58  }
0x148: {  	v28 =	vsub.f32 v51, v52;
	v4 =	vmul.f32 v4, v4;
	v1 =	vadd.f32 v7, v1  }
0x149: {  	v35 =	vsub.f32 v62, v24;
	v12 =	vmul.f32 v57, v57;
	v2 =	vadd.f32 v15, v2  }
0x14a: {  	v50 =	vld [tilespmem:$0x1FF00];
	v26 =	vmul.f32 v17, v17;
	v42 =	vadd.f32 v37, v44;
	v44 =	vadd.f32 v4, v6;
	[tilespmem:$0xBD00] =	vst v1  }
0x14b: {  	v7 =	vmul.f32 v28, v28;
	v0 =	vadd.f32 v12, v0;
	v32 =	vsub.f32 v59, v61;
	[tilespmem:$0xBC80] =	vst v2  }
0x14c: {  	v49 =	vld [tilespmem:$0x1FF10];
	v46 =	vmul.f32 v35, v35;
	v3 =	vadd.f32 v26, v3;
	[tilespmem:$0xBE80] =	vst v44  }
0x14d: {  	v5 =	vadd.f32 v7, v54;
	[tilespmem:$0xBC00] =	vst v0;
	v0 =	vadd.f32 v34, v8;
	v40 =	vmul.f32 v32, v32  }
0x14e: {  	v45 =	vld [tilespmem:$0x1FF20];
	v1 =	vadd.f32 v46, v42;
	[tilespmem:$0xBD80] =	vst v3  }
0x14f: {  	[tilespmem:$0xBE00] =	vst v5;
	v0 =	vadd.f32 v40, v0  }
0x150: {  	v48 =	vld [tilespmem:$0x1FF30];
	[tilespmem:$0xBF80] =	vst v1  }
0x151: {  	v39 =	vld [tilespmem:$0x1FF40];
	[tilespmem:$0xBF00] =	vst v0  }
0x152: {  	v0 =	vld.idx.msk [tilespmem:v50+s29+$0x0], $0xffff  }
0x153: {  	v47 =	vld [tilespmem:$0x1FF50]  }
0x154: {  	v1 =	vld.idx.msk [tilespmem:v49+s29+$0x0], $0xffff  }
0x155: {  	v41 =	vld [tilespmem:$0x1FF60]  }
0x156: {  	v2 =	vld.idx.msk [tilespmem:v45+s29+$0x0], $0xffff  }
0x157: {  	v43 =	vld [tilespmem:$0x1FF70];
	v0 =	vadd.f32 $0.0e+00, v0  }
0x158: {  	v3 =	vld.idx.msk [tilespmem:v48+s29+$0x0], $0xffff  }
0x159: {  	v31 =	vld [tilespmem:$0x1FF80];
	v0 =	vadd.f32 v1, v0  }
0x15a: {  	v51 =	vld.idx.msk [tilespmem:v39+s29+$0x0], $0xffff  }
0x15b: {  	v33 =	vld [tilespmem:$0x1FF90];
	v0 =	vadd.f32 v2, v0  }
0x15c: {  	v52 =	vld.idx.msk [tilespmem:v47+s29+$0x0], $0xffff  }
0x15d: {  	v38 =	vld [tilespmem:$0x1FFA0];
	v0 =	vadd.f32 v3, v0  }
0x15e: {  	v53 =	vld.idx.msk [tilespmem:v41+s29+$0x0], $0xffff  }
0x15f: {  	v25 =	vld [tilespmem:$0x1FFB0];
	v0 =	vadd.f32 v51, v0  }
0x160: {  	v54 =	vld.idx.msk [tilespmem:v43+s29+$0x0], $0xffff  }
0x161: {  	v30 =	vld [tilespmem:$0x1FFC0];
	v0 =	vadd.f32 v52, v0  }
0x162: {  	v55 =	vld.idx.msk [tilespmem:v31+s29+$0x0], $0xffff  }
0x163: {  	v27 =	vld [tilespmem:$0x1FFD0];
	v0 =	vadd.f32 v53, v0  }
0x164: {  	v56 =	vld.idx.msk [tilespmem:v33+s29+$0x0], $0xffff  }
0x165: {  	v36 =	vld [tilespmem:$0x1FFE0];
	v0 =	vadd.f32 v54, v0  }
0x166: {  	v57 =	vld.idx.msk [tilespmem:v38+s29+$0x0], $0xffff  }
0x167: {  	v29 =	vld [tilespmem:$0x1FFF0];
	v0 =	vadd.f32 v55, v0  }
0x168: {  	v58 =	vld.idx.msk [tilespmem:v25+s29+$0x0], $0xffff  }
0x169: {  	v0 =	vadd.f32 v56, v0  }
0x16a: {  	v59 =	vld.idx.msk [tilespmem:v30+s29+$0x0], $0xffff  }
0x16b: {  	v0 =	vadd.f32 v57, v0  }
0x16c: {  	v60 =	vld.idx.msk [tilespmem:v27+s29+$0x0], $0xffff  }
0x16d: {  	v0 =	vadd.f32 v58, v0  }
0x16e: {  	v61 =	vld.idx.msk [tilespmem:v36+s29+$0x0], $0xffff  }
0x16f: {  	v63 =	vld [tilespmem:$0x1FEF0];
	v0 =	vadd.f32 v59, v0  }
0x170: {  	v62 =	vld.idx.msk [tilespmem:v29+s29+$0x0], $0xffff  }
0x171: {  	v0 =	vadd.f32 v60, v0  }
0x172: {  	p1 =	sne.s32 s15, $0x3  }
.Ltmp0:
0x173: {  	v0 =	vadd.f32 v61, v0;
	(pc) =	sbr.rel @p1 .LBB2_3-.Ltmp0, $4  }
0x174: {  	_ = 	snop  }
0x175: {  	s8 =	sshll.u32 s15, $0x4;
	v0 =	vadd.f32 v62, v0  }
0x176: {  	s5 =	sand.u32 $0x3FFFFFF0, s8  }
0x177: {  	s15 =	sadd.s32 $0x1, s15;
	[tilespmem:v63+s5+$0x0 ss:$0x1] =	vst.idx.msk $0xffff, v0  }
0x178: {  	s5 =	sadd.s32 $0x2, s31  }
0x179: {  	p1 =	seq.s32 s16, $0x4F;
	s15 =	sand.u32 $0xE, s5  }
0x17a: {  	p2 =	seq.s32 @!p1 s15, $0x0  }
0x17b: {  	p2 =	por p1, p2  }
.Ltmp1:
0x17c: {  	_ = 	snop;
	(pc) =	sbr.rel @p2 .LBB2_6-.Ltmp1, $2  }
0x17d: {  	_ =	sdelay $0x2  }
0x17e: {  	s5 =	sshrl.u32 s16, $0x3  }
0x17f: {  	s7 =	sand.u32 $0x1, s5  }
0x180: {  	p1 =	seq.s32 s7, $0x1;
	s7 =	sshll.u32 s15, $0x6  }
0x181: {  	s15 =	sor.u32 @p1 $0x400, s7;
	s31 =	simm.s32 @p1 $0x40;
	s8 =	simm.s32 @p1 $0x1000  }
0x182: {  	[tilespmem:s8], [sflag:$0x3] =	stream.indirect.gather @p1 [spmem:s2], $0x80, s15, s31, $0xb8;
	[tilespmem:$0x1F880] =	vst v63  }
.Ltmp2:
0x183: {  	_ = 	snop;
	(pc) =	sbr.rel .LBB2_8-.Ltmp2, $4  }
0x184: {  	s8 =	simm.s32 @!p1 $0x40;
	s15 =	simm.s32 @!p1 $0x1000  }
0x185: {  	[tilespmem:s15], [sflag:$0x3] =	stream.indirect.gather @!p1 [spmem:s2], $0x80, s7, s8, $0xb8;
	[tilespmem:$0x1F880] =	vst v63  }
0x186: {  	s8 =	sor.u32 @p1 $0xC00, s7;
	s15 =	sor.u32 @!p1 $0x800, s7  }
0x187: {  	s15 =	smov.u32 @p1 s8  }
.LBB2_6:
0x188: {  	p2 =	sne.s32 @!p1 s15, $0x0  }
0x189: {  	p1 =	por p1, p2  }
.Ltmp3:
0x18a: {  	_ = 	snop;
	(pc) =	sbr.rel @p1 .LBB2_9-.Ltmp3, $1  }
0x18b: {  	_ =	sdelay $0x3  }
0x18c: {  	s7 =	sand.u32 $0x1, s5  }
0x18d: {  	p1 =	seq.s32 s7, $0x1  }
0x18e: {  	s7 =	simm.s32 @p1 $0x1  }
0x18f: {  	_ =	swait.ge @p1 [sflag:s7], $0x400  }
0x190: {  	[sflag:s7] =	ssyncset.done @p1 $0x0  }
0x191: {  	[sflag:s7] =	ssyncadd.s32 @p1 $0xFFFFFC00  }
0x192: {  	_ =	swait.ge @p1 [sflag:s7], $0x400  }
0x193: {  	s8 =	simm.s32 @p1 $0x0;
	[sflag:s7] =	ssyncset.done @p1 $0x0  }
0x194: {  	s15 =	simm.s32 @p1 $0x1000;
	[sflag:s7] =	ssyncadd.s32 @p1 $0xFFFFFC00;
	s7 =	simm.s32 @p1 $0x40  }
0x195: {  	[tilespmem:s15], [sflag:$0x3] =	stream.indirect.gather @p1 [spmem:s2], $0x80, s8, s7, $0xb8;
	[tilespmem:$0x1F880] =	vst v63  }
0x196: {  	s7 =	simm.s32 @!p1 $0x2  }
0x197: {  	_ =	swait.ge @!p1 [sflag:s7], $0x400  }
0x198: {  	[sflag:s7] =	ssyncset.done @!p1 $0x0  }
0x199: {  	[sflag:s7] =	ssyncadd.s32 @!p1 $0xFFFFFC00  }
0x19a: {  	_ =	swait.ge @!p1 [sflag:s7], $0x400  }
0x19b: {  	s8 =	simm.s32 @!p1 $0x400;
	[sflag:s7] =	ssyncset.done @!p1 $0x0  }
0x19c: {  	s15 =	simm.s32 @!p1 $0x1000;
	[sflag:s7] =	ssyncadd.s32 @!p1 $0xFFFFFC00;
	s7 =	simm.s32 @!p1 $0x40  }
0x19d: {  	[tilespmem:s15], [sflag:$0x3] =	stream.indirect.gather @!p1 [spmem:s2], $0x80, s8, s7, $0xb8;
	[tilespmem:$0x1F880] =	vst v63  }
0x19e: {  	s15 =	simm.s32 @!p1 $0xC00  }
0x19f: {  	s15 =	simm.s32 @p1 $0x800  }
.LBB2_8:
0x1a0: {  	[tilespmem:s24], [sflag:$0x3] =	stream.indirect.gather [spmem:s2], $0x80, s15, s22, $0xb8;
	[tilespmem:$0x1F880] =	vst v63  }
.LBB2_9:
0x1a1: {  	p1 =	sgt.u32 s16, $0x3F  }
0x1a2: {  	p2 =	sne.s32 @!p1 s23, $0xF  }
0x1a3: {  	p4 =	por p2, p1  }
0x1a4: {  	_ =	swait.ge [sflag:s30], $0x4000;
	s7 =	sand.u32 @!p4 $0x1, s5  }
0x1a5: {  	[sflag:s30] =	ssyncset.done $0x0;
	s5 =	sshll.u32 @!p4 s5, $0xA;
	p3 =	seq.s32 @!p4 s7, $0x1  }
0x1a6: {  	[sflag:s30] =	ssyncadd.s32 $0xFFFFC000;
	s5 =	sadd.s32 @!p4 s14, s5;
	p5 =	por @!p1 !p3, p2  }
0x1a7: {  	s5 =	sshrl.u32 @!p4 s5, $0x3;
	p2 =	por @!p1 p3, p2;
	p5 =	por p5, p1  }
0x1a8: {  	s7 =	sadd.s32 @!p4 s4, s5;
	s8 =	simm.s32 @!p5 $0x0;
	s15 =	simm.s32 @!p5 $0x400  }
0x1a9: {  	[tilespmem:s15], [sflag:$0x2] =	stream.linear.gather @!p5 [hbm4b:s7+s8], $0x400, $0x38;
	[tilespmem:$0x1F880] =	vst v63  }
0x1aa: {  	s5 =	sadd.s32 @!p4 s0, s5;
	p1 =	por p2, p1;
	s15 =	simm.s32 @!p5 $0xC00  }
0x1ab: {  	[tilespmem:s15], [sflag:$0x2] =	stream.linear.gather @!p5 [hbm4b:s5+s8], $0x400, $0x38;
	[tilespmem:$0x1F880] =	vst v63  }
0x1ac: {  	s8 =	simm.s32 @!p1 $0x0  }
0x1ad: {  	[tilespmem:s8], [sflag:$0x1] =	stream.linear.gather @!p1 [hbm4b:s7+s8], $0x400, $0x38;
	[tilespmem:$0x1F880] =	vst v63  }
0x1ae: {  	s31 =	sshll.u32 s17, $0x6;
	s7 =	simm.s32 @!p1 $0x800  }
0x1af: {  	[tilespmem:s7], [sflag:$0x1] =	stream.linear.gather @!p1 [hbm4b:s5+s8], $0x400, $0x38;
	[tilespmem:$0x1F880] =	vst v63  }
0x1b0: {  	s5 =	sand.u32 $0x3FFFFFC0, s31  }
0x1b1: {  	s5 =	sadd.s32 $0x9000, s5  }
0x1b2: {  	v0 =	vmov s5  }
0x1b3: {  	s15 =	simm.s32 $0x0;
	[tilespmem:$0x1FEC0] =	vst v0  }
.LBB2_10:
0x1b4: {  	s5 =	sshll.u32 s15, $0xB  }
0x1b5: {  	s5 =	sand.u32 $0x3FFFF800, s5  }
0x1b6: {  	v0 =	vld [tilespmem:s5+$0x5000]  }
0x1b7: {  	v1 =	vld [tilespmem:s5+$0x7000]  }
0x1b8: {  	v2 =	vld [tilespmem:s5+$0x5080]  }
0x1b9: {  	v3 =	vld [tilespmem:s5+$0x7080]  }
0x1ba: {  	v4 =	vld [tilespmem:s5+$0x5100]  }
0x1bb: {  	v5 =	vld [tilespmem:s5+$0x7100]  }
0x1bc: {  	v6 =	vld [tilespmem:s5+$0x5180]  }
0x1bd: {  	v7 =	vld [tilespmem:s5+$0x7180]  }
0x1be: {  	v8 =	vld [tilespmem:s5+$0x5200]  }
0x1bf: {  	v9 =	vld [tilespmem:s5+$0x7200]  }
0x1c0: {  	v10 =	vld [tilespmem:s5+$0x5280]  }
0x1c1: {  	v11 =	vld [tilespmem:s5+$0x7280]  }
0x1c2: {  	v12 =	vld [tilespmem:s5+$0x5300]  }
0x1c3: {  	v13 =	vld [tilespmem:s5+$0x7300]  }
0x1c4: {  	v14 =	vld [tilespmem:s5+$0x5380]  }
0x1c5: {  	v15 =	vld [tilespmem:s5+$0x7380]  }
0x1c6: {  	v17 =	vld [tilespmem:s5+$0x5010]  }
0x1c7: {  	v18 =	vld [tilespmem:s5+$0x7010]  }
0x1c8: {  	v19 =	vld [tilespmem:s5+$0x5090]  }
0x1c9: {  	v20 =	vld [tilespmem:s5+$0x7090]  }
0x1ca: {  	v21 =	vld [tilespmem:s5+$0x5110]  }
0x1cb: {  	v22 =	vld [tilespmem:s5+$0x7110]  }
0x1cc: {  	v23 =	vld [tilespmem:s5+$0x5190]  }
0x1cd: {  	v24 =	vld [tilespmem:s5+$0x7190]  }
0x1ce: {  	v25 =	vld [tilespmem:s5+$0x5210]  }
0x1cf: {  	v26 =	vld [tilespmem:s5+$0x7210]  }
0x1d0: {  	v27 =	vld [tilespmem:s5+$0x5290]  }
0x1d1: {  	v28 =	vld [tilespmem:s5+$0x7290]  }
0x1d2: {  	v29 =	vld [tilespmem:s5+$0x5310]  }
0x1d3: {  	v30 =	vld [tilespmem:s5+$0x7310]  }
0x1d4: {  	v31 =	vld [tilespmem:s5+$0x5390]  }
0x1d5: {  	v32 =	vld [tilespmem:s5+$0x7390]  }
0x1d6: {  	v33 =	vld [tilespmem:s5+$0x5020]  }
0x1d7: {  	v34 =	vld [tilespmem:s5+$0x7020]  }
0x1d8: {  	v35 =	vld [tilespmem:s5+$0x50A0]  }
0x1d9: {  	v36 =	vld [tilespmem:s5+$0x70A0]  }
0x1da: {  	v37 =	vld [tilespmem:s5+$0x5120]  }
0x1db: {  	v38 =	vld [tilespmem:s5+$0x7120]  }
0x1dc: {  	v39 =	vld [tilespmem:s5+$0x51A0]  }
0x1dd: {  	v40 =	vld [tilespmem:s5+$0x71A0]  }
0x1de: {  	v41 =	vld [tilespmem:s5+$0x5220]  }
0x1df: {  	v42 =	vld [tilespmem:s5+$0x7220]  }
0x1e0: {  	v43 =	vld [tilespmem:s5+$0x52A0]  }
0x1e1: {  	v44 =	vld [tilespmem:s5+$0x72A0]  }
0x1e2: {  	v45 =	vld [tilespmem:s5+$0x5320]  }
0x1e3: {  	v46 =	vld [tilespmem:s5+$0x7320]  }
0x1e4: {  	v47 =	vld [tilespmem:s5+$0x53A0]  }
0x1e5: {  	v48 =	vld [tilespmem:s5+$0x73A0]  }
0x1e6: {  	v49 =	vld [tilespmem:s5+$0x5030]  }
0x1e7: {  	v50 =	vld [tilespmem:s5+$0x7030]  }
0x1e8: {  	v51 =	vld [tilespmem:s5+$0x50B0]  }
0x1e9: {  	v52 =	vld [tilespmem:s5+$0x70B0]  }
0x1ea: {  	v53 =	vld [tilespmem:s5+$0x5130]  }
0x1eb: {  	v54 =	vld [tilespmem:s5+$0x7130]  }
0x1ec: {  	v55 =	vld [tilespmem:s5+$0x51B0]  }
0x1ed: {  	v56 =	vld [tilespmem:s5+$0x71B0]  }
0x1ee: {  	v57 =	vld [tilespmem:s5+$0x5230]  }
0x1ef: {  	v58 =	vld [tilespmem:s5+$0x7230]  }
0x1f0: {  	v59 =	vld [tilespmem:s5+$0x52B0]  }
0x1f1: {  	v16 =	vld [tilespmem:s5+$0x5330]  }
0x1f2: {  	v61 =	vld [tilespmem:s5+$0x5040]  }
0x1f3: {  	v60 =	vld [tilespmem:s5+$0x72B0]  }
0x1f4: {  	v62 =	vld [tilespmem:s5+$0x7330]  }
0x1f5: {  	v63 =	vld [tilespmem:s5+$0x53B0]  }
0x1f6: {  	[tilespmem:$0x1FEA0] =	vst v16;
	v16 =	vld [tilespmem:s5+$0x73B0]  }
0x1f7: {  	[tilespmem:$0x1FEB0] =	vst v61;
	v61 =	vld [tilespmem:s5+$0x7040]  }
0x1f8: {  	v0 =	vsub.f32 v0, v1;
	v1 =	vld [tilespmem:s5+$0x50C0]  }
0x1f9: {  	v2 =	vsub.f32 v2, v3;
	v3 =	vsub.f32 v4, v5;
	v4 =	vld [tilespmem:s5+$0x70C0]  }
0x1fa: {  	v5 =	vsub.f32 v6, v7;
	v7 =	vld [tilespmem:s5+$0x5140]  }
0x1fb: {  	v6 =	vsub.f32 v8, v9;
	v9 =	vld [tilespmem:s5+$0x7140]  }
0x1fc: {  	v8 =	vsub.f32 v10, v11;
	v10 =	vsub.f32 v17, v18;
	v17 =	vld [tilespmem:s5+$0x51C0]  }
0x1fd: {  	v11 =	vsub.f32 v19, v20;
	v19 =	vld [tilespmem:s5+$0x71C0]  }
0x1fe: {  	v18 =	vsub.f32 v21, v22;
	v21 =	vld [tilespmem:s5+$0x5240]  }
0x1ff: {  	v22 =	vsub.f32 v14, v15;
	v15 =	vld [tilespmem:s5+$0x7240]  }
0x200: {  	v20 =	vld [tilespmem:s5+$0x5340]  }
0x201: {  	v28 =	vsub.f32 v27, v28;
	v27 =	vld [tilespmem:s5+$0x53C0]  }
0x202: {  	v24 =	vsub.f32 v23, v24;
	v42 =	vsub.f32 v41, v42;
	v41 =	vld [tilespmem:s5+$0x5350]  }
0x203: {  	v26 =	vsub.f32 v25, v26;
	v38 =	vsub.f32 v37, v38;
	v37 =	vld [tilespmem:s5+$0x7350]  }
0x204: {  	v40 =	vsub.f32 v39, v40;
	v50 =	vsub.f32 v49, v50;
	v39 =	vld [tilespmem:s5+$0x7060]  }
0x205: {  	v51 =	vsub.f32 v51, v52;
	v52 =	vsub.f32 v53, v54;
	v49 =	vld [tilespmem:s5+$0x7260]  }
0x206: {  	v53 =	vsub.f32 v55, v56;
	v55 =	vsub.f32 v59, v60;
	v60 =	vld [tilespmem:$0x1FEA0]  }
0x207: {  	v45 =	vsub.f32 v45, v46;
	v0 =	vmul.f32 v0, v0;
	v23 =	vmul.f32 v18, v18;
	v18 =	vld [tilespmem:s5+$0x72C0]  }
0x208: {  	v46 =	vsub.f32 v47, v48;
	v2 =	vmul.f32 v2, v2;
	v14 =	vmul.f32 v26, v26;
	v26 =	vld [tilespmem:s5+$0x5050]  }
0x209: {  	v3 =	vmul.f32 v3, v3;
	v25 =	vmul.f32 v40, v40;
	v40 =	vld [tilespmem:s5+$0x53D0]  }
0x20a: {  	v5 =	vmul.f32 v5, v5;
	v48 =	vmul.f32 v46, v46;
	v46 =	vld [tilespmem:s5+$0x5260]  }
0x20b: {  	v54 =	vsub.f32 v57, v58;
	v11 =	vmul.f32 v11, v11;
	v57 =	vmul.f32 v53, v53;
	v53 =	vld [tilespmem:s5+$0x72E0]  }
0x20c: {  	v12 =	vsub.f32 v12, v13;
	v24 =	vmul.f32 v24, v24;
	v59 =	vmul.f32 v55, v55;
	v55 =	vld [tilespmem:s5+$0x5360]  }
0x20d: {  	v6 =	vmul.f32 v6, v6;
	v8 =	vmul.f32 v8, v8;
	v2 =	vadd.f32 v11, v2;
	v11 =	vld [tilespmem:s5+$0x52C0]  }
0x20e: {  	v13 =	vmul.f32 v22, v22;
	v22 =	vsub.f32 v29, v30;
	v5 =	vadd.f32 v24, v5;
	v24 =	vld [tilespmem:s5+$0x7340]  }
0x20f: {  	v10 =	vmul.f32 v10, v10;
	v30 =	vsub.f32 v31, v32;
	v3 =	vadd.f32 v23, v3;
	v23 =	vld [tilespmem:s5+$0x73C0]  }
0x210: {  	v12 =	vmul.f32 v12, v12;
	v31 =	vsub.f32 v33, v34;
	v6 =	vadd.f32 v14, v6;
	v14 =	vld [tilespmem:s5+$0x7050]  }
0x211: {  	v32 =	vsub.f32 v35, v36;
	v0 =	vadd.f32 v10, v0;
	v10 =	vmul.f32 v28, v28;
	v28 =	vld [tilespmem:s5+$0x70D0]  }
0x212: {  	v33 =	vmul.f32 v22, v22;
	v35 =	vmul.f32 v31, v31;
	v31 =	vld [tilespmem:s5+$0x5150]  }
0x213: {  	v44 =	vsub.f32 v43, v44;
	v34 =	vmul.f32 v30, v30;
	v36 =	vmul.f32 v32, v32;
	v32 =	vld [tilespmem:s5+$0x7250]  }
0x214: {  	v22 =	vmul.f32 v38, v38;
	v38 =	vld [tilespmem:s5+$0x72D0];
	v16 =	vsub.f32 v63, v16;
	v1 =	vsub.f32 v1, v4  }
0x215: {  	v30 =	vmul.f32 v44, v44;
	v44 =	vld [tilespmem:s5+$0x71E0];
	v7 =	vsub.f32 v7, v9;
	v17 =	vsub.f32 v17, v19  }
0x216: {  	v63 =	vld [tilespmem:$0x1FEB0];
	v43 =	vsub.f32 v21, v15;
	v8 =	vadd.f32 v10, v8  }
0x217: {  	v29 =	vmul.f32 v42, v42;
	v4 =	vld [tilespmem:s5+$0x50E0];
	v12 =	vadd.f32 v33, v12;
	v13 =	vadd.f32 v34, v13  }
0x218: {  	v47 =	vmul.f32 v45, v45;
	v9 =	vld [tilespmem:s5+$0x70E0];
	v0 =	vadd.f32 v35, v0;
	v2 =	vadd.f32 v36, v2  }
0x219: {  	v56 =	vmul.f32 v52, v52;
	v19 =	vld [tilespmem:s5+$0x5160];
	v3 =	vadd.f32 v22, v3;
	v5 =	vadd.f32 v25, v5  }
0x21a: {  	v10 =	vld [tilespmem:s5+$0x50D0];
	v6 =	vadd.f32 v29, v6;
	v22 =	vmul.f32 v50, v50;
	v36 =	vsub.f32 v60, v62  }
0x21b: {  	v33 =	vld [tilespmem:s5+$0x7150];
	v29 =	vmul.f32 v51, v51;
	v8 =	vadd.f32 v30, v8;
	v12 =	vadd.f32 v47, v12  }
0x21c: {  	v58 =	vmul.f32 v54, v54;
	v35 =	vld [tilespmem:s5+$0x51D0];
	v13 =	vadd.f32 v48, v13;
	v0 =	vadd.f32 v22, v0  }
0x21d: {  	v25 =	vld [tilespmem:s5+$0x71D0];
	v2 =	vadd.f32 v29, v2;
	v3 =	vadd.f32 v56, v3  }
0x21e: {  	v34 =	vld [tilespmem:s5+$0x52D0];
	v5 =	vadd.f32 v57, v5;
	v6 =	vadd.f32 v58, v6  }
0x21f: {  	v50 =	vld [tilespmem:s5+$0x52E0];
	v16 =	vmul.f32 v16, v16;
	v45 =	vsub.f32 v11, v18;
	v47 =	vsub.f32 v20, v24  }
0x220: {  	v30 =	vld [tilespmem:s5+$0x5250];
	v36 =	vmul.f32 v36, v36;
	v48 =	vsub.f32 v27, v23;
	v14 =	vsub.f32 v26, v14  }
0x221: {  	v1 =	vmul.f32 v1, v1;
	v22 =	vld [tilespmem:s5+$0x73D0];
	v11 =	vsub.f32 v46, v49;
	v8 =	vadd.f32 v59, v8  }
0x222: {  	v7 =	vmul.f32 v7, v7;
	v29 =	vld [tilespmem:s5+$0x5060];
	v42 =	vsub.f32 v63, v61;
	v12 =	vadd.f32 v36, v12  }
0x223: {  	v57 =	vld [tilespmem:s5+$0x7360];
	v13 =	vadd.f32 v16, v13;
	v1 =	vadd.f32 v1, v2  }
0x224: {  	v58 =	vld [tilespmem:s5+$0x53E0];
	v3 =	vadd.f32 v7, v3;
	v7 =	vmul.f32 v43, v43;
	v4 =	vsub.f32 v4, v9  }
0x225: {  	v46 =	vld [tilespmem:s5+$0x5270];
	v10 =	vsub.f32 v10, v28;
	v51 =	vmul.f32 v47, v47;
	v52 =	vmul.f32 v48, v48  }
0x226: {  	v16 =	vld [tilespmem:s5+$0x7160];
	v54 =	vmul.f32 v14, v14;
	v59 =	vsub.f32 v31, v33;
	v60 =	vsub.f32 v35, v25  }
0x227: {  	v61 =	vld [tilespmem:s5+$0x73E0];
	v63 =	vsub.f32 v34, v38;
	v34 =	vsub.f32 v41, v37;
	v49 =	vmul.f32 v11, v11  }
0x228: {  	v36 =	vld [tilespmem:s5+$0x50F0];
	v42 =	vmul.f32 v42, v42;
	v6 =	vadd.f32 v7, v6;
	v4 =	vmul.f32 v4, v4  }
0x229: {  	v33 =	vld [tilespmem:s5+$0x5070];
	v10 =	vmul.f32 v10, v10;
	v7 =	vadd.f32 v51, v12;
	v56 =	vadd.f32 v52, v13  }
0x22a: {  	v35 =	vld [tilespmem:s5+$0x7070];
	v62 =	vsub.f32 v30, v32;
	v22 =	vsub.f32 v40, v22;
	v37 =	vmul.f32 v34, v34  }
0x22b: {  	v38 =	vld [tilespmem:s5+$0x70F0];
	v41 =	vsub.f32 v29, v39;
	v0 =	vadd.f32 v42, v0;
	v42 =	vmul.f32 v17, v17  }
0x22c: {  	v43 =	vld [tilespmem:s5+$0x51F0];
	v1 =	vadd.f32 v10, v1;
	v10 =	vmul.f32 v59, v59;
	v7 =	vadd.f32 v37, v7  }
0x22d: {  	v48 =	vld [tilespmem:s5+$0x7270];
	v25 =	vmul.f32 v62, v62;
	v16 =	vsub.f32 v19, v16;
	v2 =	vadd.f32 v42, v5  }
0x22e: {  	v40 =	vld [tilespmem:s5+$0x5170];
	v5 =	vmul.f32 v45, v45;
	v0 =	vadd.f32 v54, v0;
	v45 =	vsub.f32 v50, v53  }
0x22f: {  	v17 =	vld [tilespmem:s5+$0x51E0];
	v22 =	vmul.f32 v22, v22;
	v54 =	vsub.f32 v55, v57;
	v55 =	vsub.f32 v33, v35  }
0x230: {  	v18 =	vmul.f32 v60, v60;
	v51 =	vld [tilespmem:s5+$0x52F0];
	v57 =	vsub.f32 v36, v38;
	v3 =	vadd.f32 v10, v3  }
0x231: {  	v26 =	vmul.f32 v63, v63;
	v52 =	vld [tilespmem:s5+$0x72F0];
	v6 =	vadd.f32 v25, v6;
	v12 =	vadd.f32 v22, v56  }
0x232: {  	v42 =	vld [tilespmem:s5+$0x7170];
	v47 =	vmul.f32 v16, v16;
	v1 =	vadd.f32 v4, v1;
	v16 =	vsub.f32 v46, v48  }
0x233: {  	v53 =	vld [tilespmem:s5+$0x5370];
	v10 =	vmul.f32 v41, v41;
	v5 =	vadd.f32 v5, v8;
	v2 =	vadd.f32 v18, v2  }
0x234: {  	v56 =	vld [tilespmem:s5+$0x7370];
	v50 =	vmul.f32 v45, v45;
	v8 =	vsub.f32 v58, v61;
	v15 =	vsub.f32 v17, v44  }
0x235: {  	v11 =	vmul.f32 v54, v54;
	v44 =	vld [tilespmem:s5+$0x71F0];
	v0 =	vadd.f32 v10, v0;
	v3 =	vadd.f32 v47, v3  }
0x236: {  	v60 =	vld [tilespmem:s5+$0x73F0];
	v13 =	vmul.f32 v55, v55;
	v4 =	vadd.f32 v49, v6;
	v10 =	vsub.f32 v51, v52  }
0x237: {  	v58 =	vld [tilespmem:s5+$0x53F0];
	v62 =	vmul.f32 v16, v16;
	v5 =	vadd.f32 v26, v5;
	v15 =	vmul.f32 v15, v15  }
0x238: {  	v8 =	vmul.f32 v8, v8;
	v59 =	vsub.f32 v40, v42;
	v0 =	vadd.f32 v13, v0  }
0x239: {  	v6 =	vsub.f32 v53, v56;
	v2 =	vadd.f32 v15, v2;
	v15 =	vmul.f32 v57, v57  }
0x23a: {  	v4 =	vadd.f32 v62, v4;
	v61 =	vmul.f32 v59, v59;
	v9 =	vsub.f32 v43, v44  }
0x23b: {  	v16 =	vadd.f32 v11, v7;
	[tilespmem:$0xB800] =	vst v0;
	v6 =	vmul.f32 v6, v6;
	v1 =	vadd.f32 v15, v1  }
0x23c: {  	[tilespmem:$0xBA00] =	vst v4;
	v3 =	vadd.f32 v61, v3;
	v15 =	vsub.f32 v58, v60;
	v9 =	vmul.f32 v9, v9  }
0x23d: {  	v14 =	vmul.f32 v10, v10;
	v5 =	vadd.f32 v50, v5;
	v19 =	vadd.f32 v6, v16;
	[tilespmem:$0xB880] =	vst v1  }
0x23e: {  	v17 =	vadd.f32 v8, v12;
	[tilespmem:$0xB900] =	vst v3;
	v18 =	vmul.f32 v15, v15;
	v63 =	vadd.f32 v9, v2  }
0x23f: {  	v2 =	vadd.f32 v14, v5;
	[tilespmem:$0xBB00] =	vst v19  }
0x240: {  	v20 =	vadd.f32 v18, v17;
	[tilespmem:$0xB980] =	vst v63  }
0x241: {  	[tilespmem:$0xBA80] =	vst v2  }
0x242: {  	[tilespmem:$0xBB80] =	vst v20  }
0x243: {  	v0 =	vld [tilespmem:s5+$0x5400]  }
0x244: {  	v1 =	vld [tilespmem:s5+$0x7400]  }
0x245: {  	v2 =	vld [tilespmem:s5+$0x5480]  }
0x246: {  	v3 =	vld [tilespmem:s5+$0x7480]  }
0x247: {  	v4 =	vld [tilespmem:s5+$0x5500]  }
0x248: {  	v5 =	vld [tilespmem:s5+$0x7500]  }
0x249: {  	v6 =	vld [tilespmem:s5+$0x5580]  }
0x24a: {  	v7 =	vld [tilespmem:s5+$0x7580]  }
0x24b: {  	v8 =	vld [tilespmem:s5+$0x5600]  }
0x24c: {  	v9 =	vld [tilespmem:s5+$0x7600]  }
0x24d: {  	v10 =	vld [tilespmem:s5+$0x5680]  }
0x24e: {  	v11 =	vld [tilespmem:s5+$0x7680]  }
0x24f: {  	v12 =	vld [tilespmem:s5+$0x5700]  }
0x250: {  	v13 =	vld [tilespmem:s5+$0x7700]  }
0x251: {  	v14 =	vld [tilespmem:s5+$0x5780]  }
0x252: {  	v15 =	vld [tilespmem:s5+$0x7780]  }
0x253: {  	v16 =	vld [tilespmem:s5+$0x5410]  }
0x254: {  	v17 =	vld [tilespmem:s5+$0x7410]  }
0x255: {  	v18 =	vld [tilespmem:s5+$0x5490]  }
0x256: {  	v19 =	vld [tilespmem:s5+$0x7490]  }
0x257: {  	v20 =	vld [tilespmem:s5+$0x5510]  }
0x258: {  	v21 =	vld [tilespmem:s5+$0x7510]  }
0x259: {  	v22 =	vld [tilespmem:s5+$0x5590]  }
0x25a: {  	v23 =	vld [tilespmem:s5+$0x7590]  }
0x25b: {  	v24 =	vld [tilespmem:s5+$0x5610]  }
0x25c: {  	v25 =	vld [tilespmem:s5+$0x7610]  }
0x25d: {  	v26 =	vld [tilespmem:s5+$0x5690]  }
0x25e: {  	v27 =	vld [tilespmem:s5+$0x7690]  }
0x25f: {  	v28 =	vld [tilespmem:s5+$0x5710]  }
0x260: {  	v29 =	vld [tilespmem:s5+$0x7710]  }
0x261: {  	v30 =	vld [tilespmem:s5+$0x5790]  }
0x262: {  	v31 =	vld [tilespmem:s5+$0x7790]  }
0x263: {  	v32 =	vld [tilespmem:s5+$0x5420]  }
0x264: {  	v33 =	vld [tilespmem:s5+$0x7420]  }
0x265: {  	v34 =	vld [tilespmem:s5+$0x54A0]  }
0x266: {  	v35 =	vld [tilespmem:s5+$0x74A0]  }
0x267: {  	v36 =	vld [tilespmem:s5+$0x5520]  }
0x268: {  	v37 =	vld [tilespmem:s5+$0x7520]  }
0x269: {  	v38 =	vld [tilespmem:s5+$0x55A0]  }
0x26a: {  	v39 =	vld [tilespmem:s5+$0x75A0]  }
0x26b: {  	v40 =	vld [tilespmem:s5+$0x5620]  }
0x26c: {  	v41 =	vld [tilespmem:s5+$0x7620]  }
0x26d: {  	v42 =	vld [tilespmem:s5+$0x56A0]  }
0x26e: {  	v43 =	vld [tilespmem:s5+$0x76A0]  }
0x26f: {  	v44 =	vld [tilespmem:s5+$0x5720]  }
0x270: {  	v45 =	vld [tilespmem:s5+$0x7720]  }
0x271: {  	v46 =	vld [tilespmem:s5+$0x57A0]  }
0x272: {  	v47 =	vld [tilespmem:s5+$0x77A0]  }
0x273: {  	v48 =	vld [tilespmem:s5+$0x5430]  }
0x274: {  	v49 =	vld [tilespmem:s5+$0x7430]  }
0x275: {  	v50 =	vld [tilespmem:s5+$0x54B0]  }
0x276: {  	v51 =	vld [tilespmem:s5+$0x74B0]  }
0x277: {  	v52 =	vld [tilespmem:s5+$0x5530]  }
0x278: {  	v53 =	vld [tilespmem:s5+$0x7530]  }
0x279: {  	v54 =	vld [tilespmem:s5+$0x55B0]  }
0x27a: {  	v55 =	vld [tilespmem:s5+$0x75B0]  }
0x27b: {  	v56 =	vld [tilespmem:s5+$0x5630]  }
0x27c: {  	v57 =	vld [tilespmem:s5+$0x7630]  }
0x27d: {  	v58 =	vld [tilespmem:s5+$0x56B0]  }
0x27e: {  	v59 =	vld [tilespmem:s5+$0x76B0]  }
0x27f: {  	v60 =	vld [tilespmem:s5+$0x5730]  }
0x280: {  	v61 =	vld [tilespmem:s5+$0x7730]  }
0x281: {  	v62 =	vld [tilespmem:s5+$0x57B0]  }
0x282: {  	v63 =	vld [tilespmem:s5+$0x77B0]  }
0x283: {  	v0 =	vsub.f32 v0, v1;
	v1 =	vld [tilespmem:s5+$0x5440]  }
0x284: {  	v2 =	vsub.f32 v2, v3;
	v3 =	vsub.f32 v4, v5;
	v4 =	vld [tilespmem:s5+$0x7440]  }
0x285: {  	v5 =	vsub.f32 v6, v7;
	v7 =	vld [tilespmem:s5+$0x54C0]  }
0x286: {  	v6 =	vsub.f32 v8, v9;
	v8 =	vsub.f32 v10, v11;
	v10 =	vld [tilespmem:s5+$0x74C0]  }
0x287: {  	v9 =	vsub.f32 v12, v13;
	v13 =	vld [tilespmem:s5+$0x5540]  }
0x288: {  	v11 =	vsub.f32 v16, v17;
	v17 =	vld [tilespmem:s5+$0x7540]  }
0x289: {  	v12 =	vsub.f32 v18, v19;
	v19 =	vld [tilespmem:s5+$0x55C0]  }
0x28a: {  	v18 =	vld [tilespmem:s5+$0x5640]  }
0x28b: {  	v14 =	vsub.f32 v14, v15;
	v15 =	vld [tilespmem:s5+$0x56C0]  }
0x28c: {  	v25 =	vsub.f32 v24, v25;
	v24 =	vld [tilespmem:s5+$0x5740]  }
0x28d: {  	v16 =	vsub.f32 v20, v21;
	v20 =	vsub.f32 v26, v27;
	v26 =	vld [tilespmem:s5+$0x7740]  }
0x28e: {  	v29 =	vsub.f32 v28, v29;
	v28 =	vld [tilespmem:s5+$0x77C0]  }
0x28f: {  	v41 =	vsub.f32 v40, v41;
	v40 =	vld [tilespmem:s5+$0x76D0]  }
0x290: {  	v37 =	vsub.f32 v36, v37;
	v36 =	vld [tilespmem:s5+$0x5750]  }
0x291: {  	v49 =	vsub.f32 v48, v49;
	v48 =	vld [tilespmem:s5+$0x75E0]  }
0x292: {  	v21 =	vsub.f32 v22, v23;
	v53 =	vsub.f32 v52, v53;
	v52 =	vld [tilespmem:s5+$0x7660]  }
0x293: {  	v30 =	vsub.f32 v30, v31;
	v31 =	vsub.f32 v32, v33;
	v22 =	vmul.f32 v16, v16;
	v16 =	vld [tilespmem:s5+$0x75C0]  }
0x294: {  	v34 =	vsub.f32 v34, v35;
	v39 =	vsub.f32 v38, v39;
	v23 =	vmul.f32 v21, v21;
	v21 =	vld [tilespmem:s5+$0x57C0]  }
0x295: {  	v42 =	vsub.f32 v42, v43;
	v43 =	vsub.f32 v44, v45;
	v33 =	vmul.f32 v29, v29;
	v29 =	vld [tilespmem:s5+$0x54D0]  }
0x296: {  	v44 =	vsub.f32 v46, v47;
	v51 =	vsub.f32 v50, v51;
	v35 =	vmul.f32 v34, v34;
	v34 =	vld [tilespmem:s5+$0x5650]  }
0x297: {  	v54 =	vsub.f32 v54, v55;
	v2 =	vmul.f32 v2, v2;
	v45 =	vmul.f32 v42, v42;
	v42 =	vld [tilespmem:s5+$0x7750]  }
0x298: {  	v55 =	vsub.f32 v56, v57;
	v3 =	vmul.f32 v3, v3;
	v46 =	vmul.f32 v43, v43;
	v43 =	vld [tilespmem:s5+$0x5460]  }
0x299: {  	v12 =	vmul.f32 v12, v12;
	v56 =	vmul.f32 v51, v51;
	v51 =	vld [tilespmem:s5+$0x5660]  }
0x29a: {  	v58 =	vsub.f32 v58, v59;
	v27 =	vmul.f32 v39, v39;
	v39 =	vmul.f32 v55, v55;
	v55 =	vld [tilespmem:s5+$0x56E0]  }
0x29b: {  	v60 =	vsub.f32 v60, v61;
	v5 =	vmul.f32 v5, v5;
	v2 =	vadd.f32 v12, v2;
	v12 =	vld [tilespmem:s5+$0x7640]  }
0x29c: {  	v8 =	vmul.f32 v8, v8;
	v32 =	vmul.f32 v20, v20;
	v3 =	vadd.f32 v22, v3;
	v22 =	vld [tilespmem:s5+$0x76C0]  }
0x29d: {  	v9 =	vmul.f32 v9, v9;
	v5 =	vadd.f32 v23, v5;
	v23 =	vmul.f32 v30, v30;
	v30 =	vld [tilespmem:s5+$0x74D0]  }
0x29e: {  	v61 =	vsub.f32 v62, v63;
	v0 =	vmul.f32 v0, v0;
	v8 =	vadd.f32 v32, v8;
	v32 =	vld [tilespmem:s5+$0x5550]  }
0x29f: {  	v11 =	vmul.f32 v11, v11;
	v6 =	vmul.f32 v6, v6;
	v9 =	vadd.f32 v33, v9;
	v33 =	vld [tilespmem:s5+$0x75D0]  }
0x2a0: {  	v14 =	vmul.f32 v14, v14;
	v20 =	vmul.f32 v41, v41;
	v1 =	vsub.f32 v1, v4;
	v4 =	vld [tilespmem:s5+$0x7460]  }
0x2a1: {  	v0 =	vadd.f32 v11, v0;
	v11 =	vmul.f32 v25, v25;
	v7 =	vsub.f32 v7, v10;
	v10 =	vld [tilespmem:s5+$0x54E0]  }
0x2a2: {  	v25 =	vmul.f32 v31, v31;
	v13 =	vsub.f32 v13, v17;
	v17 =	vld [tilespmem:s5+$0x74E0];
	v50 =	vsub.f32 v24, v26  }
0x2a3: {  	v47 =	vmul.f32 v44, v44;
	v24 =	vld [tilespmem:s5+$0x77F0];
	v6 =	vadd.f32 v11, v6;
	v14 =	vadd.f32 v23, v14  }
0x2a4: {  	v57 =	vmul.f32 v53, v53;
	v11 =	vld [tilespmem:s5+$0x5450];
	v0 =	vadd.f32 v25, v0;
	v2 =	vadd.f32 v35, v2  }
0x2a5: {  	v23 =	vld [tilespmem:s5+$0x7450];
	v25 =	vmul.f32 v37, v37;
	v5 =	vadd.f32 v27, v5;
	v8 =	vadd.f32 v45, v8  }
0x2a6: {  	v38 =	vmul.f32 v54, v54;
	v35 =	vld [tilespmem:s5+$0x7550];
	v9 =	vadd.f32 v46, v9;
	v16 =	vsub.f32 v19, v16  }
0x2a7: {  	v59 =	vmul.f32 v58, v58;
	v27 =	vld [tilespmem:s5+$0x55D0];
	v21 =	vsub.f32 v21, v28;
	v3 =	vadd.f32 v25, v3  }
0x2a8: {  	v62 =	vmul.f32 v60, v60;
	v37 =	vld [tilespmem:s5+$0x56D0];
	v6 =	vadd.f32 v20, v6;
	v14 =	vadd.f32 v47, v14  }
0x2a9: {  	v63 =	vmul.f32 v61, v61;
	v19 =	vld [tilespmem:s5+$0x5560];
	v2 =	vadd.f32 v56, v2;
	v5 =	vadd.f32 v38, v5  }
0x2aa: {  	v20 =	vld [tilespmem:s5+$0x7650];
	v25 =	vmul.f32 v49, v49;
	v8 =	vadd.f32 v59, v8;
	v9 =	vadd.f32 v62, v9  }
0x2ab: {  	v7 =	vmul.f32 v7, v7;
	v38 =	vld [tilespmem:s5+$0x77D0];
	v46 =	vsub.f32 v18, v12;
	v49 =	vsub.f32 v15, v22  }
0x2ac: {  	v45 =	vmul.f32 v16, v16;
	v16 =	vld [tilespmem:s5+$0x7560];
	v56 =	vsub.f32 v29, v30;
	v0 =	vadd.f32 v25, v0  }
0x2ad: {  	v54 =	vmul.f32 v50, v50;
	v12 =	vld [tilespmem:s5+$0x55E0];
	v3 =	vadd.f32 v57, v3;
	v6 =	vadd.f32 v39, v6  }
0x2ae: {  	v1 =	vmul.f32 v1, v1;
	v25 =	vld [tilespmem:s5+$0x57D0];
	v14 =	vadd.f32 v63, v14;
	v2 =	vadd.f32 v7, v2  }
0x2af: {  	v44 =	vmul.f32 v13, v13;
	v57 =	vld [tilespmem:s5+$0x76E0];
	v58 =	vadd.f32 v54, v9;
	v4 =	vsub.f32 v43, v4  }
0x2b0: {  	v21 =	vmul.f32 v21, v21;
	v9 =	vld [tilespmem:s5+$0x5760];
	v10 =	vsub.f32 v10, v17;
	v47 =	vadd.f32 v45, v5  }
0x2b1: {  	v63 =	vld [tilespmem:s5+$0x57E0];
	v7 =	vmul.f32 v46, v46;
	v11 =	vsub.f32 v11, v23;
	v61 =	vsub.f32 v32, v35  }
0x2b2: {  	v43 =	vld [tilespmem:s5+$0x5570];
	v53 =	vmul.f32 v49, v49;
	v62 =	vsub.f32 v27, v33;
	v0 =	vadd.f32 v1, v0  }
0x2b3: {  	v60 =	vmul.f32 v56, v56;
	v33 =	vld [tilespmem:s5+$0x77E0];
	v1 =	vadd.f32 v44, v3;
	v59 =	vadd.f32 v21, v14  }
0x2b4: {  	v35 =	vld [tilespmem:s5+$0x5470];
	v4 =	vmul.f32 v4, v4;
	v6 =	vadd.f32 v7, v6;
	v7 =	vadd.f32 v53, v8  }
0x2b5: {  	v45 =	vld [tilespmem:s5+$0x7570];
	v11 =	vmul.f32 v11, v11;
	v2 =	vadd.f32 v60, v2;
	v32 =	vsub.f32 v34, v20  }
0x2b6: {  	v46 =	vld [tilespmem:s5+$0x55F0];
	v21 =	vmul.f32 v61, v61;
	v34 =	vsub.f32 v37, v40;
	v37 =	vsub.f32 v36, v42  }
0x2b7: {  	v56 =	vld [tilespmem:s5+$0x76F0];
	v23 =	vmul.f32 v62, v62;
	v16 =	vsub.f32 v19, v16;
	v5 =	vsub.f32 v12, v48  }
0x2b8: {  	v14 =	vld [tilespmem:s5+$0x7760];
	v49 =	vmul.f32 v10, v10;
	v0 =	vadd.f32 v11, v0;
	v25 =	vsub.f32 v25, v38  }
0x2b9: {  	v40 =	vld [tilespmem:s5+$0x54F0];
	v11 =	vmul.f32 v32, v32;
	v1 =	vadd.f32 v21, v1;
	v3 =	vadd.f32 v23, v47  }
0x2ba: {  	v42 =	vld [tilespmem:s5+$0x74F0];
	v39 =	vmul.f32 v34, v34;
	v47 =	vsub.f32 v51, v52;
	v15 =	vsub.f32 v55, v57  }
0x2bb: {  	v53 =	vld [tilespmem:s5+$0x56F0];
	v41 =	vmul.f32 v37, v37;
	v2 =	vadd.f32 v49, v2;
	v60 =	vsub.f32 v43, v45  }
0x2bc: {  	v48 =	vld [tilespmem:s5+$0x75F0];
	v50 =	vmul.f32 v16, v16;
	v63 =	vsub.f32 v63, v33;
	v6 =	vadd.f32 v11, v6  }
0x2bd: {  	v38 =	vld [tilespmem:s5+$0x7470];
	v5 =	vmul.f32 v5, v5;
	v7 =	vadd.f32 v39, v7;
	v8 =	vadd.f32 v41, v58  }
0x2be: {  	v51 =	vld [tilespmem:s5+$0x5670];
	v25 =	vmul.f32 v25, v25;
	v0 =	vadd.f32 v4, v0;
	v9 =	vsub.f32 v9, v14  }
0x2bf: {  	v52 =	vld [tilespmem:s5+$0x7670];
	v12 =	vmul.f32 v47, v47;
	v1 =	vadd.f32 v50, v1;
	v3 =	vadd.f32 v5, v3  }
0x2c0: {  	v62 =	vld [tilespmem:s5+$0x57F0];
	v55 =	vmul.f32 v15, v15;
	v58 =	vsub.f32 v40, v42;
	v4 =	vsub.f32 v53, v56  }
0x2c1: {  	v61 =	vld [tilespmem:s5+$0x7770];
	v37 =	vmul.f32 v63, v63;
	v44 =	vadd.f32 v25, v59;
	v54 =	vadd.f32 v12, v6  }
0x2c2: {  	v59 =	vld [tilespmem:s5+$0x5770];
	v6 =	vadd.f32 v55, v7;
	v17 =	vsub.f32 v46, v48;
	v7 =	vmul.f32 v60, v60  }
0x2c3: {  	v34 =	vmul.f32 v9, v9;
	v57 =	vsub.f32 v35, v38;
	v15 =	vmul.f32 v58, v58  }
0x2c4: {  	v28 =	vsub.f32 v51, v52;
	v4 =	vmul.f32 v4, v4;
	v1 =	vadd.f32 v7, v1  }
0x2c5: {  	v35 =	vsub.f32 v62, v24;
	v12 =	vmul.f32 v57, v57;
	v2 =	vadd.f32 v15, v2  }
0x2c6: {  	v50 =	vld [tilespmem:$0x1FF00];
	v26 =	vmul.f32 v17, v17;
	v42 =	vadd.f32 v37, v44;
	v44 =	vadd.f32 v4, v6;
	[tilespmem:$0xBD00] =	vst v1  }
0x2c7: {  	v7 =	vmul.f32 v28, v28;
	v0 =	vadd.f32 v12, v0;
	v32 =	vsub.f32 v59, v61;
	[tilespmem:$0xBC80] =	vst v2  }
0x2c8: {  	v49 =	vld [tilespmem:$0x1FF10];
	v46 =	vmul.f32 v35, v35;
	v3 =	vadd.f32 v26, v3;
	[tilespmem:$0xBE80] =	vst v44  }
0x2c9: {  	v5 =	vadd.f32 v7, v54;
	[tilespmem:$0xBC00] =	vst v0;
	v0 =	vadd.f32 v34, v8;
	v40 =	vmul.f32 v32, v32  }
0x2ca: {  	v45 =	vld [tilespmem:$0x1FF20];
	v1 =	vadd.f32 v46, v42;
	[tilespmem:$0xBD80] =	vst v3  }
0x2cb: {  	[tilespmem:$0xBE00] =	vst v5;
	v0 =	vadd.f32 v40, v0  }
0x2cc: {  	v48 =	vld [tilespmem:$0x1FF30];
	[tilespmem:$0xBF80] =	vst v1  }
0x2cd: {  	v39 =	vld [tilespmem:$0x1FF40];
	[tilespmem:$0xBF00] =	vst v0  }
0x2ce: {  	v0 =	vld.idx.msk [tilespmem:v50+s29+$0x0], $0xffff  }
0x2cf: {  	v47 =	vld [tilespmem:$0x1FF50]  }
0x2d0: {  	v1 =	vld.idx.msk [tilespmem:v49+s29+$0x0], $0xffff  }
0x2d1: {  	v41 =	vld [tilespmem:$0x1FF60]  }
0x2d2: {  	v2 =	vld.idx.msk [tilespmem:v45+s29+$0x0], $0xffff  }
0x2d3: {  	v43 =	vld [tilespmem:$0x1FF70];
	v0 =	vadd.f32 $0.0e+00, v0  }
0x2d4: {  	v3 =	vld.idx.msk [tilespmem:v48+s29+$0x0], $0xffff  }
0x2d5: {  	v31 =	vld [tilespmem:$0x1FF80];
	v0 =	vadd.f32 v1, v0  }
0x2d6: {  	v51 =	vld.idx.msk [tilespmem:v39+s29+$0x0], $0xffff  }
0x2d7: {  	v33 =	vld [tilespmem:$0x1FF90];
	v0 =	vadd.f32 v2, v0  }
0x2d8: {  	v52 =	vld.idx.msk [tilespmem:v47+s29+$0x0], $0xffff  }
0x2d9: {  	v38 =	vld [tilespmem:$0x1FFA0];
	v0 =	vadd.f32 v3, v0  }
0x2da: {  	v53 =	vld.idx.msk [tilespmem:v41+s29+$0x0], $0xffff  }
0x2db: {  	v25 =	vld [tilespmem:$0x1FFB0];
	v0 =	vadd.f32 v51, v0  }
0x2dc: {  	v54 =	vld.idx.msk [tilespmem:v43+s29+$0x0], $0xffff  }
0x2dd: {  	v30 =	vld [tilespmem:$0x1FFC0];
	v0 =	vadd.f32 v52, v0  }
0x2de: {  	v55 =	vld.idx.msk [tilespmem:v31+s29+$0x0], $0xffff  }
0x2df: {  	v27 =	vld [tilespmem:$0x1FFD0];
	v0 =	vadd.f32 v53, v0  }
0x2e0: {  	v56 =	vld.idx.msk [tilespmem:v33+s29+$0x0], $0xffff  }
0x2e1: {  	v36 =	vld [tilespmem:$0x1FFE0];
	v0 =	vadd.f32 v54, v0  }
0x2e2: {  	v57 =	vld.idx.msk [tilespmem:v38+s29+$0x0], $0xffff  }
0x2e3: {  	v29 =	vld [tilespmem:$0x1FFF0];
	v0 =	vadd.f32 v55, v0  }
0x2e4: {  	v58 =	vld.idx.msk [tilespmem:v25+s29+$0x0], $0xffff  }
0x2e5: {  	v0 =	vadd.f32 v56, v0  }
0x2e6: {  	v59 =	vld.idx.msk [tilespmem:v30+s29+$0x0], $0xffff  }
0x2e7: {  	v0 =	vadd.f32 v57, v0  }
0x2e8: {  	v60 =	vld.idx.msk [tilespmem:v27+s29+$0x0], $0xffff  }
0x2e9: {  	v0 =	vadd.f32 v58, v0  }
0x2ea: {  	v61 =	vld.idx.msk [tilespmem:v36+s29+$0x0], $0xffff  }
0x2eb: {  	v63 =	vld [tilespmem:$0x1FEC0];
	v0 =	vadd.f32 v59, v0  }
0x2ec: {  	v62 =	vld.idx.msk [tilespmem:v29+s29+$0x0], $0xffff  }
0x2ed: {  	v0 =	vadd.f32 v60, v0  }
0x2ee: {  	p1 =	sne.s32 s15, $0x3  }
.Ltmp4:
0x2ef: {  	v0 =	vadd.f32 v61, v0;
	(pc) =	sbr.rel @p1 .LBB2_10-.Ltmp4, $4  }
0x2f0: {  	_ = 	snop  }
0x2f1: {  	s31 =	sshll.u32 s15, $0x4;
	v0 =	vadd.f32 v62, v0  }
0x2f2: {  	s5 =	sand.u32 $0x3FFFFFF0, s31  }
0x2f3: {  	s15 =	sadd.s32 $0x1, s15;
	[tilespmem:v63+s5+$0x0 ss:$0x1] =	vst.idx.msk $0xffff, v0  }
0x2f4: {  	s16 =	sadd.s32 $0x1, s16  }
0x2f5: {  	p1 =	sne.s32 s16, $0x50  }
.Ltmp5:
0x2f6: {  	_ = 	snop;
	(pc) =	sbr.rel @p1 .LBB2_2-.Ltmp5, $1  }
0x2f7: {  	_ =	sdelay $0x3  }
0x2f8: {  	s1 =	sadd.s32 $0x1, s1  }
0x2f9: {  	p1 =	sne.s32 s1, s13  }
.Ltmp6:
0x2fa: {  	s5 =	simm.s32 $0x9000;
	(pc) =	sbr.rel @p1 .LBB2_1-.Ltmp6, $4  }
0x2fb: {  	[hbm4b:s12+s3] =	stream.linear.scatter [tilespmem:s5], [sflag:$0x5], $0x2800, $0x38;
	[tilespmem:$0x1F880] =	vst v63  }
0x2fc: {  	_ =	swait.ge [sflag:s19], $0x2800  }
0x2fd: {  	[sflag:s19] =	ssyncset.done $0x0  }
0x2fe: {  	[sflag:s19] =	ssyncadd.s32 $0xFFFFD800  }
0x2ff: {  	_ =	sfence.sel $0x180000  }
0x300: {  	[bflag:$0x0] =	sbarrier.arrive $0xFFFF  }
0x301: {  	_ =	strace $0x90000047  }
0x302: {  	[bflag:$0x2] =	sbarrier.arrive $0xFFFF  }
0x303: {  	s0 =	rddreg [dreg:$0x3]  }
0x304: {  	s0 =	sadd.s32 @!p0 $0x100000, s0  }
0x305: {  	[sflag:s0] =	ssyncadd.tile.s32 @!p0 $0x1;
	_ =	shalt  }
.Lfunc_end2:
_tile_overlayer_lowered:
.L_overlay_start_2:
0x306: {  	(tag) =	ssettag $0x2  }
0x307: {  	s0 =	rddreg [dreg:$0x0];
	s2 =	stileid.u32  }
0x308: {  	s1 =	rddreg [dreg:$0x1];
	p0 =	sne.s32 s2, $0x0  }
0x309: {  	s3 =	rddreg [dreg:$0x2];
	[bflag:$0x3] =	sbarrier.arrive $0xFFFF;
	s2 =	simm.s32 @!p0 $0x1C05  }
0x30a: {  	[timem:s3], [sflag:s2] =	dma.local @!p0 [hbm:s0], s1  }
0x30b: {  	s0 =	simm.s32 @!p0 $0x5  }
0x30c: {  	_ =	swait.ge @!p0 [sflag:s0], s1  }
0x30d: {  	s1 =	ssub.s32 @!p0 $0x0, s1;
	[sflag:s0] =	ssyncset.done @!p0 $0x0  }
0x30e: {  	[sflag:s0] =	ssyncadd.s32 @!p0 s1  }
0x30f: {  	[bflag:$0x3] =	sbarrier.arrive $0xFFFF  }
0x310: {  	_ =	shalt  }

</sc_bundles>
